<compile_context>
chip_gen: v7x
topology: tpu7x:2x2x1
jax: 0.10.2.dev20260603
libtpu: 0.0.44.dev20260713+nightly
codegen_flags: <defaults>
</compile_context>

<pallas_src>
import functools

import jax
import jax.numpy as jnp
from jax import lax
from jax.experimental import pallas as pl
from jax.experimental.pallas import tpu as pltpu
from jax.experimental.pallas import tpu_sc as plsc

B, T, N, F_IN = 256, 8, 30, 128
NF, C = 64, 10
NC, NS = 2, 16
NW = NC * NS
GPW = B // NW
L = 16

NN = N * N
SIG = T * NN
XWF = N * NF
MF = C * N * NF
FP = 128
NEG = -1e30


GX = 32


def _xw_body(real_ref, wconv_ref, out_ref):
    x = real_ref[...].reshape(GX * N, F_IN)
    xw = jnp.dot(x, wconv_ref[...], preferred_element_type=jnp.float32)
    out_ref[...] = xw * (1.0 / T)


def _tc_xw(real, wconv_p):
    return pl.pallas_call(
        _xw_body,
        grid=(B // GX,),
        in_specs=[pl.BlockSpec((GX, N, F_IN), lambda i: (i, 0, 0)),
                  pl.BlockSpec((F_IN, FP), lambda i: (0, 0))],
        out_specs=pl.BlockSpec((GX * N, FP), lambda i: (i, 0)),
        out_shape=jax.ShapeDtypeStruct((B * N, FP), jnp.float32),
    )(real, wconv_p)



_JBLOCKS = ((0, 8), (8, 8), (16, 8), (24, 6))


def _bfly(v, op):
    dnums = lax.GatherDimensionNumbers(offset_dims=(), collapsed_slice_dims=(0,),
                                       start_index_map=(0,))
    lane = lax.iota(jnp.int32, L)
    for s in (8, 4, 2, 1):
        perm = (lane ^ s)[:, None]
        g = lax.gather(v, perm, dnums, (1,),
                       mode=lax.GatherScatterMode.PROMISE_IN_BOUNDS)
        v = op(v, g)
    return v


def _sc_body(sigs_hbm, xw_hbm, m_hbm, bconv_hbm, bias2_hbm, out_hbm,
             sigs_v, xw_v, m_v, bconv_v, bias2_v, out_v, adj_v, agg_v,
             sem0, sem1):
    cid = lax.axis_index("c")
    sid = lax.axis_index("s")
    wid = sid * NC + cid

    pltpu.sync_copy(m_hbm, m_v)
    pltpu.sync_copy(bconv_hbm, bconv_v)
    pltpu.sync_copy(bias2_hbm, bias2_v)
    bconv_r = [bconv_v[pl.ds(fv * L, L)] for fv in range(NF // L)]
    bias2_r = bias2_v[...]
    pltpu.sync_copy(xw_hbm.at[pl.ds(wid * GPW * N, GPW * N)], xw_v)

    def sigs_dma(g, p, sem):
        return pltpu.make_async_copy(
            sigs_hbm.at[pl.ds(g * SIG, SIG)],
            sigs_v.at[pl.ds(p * SIG, SIG)], sem)

    g_last = wid * GPW + GPW - 1
    sigs_dma(wid * GPW, 0, sem0).start()

    def pair_body(k2, _):
        for half in range(2):
            k = k2 * 2 + half
            g = wid * GPW + k
            nxt = 1 - half
            sem_n = sem1 if nxt else sem0
            sem_c = sem1 if half else sem0
            gn = jnp.minimum(g + 1, g_last)
            sigs_dma(gn, nxt, sem_n).start()
            sigs_dma(g, half, sem_c).wait()
            sb = half * SIG

            def mean_body(c2, carry, sb=sb):
                base = jnp.minimum(c2 * L, NN - L)
                acc = sigs_v[pl.ds(sb + base, L)]
                for t in range(1, T):
                    acc = acc + sigs_v[pl.ds(sb + t * NN + base, L)]
                adj_v[pl.ds(base, L)] = acc
                return carry

            lax.fori_loop(0, (NN + L - 1) // L, mean_body, 0)

            for (j0, J) in _JBLOCKS:
                def agg_body(i, accs, j0=j0, J=J, k=k):
                    xwr = [xw_v[k * N + i, pl.ds(fv * L, L)]
                           for fv in range(NF // L)]
                    av = adj_v[pl.ds(i * N + j0, L)]
                    out = []
                    for jj in range(J):
                        a = av[jj]
                        row = accs[jj]
                        out.append(tuple(row[fv] + a * xwr[fv]
                                         for fv in range(NF // L)))
                    return tuple(out)

                init = tuple(tuple(jnp.zeros((L,), jnp.float32)
                                   for _ in range(NF // L)) for _ in range(J))
                accs = lax.fori_loop(0, N, agg_body, init)
                for jj in range(J):
                    for fv in range(NF // L):
                        agg_v[pl.ds(half * XWF + (j0 + jj) * NF + fv * L, L)] \
                            = accs[jj][fv]

        def head_body(j, accC):
            jb = j * NF
            o0, o1 = list(accC[0]), list(accC[1])
            for fv in range(NF // L):
                h0 = jnp.maximum(agg_v[pl.ds(jb + fv * L, L)]
                                 + bconv_r[fv], 0.0)
                h1 = jnp.maximum(agg_v[pl.ds(XWF + jb + fv * L, L)]
                                 + bconv_r[fv], 0.0)
                for c in range(C):
                    mv = m_v[pl.ds(c * XWF + jb + fv * L, L)]
                    o0[c] = o0[c] + mv * h0
                    o1[c] = o1[c] + mv * h1
            return (tuple(o0), tuple(o1))

        zc = tuple(jnp.zeros((L,), jnp.float32) for _ in range(C))
        accC = lax.fori_loop(0, N, head_body, (zc, zc))

        lane = lax.iota(jnp.int32, L)
        for half in range(2):
            lv = bias2_r
            for c in range(C):
                lv = lv + jnp.where(lane == c, _bfly(accC[half][c], jnp.add),
                                    0.0)
            mxv = _bfly(lv, jnp.maximum)
            e = jnp.exp(lv - mxv)
            sv = _bfly(e, jnp.add)
            out_v[pl.ds((k2 * 2 + half) * L, L)] = e / sv
        return 0

    lax.fori_loop(0, GPW // 2, pair_body, 0)
    sigs_dma(g_last, 0, sem0).wait()
    pltpu.sync_copy(out_v, out_hbm.at[pl.ds(wid * GPW * L, GPW * L)])


@functools.lru_cache(maxsize=1)
def _sc_main():
    return pl.kernel(
        _sc_body,
        out_type=jax.ShapeDtypeStruct((B * L,), jnp.float32),
        mesh=plsc.VectorSubcoreMesh(core_axis_name="c", subcore_axis_name="s",
                                    num_cores=NC, num_subcores=NS),
        scratch_types=[
            pltpu.VMEM((2 * SIG,), jnp.float32),
            pltpu.VMEM((GPW * N, FP), jnp.float32),
            pltpu.VMEM((MF,), jnp.float32),
            pltpu.VMEM((NF,), jnp.float32),
            pltpu.VMEM((L,), jnp.float32),
            pltpu.VMEM((GPW * L,), jnp.float32),
            pltpu.VMEM((NN + L,), jnp.float32),
            pltpu.VMEM((2 * XWF,), jnp.float32),
            pltpu.SemaphoreType.DMA,
            pltpu.SemaphoreType.DMA,
        ],
    )


def kernel(real, imag, graph_sigs, W_conv, b_conv, w_pool, b_pool, W_head, b_head):
    del imag
    wconv_p = jnp.concatenate(
        [W_conv, jnp.zeros((F_IN, FP - NF), jnp.float32)], axis=1)
    xw = _tc_xw(real, wconv_p)
    sigs = graph_sigs.reshape(B * SIG)
    whead = W_head.reshape(C, N)
    m = (whead[:, :, None] * w_pool[:, 0][None, None, :]).reshape(MF)
    bias2 = b_head + b_pool[0] * jnp.sum(whead, axis=1)
    bias2_p = jnp.concatenate([bias2, jnp.full((L - C,), NEG, jnp.float32)])
    out = _sc_main()(sigs, xw, m, b_conv, bias2_p)
    return out.reshape(B, L)[:, :C]

# --- scband reference (transcript-rebuilt; emitter-appended) ---
"""Pipeline reference for scband-di-gcnnet-51539608034 (READ-ONLY COPY).

The authoritative reference and input builder live on the scoring server;
editing this copy changes nothing except your own understanding.
"""

import jax, jax.numpy as jnp
import numpy as np

B, T, N, F_IN = 256, 8, 30, 128
NF, C = 64, 10

def setup_inputs(seed: int = 0) -> dict:
    key = jax.random.key(seed)
    ks = jax.random.split(key, 8)
    real = jax.random.normal(ks[0], (B, N, F_IN), dtype=jnp.float32)
    imag = jax.random.normal(ks[1], (B, N, F_IN), dtype=jnp.float32)
    graph_sigs = jax.random.uniform(ks[2], (B, T, N, N), dtype=jnp.float32)
    # DiGCNConv params (in_c -> num_filter), linear transform then weighted propagate
    W_conv = jax.random.normal(ks[3], (F_IN, NF), dtype=jnp.float32) / np.sqrt(F_IN)
    b_conv = jnp.zeros((NF,), dtype=jnp.float32)
    # pool_lin: Linear(num_filter, 1), bias init to zeros per module
    w_pool = jax.random.normal(ks[4], (NF, 1), dtype=jnp.float32) / np.sqrt(NF)
    b_pool = jnp.zeros((1,), dtype=jnp.float32)
    # head: Conv1d(num_nodes=30, num_classes, kernel_size=1)
    W_head = jax.random.normal(ks[5], (C, N, 1), dtype=jnp.float32) / np.sqrt(N)
    b_head = jnp.zeros((C,), dtype=jnp.float32)
    return {"real": real, "imag": imag, "graph_sigs": graph_sigs,
            "W_conv": W_conv, "b_conv": b_conv,
            "w_pool": w_pool, "b_pool": b_pool,
            "W_head": W_head, "b_head": b_head}

def reference(real, imag, graph_sigs, W_conv, b_conv, w_pool, b_pool, W_head, b_head):
    # imag is ignored by the simple DiGCN forward, matching the torch module.
    n = real.shape[1]
    # from_scipy_sparse_matrix on the dense mean adjacency yields all N*N entries
    # as edges (row=source, col=target) with edge_weight = adj[row, col].
    row = jnp.repeat(jnp.arange(n), n)  # source nodes
    col = jnp.tile(jnp.arange(n), n)    # target nodes

    def per_graph(x, sigs):
        adj = jnp.mean(sigs, axis=0)            # [N, N]
        xw = x @ W_conv                          # [N, NF] linear transform
        ew = adj.reshape(-1)                     # [N*N] edge weights
        msgs = ew[:, None] * jnp.take(xw, row, axis=0)   # gather sources
        agg = jax.ops.segment_sum(msgs, col, num_segments=n)  # scatter-add to targets
        h = jax.nn.relu(agg + b_conv)            # [N, NF]
        node_score = (h @ w_pool + b_pool)[:, 0] # [N]
        # Conv1d(N, C, k=1) on t of shape [1, N, 1]: logits[c] = sum_n Wh[c,n,0]*score[n] + bh[c]
        logits = jnp.einsum('cn,n->c', W_head[:, :, 0], node_score) + b_head
        return jax.nn.softmax(logits)

    return jax.vmap(per_graph)(real, graph_sigs)  # [B, C]

if __name__ == "__main__":
    import jax
    _d = setup_inputs()
    print(jax.jit(kernel)(*tuple(_d.values())))

</pallas_src>

<mosaic_0001>
#map = affine_map<(d0, d1) -> (0)>
#map1 = affine_map<(d0, d1) -> (0, 0)>
module attributes {stable_mosaic.version = 14 : i64} {
  func.func @_sc_body(%arg0: i32, %arg1: i32, %arg2: memref<1843200xf32, #tpu.memory_space<hbm>>, %arg3: memref<7680x128xf32, #tpu.memory_space<hbm>>, %arg4: memref<19200xf32, #tpu.memory_space<hbm>>, %arg5: memref<64xf32, #tpu.memory_space<hbm>>, %arg6: memref<16xf32, #tpu.memory_space<hbm>>, %arg7: memref<4096xf32, #tpu.memory_space<hbm>>, %arg8: memref<14400xf32, #tpu.memory_space<vmem>>, %arg9: memref<240x128xf32, #tpu.memory_space<vmem>>, %arg10: memref<19200xf32, #tpu.memory_space<vmem>>, %arg11: memref<64xf32, #tpu.memory_space<vmem>>, %arg12: memref<16xf32, #tpu.memory_space<vmem>>, %arg13: memref<128xf32, #tpu.memory_space<vmem>>, %arg14: memref<916xf32, #tpu.memory_space<vmem>>, %arg15: memref<3840xf32, #tpu.memory_space<vmem>>, %arg16: memref<!tpu.dma_semaphore, #tpu.memory_space<semaphore_mem>>, %arg17: memref<!tpu.dma_semaphore, #tpu.memory_space<semaphore_mem>>) attributes {dimension_semantics = [#tpu.dimension_semantics<core_parallel>, #tpu.dimension_semantics<subcore_parallel>], iteration_bounds = array<i64: 2, 16>, scalar_prefetch = 0 : i64, scratch_operands = 10 : i64, tpu.core_type = #tpu.core_type<sc_vector_subcore>, window_params = [{transform_indices = #map}, {transform_indices = #map1}, {transform_indices = #map}, {transform_indices = #map}, {transform_indices = #map}, {transform_indices = #map}]} {
    %mul3A = arith.constant 2 : i32
    %mul3A_0 = arith.muli %arg1, %mul3A : i32
    %add3A = arith.addi %mul3A_0, %arg0 : i32
    "tpu.region"() ({
      %run_scoped3A = tpu.sem_alloc : memref<!tpu.dma_semaphore, #tpu.memory_space<semaphore_mem>>
      tpu.enqueue_dma source(%arg4 : memref<19200xf32, #tpu.memory_space<hbm>>) target(%arg10 : memref<19200xf32, #tpu.memory_space<vmem>>) target_semaphore(%run_scoped3A : memref<!tpu.dma_semaphore, #tpu.memory_space<semaphore_mem>>)
      tpu.wait_dma2 semaphore(%run_scoped3A : memref<!tpu.dma_semaphore, #tpu.memory_space<semaphore_mem>>) src(%arg4 : memref<19200xf32, #tpu.memory_space<hbm>>) dst(%arg10 : memref<19200xf32, #tpu.memory_space<vmem>>)
      tpu.yield
    }) : () -> ()
    "tpu.region"() ({
      %run_scoped3A = tpu.sem_alloc : memref<!tpu.dma_semaphore, #tpu.memory_space<semaphore_mem>>
      tpu.enqueue_dma source(%arg5 : memref<64xf32, #tpu.memory_space<hbm>>) target(%arg11 : memref<64xf32, #tpu.memory_space<vmem>>) target_semaphore(%run_scoped3A : memref<!tpu.dma_semaphore, #tpu.memory_space<semaphore_mem>>)
      tpu.wait_dma2 semaphore(%run_scoped3A : memref<!tpu.dma_semaphore, #tpu.memory_space<semaphore_mem>>) src(%arg5 : memref<64xf32, #tpu.memory_space<hbm>>) dst(%arg11 : memref<64xf32, #tpu.memory_space<vmem>>)
      tpu.yield
    }) : () -> ()
    "tpu.region"() ({
      %run_scoped3A = tpu.sem_alloc : memref<!tpu.dma_semaphore, #tpu.memory_space<semaphore_mem>>
      tpu.enqueue_dma source(%arg6 : memref<16xf32, #tpu.memory_space<hbm>>) target(%arg12 : memref<16xf32, #tpu.memory_space<vmem>>) target_semaphore(%run_scoped3A : memref<!tpu.dma_semaphore, #tpu.memory_space<semaphore_mem>>)
      tpu.wait_dma2 semaphore(%run_scoped3A : memref<!tpu.dma_semaphore, #tpu.memory_space<semaphore_mem>>) src(%arg6 : memref<16xf32, #tpu.memory_space<hbm>>) dst(%arg12 : memref<16xf32, #tpu.memory_space<vmem>>)
      tpu.yield
    }) : () -> ()
    %get3A = arith.constant 0 : index
    %get3A_1 = tpu.vector_load %arg11[%get3A] {strides = array<i32>} : memref<64xf32, #tpu.memory_space<vmem>>, vector<16xf32>,
    %get3A_2 = vector.shape_cast %get3A_1 : vector<16xf32> to vector<16xf32>
    %get3A_3 = arith.constant 16 : index
    %get3A_4 = tpu.vector_load %arg11[%get3A_3] {strides = array<i32>} : memref<64xf32, #tpu.memory_space<vmem>>, vector<16xf32>,
    %get3A_5 = vector.shape_cast %get3A_4 : vector<16xf32> to vector<16xf32>
    %get3A_6 = arith.constant 32 : index
    %get3A_7 = tpu.vector_load %arg11[%get3A_6] {strides = array<i32>} : memref<64xf32, #tpu.memory_space<vmem>>, vector<16xf32>,
    %get3A_8 = vector.shape_cast %get3A_7 : vector<16xf32> to vector<16xf32>
    %get3A_9 = arith.constant 48 : index
    %get3A_10 = tpu.vector_load %arg11[%get3A_9] {strides = array<i32>} : memref<64xf32, #tpu.memory_space<vmem>>, vector<16xf32>,
    %get3A_11 = vector.shape_cast %get3A_10 : vector<16xf32> to vector<16xf32>
    %get3A_12 = arith.constant 0 : index
    %get3A_13 = tpu.vector_load %arg12[%get3A_12] {strides = array<i32>} : memref<16xf32, #tpu.memory_space<vmem>>, vector<16xf32>,
    %get3A_14 = vector.shape_cast %get3A_13 : vector<16xf32> to vector<16xf32>
    %mul3A_15 = arith.constant 8 : i32
    %mul3A_16 = arith.muli %add3A, %mul3A_15 : i32
    %mul3A_17 = arith.constant 30 : i32
    %mul3A_18 = arith.muli %mul3A_16, %mul3A_17 : i32
    "tpu.region"() ({
      %run_scoped3A = tpu.sem_alloc : memref<!tpu.dma_semaphore, #tpu.memory_space<semaphore_mem>>
      %dma_start3A_50 = arith.constant 0 : i32
      %dma_start3A_51 = tpu.memref_slice %arg3[%mul3A_18, %dma_start3A_50] : memref<7680x128xf32, #tpu.memory_space<hbm>> -> memref<240x128xf32, #tpu.memory_space<hbm>>
      %dma_start3A_52 = arith.constant 0 : i32
      %dma_start3A_53 = tpu.memref_slice %arg3[%mul3A_18, %dma_start3A_52] : memref<7680x128xf32, #tpu.memory_space<hbm>> -> memref<240x128xf32, #tpu.memory_space<hbm>>
      tpu.enqueue_dma source(%dma_start3A_53 : memref<240x128xf32, #tpu.memory_space<hbm>>) target(%arg9 : memref<240x128xf32, #tpu.memory_space<vmem>>) target_semaphore(%run_scoped3A : memref<!tpu.dma_semaphore, #tpu.memory_space<semaphore_mem>>)
      %dma_wait3A_54 = arith.constant 0 : i32
      %dma_wait3A_55 = tpu.memref_slice %arg3[%mul3A_18, %dma_wait3A_54] : memref<7680x128xf32, #tpu.memory_space<hbm>> -> memref<240x128xf32, #tpu.memory_space<hbm>>
      %dma_wait3A_56 = arith.constant 0 : i32
      %dma_wait3A_57 = tpu.memref_slice %arg3[%mul3A_18, %dma_wait3A_56] : memref<7680x128xf32, #tpu.memory_space<hbm>> -> memref<240x128xf32, #tpu.memory_space<hbm>>
      tpu.wait_dma2 semaphore(%run_scoped3A : memref<!tpu.dma_semaphore, #tpu.memory_space<semaphore_mem>>) src(%dma_wait3A_57 : memref<240x128xf32, #tpu.memory_space<hbm>>) dst(%arg9 : memref<240x128xf32, #tpu.memory_space<vmem>>)
      tpu.yield
    }) : () -> ()
    %mul3A_19 = arith.constant 8 : i32
    %mul3A_20 = arith.muli %add3A, %mul3A_19 : i32
    %add3A_21 = arith.constant 8 : i32
    %add3A_22 = arith.addi %mul3A_20, %add3A_21 : i32
    %sub3A = arith.constant 1 : i32
    %sub3A_23 = arith.subi %add3A_22, %sub3A : i32
    %mul3A_24 = arith.constant 8 : i32
    %mul3A_25 = arith.muli %add3A, %mul3A_24 : i32
    %mul3A_26 = arith.constant 7200 : i32
    %mul3A_27 = arith.muli %mul3A_25, %mul3A_26 : i32
    %dma_start3A = arith.constant 0 : i32
    %dma_start3A_28 = tpu.memref_slice %arg8[%dma_start3A] : memref<14400xf32, #tpu.memory_space<vmem>> -> memref<7200xf32, #tpu.memory_space<vmem>>
    %dma_start3A_29 = tpu.memref_slice %arg2[%mul3A_27] : memref<1843200xf32, #tpu.memory_space<hbm>> -> memref<7200xf32, #tpu.memory_space<hbm>>
    %dma_start3A_30 = arith.constant 0 : i32
    %dma_start3A_31 = tpu.memref_slice %arg8[%dma_start3A_30] : memref<14400xf32, #tpu.memory_space<vmem>> -> memref<7200xf32, #tpu.memory_space<vmem>>
    %dma_start3A_32 = tpu.memref_slice %arg2[%mul3A_27] : memref<1843200xf32, #tpu.memory_space<hbm>> -> memref<7200xf32, #tpu.memory_space<hbm>>
    tpu.enqueue_dma source(%dma_start3A_32 : memref<7200xf32, #tpu.memory_space<hbm>>) target(%dma_start3A_31 : memref<7200xf32, #tpu.memory_space<vmem>>) target_semaphore(%arg16 : memref<!tpu.dma_semaphore, #tpu.memory_space<semaphore_mem>>)
    %scan3A = arith.constant 0 : i32
    %scan3A_33 = arith.constant 0 : i32
    %scan3A_34 = arith.constant 4 : i32
    %scan3A_35 = arith.addi %scan3A_33, %scan3A_34 : i32
    %scan3A_36 = arith.constant 1 : i32
    %scan3A_37 = scf.for %scan3A_50 = %scan3A_33 to %scan3A_35 step %scan3A_36 iter_args(%scan3A_51 = %scan3A) -> (i32)  : i32 {
      %mul3A_52 = arith.constant 2 : i32
      %mul3A_53 = arith.muli %scan3A_50, %mul3A_52 : i32
      %add3A_54 = arith.constant 0 : i32
      %add3A_55 = arith.addi %mul3A_53, %add3A_54 : i32
      %mul3A_56 = arith.constant 8 : i32
      %mul3A_57 = arith.muli %add3A, %mul3A_56 : i32
      %add3A_58 = arith.addi %mul3A_57, %add3A_55 : i32
      %add3A_59 = arith.constant 1 : i32
      %add3A_60 = arith.addi %add3A_58, %add3A_59 : i32
      %min3A = arith.minsi %add3A_60, %sub3A_23 : i32
      %mul3A_61 = arith.constant 7200 : i32
      %mul3A_62 = arith.muli %min3A, %mul3A_61 : i32
      %dma_start3A_63 = arith.constant 7200 : i32
      %dma_start3A_64 = tpu.memref_slice %arg8[%dma_start3A_63] : memref<14400xf32, #tpu.memory_space<vmem>> -> memref<7200xf32, #tpu.memory_space<vmem>>
      %dma_start3A_65 = tpu.memref_slice %arg2[%mul3A_62] : memref<1843200xf32, #tpu.memory_space<hbm>> -> memref<7200xf32, #tpu.memory_space<hbm>>
      %dma_start3A_66 = arith.constant 7200 : i32
      %dma_start3A_67 = tpu.memref_slice %arg8[%dma_start3A_66] : memref<14400xf32, #tpu.memory_space<vmem>> -> memref<7200xf32, #tpu.memory_space<vmem>>
      %dma_start3A_68 = tpu.memref_slice %arg2[%mul3A_62] : memref<1843200xf32, #tpu.memory_space<hbm>> -> memref<7200xf32, #tpu.memory_space<hbm>>
      tpu.enqueue_dma source(%dma_start3A_68 : memref<7200xf32, #tpu.memory_space<hbm>>) target(%dma_start3A_67 : memref<7200xf32, #tpu.memory_space<vmem>>) target_semaphore(%arg17 : memref<!tpu.dma_semaphore, #tpu.memory_space<semaphore_mem>>)
      %mul3A_69 = arith.constant 7200 : i32
      %mul3A_70 = arith.muli %add3A_58, %mul3A_69 : i32
      %dma_wait3A_71 = arith.constant 0 : i32
      %dma_wait3A_72 = tpu.memref_slice %arg8[%dma_wait3A_71] : memref<14400xf32, #tpu.memory_space<vmem>> -> memref<7200xf32, #tpu.memory_space<vmem>>
      %dma_wait3A_73 = tpu.memref_slice %arg2[%mul3A_70] : memref<1843200xf32, #tpu.memory_space<hbm>> -> memref<7200xf32, #tpu.memory_space<hbm>>
      %dma_wait3A_74 = arith.constant 0 : i32
      %dma_wait3A_75 = tpu.memref_slice %arg8[%dma_wait3A_74] : memref<14400xf32, #tpu.memory_space<vmem>> -> memref<7200xf32, #tpu.memory_space<vmem>>
      %dma_wait3A_76 = tpu.memref_slice %arg2[%mul3A_70] : memref<1843200xf32, #tpu.memory_space<hbm>> -> memref<7200xf32, #tpu.memory_space<hbm>>
      tpu.wait_dma2 semaphore(%arg16 : memref<!tpu.dma_semaphore, #tpu.memory_space<semaphore_mem>>) src(%dma_wait3A_76 : memref<7200xf32, #tpu.memory_space<hbm>>) dst(%dma_wait3A_75 : memref<7200xf32, #tpu.memory_space<vmem>>)
      %scan3A_77 = arith.constant 0 : i32
      %scan3A_78 = arith.constant 0 : i32
      %scan3A_79 = arith.constant 57 : i32
      %scan3A_80 = arith.addi %scan3A_78, %scan3A_79 : i32
      %scan3A_81 = arith.constant 1 : i32
      scf.for %scan3A_2482 = %scan3A_78 to %scan3A_80 step %scan3A_81  : i32 {
        %mul3A_2483 = arith.constant 16 : i32
        %mul3A_2484 = arith.muli %scan3A_2482, %mul3A_2483 : i32
        %min3A_2485 = arith.constant 884 : i32
        %min3A_2486 = arith.minsi %mul3A_2484, %min3A_2485 : i32
        %add3A_2487 = arith.constant 0 : i32
        %add3A_2488 = arith.addi %add3A_2487, %min3A_2486 : i32
        %get3A_2489 = arith.index_cast %add3A_2488 : i32 to index
        %get3A_2490 = tpu.vector_load %arg8[%get3A_2489] {strides = array<i32>} : memref<14400xf32, #tpu.memory_space<vmem>>, vector<16xf32>,
        %get3A_2491 = vector.shape_cast %get3A_2490 : vector<16xf32> to vector<16xf32>
        %add3A_2492 = arith.constant 900 : i32
        %add3A_2493 = arith.addi %add3A_2492, %min3A_2486 : i32
        %get3A_2494 = arith.index_cast %add3A_2493 : i32 to index
        %get3A_2495 = tpu.vector_load %arg8[%get3A_2494] {strides = array<i32>} : memref<14400xf32, #tpu.memory_space<vmem>>, vector<16xf32>,
        %get3A_2496 = vector.shape_cast %get3A_2495 : vector<16xf32> to vector<16xf32>
        %add3A_2497 = arith.addf %get3A_2491, %get3A_2496 : vector<16xf32>
        %add3A_2498 = arith.constant 1800 : i32
        %add3A_2499 = arith.addi %add3A_2498, %min3A_2486 : i32
        %get3A_2500 = arith.index_cast %add3A_2499 : i32 to index
        %get3A_2501 = tpu.vector_load %arg8[%get3A_2500] {strides = array<i32>} : memref<14400xf32, #tpu.memory_space<vmem>>, vector<16xf32>,
        %get3A_2502 = vector.shape_cast %get3A_2501 : vector<16xf32> to vector<16xf32>
        %add3A_2503 = arith.addf %add3A_2497, %get3A_2502 : vector<16xf32>
        %add3A_2504 = arith.constant 2700 : i32
        %add3A_2505 = arith.addi %add3A_2504, %min3A_2486 : i32
        %get3A_2506 = arith.index_cast %add3A_2505 : i32 to index
        %get3A_2507 = tpu.vector_load %arg8[%get3A_2506] {strides = array<i32>} : memref<14400xf32, #tpu.memory_space<vmem>>, vector<16xf32>,
        %get3A_2508 = vector.shape_cast %get3A_2507 : vector<16xf32> to vector<16xf32>
        %add3A_2509 = arith.addf %add3A_2503, %get3A_2508 : vector<16xf32>
        %add3A_2510 = arith.constant 3600 : i32
        %add3A_2511 = arith.addi %add3A_2510, %min3A_2486 : i32
        %get3A_2512 = arith.index_cast %add3A_2511 : i32 to index
        %get3A_2513 = tpu.vector_load %arg8[%get3A_2512] {strides = array<i32>} : memref<14400xf32, #tpu.memory_space<vmem>>, vector<16xf32>,
        %get3A_2514 = vector.shape_cast %get3A_2513 : vector<16xf32> to vector<16xf32>
        %add3A_2515 = arith.addf %add3A_2509, %get3A_2514 : vector<16xf32>
        %add3A_2516 = arith.constant 4500 : i32
        %add3A_2517 = arith.addi %add3A_2516, %min3A_2486 : i32
        %get3A_2518 = arith.index_cast %add3A_2517 : i32 to index
        %get3A_2519 = tpu.vector_load %arg8[%get3A_2518] {strides = array<i32>} : memref<14400xf32, #tpu.memory_space<vmem>>, vector<16xf32>,
        %get3A_2520 = vector.shape_cast %get3A_2519 : vector<16xf32> to vector<16xf32>
        %add3A_2521 = arith.addf %add3A_2515, %get3A_2520 : vector<16xf32>
        %add3A_2522 = arith.constant 5400 : i32
        %add3A_2523 = arith.addi %add3A_2522, %min3A_2486 : i32
        %get3A_2524 = arith.index_cast %add3A_2523 : i32 to index
        %get3A_2525 = tpu.vector_load %arg8[%get3A_2524] {strides = array<i32>} : memref<14400xf32, #tpu.memory_space<vmem>>, vector<16xf32>,
        %get3A_2526 = vector.shape_cast %get3A_2525 : vector<16xf32> to vector<16xf32>
        %add3A_2527 = arith.addf %add3A_2521, %get3A_2526 : vector<16xf32>
        %add3A_2528 = arith.constant 6300 : i32
        %add3A_2529 = arith.addi %add3A_2528, %min3A_2486 : i32
        %get3A_2530 = arith.index_cast %add3A_2529 : i32 to index
        %get3A_2531 = tpu.vector_load %arg8[%get3A_2530] {strides = array<i32>} : memref<14400xf32, #tpu.memory_space<vmem>>, vector<16xf32>,
        %get3A_2532 = vector.shape_cast %get3A_2531 : vector<16xf32> to vector<16xf32>
        %add3A_2533 = arith.addf %add3A_2527, %get3A_2532 : vector<16xf32>
        %swap3A_2534 = arith.index_cast %min3A_2486 : i32 to index
        %swap3A_2535 = tpu.vector_load %arg14[%swap3A_2534] {strides = array<i32>} : memref<916xf32, #tpu.memory_space<vmem>>, vector<16xf32>,
        %swap3A_2536 = vector.shape_cast %swap3A_2535 : vector<16xf32> to vector<16xf32>
        %swap3A_2537 = vector.shape_cast %add3A_2533 : vector<16xf32> to vector<16xf32>
        tpu.vector_store %arg14[%swap3A_2534], %swap3A_2537 {strides = array<i32>} : memref<916xf32, #tpu.memory_space<vmem>>, vector<16xf32>,
      }
      %scan3A_82 = arith.constant 57 : i32
      %broadcast_in_dim3A = arith.constant 0.000000e+00 : f32
      %broadcast_in_dim3A_83 = vector.broadcast %broadcast_in_dim3A : f32 to vector<16xf32>
      %broadcast_in_dim3A_84 = arith.constant 0.000000e+00 : f32
      %broadcast_in_dim3A_85 = vector.broadcast %broadcast_in_dim3A_84 : f32 to vector<16xf32>
      %broadcast_in_dim3A_86 = arith.constant 0.000000e+00 : f32
      %broadcast_in_dim3A_87 = vector.broadcast %broadcast_in_dim3A_86 : f32 to vector<16xf32>
      %broadcast_in_dim3A_88 = arith.constant 0.000000e+00 : f32
      %broadcast_in_dim3A_89 = vector.broadcast %broadcast_in_dim3A_88 : f32 to vector<16xf32>
      %broadcast_in_dim3A_90 = arith.constant 0.000000e+00 : f32
      %broadcast_in_dim3A_91 = vector.broadcast %broadcast_in_dim3A_90 : f32 to vector<16xf32>
      %broadcast_in_dim3A_92 = arith.constant 0.000000e+00 : f32
      %broadcast_in_dim3A_93 = vector.broadcast %broadcast_in_dim3A_92 : f32 to vector<16xf32>
      %broadcast_in_dim3A_94 = arith.constant 0.000000e+00 : f32
      %broadcast_in_dim3A_95 = vector.broadcast %broadcast_in_dim3A_94 : f32 to vector<16xf32>
      %broadcast_in_dim3A_96 = arith.constant 0.000000e+00 : f32
      %broadcast_in_dim3A_97 = vector.broadcast %broadcast_in_dim3A_96 : f32 to vector<16xf32>
      %broadcast_in_dim3A_98 = arith.constant 0.000000e+00 : f32
      %broadcast_in_dim3A_99 = vector.broadcast %broadcast_in_dim3A_98 : f32 to vector<16xf32>
      %broadcast_in_dim3A_100 = arith.constant 0.000000e+00 : f32
      %broadcast_in_dim3A_101 = vector.broadcast %broadcast_in_dim3A_100 : f32 to vector<16xf32>
      %broadcast_in_dim3A_102 = arith.constant 0.000000e+00 : f32
      %broadcast_in_dim3A_103 = vector.broadcast %broadcast_in_dim3A_102 : f32 to vector<16xf32>
      %broadcast_in_dim3A_104 = arith.constant 0.000000e+00 : f32
      %broadcast_in_dim3A_105 = vector.broadcast %broadcast_in_dim3A_104 : f32 to vector<16xf32>
      %broadcast_in_dim3A_106 = arith.constant 0.000000e+00 : f32
      %broadcast_in_dim3A_107 = vector.broadcast %broadcast_in_dim3A_106 : f32 to vector<16xf32>
      %broadcast_in_dim3A_108 = arith.constant 0.000000e+00 : f32
      %broadcast_in_dim3A_109 = vector.broadcast %broadcast_in_dim3A_108 : f32 to vector<16xf32>
      %broadcast_in_dim3A_110 = arith.constant 0.000000e+00 : f32
      %broadcast_in_dim3A_111 = vector.broadcast %broadcast_in_dim3A_110 : f32 to vector<16xf32>
      %broadcast_in_dim3A_112 = arith.constant 0.000000e+00 : f32
      %broadcast_in_dim3A_113 = vector.broadcast %broadcast_in_dim3A_112 : f32 to vector<16xf32>
      %broadcast_in_dim3A_114 = arith.constant 0.000000e+00 : f32
      %broadcast_in_dim3A_115 = vector.broadcast %broadcast_in_dim3A_114 : f32 to vector<16xf32>
      %broadcast_in_dim3A_116 = arith.constant 0.000000e+00 : f32
      %broadcast_in_dim3A_117 = vector.broadcast %broadcast_in_dim3A_116 : f32 to vector<16xf32>
      %broadcast_in_dim3A_118 = arith.constant 0.000000e+00 : f32
      %broadcast_in_dim3A_119 = vector.broadcast %broadcast_in_dim3A_118 : f32 to vector<16xf32>
      %broadcast_in_dim3A_120 = arith.constant 0.000000e+00 : f32
      %broadcast_in_dim3A_121 = vector.broadcast %broadcast_in_dim3A_120 : f32 to vector<16xf32>
      %broadcast_in_dim3A_122 = arith.constant 0.000000e+00 : f32
      %broadcast_in_dim3A_123 = vector.broadcast %broadcast_in_dim3A_122 : f32 to vector<16xf32>
      %broadcast_in_dim3A_124 = arith.constant 0.000000e+00 : f32
      %broadcast_in_dim3A_125 = vector.broadcast %broadcast_in_dim3A_124 : f32 to vector<16xf32>
      %broadcast_in_dim3A_126 = arith.constant 0.000000e+00 : f32
      %broadcast_in_dim3A_127 = vector.broadcast %broadcast_in_dim3A_126 : f32 to vector<16xf32>
      %broadcast_in_dim3A_128 = arith.constant 0.000000e+00 : f32
      %broadcast_in_dim3A_129 = vector.broadcast %broadcast_in_dim3A_128 : f32 to vector<16xf32>
      %broadcast_in_dim3A_130 = arith.constant 0.000000e+00 : f32
      %broadcast_in_dim3A_131 = vector.broadcast %broadcast_in_dim3A_130 : f32 to vector<16xf32>
      %broadcast_in_dim3A_132 = arith.constant 0.000000e+00 : f32
      %broadcast_in_dim3A_133 = vector.broadcast %broadcast_in_dim3A_132 : f32 to vector<16xf32>
      %broadcast_in_dim3A_134 = arith.constant 0.000000e+00 : f32
      %broadcast_in_dim3A_135 = vector.broadcast %broadcast_in_dim3A_134 : f32 to vector<16xf32>
      %broadcast_in_dim3A_136 = arith.constant 0.000000e+00 : f32
      %broadcast_in_dim3A_137 = vector.broadcast %broadcast_in_dim3A_136 : f32 to vector<16xf32>
      %broadcast_in_dim3A_138 = arith.constant 0.000000e+00 : f32
      %broadcast_in_dim3A_139 = vector.broadcast %broadcast_in_dim3A_138 : f32 to vector<16xf32>
      %broadcast_in_dim3A_140 = arith.constant 0.000000e+00 : f32
      %broadcast_in_dim3A_141 = vector.broadcast %broadcast_in_dim3A_140 : f32 to vector<16xf32>
      %broadcast_in_dim3A_142 = arith.constant 0.000000e+00 : f32
      %broadcast_in_dim3A_143 = vector.broadcast %broadcast_in_dim3A_142 : f32 to vector<16xf32>
      %broadcast_in_dim3A_144 = arith.constant 0.000000e+00 : f32
      %broadcast_in_dim3A_145 = vector.broadcast %broadcast_in_dim3A_144 : f32 to vector<16xf32>
      %scan3A_146 = arith.constant 0 : i32
      %scan3A_147 = arith.constant 30 : i32
      %scan3A_148 = arith.addi %scan3A_146, %scan3A_147 : i32
      %scan3A_149 = arith.constant 1 : i32
      %scan3A_150:32 = scf.for %scan3A_2482 = %scan3A_146 to %scan3A_148 step %scan3A_149 iter_args(%scan3A_2483 = %broadcast_in_dim3A_83, %scan3A_2484 = %broadcast_in_dim3A_85, %scan3A_2485 = %broadcast_in_dim3A_87, %scan3A_2486 = %broadcast_in_dim3A_89, %scan3A_2487 = %broadcast_in_dim3A_91, %scan3A_2488 = %broadcast_in_dim3A_93, %scan3A_2489 = %broadcast_in_dim3A_95, %scan3A_2490 = %broadcast_in_dim3A_97, %scan3A_2491 = %broadcast_in_dim3A_99, %scan3A_2492 = %broadcast_in_dim3A_101, %scan3A_2493 = %broadcast_in_dim3A_103, %scan3A_2494 = %broadcast_in_dim3A_105, %scan3A_2495 = %broadcast_in_dim3A_107, %scan3A_2496 = %broadcast_in_dim3A_109, %scan3A_2497 = %broadcast_in_dim3A_111, %scan3A_2498 = %broadcast_in_dim3A_113, %scan3A_2499 = %broadcast_in_dim3A_115, %scan3A_2500 = %broadcast_in_dim3A_117, %scan3A_2501 = %broadcast_in_dim3A_119, %scan3A_2502 = %broadcast_in_dim3A_121, %scan3A_2503 = %broadcast_in_dim3A_123, %scan3A_2504 = %broadcast_in_dim3A_125, %scan3A_2505 = %broadcast_in_dim3A_127, %scan3A_2506 = %broadcast_in_dim3A_129, %scan3A_2507 = %broadcast_in_dim3A_131, %scan3A_2508 = %broadcast_in_dim3A_133, %scan3A_2509 = %broadcast_in_dim3A_135, %scan3A_2510 = %broadcast_in_dim3A_137, %scan3A_2511 = %broadcast_in_dim3A_139, %scan3A_2512 = %broadcast_in_dim3A_141, %scan3A_2513 = %broadcast_in_dim3A_143, %scan3A_2514 = %broadcast_in_dim3A_145) -> (vector<16xf32>, vector<16xf32>, vector<16xf32>, vector<16xf32>, vector<16xf32>, vector<16xf32>, vector<16xf32>, vector<16xf32>, vector<16xf32>, vector<16xf32>, vector<16xf32>, vector<16xf32>, vector<16xf32>, vector<16xf32>, vector<16xf32>, vector<16xf32>, vector<16xf32>, vector<16xf32>, vector<16xf32>, vector<16xf32>, vector<16xf32>, vector<16xf32>, vector<16xf32>, vector<16xf32>, vector<16xf32>, vector<16xf32>, vector<16xf32>, vector<16xf32>, vector<16xf32>, vector<16xf32>, vector<16xf32>, vector<16xf32>)  : i32 {
        %mul3A_2515 = arith.constant 30 : i32
        %mul3A_2516 = arith.muli %add3A_55, %mul3A_2515 : i32
        %add3A_2517 = arith.addi %mul3A_2516, %scan3A_2482 : i32
        %get3A_2518 = arith.index_cast %add3A_2517 : i32 to index
        %get3A_2519 = arith.constant 0 : index
        %get3A_2520 = tpu.vector_load %arg9[%get3A_2518, %get3A_2519] {strides = array<i32>} : memref<240x128xf32, #tpu.memory_space<vmem>>, vector<1x16xf32>,
        %get3A_2521 = vector.shape_cast %get3A_2520 : vector<1x16xf32> to vector<16xf32>
        %mul3A_2522 = arith.constant 30 : i32
        %mul3A_2523 = arith.muli %add3A_55, %mul3A_2522 : i32
        %add3A_2524 = arith.addi %mul3A_2523, %scan3A_2482 : i32
        %get3A_2525 = arith.index_cast %add3A_2524 : i32 to index
        %get3A_2526 = arith.constant 16 : index
        %get3A_2527 = tpu.vector_load %arg9[%get3A_2525, %get3A_2526] {strides = array<i32>} : memref<240x128xf32, #tpu.memory_space<vmem>>, vector<1x16xf32>,
        %get3A_2528 = vector.shape_cast %get3A_2527 : vector<1x16xf32> to vector<16xf32>
        %mul3A_2529 = arith.constant 30 : i32
        %mul3A_2530 = arith.muli %add3A_55, %mul3A_2529 : i32
        %add3A_2531 = arith.addi %mul3A_2530, %scan3A_2482 : i32
        %get3A_2532 = arith.index_cast %add3A_2531 : i32 to index
        %get3A_2533 = arith.constant 32 : index
        %get3A_2534 = tpu.vector_load %arg9[%get3A_2532, %get3A_2533] {strides = array<i32>} : memref<240x128xf32, #tpu.memory_space<vmem>>, vector<1x16xf32>,
        %get3A_2535 = vector.shape_cast %get3A_2534 : vector<1x16xf32> to vector<16xf32>
        %mul3A_2536 = arith.constant 30 : i32
        %mul3A_2537 = arith.muli %add3A_55, %mul3A_2536 : i32
        %add3A_2538 = arith.addi %mul3A_2537, %scan3A_2482 : i32
        %get3A_2539 = arith.index_cast %add3A_2538 : i32 to index
        %get3A_2540 = arith.constant 48 : index
        %get3A_2541 = tpu.vector_load %arg9[%get3A_2539, %get3A_2540] {strides = array<i32>} : memref<240x128xf32, #tpu.memory_space<vmem>>, vector<1x16xf32>,
        %get3A_2542 = vector.shape_cast %get3A_2541 : vector<1x16xf32> to vector<16xf32>
        %mul3A_2543 = arith.constant 30 : i32
        %mul3A_2544 = arith.muli %scan3A_2482, %mul3A_2543 : i32
        %add3A_2545 = arith.constant 0 : i32
        %add3A_2546 = arith.addi %mul3A_2544, %add3A_2545 : i32
        %get3A_2547 = arith.index_cast %add3A_2546 : i32 to index
        %get3A_2548 = tpu.vector_load %arg14[%get3A_2547] {strides = array<i32>} : memref<916xf32, #tpu.memory_space<vmem>>, vector<16xf32>,
        %get3A_2549 = vector.shape_cast %get3A_2548 : vector<16xf32> to vector<16xf32>
        %slice3A = vector.extract_strided_slice %get3A_2549 {offsets = [0], sizes = [1], strides = [1]} : vector<16xf32> to vector<1xf32>
        %squeeze3A = vector.extract %slice3A[0] : f32 from vector<1xf32>
        %mul3A_2550 = vector.broadcast %squeeze3A : f32 to vector<16xf32>
        %mul3A_2551 = arith.mulf %mul3A_2550, %get3A_2521 : vector<16xf32>
        %add3A_2552 = arith.addf %scan3A_2483, %mul3A_2551 : vector<16xf32>
        %mul3A_2553 = vector.broadcast %squeeze3A : f32 to vector<16xf32>
        %mul3A_2554 = arith.mulf %mul3A_2553, %get3A_2528 : vector<16xf32>
        %add3A_2555 = arith.addf %scan3A_2484, %mul3A_2554 : vector<16xf32>
        %mul3A_2556 = vector.broadcast %squeeze3A : f32 to vector<16xf32>
        %mul3A_2557 = arith.mulf %mul3A_2556, %get3A_2535 : vector<16xf32>
        %add3A_2558 = arith.addf %scan3A_2485, %mul3A_2557 : vector<16xf32>
        %mul3A_2559 = vector.broadcast %squeeze3A : f32 to vector<16xf32>
        %mul3A_2560 = arith.mulf %mul3A_2559, %get3A_2542 : vector<16xf32>
        %add3A_2561 = arith.addf %scan3A_2486, %mul3A_2560 : vector<16xf32>
        %slice3A_2562 = vector.extract_strided_slice %get3A_2549 {offsets = [1], sizes = [1], strides = [1]} : vector<16xf32> to vector<1xf32>
        %squeeze3A_2563 = vector.extract %slice3A_2562[0] : f32 from vector<1xf32>
        %mul3A_2564 = vector.broadcast %squeeze3A_2563 : f32 to vector<16xf32>
        %mul3A_2565 = arith.mulf %mul3A_2564, %get3A_2521 : vector<16xf32>
        %add3A_2566 = arith.addf %scan3A_2487, %mul3A_2565 : vector<16xf32>
        %mul3A_2567 = vector.broadcast %squeeze3A_2563 : f32 to vector<16xf32>
        %mul3A_2568 = arith.mulf %mul3A_2567, %get3A_2528 : vector<16xf32>
        %add3A_2569 = arith.addf %scan3A_2488, %mul3A_2568 : vector<16xf32>
        %mul3A_2570 = vector.broadcast %squeeze3A_2563 : f32 to vector<16xf32>
        %mul3A_2571 = arith.mulf %mul3A_2570, %get3A_2535 : vector<16xf32>
        %add3A_2572 = arith.addf %scan3A_2489, %mul3A_2571 : vector<16xf32>
        %mul3A_2573 = vector.broadcast %squeeze3A_2563 : f32 to vector<16xf32>
        %mul3A_2574 = arith.mulf %mul3A_2573, %get3A_2542 : vector<16xf32>
        %add3A_2575 = arith.addf %scan3A_2490, %mul3A_2574 : vector<16xf32>
        %slice3A_2576 = vector.extract_strided_slice %get3A_2549 {offsets = [2], sizes = [1], strides = [1]} : vector<16xf32> to vector<1xf32>
        %squeeze3A_2577 = vector.extract %slice3A_2576[0] : f32 from vector<1xf32>
        %mul3A_2578 = vector.broadcast %squeeze3A_2577 : f32 to vector<16xf32>
        %mul3A_2579 = arith.mulf %mul3A_2578, %get3A_2521 : vector<16xf32>
        %add3A_2580 = arith.addf %scan3A_2491, %mul3A_2579 : vector<16xf32>
        %mul3A_2581 = vector.broadcast %squeeze3A_2577 : f32 to vector<16xf32>
        %mul3A_2582 = arith.mulf %mul3A_2581, %get3A_2528 : vector<16xf32>
        %add3A_2583 = arith.addf %scan3A_2492, %mul3A_2582 : vector<16xf32>
        %mul3A_2584 = vector.broadcast %squeeze3A_2577 : f32 to vector<16xf32>
        %mul3A_2585 = arith.mulf %mul3A_2584, %get3A_2535 : vector<16xf32>
        %add3A_2586 = arith.addf %scan3A_2493, %mul3A_2585 : vector<16xf32>
        %mul3A_2587 = vector.broadcast %squeeze3A_2577 : f32 to vector<16xf32>
        %mul3A_2588 = arith.mulf %mul3A_2587, %get3A_2542 : vector<16xf32>
        %add3A_2589 = arith.addf %scan3A_2494, %mul3A_2588 : vector<16xf32>
        %slice3A_2590 = vector.extract_strided_slice %get3A_2549 {offsets = [3], sizes = [1], strides = [1]} : vector<16xf32> to vector<1xf32>
        %squeeze3A_2591 = vector.extract %slice3A_2590[0] : f32 from vector<1xf32>
        %mul3A_2592 = vector.broadcast %squeeze3A_2591 : f32 to vector<16xf32>
        %mul3A_2593 = arith.mulf %mul3A_2592, %get3A_2521 : vector<16xf32>
        %add3A_2594 = arith.addf %scan3A_2495, %mul3A_2593 : vector<16xf32>
        %mul3A_2595 = vector.broadcast %squeeze3A_2591 : f32 to vector<16xf32>
        %mul3A_2596 = arith.mulf %mul3A_2595, %get3A_2528 : vector<16xf32>
        %add3A_2597 = arith.addf %scan3A_2496, %mul3A_2596 : vector<16xf32>
        %mul3A_2598 = vector.broadcast %squeeze3A_2591 : f32 to vector<16xf32>
        %mul3A_2599 = arith.mulf %mul3A_2598, %get3A_2535 : vector<16xf32>
        %add3A_2600 = arith.addf %scan3A_2497, %mul3A_2599 : vector<16xf32>
        %mul3A_2601 = vector.broadcast %squeeze3A_2591 : f32 to vector<16xf32>
        %mul3A_2602 = arith.mulf %mul3A_2601, %get3A_2542 : vector<16xf32>
        %add3A_2603 = arith.addf %scan3A_2498, %mul3A_2602 : vector<16xf32>
        %slice3A_2604 = vector.extract_strided_slice %get3A_2549 {offsets = [4], sizes = [1], strides = [1]} : vector<16xf32> to vector<1xf32>
        %squeeze3A_2605 = vector.extract %slice3A_2604[0] : f32 from vector<1xf32>
        %mul3A_2606 = vector.broadcast %squeeze3A_2605 : f32 to vector<16xf32>
        %mul3A_2607 = arith.mulf %mul3A_2606, %get3A_2521 : vector<16xf32>
        %add3A_2608 = arith.addf %scan3A_2499, %mul3A_2607 : vector<16xf32>
        %mul3A_2609 = vector.broadcast %squeeze3A_2605 : f32 to vector<16xf32>
        %mul3A_2610 = arith.mulf %mul3A_2609, %get3A_2528 : vector<16xf32>
        %add3A_2611 = arith.addf %scan3A_2500, %mul3A_2610 : vector<16xf32>
        %mul3A_2612 = vector.broadcast %squeeze3A_2605 : f32 to vector<16xf32>
        %mul3A_2613 = arith.mulf %mul3A_2612, %get3A_2535 : vector<16xf32>
        %add3A_2614 = arith.addf %scan3A_2501, %mul3A_2613 : vector<16xf32>
        %mul3A_2615 = vector.broadcast %squeeze3A_2605 : f32 to vector<16xf32>
        %mul3A_2616 = arith.mulf %mul3A_2615, %get3A_2542 : vector<16xf32>
        %add3A_2617 = arith.addf %scan3A_2502, %mul3A_2616 : vector<16xf32>
        %slice3A_2618 = vector.extract_strided_slice %get3A_2549 {offsets = [5], sizes = [1], strides = [1]} : vector<16xf32> to vector<1xf32>
        %squeeze3A_2619 = vector.extract %slice3A_2618[0] : f32 from vector<1xf32>
        %mul3A_2620 = vector.broadcast %squeeze3A_2619 : f32 to vector<16xf32>
        %mul3A_2621 = arith.mulf %mul3A_2620, %get3A_2521 : vector<16xf32>
        %add3A_2622 = arith.addf %scan3A_2503, %mul3A_2621 : vector<16xf32>
        %mul3A_2623 = vector.broadcast %squeeze3A_2619 : f32 to vector<16xf32>
        %mul3A_2624 = arith.mulf %mul3A_2623, %get3A_2528 : vector<16xf32>
        %add3A_2625 = arith.addf %scan3A_2504, %mul3A_2624 : vector<16xf32>
        %mul3A_2626 = vector.broadcast %squeeze3A_2619 : f32 to vector<16xf32>
        %mul3A_2627 = arith.mulf %mul3A_2626, %get3A_2535 : vector<16xf32>
        %add3A_2628 = arith.addf %scan3A_2505, %mul3A_2627 : vector<16xf32>
        %mul3A_2629 = vector.broadcast %squeeze3A_2619 : f32 to vector<16xf32>
        %mul3A_2630 = arith.mulf %mul3A_2629, %get3A_2542 : vector<16xf32>
        %add3A_2631 = arith.addf %scan3A_2506, %mul3A_2630 : vector<16xf32>
        %slice3A_2632 = vector.extract_strided_slice %get3A_2549 {offsets = [6], sizes = [1], strides = [1]} : vector<16xf32> to vector<1xf32>
        %squeeze3A_2633 = vector.extract %slice3A_2632[0] : f32 from vector<1xf32>
        %mul3A_2634 = vector.broadcast %squeeze3A_2633 : f32 to vector<16xf32>
        %mul3A_2635 = arith.mulf %mul3A_2634, %get3A_2521 : vector<16xf32>
        %add3A_2636 = arith.addf %scan3A_2507, %mul3A_2635 : vector<16xf32>
        %mul3A_2637 = vector.broadcast %squeeze3A_2633 : f32 to vector<16xf32>
        %mul3A_2638 = arith.mulf %mul3A_2637, %get3A_2528 : vector<16xf32>
        %add3A_2639 = arith.addf %scan3A_2508, %mul3A_2638 : vector<16xf32>
        %mul3A_2640 = vector.broadcast %squeeze3A_2633 : f32 to vector<16xf32>
        %mul3A_2641 = arith.mulf %mul3A_2640, %get3A_2535 : vector<16xf32>
        %add3A_2642 = arith.addf %scan3A_2509, %mul3A_2641 : vector<16xf32>
        %mul3A_2643 = vector.broadcast %squeeze3A_2633 : f32 to vector<16xf32>
        %mul3A_2644 = arith.mulf %mul3A_2643, %get3A_2542 : vector<16xf32>
        %add3A_2645 = arith.addf %scan3A_2510, %mul3A_2644 : vector<16xf32>
        %slice3A_2646 = vector.extract_strided_slice %get3A_2549 {offsets = [7], sizes = [1], strides = [1]} : vector<16xf32> to vector<1xf32>
        %squeeze3A_2647 = vector.extract %slice3A_2646[0] : f32 from vector<1xf32>
        %mul3A_2648 = vector.broadcast %squeeze3A_2647 : f32 to vector<16xf32>
        %mul3A_2649 = arith.mulf %mul3A_2648, %get3A_2521 : vector<16xf32>
        %add3A_2650 = arith.addf %scan3A_2511, %mul3A_2649 : vector<16xf32>
        %mul3A_2651 = vector.broadcast %squeeze3A_2647 : f32 to vector<16xf32>
        %mul3A_2652 = arith.mulf %mul3A_2651, %get3A_2528 : vector<16xf32>
        %add3A_2653 = arith.addf %scan3A_2512, %mul3A_2652 : vector<16xf32>
        %mul3A_2654 = vector.broadcast %squeeze3A_2647 : f32 to vector<16xf32>
        %mul3A_2655 = arith.mulf %mul3A_2654, %get3A_2535 : vector<16xf32>
        %add3A_2656 = arith.addf %scan3A_2513, %mul3A_2655 : vector<16xf32>
        %mul3A_2657 = vector.broadcast %squeeze3A_2647 : f32 to vector<16xf32>
        %mul3A_2658 = arith.mulf %mul3A_2657, %get3A_2542 : vector<16xf32>
        %add3A_2659 = arith.addf %scan3A_2514, %mul3A_2658 : vector<16xf32>
        scf.yield %add3A_2552, %add3A_2555, %add3A_2558, %add3A_2561, %add3A_2566, %add3A_2569, %add3A_2572, %add3A_2575, %add3A_2580, %add3A_2583, %add3A_2586, %add3A_2589, %add3A_2594, %add3A_2597, %add3A_2600, %add3A_2603, %add3A_2608, %add3A_2611, %add3A_2614, %add3A_2617, %add3A_2622, %add3A_2625, %add3A_2628, %add3A_2631, %add3A_2636, %add3A_2639, %add3A_2642, %add3A_2645, %add3A_2650, %add3A_2653, %add3A_2656, %add3A_2659 : vector<16xf32>, vector<16xf32>, vector<16xf32>, vector<16xf32>, vector<16xf32>, vector<16xf32>, vector<16xf32>, vector<16xf32>, vector<16xf32>, vector<16xf32>, vector<16xf32>, vector<16xf32>, vector<16xf32>, vector<16xf32>, vector<16xf32>, vector<16xf32>, vector<16xf32>, vector<16xf32>, vector<16xf32>, vector<16xf32>, vector<16xf32>, vector<16xf32>, vector<16xf32>, vector<16xf32>, vector<16xf32>, vector<16xf32>, vector<16xf32>, vector<16xf32>, vector<16xf32>, vector<16xf32>, vector<16xf32>, vector<16xf32>
      }
      %scan3A_151 = arith.constant 30 : i32
      %swap3A = arith.constant 0 : index
      %swap3A_152 = tpu.vector_load %arg15[%swap3A] {strides = array<i32>} : memref<3840xf32, #tpu.memory_space<vmem>>, vector<16xf32>,
      %swap3A_153 = vector.shape_cast %swap3A_152 : vector<16xf32> to vector<16xf32>
      %swap3A_154 = vector.shape_cast %scan3A_150#0 : vector<16xf32> to vector<16xf32>
      tpu.vector_store %arg15[%swap3A], %swap3A_154 {strides = array<i32>} : memref<3840xf32, #tpu.memory_space<vmem>>, vector<16xf32>,
      %swap3A_155 = arith.constant 16 : index
      %swap3A_156 = tpu.vector_load %arg15[%swap3A_155] {strides = array<i32>} : memref<3840xf32, #tpu.memory_space<vmem>>, vector<16xf32>,
      %swap3A_157 = vector.shape_cast %swap3A_156 : vector<16xf32> to vector<16xf32>
      %swap3A_158 = vector.shape_cast %scan3A_150#1 : vector<16xf32> to vector<16xf32>
      tpu.vector_store %arg15[%swap3A_155], %swap3A_158 {strides = array<i32>} : memref<3840xf32, #tpu.memory_space<vmem>>, vector<16xf32>,
      %swap3A_159 = arith.constant 32 : index
      %swap3A_160 = tpu.vector_load %arg15[%swap3A_159] {strides = array<i32>} : memref<3840xf32, #tpu.memory_space<vmem>>, vector<16xf32>,
      %swap3A_161 = vector.shape_cast %swap3A_160 : vector<16xf32> to vector<16xf32>
      %swap3A_162 = vector.shape_cast %scan3A_150#2 : vector<16xf32> to vector<16xf32>
      tpu.vector_store %arg15[%swap3A_159], %swap3A_162 {strides = array<i32>} : memref<3840xf32, #tpu.memory_space<vmem>>, vector<16xf32>,
      %swap3A_163 = arith.constant 48 : index
      %swap3A_164 = tpu.vector_load %arg15[%swap3A_163] {strides = array<i32>} : memref<3840xf32, #tpu.memory_space<vmem>>, vector<16xf32>,
      %swap3A_165 = vector.shape_cast %swap3A_164 : vector<16xf32> to vector<16xf32>
      %swap3A_166 = vector.shape_cast %scan3A_150#3 : vector<16xf32> to vector<16xf32>
      tpu.vector_store %arg15[%swap3A_163], %swap3A_166 {strides = array<i32>} : memref<3840xf32, #tpu.memory_space<vmem>>, vector<16xf32>,
      %swap3A_167 = arith.constant 64 : index
      %swap3A_168 = tpu.vector_load %arg15[%swap3A_167] {strides = array<i32>} : memref<3840xf32, #tpu.memory_space<vmem>>, vector<16xf32>,
      %swap3A_169 = vector.shape_cast %swap3A_168 : vector<16xf32> to vector<16xf32>
      %swap3A_170 = vector.shape_cast %scan3A_150#4 : vector<16xf32> to vector<16xf32>
      tpu.vector_store %arg15[%swap3A_167], %swap3A_170 {strides = array<i32>} : memref<3840xf32, #tpu.memory_space<vmem>>, vector<16xf32>,
      %swap3A_171 = arith.constant 80 : index
      %swap3A_172 = tpu.vector_load %arg15[%swap3A_171] {strides = array<i32>} : memref<3840xf32, #tpu.memory_space<vmem>>, vector<16xf32>,
      %swap3A_173 = vector.shape_cast %swap3A_172 : vector<16xf32> to vector<16xf32>
      %swap3A_174 = vector.shape_cast %scan3A_150#5 : vector<16xf32> to vector<16xf32>
      tpu.vector_store %arg15[%swap3A_171], %swap3A_174 {strides = array<i32>} : memref<3840xf32, #tpu.memory_space<vmem>>, vector<16xf32>,
      %swap3A_175 = arith.constant 96 : index
      %swap3A_176 = tpu.vector_load %arg15[%swap3A_175] {strides = array<i32>} : memref<3840xf32, #tpu.memory_space<vmem>>, vector<16xf32>,
      %swap3A_177 = vector.shape_cast %swap3A_176 : vector<16xf32> to vector<16xf32>
      %swap3A_178 = vector.shape_cast %scan3A_150#6 : vector<16xf32> to vector<16xf32>
      tpu.vector_store %arg15[%swap3A_175], %swap3A_178 {strides = array<i32>} : memref<3840xf32, #tpu.memory_space<vmem>>, vector<16xf32>,
      %swap3A_179 = arith.constant 112 : index
      %swap3A_180 = tpu.vector_load %arg15[%swap3A_179] {strides = array<i32>} : memref<3840xf32, #tpu.memory_space<vmem>>, vector<16xf32>,
      %swap3A_181 = vector.shape_cast %swap3A_180 : vector<16xf32> to vector<16xf32>
      %swap3A_182 = vector.shape_cast %scan3A_150#7 : vector<16xf32> to vector<16xf32>
      tpu.vector_store %arg15[%swap3A_179], %swap3A_182 {strides = array<i32>} : memref<3840xf32, #tpu.memory_space<vmem>>, vector<16xf32>,
      %swap3A_183 = arith.constant 128 : index
      %swap3A_184 = tpu.vector_load %arg15[%swap3A_183] {strides = array<i32>} : memref<3840xf32, #tpu.memory_space<vmem>>, vector<16xf32>,
      %swap3A_185 = vector.shape_cast %swap3A_184 : vector<16xf32> to vector<16xf32>
      %swap3A_186 = vector.shape_cast %scan3A_150#8 : vector<16xf32> to vector<16xf32>
      tpu.vector_store %arg15[%swap3A_183], %swap3A_186 {strides = array<i32>} : memref<3840xf32, #tpu.memory_space<vmem>>, vector<16xf32>,
      %swap3A_187 = arith.constant 144 : index
      %swap3A_188 = tpu.vector_load %arg15[%swap3A_187] {strides = array<i32>} : memref<3840xf32, #tpu.memory_space<vmem>>, vector<16xf32>,
      %swap3A_189 = vector.shape_cast %swap3A_188 : vector<16xf32> to vector<16xf32>
      %swap3A_190 = vector.shape_cast %scan3A_150#9 : vector<16xf32> to vector<16xf32>
      tpu.vector_store %arg15[%swap3A_187], %swap3A_190 {strides = array<i32>} : memref<3840xf32, #tpu.memory_space<vmem>>, vector<16xf32>,
      %swap3A_191 = arith.constant 160 : index
      %swap3A_192 = tpu.vector_load %arg15[%swap3A_191] {strides = array<i32>} : memref<3840xf32, #tpu.memory_space<vmem>>, vector<16xf32>,
      %swap3A_193 = vector.shape_cast %swap3A_192 : vector<16xf32> to vector<16xf32>
      %swap3A_194 = vector.shape_cast %scan3A_150#10 : vector<16xf32> to vector<16xf32>
      tpu.vector_store %arg15[%swap3A_191], %swap3A_194 {strides = array<i32>} : memref<3840xf32, #tpu.memory_space<vmem>>, vector<16xf32>,
      %swap3A_195 = arith.constant 176 : index
      %swap3A_196 = tpu.vector_load %arg15[%swap3A_195] {strides = array<i32>} : memref<3840xf32, #tpu.memory_space<vmem>>, vector<16xf32>,
      %swap3A_197 = vector.shape_cast %swap3A_196 : vector<16xf32> to vector<16xf32>
      %swap3A_198 = vector.shape_cast %scan3A_150#11 : vector<16xf32> to vector<16xf32>
      tpu.vector_store %arg15[%swap3A_195], %swap3A_198 {strides = array<i32>} : memref<3840xf32, #tpu.memory_space<vmem>>, vector<16xf32>,
      %swap3A_199 = arith.constant 192 : index
      %swap3A_200 = tpu.vector_load %arg15[%swap3A_199] {strides = array<i32>} : memref<3840xf32, #tpu.memory_space<vmem>>, vector<16xf32>,
      %swap3A_201 = vector.shape_cast %swap3A_200 : vector<16xf32> to vector<16xf32>
      %swap3A_202 = vector.shape_cast %scan3A_150#12 : vector<16xf32> to vector<16xf32>
      tpu.vector_store %arg15[%swap3A_199], %swap3A_202 {strides = array<i32>} : memref<3840xf32, #tpu.memory_space<vmem>>, vector<16xf32>,
      %swap3A_203 = arith.constant 208 : index
      %swap3A_204 = tpu.vector_load %arg15[%swap3A_203] {strides = array<i32>} : memref<3840xf32, #tpu.memory_space<vmem>>, vector<16xf32>,
      %swap3A_205 = vector.shape_cast %swap3A_204 : vector<16xf32> to vector<16xf32>
      %swap3A_206 = vector.shape_cast %scan3A_150#13 : vector<16xf32> to vector<16xf32>
      tpu.vector_store %arg15[%swap3A_203], %swap3A_206 {strides = array<i32>} : memref<3840xf32, #tpu.memory_space<vmem>>, vector<16xf32>,
      %swap3A_207 = arith.constant 224 : index
      %swap3A_208 = tpu.vector_load %arg15[%swap3A_207] {strides = array<i32>} : memref<3840xf32, #tpu.memory_space<vmem>>, vector<16xf32>,
      %swap3A_209 = vector.shape_cast %swap3A_208 : vector<16xf32> to vector<16xf32>
      %swap3A_210 = vector.shape_cast %scan3A_150#14 : vector<16xf32> to vector<16xf32>
      tpu.vector_store %arg15[%swap3A_207], %swap3A_210 {strides = array<i32>} : memref<3840xf32, #tpu.memory_space<vmem>>, vector<16xf32>,
      %swap3A_211 = arith.constant 240 : index
      %swap3A_212 = tpu.vector_load %arg15[%swap3A_211] {strides = array<i32>} : memref<3840xf32, #tpu.memory_space<vmem>>, vector<16xf32>,
      %swap3A_213 = vector.shape_cast %swap3A_212 : vector<16xf32> to vector<16xf32>
      %swap3A_214 = vector.shape_cast %scan3A_150#15 : vector<16xf32> to vector<16xf32>
      tpu.vector_store %arg15[%swap3A_211], %swap3A_214 {strides = array<i32>} : memref<3840xf32, #tpu.memory_space<vmem>>, vector<16xf32>,
      %swap3A_215 = arith.constant 256 : index
      %swap3A_216 = tpu.vector_load %arg15[%swap3A_215] {strides = array<i32>} : memref<3840xf32, #tpu.memory_space<vmem>>, vector<16xf32>,
      %swap3A_217 = vector.shape_cast %swap3A_216 : vector<16xf32> to vector<16xf32>
      %swap3A_218 = vector.shape_cast %scan3A_150#16 : vector<16xf32> to vector<16xf32>
      tpu.vector_store %arg15[%swap3A_215], %swap3A_218 {strides = array<i32>} : memref<3840xf32, #tpu.memory_space<vmem>>, vector<16xf32>,
      %swap3A_219 = arith.constant 272 : index
      %swap3A_220 = tpu.vector_load %arg15[%swap3A_219] {strides = array<i32>} : memref<3840xf32, #tpu.memory_space<vmem>>, vector<16xf32>,
      %swap3A_221 = vector.shape_cast %swap3A_220 : vector<16xf32> to vector<16xf32>
      %swap3A_222 = vector.shape_cast %scan3A_150#17 : vector<16xf32> to vector<16xf32>
      tpu.vector_store %arg15[%swap3A_219], %swap3A_222 {strides = array<i32>} : memref<3840xf32, #tpu.memory_space<vmem>>, vector<16xf32>,
      %swap3A_223 = arith.constant 288 : index
      %swap3A_224 = tpu.vector_load %arg15[%swap3A_223] {strides = array<i32>} : memref<3840xf32, #tpu.memory_space<vmem>>, vector<16xf32>,
      %swap3A_225 = vector.shape_cast %swap3A_224 : vector<16xf32> to vector<16xf32>
      %swap3A_226 = vector.shape_cast %scan3A_150#18 : vector<16xf32> to vector<16xf32>
      tpu.vector_store %arg15[%swap3A_223], %swap3A_226 {strides = array<i32>} : memref<3840xf32, #tpu.memory_space<vmem>>, vector<16xf32>,
      %swap3A_227 = arith.constant 304 : index
      %swap3A_228 = tpu.vector_load %arg15[%swap3A_227] {strides = array<i32>} : memref<3840xf32, #tpu.memory_space<vmem>>, vector<16xf32>,
      %swap3A_229 = vector.shape_cast %swap3A_228 : vector<16xf32> to vector<16xf32>
      %swap3A_230 = vector.shape_cast %scan3A_150#19 : vector<16xf32> to vector<16xf32>
      tpu.vector_store %arg15[%swap3A_227], %swap3A_230 {strides = array<i32>} : memref<3840xf32, #tpu.memory_space<vmem>>, vector<16xf32>,
      %swap3A_231 = arith.constant 320 : index
      %swap3A_232 = tpu.vector_load %arg15[%swap3A_231] {strides = array<i32>} : memref<3840xf32, #tpu.memory_space<vmem>>, vector<16xf32>,
      %swap3A_233 = vector.shape_cast %swap3A_232 : vector<16xf32> to vector<16xf32>
      %swap3A_234 = vector.shape_cast %scan3A_150#20 : vector<16xf32> to vector<16xf32>
      tpu.vector_store %arg15[%swap3A_231], %swap3A_234 {strides = array<i32>} : memref<3840xf32, #tpu.memory_space<vmem>>, vector<16xf32>,
      %swap3A_235 = arith.constant 336 : index
      %swap3A_236 = tpu.vector_load %arg15[%swap3A_235] {strides = array<i32>} : memref<3840xf32, #tpu.memory_space<vmem>>, vector<16xf32>,
      %swap3A_237 = vector.shape_cast %swap3A_236 : vector<16xf32> to vector<16xf32>
      %swap3A_238 = vector.shape_cast %scan3A_150#21 : vector<16xf32> to vector<16xf32>
      tpu.vector_store %arg15[%swap3A_235], %swap3A_238 {strides = array<i32>} : memref<3840xf32, #tpu.memory_space<vmem>>, vector<16xf32>,
      %swap3A_239 = arith.constant 352 : index
      %swap3A_240 = tpu.vector_load %arg15[%swap3A_239] {strides = array<i32>} : memref<3840xf32, #tpu.memory_space<vmem>>, vector<16xf32>,
      %swap3A_241 = vector.shape_cast %swap3A_240 : vector<16xf32> to vector<16xf32>
      %swap3A_242 = vector.shape_cast %scan3A_150#22 : vector<16xf32> to vector<16xf32>
      tpu.vector_store %arg15[%swap3A_239], %swap3A_242 {strides = array<i32>} : memref<3840xf32, #tpu.memory_space<vmem>>, vector<16xf32>,
      %swap3A_243 = arith.constant 368 : index
      %swap3A_244 = tpu.vector_load %arg15[%swap3A_243] {strides = array<i32>} : memref<3840xf32, #tpu.memory_space<vmem>>, vector<16xf32>,
      %swap3A_245 = vector.shape_cast %swap3A_244 : vector<16xf32> to vector<16xf32>
      %swap3A_246 = vector.shape_cast %scan3A_150#23 : vector<16xf32> to vector<16xf32>
      tpu.vector_store %arg15[%swap3A_243], %swap3A_246 {strides = array<i32>} : memref<3840xf32, #tpu.memory_space<vmem>>, vector<16xf32>,
      %swap3A_247 = arith.constant 384 : index
      %swap3A_248 = tpu.vector_load %arg15[%swap3A_247] {strides = array<i32>} : memref<3840xf32, #tpu.memory_space<vmem>>, vector<16xf32>,
      %swap3A_249 = vector.shape_cast %swap3A_248 : vector<16xf32> to vector<16xf32>
      %swap3A_250 = vector.shape_cast %scan3A_150#24 : vector<16xf32> to vector<16xf32>
      tpu.vector_store %arg15[%swap3A_247], %swap3A_250 {strides = array<i32>} : memref<3840xf32, #tpu.memory_space<vmem>>, vector<16xf32>,
      %swap3A_251 = arith.constant 400 : index
      %swap3A_252 = tpu.vector_load %arg15[%swap3A_251] {strides = array<i32>} : memref<3840xf32, #tpu.memory_space<vmem>>, vector<16xf32>,
      %swap3A_253 = vector.shape_cast %swap3A_252 : vector<16xf32> to vector<16xf32>
      %swap3A_254 = vector.shape_cast %scan3A_150#25 : vector<16xf32> to vector<16xf32>
      tpu.vector_store %arg15[%swap3A_251], %swap3A_254 {strides = array<i32>} : memref<3840xf32, #tpu.memory_space<vmem>>, vector<16xf32>,
      %swap3A_255 = arith.constant 416 : index
      %swap3A_256 = tpu.vector_load %arg15[%swap3A_255] {strides = array<i32>} : memref<3840xf32, #tpu.memory_space<vmem>>, vector<16xf32>,
      %swap3A_257 = vector.shape_cast %swap3A_256 : vector<16xf32> to vector<16xf32>
      %swap3A_258 = vector.shape_cast %scan3A_150#26 : vector<16xf32> to vector<16xf32>
      tpu.vector_store %arg15[%swap3A_255], %swap3A_258 {strides = array<i32>} : memref<3840xf32, #tpu.memory_space<vmem>>, vector<16xf32>,
      %swap3A_259 = arith.constant 432 : index
      %swap3A_260 = tpu.vector_load %arg15[%swap3A_259] {strides = array<i32>} : memref<3840xf32, #tpu.memory_space<vmem>>, vector<16xf32>,
      %swap3A_261 = vector.shape_cast %swap3A_260 : vector<16xf32> to vector<16xf32>
      %swap3A_262 = vector.shape_cast %scan3A_150#27 : vector<16xf32> to vector<16xf32>
      tpu.vector_store %arg15[%swap3A_259], %swap3A_262 {strides = array<i32>} : memref<3840xf32, #tpu.memory_space<vmem>>, vector<16xf32>,
      %swap3A_263 = arith.constant 448 : index
      %swap3A_264 = tpu.vector_load %arg15[%swap3A_263] {strides = array<i32>} : memref<3840xf32, #tpu.memory_space<vmem>>, vector<16xf32>,
      %swap3A_265 = vector.shape_cast %swap3A_264 : vector<16xf32> to vector<16xf32>
      %swap3A_266 = vector.shape_cast %scan3A_150#28 : vector<16xf32> to vector<16xf32>
      tpu.vector_store %arg15[%swap3A_263], %swap3A_266 {strides = array<i32>} : memref<3840xf32, #tpu.memory_space<vmem>>, vector<16xf32>,
      %swap3A_267 = arith.constant 464 : index
      %swap3A_268 = tpu.vector_load %arg15[%swap3A_267] {strides = array<i32>} : memref<3840xf32, #tpu.memory_space<vmem>>, vector<16xf32>,
      %swap3A_269 = vector.shape_cast %swap3A_268 : vector<16xf32> to vector<16xf32>
      %swap3A_270 = vector.shape_cast %scan3A_150#29 : vector<16xf32> to vector<16xf32>
      tpu.vector_store %arg15[%swap3A_267], %swap3A_270 {strides = array<i32>} : memref<3840xf32, #tpu.memory_space<vmem>>, vector<16xf32>,
      %swap3A_271 = arith.constant 480 : index
      %swap3A_272 = tpu.vector_load %arg15[%swap3A_271] {strides = array<i32>} : memref<3840xf32, #tpu.memory_space<vmem>>, vector<16xf32>,
      %swap3A_273 = vector.shape_cast %swap3A_272 : vector<16xf32> to vector<16xf32>
      %swap3A_274 = vector.shape_cast %scan3A_150#30 : vector<16xf32> to vector<16xf32>
      tpu.vector_store %arg15[%swap3A_271], %swap3A_274 {strides = array<i32>} : memref<3840xf32, #tpu.memory_space<vmem>>, vector<16xf32>,
      %swap3A_275 = arith.constant 496 : index
      %swap3A_276 = tpu.vector_load %arg15[%swap3A_275] {strides = array<i32>} : memref<3840xf32, #tpu.memory_space<vmem>>, vector<16xf32>,
      %swap3A_277 = vector.shape_cast %swap3A_276 : vector<16xf32> to vector<16xf32>
      %swap3A_278 = vector.shape_cast %scan3A_150#31 : vector<16xf32> to vector<16xf32>
      tpu.vector_store %arg15[%swap3A_275], %swap3A_278 {strides = array<i32>} : memref<3840xf32, #tpu.memory_space<vmem>>, vector<16xf32>,
      %broadcast_in_dim3A_279 = arith.constant 0.000000e+00 : f32
      %broadcast_in_dim3A_280 = vector.broadcast %broadcast_in_dim3A_279 : f32 to vector<16xf32>
      %broadcast_in_dim3A_281 = arith.constant 0.000000e+00 : f32
      %broadcast_in_dim3A_282 = vector.broadcast %broadcast_in_dim3A_281 : f32 to vector<16xf32>
      %broadcast_in_dim3A_283 = arith.constant 0.000000e+00 : f32
      %broadcast_in_dim3A_284 = vector.broadcast %broadcast_in_dim3A_283 : f32 to vector<16xf32>
      %broadcast_in_dim3A_285 = arith.constant 0.000000e+00 : f32
      %broadcast_in_dim3A_286 = vector.broadcast %broadcast_in_dim3A_285 : f32 to vector<16xf32>
      %broadcast_in_dim3A_287 = arith.constant 0.000000e+00 : f32
      %broadcast_in_dim3A_288 = vector.broadcast %broadcast_in_dim3A_287 : f32 to vector<16xf32>
      %broadcast_in_dim3A_289 = arith.constant 0.000000e+00 : f32
      %broadcast_in_dim3A_290 = vector.broadcast %broadcast_in_dim3A_289 : f32 to vector<16xf32>
      %broadcast_in_dim3A_291 = arith.constant 0.000000e+00 : f32
      %broadcast_in_dim3A_292 = vector.broadcast %broadcast_in_dim3A_291 : f32 to vector<16xf32>
      %broadcast_in_dim3A_293 = arith.constant 0.000000e+00 : f32
      %broadcast_in_dim3A_294 = vector.broadcast %broadcast_in_dim3A_293 : f32 to vector<16xf32>
      %broadcast_in_dim3A_295 = arith.constant 0.000000e+00 : f32
      %broadcast_in_dim3A_296 = vector.broadcast %broadcast_in_dim3A_295 : f32 to vector<16xf32>
      %broadcast_in_dim3A_297 = arith.constant 0.000000e+00 : f32
      %broadcast_in_dim3A_298 = vector.broadcast %broadcast_in_dim3A_297 : f32 to vector<16xf32>
      %broadcast_in_dim3A_299 = arith.constant 0.000000e+00 : f32
      %broadcast_in_dim3A_300 = vector.broadcast %broadcast_in_dim3A_299 : f32 to vector<16xf32>
      %broadcast_in_dim3A_301 = arith.constant 0.000000e+00 : f32
      %broadcast_in_dim3A_302 = vector.broadcast %broadcast_in_dim3A_301 : f32 to vector<16xf32>
      %broadcast_in_dim3A_303 = arith.constant 0.000000e+00 : f32
      %broadcast_in_dim3A_304 = vector.broadcast %broadcast_in_dim3A_303 : f32 to vector<16xf32>
      %broadcast_in_dim3A_305 = arith.constant 0.000000e+00 : f32
      %broadcast_in_dim3A_306 = vector.broadcast %broadcast_in_dim3A_305 : f32 to vector<16xf32>
      %broadcast_in_dim3A_307 = arith.constant 0.000000e+00 : f32
      %broadcast_in_dim3A_308 = vector.broadcast %broadcast_in_dim3A_307 : f32 to vector<16xf32>
      %broadcast_in_dim3A_309 = arith.constant 0.000000e+00 : f32
      %broadcast_in_dim3A_310 = vector.broadcast %broadcast_in_dim3A_309 : f32 to vector<16xf32>
      %broadcast_in_dim3A_311 = arith.constant 0.000000e+00 : f32
      %broadcast_in_dim3A_312 = vector.broadcast %broadcast_in_dim3A_311 : f32 to vector<16xf32>
      %broadcast_in_dim3A_313 = arith.constant 0.000000e+00 : f32
      %broadcast_in_dim3A_314 = vector.broadcast %broadcast_in_dim3A_313 : f32 to vector<16xf32>
      %broadcast_in_dim3A_315 = arith.constant 0.000000e+00 : f32
      %broadcast_in_dim3A_316 = vector.broadcast %broadcast_in_dim3A_315 : f32 to vector<16xf32>
      %broadcast_in_dim3A_317 = arith.constant 0.000000e+00 : f32
      %broadcast_in_dim3A_318 = vector.broadcast %broadcast_in_dim3A_317 : f32 to vector<16xf32>
      %broadcast_in_dim3A_319 = arith.constant 0.000000e+00 : f32
      %broadcast_in_dim3A_320 = vector.broadcast %broadcast_in_dim3A_319 : f32 to vector<16xf32>
      %broadcast_in_dim3A_321 = arith.constant 0.000000e+00 : f32
      %broadcast_in_dim3A_322 = vector.broadcast %broadcast_in_dim3A_321 : f32 to vector<16xf32>
      %broadcast_in_dim3A_323 = arith.constant 0.000000e+00 : f32
      %broadcast_in_dim3A_324 = vector.broadcast %broadcast_in_dim3A_323 : f32 to vector<16xf32>
      %broadcast_in_dim3A_325 = arith.constant 0.000000e+00 : f32
      %broadcast_in_dim3A_326 = vector.broadcast %broadcast_in_dim3A_325 : f32 to vector<16xf32>
      %broadcast_in_dim3A_327 = arith.constant 0.000000e+00 : f32
      %broadcast_in_dim3A_328 = vector.broadcast %broadcast_in_dim3A_327 : f32 to vector<16xf32>
      %broadcast_in_dim3A_329 = arith.constant 0.000000e+00 : f32
      %broadcast_in_dim3A_330 = vector.broadcast %broadcast_in_dim3A_329 : f32 to vector<16xf32>
      %broadcast_in_dim3A_331 = arith.constant 0.000000e+00 : f32
      %broadcast_in_dim3A_332 = vector.broadcast %broadcast_in_dim3A_331 : f32 to vector<16xf32>
      %broadcast_in_dim3A_333 = arith.constant 0.000000e+00 : f32
      %broadcast_in_dim3A_334 = vector.broadcast %broadcast_in_dim3A_333 : f32 to vector<16xf32>
      %broadcast_in_dim3A_335 = arith.constant 0.000000e+00 : f32
      %broadcast_in_dim3A_336 = vector.broadcast %broadcast_in_dim3A_335 : f32 to vector<16xf32>
      %broadcast_in_dim3A_337 = arith.constant 0.000000e+00 : f32
      %broadcast_in_dim3A_338 = vector.broadcast %broadcast_in_dim3A_337 : f32 to vector<16xf32>
      %broadcast_in_dim3A_339 = arith.constant 0.000000e+00 : f32
      %broadcast_in_dim3A_340 = vector.broadcast %broadcast_in_dim3A_339 : f32 to vector<16xf32>
      %broadcast_in_dim3A_341 = arith.constant 0.000000e+00 : f32
      %broadcast_in_dim3A_342 = vector.broadcast %broadcast_in_dim3A_341 : f32 to vector<16xf32>
      %scan3A_343 = arith.constant 0 : i32
      %scan3A_344 = arith.constant 30 : i32
      %scan3A_345 = arith.addi %scan3A_343, %scan3A_344 : i32
      %scan3A_346 = arith.constant 1 : i32
      %scan3A_347:32 = scf.for %scan3A_2482 = %scan3A_343 to %scan3A_345 step %scan3A_346 iter_args(%scan3A_2483 = %broadcast_in_dim3A_280, %scan3A_2484 = %broadcast_in_dim3A_282, %scan3A_2485 = %broadcast_in_dim3A_284, %scan3A_2486 = %broadcast_in_dim3A_286, %scan3A_2487 = %broadcast_in_dim3A_288, %scan3A_2488 = %broadcast_in_dim3A_290, %scan3A_2489 = %broadcast_in_dim3A_292, %scan3A_2490 = %broadcast_in_dim3A_294, %scan3A_2491 = %broadcast_in_dim3A_296, %scan3A_2492 = %broadcast_in_dim3A_298, %scan3A_2493 = %broadcast_in_dim3A_300, %scan3A_2494 = %broadcast_in_dim3A_302, %scan3A_2495 = %broadcast_in_dim3A_304, %scan3A_2496 = %broadcast_in_dim3A_306, %scan3A_2497 = %broadcast_in_dim3A_308, %scan3A_2498 = %broadcast_in_dim3A_310, %scan3A_2499 = %broadcast_in_dim3A_312, %scan3A_2500 = %broadcast_in_dim3A_314, %scan3A_2501 = %broadcast_in_dim3A_316, %scan3A_2502 = %broadcast_in_dim3A_318, %scan3A_2503 = %broadcast_in_dim3A_320, %scan3A_2504 = %broadcast_in_dim3A_322, %scan3A_2505 = %broadcast_in_dim3A_324, %scan3A_2506 = %broadcast_in_dim3A_326, %scan3A_2507 = %broadcast_in_dim3A_328, %scan3A_2508 = %broadcast_in_dim3A_330, %scan3A_2509 = %broadcast_in_dim3A_332, %scan3A_2510 = %broadcast_in_dim3A_334, %scan3A_2511 = %broadcast_in_dim3A_336, %scan3A_2512 = %broadcast_in_dim3A_338, %scan3A_2513 = %broadcast_in_dim3A_340, %scan3A_2514 = %broadcast_in_dim3A_342) -> (vector<16xf32>, vector<16xf32>, vector<16xf32>, vector<16xf32>, vector<16xf32>, vector<16xf32>, vector<16xf32>, vector<16xf32>, vector<16xf32>, vector<16xf32>, vector<16xf32>, vector<16xf32>, vector<16xf32>, vector<16xf32>, vector<16xf32>, vector<16xf32>, vector<16xf32>, vector<16xf32>, vector<16xf32>, vector<16xf32>, vector<16xf32>, vector<16xf32>, vector<16xf32>, vector<16xf32>, vector<16xf32>, vector<16xf32>, vector<16xf32>, vector<16xf32>, vector<16xf32>, vector<16xf32>, vector<16xf32>, vector<16xf32>)  : i32 {
        %mul3A_2515 = arith.constant 30 : i32
        %mul3A_2516 = arith.muli %add3A_55, %mul3A_2515 : i32
        %add3A_2517 = arith.addi %mul3A_2516, %scan3A_2482 : i32
        %get3A_2518 = arith.index_cast %add3A_2517 : i32 to index
        %get3A_2519 = arith.constant 0 : index
        %get3A_2520 = tpu.vector_load %arg9[%get3A_2518, %get3A_2519] {strides = array<i32>} : memref<240x128xf32, #tpu.memory_space<vmem>>, vector<1x16xf32>,
        %get3A_2521 = vector.shape_cast %get3A_2520 : vector<1x16xf32> to vector<16xf32>
        %mul3A_2522 = arith.constant 30 : i32
        %mul3A_2523 = arith.muli %add3A_55, %mul3A_2522 : i32
        %add3A_2524 = arith.addi %mul3A_2523, %scan3A_2482 : i32
        %get3A_2525 = arith.index_cast %add3A_2524 : i32 to index
        %get3A_2526 = arith.constant 16 : index
        %get3A_2527 = tpu.vector_load %arg9[%get3A_2525, %get3A_2526] {strides = array<i32>} : memref<240x128xf32, #tpu.memory_space<vmem>>, vector<1x16xf32>,
        %get3A_2528 = vector.shape_cast %get3A_2527 : vector<1x16xf32> to vector<16xf32>
        %mul3A_2529 = arith.constant 30 : i32
        %mul3A_2530 = arith.muli %add3A_55, %mul3A_2529 : i32
        %add3A_2531 = arith.addi %mul3A_2530, %scan3A_2482 : i32
        %get3A_2532 = arith.index_cast %add3A_2531 : i32 to index
        %get3A_2533 = arith.constant 32 : index
        %get3A_2534 = tpu.vector_load %arg9[%get3A_2532, %get3A_2533] {strides = array<i32>} : memref<240x128xf32, #tpu.memory_space<vmem>>, vector<1x16xf32>,
        %get3A_2535 = vector.shape_cast %get3A_2534 : vector<1x16xf32> to vector<16xf32>
        %mul3A_2536 = arith.constant 30 : i32
        %mul3A_2537 = arith.muli %add3A_55, %mul3A_2536 : i32
        %add3A_2538 = arith.addi %mul3A_2537, %scan3A_2482 : i32
        %get3A_2539 = arith.index_cast %add3A_2538 : i32 to index
        %get3A_2540 = arith.constant 48 : index
        %get3A_2541 = tpu.vector_load %arg9[%get3A_2539, %get3A_2540] {strides = array<i32>} : memref<240x128xf32, #tpu.memory_space<vmem>>, vector<1x16xf32>,
        %get3A_2542 = vector.shape_cast %get3A_2541 : vector<1x16xf32> to vector<16xf32>
        %mul3A_2543 = arith.constant 30 : i32
        %mul3A_2544 = arith.muli %scan3A_2482, %mul3A_2543 : i32
        %add3A_2545 = arith.constant 8 : i32
        %add3A_2546 = arith.addi %mul3A_2544, %add3A_2545 : i32
        %get3A_2547 = arith.index_cast %add3A_2546 : i32 to index
        %get3A_2548 = tpu.vector_load %arg14[%get3A_2547] {strides = array<i32>} : memref<916xf32, #tpu.memory_space<vmem>>, vector<16xf32>,
        %get3A_2549 = vector.shape_cast %get3A_2548 : vector<16xf32> to vector<16xf32>
        %slice3A = vector.extract_strided_slice %get3A_2549 {offsets = [0], sizes = [1], strides = [1]} : vector<16xf32> to vector<1xf32>
        %squeeze3A = vector.extract %slice3A[0] : f32 from vector<1xf32>
        %mul3A_2550 = vector.broadcast %squeeze3A : f32 to vector<16xf32>
        %mul3A_2551 = arith.mulf %mul3A_2550, %get3A_2521 : vector<16xf32>
        %add3A_2552 = arith.addf %scan3A_2483, %mul3A_2551 : vector<16xf32>
        %mul3A_2553 = vector.broadcast %squeeze3A : f32 to vector<16xf32>
        %mul3A_2554 = arith.mulf %mul3A_2553, %get3A_2528 : vector<16xf32>
        %add3A_2555 = arith.addf %scan3A_2484, %mul3A_2554 : vector<16xf32>
        %mul3A_2556 = vector.broadcast %squeeze3A : f32 to vector<16xf32>
        %mul3A_2557 = arith.mulf %mul3A_2556, %get3A_2535 : vector<16xf32>
        %add3A_2558 = arith.addf %scan3A_2485, %mul3A_2557 : vector<16xf32>
        %mul3A_2559 = vector.broadcast %squeeze3A : f32 to vector<16xf32>
        %mul3A_2560 = arith.mulf %mul3A_2559, %get3A_2542 : vector<16xf32>
        %add3A_2561 = arith.addf %scan3A_2486, %mul3A_2560 : vector<16xf32>
        %slice3A_2562 = vector.extract_strided_slice %get3A_2549 {offsets = [1], sizes = [1], strides = [1]} : vector<16xf32> to vector<1xf32>
        %squeeze3A_2563 = vector.extract %slice3A_2562[0] : f32 from vector<1xf32>
        %mul3A_2564 = vector.broadcast %squeeze3A_2563 : f32 to vector<16xf32>
        %mul3A_2565 = arith.mulf %mul3A_2564, %get3A_2521 : vector<16xf32>
        %add3A_2566 = arith.addf %scan3A_2487, %mul3A_2565 : vector<16xf32>
        %mul3A_2567 = vector.broadcast %squeeze3A_2563 : f32 to vector<16xf32>
        %mul3A_2568 = arith.mulf %mul3A_2567, %get3A_2528 : vector<16xf32>
        %add3A_2569 = arith.addf %scan3A_2488, %mul3A_2568 : vector<16xf32>
        %mul3A_2570 = vector.broadcast %squeeze3A_2563 : f32 to vector<16xf32>
        %mul3A_2571 = arith.mulf %mul3A_2570, %get3A_2535 : vector<16xf32>
        %add3A_2572 = arith.addf %scan3A_2489, %mul3A_2571 : vector<16xf32>
        %mul3A_2573 = vector.broadcast %squeeze3A_2563 : f32 to vector<16xf32>
        %mul3A_2574 = arith.mulf %mul3A_2573, %get3A_2542 : vector<16xf32>
        %add3A_2575 = arith.addf %scan3A_2490, %mul3A_2574 : vector<16xf32>
        %slice3A_2576 = vector.extract_strided_slice %get3A_2549 {offsets = [2], sizes = [1], strides = [1]} : vector<16xf32> to vector<1xf32>
        %squeeze3A_2577 = vector.extract %slice3A_2576[0] : f32 from vector<1xf32>
        %mul3A_2578 = vector.broadcast %squeeze3A_2577 : f32 to vector<16xf32>
        %mul3A_2579 = arith.mulf %mul3A_2578, %get3A_2521 : vector<16xf32>
        %add3A_2580 = arith.addf %scan3A_2491, %mul3A_2579 : vector<16xf32>
        %mul3A_2581 = vector.broadcast %squeeze3A_2577 : f32 to vector<16xf32>
        %mul3A_2582 = arith.mulf %mul3A_2581, %get3A_2528 : vector<16xf32>
        %add3A_2583 = arith.addf %scan3A_2492, %mul3A_2582 : vector<16xf32>
        %mul3A_2584 = vector.broadcast %squeeze3A_2577 : f32 to vector<16xf32>
        %mul3A_2585 = arith.mulf %mul3A_2584, %get3A_2535 : vector<16xf32>
        %add3A_2586 = arith.addf %scan3A_2493, %mul3A_2585 : vector<16xf32>
        %mul3A_2587 = vector.broadcast %squeeze3A_2577 : f32 to vector<16xf32>
        %mul3A_2588 = arith.mulf %mul3A_2587, %get3A_2542 : vector<16xf32>
        %add3A_2589 = arith.addf %scan3A_2494, %mul3A_2588 : vector<16xf32>
        %slice3A_2590 = vector.extract_strided_slice %get3A_2549 {offsets = [3], sizes = [1], strides = [1]} : vector<16xf32> to vector<1xf32>
        %squeeze3A_2591 = vector.extract %slice3A_2590[0] : f32 from vector<1xf32>
        %mul3A_2592 = vector.broadcast %squeeze3A_2591 : f32 to vector<16xf32>
        %mul3A_2593 = arith.mulf %mul3A_2592, %get3A_2521 : vector<16xf32>
        %add3A_2594 = arith.addf %scan3A_2495, %mul3A_2593 : vector<16xf32>
        %mul3A_2595 = vector.broadcast %squeeze3A_2591 : f32 to vector<16xf32>
        %mul3A_2596 = arith.mulf %mul3A_2595, %get3A_2528 : vector<16xf32>
        %add3A_2597 = arith.addf %scan3A_2496, %mul3A_2596 : vector<16xf32>
        %mul3A_2598 = vector.broadcast %squeeze3A_2591 : f32 to vector<16xf32>
        %mul3A_2599 = arith.mulf %mul3A_2598, %get3A_2535 : vector<16xf32>
        %add3A_2600 = arith.addf %scan3A_2497, %mul3A_2599 : vector<16xf32>
        %mul3A_2601 = vector.broadcast %squeeze3A_2591 : f32 to vector<16xf32>
        %mul3A_2602 = arith.mulf %mul3A_2601, %get3A_2542 : vector<16xf32>
        %add3A_2603 = arith.addf %scan3A_2498, %mul3A_2602 : vector<16xf32>
        %slice3A_2604 = vector.extract_strided_slice %get3A_2549 {offsets = [4], sizes = [1], strides = [1]} : vector<16xf32> to vector<1xf32>
        %squeeze3A_2605 = vector.extract %slice3A_2604[0] : f32 from vector<1xf32>
        %mul3A_2606 = vector.broadcast %squeeze3A_2605 : f32 to vector<16xf32>
        %mul3A_2607 = arith.mulf %mul3A_2606, %get3A_2521 : vector<16xf32>
        %add3A_2608 = arith.addf %scan3A_2499, %mul3A_2607 : vector<16xf32>
        %mul3A_2609 = vector.broadcast %squeeze3A_2605 : f32 to vector<16xf32>
        %mul3A_2610 = arith.mulf %mul3A_2609, %get3A_2528 : vector<16xf32>
        %add3A_2611 = arith.addf %scan3A_2500, %mul3A_2610 : vector<16xf32>
        %mul3A_2612 = vector.broadcast %squeeze3A_2605 : f32 to vector<16xf32>
        %mul3A_2613 = arith.mulf %mul3A_2612, %get3A_2535 : vector<16xf32>
        %add3A_2614 = arith.addf %scan3A_2501, %mul3A_2613 : vector<16xf32>
        %mul3A_2615 = vector.broadcast %squeeze3A_2605 : f32 to vector<16xf32>
        %mul3A_2616 = arith.mulf %mul3A_2615, %get3A_2542 : vector<16xf32>
        %add3A_2617 = arith.addf %scan3A_2502, %mul3A_2616 : vector<16xf32>
        %slice3A_2618 = vector.extract_strided_slice %get3A_2549 {offsets = [5], sizes = [1], strides = [1]} : vector<16xf32> to vector<1xf32>
        %squeeze3A_2619 = vector.extract %slice3A_2618[0] : f32 from vector<1xf32>
        %mul3A_2620 = vector.broadcast %squeeze3A_2619 : f32 to vector<16xf32>
        %mul3A_2621 = arith.mulf %mul3A_2620, %get3A_2521 : vector<16xf32>
        %add3A_2622 = arith.addf %scan3A_2503, %mul3A_2621 : vector<16xf32>
        %mul3A_2623 = vector.broadcast %squeeze3A_2619 : f32 to vector<16xf32>
        %mul3A_2624 = arith.mulf %mul3A_2623, %get3A_2528 : vector<16xf32>
        %add3A_2625 = arith.addf %scan3A_2504, %mul3A_2624 : vector<16xf32>
        %mul3A_2626 = vector.broadcast %squeeze3A_2619 : f32 to vector<16xf32>
        %mul3A_2627 = arith.mulf %mul3A_2626, %get3A_2535 : vector<16xf32>
        %add3A_2628 = arith.addf %scan3A_2505, %mul3A_2627 : vector<16xf32>
        %mul3A_2629 = vector.broadcast %squeeze3A_2619 : f32 to vector<16xf32>
        %mul3A_2630 = arith.mulf %mul3A_2629, %get3A_2542 : vector<16xf32>
        %add3A_2631 = arith.addf %scan3A_2506, %mul3A_2630 : vector<16xf32>
        %slice3A_2632 = vector.extract_strided_slice %get3A_2549 {offsets = [6], sizes = [1], strides = [1]} : vector<16xf32> to vector<1xf32>
        %squeeze3A_2633 = vector.extract %slice3A_2632[0] : f32 from vector<1xf32>
        %mul3A_2634 = vector.broadcast %squeeze3A_2633 : f32 to vector<16xf32>
        %mul3A_2635 = arith.mulf %mul3A_2634, %get3A_2521 : vector<16xf32>
        %add3A_2636 = arith.addf %scan3A_2507, %mul3A_2635 : vector<16xf32>
        %mul3A_2637 = vector.broadcast %squeeze3A_2633 : f32 to vector<16xf32>
        %mul3A_2638 = arith.mulf %mul3A_2637, %get3A_2528 : vector<16xf32>
        %add3A_2639 = arith.addf %scan3A_2508, %mul3A_2638 : vector<16xf32>
        %mul3A_2640 = vector.broadcast %squeeze3A_2633 : f32 to vector<16xf32>
        %mul3A_2641 = arith.mulf %mul3A_2640, %get3A_2535 : vector<16xf32>
        %add3A_2642 = arith.addf %scan3A_2509, %mul3A_2641 : vector<16xf32>
        %mul3A_2643 = vector.broadcast %squeeze3A_2633 : f32 to vector<16xf32>
        %mul3A_2644 = arith.mulf %mul3A_2643, %get3A_2542 : vector<16xf32>
        %add3A_2645 = arith.addf %scan3A_2510, %mul3A_2644 : vector<16xf32>
        %slice3A_2646 = vector.extract_strided_slice %get3A_2549 {offsets = [7], sizes = [1], strides = [1]} : vector<16xf32> to vector<1xf32>
        %squeeze3A_2647 = vector.extract %slice3A_2646[0] : f32 from vector<1xf32>
        %mul3A_2648 = vector.broadcast %squeeze3A_2647 : f32 to vector<16xf32>
        %mul3A_2649 = arith.mulf %mul3A_2648, %get3A_2521 : vector<16xf32>
        %add3A_2650 = arith.addf %scan3A_2511, %mul3A_2649 : vector<16xf32>
        %mul3A_2651 = vector.broadcast %squeeze3A_2647 : f32 to vector<16xf32>
        %mul3A_2652 = arith.mulf %mul3A_2651, %get3A_2528 : vector<16xf32>
        %add3A_2653 = arith.addf %scan3A_2512, %mul3A_2652 : vector<16xf32>
        %mul3A_2654 = vector.broadcast %squeeze3A_2647 : f32 to vector<16xf32>
        %mul3A_2655 = arith.mulf %mul3A_2654, %get3A_2535 : vector<16xf32>
        %add3A_2656 = arith.addf %scan3A_2513, %mul3A_2655 : vector<16xf32>
        %mul3A_2657 = vector.broadcast %squeeze3A_2647 : f32 to vector<16xf32>
        %mul3A_2658 = arith.mulf %mul3A_2657, %get3A_2542 : vector<16xf32>
        %add3A_2659 = arith.addf %scan3A_2514, %mul3A_2658 : vector<16xf32>
        scf.yield %add3A_2552, %add3A_2555, %add3A_2558, %add3A_2561, %add3A_2566, %add3A_2569, %add3A_2572, %add3A_2575, %add3A_2580, %add3A_2583, %add3A_2586, %add3A_2589, %add3A_2594, %add3A_2597, %add3A_2600, %add3A_2603, %add3A_2608, %add3A_2611, %add3A_2614, %add3A_2617, %add3A_2622, %add3A_2625, %add3A_2628, %add3A_2631, %add3A_2636, %add3A_2639, %add3A_2642, %add3A_2645, %add3A_2650, %add3A_2653, %add3A_2656, %add3A_2659 : vector<16xf32>, vector<16xf32>, vector<16xf32>, vector<16xf32>, vector<16xf32>, vector<16xf32>, vector<16xf32>, vector<16xf32>, vector<16xf32>, vector<16xf32>, vector<16xf32>, vector<16xf32>, vector<16xf32>, vector<16xf32>, vector<16xf32>, vector<16xf32>, vector<16xf32>, vector<16xf32>, vector<16xf32>, vector<16xf32>, vector<16xf32>, vector<16xf32>, vector<16xf32>, vector<16xf32>, vector<16xf32>, vector<16xf32>, vector<16xf32>, vector<16xf32>, vector<16xf32>, vector<16xf32>, vector<16xf32>, vector<16xf32>
      }
      %scan3A_348 = arith.constant 30 : i32
      %swap3A_349 = arith.constant 512 : index
      %swap3A_350 = tpu.vector_load %arg15[%swap3A_349] {strides = array<i32>} : memref<3840xf32, #tpu.memory_space<vmem>>, vector<16xf32>,
      %swap3A_351 = vector.shape_cast %swap3A_350 : vector<16xf32> to vector<16xf32>
      %swap3A_352 = vector.shape_cast %scan3A_347#0 : vector<16xf32> to vector<16xf32>
      tpu.vector_store %arg15[%swap3A_349], %swap3A_352 {strides = array<i32>} : memref<3840xf32, #tpu.memory_space<vmem>>, vector<16xf32>,
      %swap3A_353 = arith.constant 528 : index
      %swap3A_354 = tpu.vector_load %arg15[%swap3A_353] {strides = array<i32>} : memref<3840xf32, #tpu.memory_space<vmem>>, vector<16xf32>,
      %swap3A_355 = vector.shape_cast %swap3A_354 : vector<16xf32> to vector<16xf32>
      %swap3A_356 = vector.shape_cast %scan3A_347#1 : vector<16xf32> to vector<16xf32>
      tpu.vector_store %arg15[%swap3A_353], %swap3A_356 {strides = array<i32>} : memref<3840xf32, #tpu.memory_space<vmem>>, vector<16xf32>,
      %swap3A_357 = arith.constant 544 : index
      %swap3A_358 = tpu.vector_load %arg15[%swap3A_357] {strides = array<i32>} : memref<3840xf32, #tpu.memory_space<vmem>>, vector<16xf32>,
      %swap3A_359 = vector.shape_cast %swap3A_358 : vector<16xf32> to vector<16xf32>
      %swap3A_360 = vector.shape_cast %scan3A_347#2 : vector<16xf32> to vector<16xf32>
      tpu.vector_store %arg15[%swap3A_357], %swap3A_360 {strides = array<i32>} : memref<3840xf32, #tpu.memory_space<vmem>>, vector<16xf32>,
      %swap3A_361 = arith.constant 560 : index
      %swap3A_362 = tpu.vector_load %arg15[%swap3A_361] {strides = array<i32>} : memref<3840xf32, #tpu.memory_space<vmem>>, vector<16xf32>,
      %swap3A_363 = vector.shape_cast %swap3A_362 : vector<16xf32> to vector<16xf32>
      %swap3A_364 = vector.shape_cast %scan3A_347#3 : vector<16xf32> to vector<16xf32>
      tpu.vector_store %arg15[%swap3A_361], %swap3A_364 {strides = array<i32>} : memref<3840xf32, #tpu.memory_space<vmem>>, vector<16xf32>,
      %swap3A_365 = arith.constant 576 : index
      %swap3A_366 = tpu.vector_load %arg15[%swap3A_365] {strides = array<i32>} : memref<3840xf32, #tpu.memory_space<vmem>>, vector<16xf32>,
      %swap3A_367 = vector.shape_cast %swap3A_366 : vector<16xf32> to vector<16xf32>
      %swap3A_368 = vector.shape_cast %scan3A_347#4 : vector<16xf32> to vector<16xf32>
      tpu.vector_store %arg15[%swap3A_365], %swap3A_368 {strides = array<i32>} : memref<3840xf32, #tpu.memory_space<vmem>>, vector<16xf32>,
      %swap3A_369 = arith.constant 592 : index
      %swap3A_370 = tpu.vector_load %arg15[%swap3A_369] {strides = array<i32>} : memref<3840xf32, #tpu.memory_space<vmem>>, vector<16xf32>,
      %swap3A_371 = vector.shape_cast %swap3A_370 : vector<16xf32> to vector<16xf32>
      %swap3A_372 = vector.shape_cast %scan3A_347#5 : vector<16xf32> to vector<16xf32>
      tpu.vector_store %arg15[%swap3A_369], %swap3A_372 {strides = array<i32>} : memref<3840xf32, #tpu.memory_space<vmem>>, vector<16xf32>,
      %swap3A_373 = arith.constant 608 : index
      %swap3A_374 = tpu.vector_load %arg15[%swap3A_373] {strides = array<i32>} : memref<3840xf32, #tpu.memory_space<vmem>>, vector<16xf32>,
      %swap3A_375 = vector.shape_cast %swap3A_374 : vector<16xf32> to vector<16xf32>
      %swap3A_376 = vector.shape_cast %scan3A_347#6 : vector<16xf32> to vector<16xf32>
      tpu.vector_store %arg15[%swap3A_373], %swap3A_376 {strides = array<i32>} : memref<3840xf32, #tpu.memory_space<vmem>>, vector<16xf32>,
      %swap3A_377 = arith.constant 624 : index
      %swap3A_378 = tpu.vector_load %arg15[%swap3A_377] {strides = array<i32>} : memref<3840xf32, #tpu.memory_space<vmem>>, vector<16xf32>,
      %swap3A_379 = vector.shape_cast %swap3A_378 : vector<16xf32> to vector<16xf32>
      %swap3A_380 = vector.shape_cast %scan3A_347#7 : vector<16xf32> to vector<16xf32>
      tpu.vector_store %arg15[%swap3A_377], %swap3A_380 {strides = array<i32>} : memref<3840xf32, #tpu.memory_space<vmem>>, vector<16xf32>,
      %swap3A_381 = arith.constant 640 : index
      %swap3A_382 = tpu.vector_load %arg15[%swap3A_381] {strides = array<i32>} : memref<3840xf32, #tpu.memory_space<vmem>>, vector<16xf32>,
      %swap3A_383 = vector.shape_cast %swap3A_382 : vector<16xf32> to vector<16xf32>
      %swap3A_384 = vector.shape_cast %scan3A_347#8 : vector<16xf32> to vector<16xf32>
      tpu.vector_store %arg15[%swap3A_381], %swap3A_384 {strides = array<i32>} : memref<3840xf32, #tpu.memory_space<vmem>>, vector<16xf32>,
      %swap3A_385 = arith.constant 656 : index
      %swap3A_386 = tpu.vector_load %arg15[%swap3A_385] {strides = array<i32>} : memref<3840xf32, #tpu.memory_space<vmem>>, vector<16xf32>,
      %swap3A_387 = vector.shape_cast %swap3A_386 : vector<16xf32> to vector<16xf32>
      %swap3A_388 = vector.shape_cast %scan3A_347#9 : vector<16xf32> to vector<16xf32>
      tpu.vector_store %arg15[%swap3A_385], %swap3A_388 {strides = array<i32>} : memref<3840xf32, #tpu.memory_space<vmem>>, vector<16xf32>,
      %swap3A_389 = arith.constant 672 : index
      %swap3A_390 = tpu.vector_load %arg15[%swap3A_389] {strides = array<i32>} : memref<3840xf32, #tpu.memory_space<vmem>>, vector<16xf32>,
      %swap3A_391 = vector.shape_cast %swap3A_390 : vector<16xf32> to vector<16xf32>
      %swap3A_392 = vector.shape_cast %scan3A_347#10 : vector<16xf32> to vector<16xf32>
      tpu.vector_store %arg15[%swap3A_389], %swap3A_392 {strides = array<i32>} : memref<3840xf32, #tpu.memory_space<vmem>>, vector<16xf32>,
      %swap3A_393 = arith.constant 688 : index
      %swap3A_394 = tpu.vector_load %arg15[%swap3A_393] {strides = array<i32>} : memref<3840xf32, #tpu.memory_space<vmem>>, vector<16xf32>,
      %swap3A_395 = vector.shape_cast %swap3A_394 : vector<16xf32> to vector<16xf32>
      %swap3A_396 = vector.shape_cast %scan3A_347#11 : vector<16xf32> to vector<16xf32>
      tpu.vector_store %arg15[%swap3A_393], %swap3A_396 {strides = array<i32>} : memref<3840xf32, #tpu.memory_space<vmem>>, vector<16xf32>,
      %swap3A_397 = arith.constant 704 : index
      %swap3A_398 = tpu.vector_load %arg15[%swap3A_397] {strides = array<i32>} : memref<3840xf32, #tpu.memory_space<vmem>>, vector<16xf32>,
      %swap3A_399 = vector.shape_cast %swap3A_398 : vector<16xf32> to vector<16xf32>
      %swap3A_400 = vector.shape_cast %scan3A_347#12 : vector<16xf32> to vector<16xf32>
      tpu.vector_store %arg15[%swap3A_397], %swap3A_400 {strides = array<i32>} : memref<3840xf32, #tpu.memory_space<vmem>>, vector<16xf32>,
      %swap3A_401 = arith.constant 720 : index
      %swap3A_402 = tpu.vector_load %arg15[%swap3A_401] {strides = array<i32>} : memref<3840xf32, #tpu.memory_space<vmem>>, vector<16xf32>,
      %swap3A_403 = vector.shape_cast %swap3A_402 : vector<16xf32> to vector<16xf32>
      %swap3A_404 = vector.shape_cast %scan3A_347#13 : vector<16xf32> to vector<16xf32>
      tpu.vector_store %arg15[%swap3A_401], %swap3A_404 {strides = array<i32>} : memref<3840xf32, #tpu.memory_space<vmem>>, vector<16xf32>,
      %swap3A_405 = arith.constant 736 : index
      %swap3A_406 = tpu.vector_load %arg15[%swap3A_405] {strides = array<i32>} : memref<3840xf32, #tpu.memory_space<vmem>>, vector<16xf32>,
      %swap3A_407 = vector.shape_cast %swap3A_406 : vector<16xf32> to vector<16xf32>
      %swap3A_408 = vector.shape_cast %scan3A_347#14 : vector<16xf32> to vector<16xf32>
      tpu.vector_store %arg15[%swap3A_405], %swap3A_408 {strides = array<i32>} : memref<3840xf32, #tpu.memory_space<vmem>>, vector<16xf32>,
      %swap3A_409 = arith.constant 752 : index
      %swap3A_410 = tpu.vector_load %arg15[%swap3A_409] {strides = array<i32>} : memref<3840xf32, #tpu.memory_space<vmem>>, vector<16xf32>,
      %swap3A_411 = vector.shape_cast %swap3A_410 : vector<16xf32> to vector<16xf32>
      %swap3A_412 = vector.shape_cast %scan3A_347#15 : vector<16xf32> to vector<16xf32>
      tpu.vector_store %arg15[%swap3A_409], %swap3A_412 {strides = array<i32>} : memref<3840xf32, #tpu.memory_space<vmem>>, vector<16xf32>,
      %swap3A_413 = arith.constant 768 : index
      %swap3A_414 = tpu.vector_load %arg15[%swap3A_413] {strides = array<i32>} : memref<3840xf32, #tpu.memory_space<vmem>>, vector<16xf32>,
      %swap3A_415 = vector.shape_cast %swap3A_414 : vector<16xf32> to vector<16xf32>
      %swap3A_416 = vector.shape_cast %scan3A_347#16 : vector<16xf32> to vector<16xf32>
      tpu.vector_store %arg15[%swap3A_413], %swap3A_416 {strides = array<i32>} : memref<3840xf32, #tpu.memory_space<vmem>>, vector<16xf32>,
      %swap3A_417 = arith.constant 784 : index
      %swap3A_418 = tpu.vector_load %arg15[%swap3A_417] {strides = array<i32>} : memref<3840xf32, #tpu.memory_space<vmem>>, vector<16xf32>,
      %swap3A_419 = vector.shape_cast %swap3A_418 : vector<16xf32> to vector<16xf32>
      %swap3A_420 = vector.shape_cast %scan3A_347#17 : vector<16xf32> to vector<16xf32>
      tpu.vector_store %arg15[%swap3A_417], %swap3A_420 {strides = array<i32>} : memref<3840xf32, #tpu.memory_space<vmem>>, vector<16xf32>,
      %swap3A_421 = arith.constant 800 : index
      %swap3A_422 = tpu.vector_load %arg15[%swap3A_421] {strides = array<i32>} : memref<3840xf32, #tpu.memory_space<vmem>>, vector<16xf32>,
      %swap3A_423 = vector.shape_cast %swap3A_422 : vector<16xf32> to vector<16xf32>
      %swap3A_424 = vector.shape_cast %scan3A_347#18 : vector<16xf32> to vector<16xf32>
      tpu.vector_store %arg15[%swap3A_421], %swap3A_424 {strides = array<i32>} : memref<3840xf32, #tpu.memory_space<vmem>>, vector<16xf32>,
      %swap3A_425 = arith.constant 816 : index
      %swap3A_426 = tpu.vector_load %arg15[%swap3A_425] {strides = array<i32>} : memref<3840xf32, #tpu.memory_space<vmem>>, vector<16xf32>,
      %swap3A_427 = vector.shape_cast %swap3A_426 : vector<16xf32> to vector<16xf32>
      %swap3A_428 = vector.shape_cast %scan3A_347#19 : vector<16xf32> to vector<16xf32>
      tpu.vector_store %arg15[%swap3A_425], %swap3A_428 {strides = array<i32>} : memref<3840xf32, #tpu.memory_space<vmem>>, vector<16xf32>,
      %swap3A_429 = arith.constant 832 : index
      %swap3A_430 = tpu.vector_load %arg15[%swap3A_429] {strides = array<i32>} : memref<3840xf32, #tpu.memory_space<vmem>>, vector<16xf32>,
      %swap3A_431 = vector.shape_cast %swap3A_430 : vector<16xf32> to vector<16xf32>
      %swap3A_432 = vector.shape_cast %scan3A_347#20 : vector<16xf32> to vector<16xf32>
      tpu.vector_store %arg15[%swap3A_429], %swap3A_432 {strides = array<i32>} : memref<3840xf32, #tpu.memory_space<vmem>>, vector<16xf32>,
      %swap3A_433 = arith.constant 848 : index
      %swap3A_434 = tpu.vector_load %arg15[%swap3A_433] {strides = array<i32>} : memref<3840xf32, #tpu.memory_space<vmem>>, vector<16xf32>,
      %swap3A_435 = vector.shape_cast %swap3A_434 : vector<16xf32> to vector<16xf32>
      %swap3A_436 = vector.shape_cast %scan3A_347#21 : vector<16xf32> to vector<16xf32>
      tpu.vector_store %arg15[%swap3A_433], %swap3A_436 {strides = array<i32>} : memref<3840xf32, #tpu.memory_space<vmem>>, vector<16xf32>,
      %swap3A_437 = arith.constant 864 : index
      %swap3A_438 = tpu.vector_load %arg15[%swap3A_437] {strides = array<i32>} : memref<3840xf32, #tpu.memory_space<vmem>>, vector<16xf32>,
      %swap3A_439 = vector.shape_cast %swap3A_438 : vector<16xf32> to vector<16xf32>
      %swap3A_440 = vector.shape_cast %scan3A_347#22 : vector<16xf32> to vector<16xf32>
      tpu.vector_store %arg15[%swap3A_437], %swap3A_440 {strides = array<i32>} : memref<3840xf32, #tpu.memory_space<vmem>>, vector<16xf32>,
      %swap3A_441 = arith.constant 880 : index
      %swap3A_442 = tpu.vector_load %arg15[%swap3A_441] {strides = array<i32>} : memref<3840xf32, #tpu.memory_space<vmem>>, vector<16xf32>,
      %swap3A_443 = vector.shape_cast %swap3A_442 : vector<16xf32> to vector<16xf32>
      %swap3A_444 = vector.shape_cast %scan3A_347#23 : vector<16xf32> to vector<16xf32>
      tpu.vector_store %arg15[%swap3A_441], %swap3A_444 {strides = array<i32>} : memref<3840xf32, #tpu.memory_space<vmem>>, vector<16xf32>,
      %swap3A_445 = arith.constant 896 : index
      %swap3A_446 = tpu.vector_load %arg15[%swap3A_445] {strides = array<i32>} : memref<3840xf32, #tpu.memory_space<vmem>>, vector<16xf32>,
      %swap3A_447 = vector.shape_cast %swap3A_446 : vector<16xf32> to vector<16xf32>
      %swap3A_448 = vector.shape_cast %scan3A_347#24 : vector<16xf32> to vector<16xf32>
      tpu.vector_store %arg15[%swap3A_445], %swap3A_448 {strides = array<i32>} : memref<3840xf32, #tpu.memory_space<vmem>>, vector<16xf32>,
      %swap3A_449 = arith.constant 912 : index
      %swap3A_450 = tpu.vector_load %arg15[%swap3A_449] {strides = array<i32>} : memref<3840xf32, #tpu.memory_space<vmem>>, vector<16xf32>,
      %swap3A_451 = vector.shape_cast %swap3A_450 : vector<16xf32> to vector<16xf32>
      %swap3A_452 = vector.shape_cast %scan3A_347#25 : vector<16xf32> to vector<16xf32>
      tpu.vector_store %arg15[%swap3A_449], %swap3A_452 {strides = array<i32>} : memref<3840xf32, #tpu.memory_space<vmem>>, vector<16xf32>,
      %swap3A_453 = arith.constant 928 : index
      %swap3A_454 = tpu.vector_load %arg15[%swap3A_453] {strides = array<i32>} : memref<3840xf32, #tpu.memory_space<vmem>>, vector<16xf32>,
      %swap3A_455 = vector.shape_cast %swap3A_454 : vector<16xf32> to vector<16xf32>
      %swap3A_456 = vector.shape_cast %scan3A_347#26 : vector<16xf32> to vector<16xf32>
      tpu.vector_store %arg15[%swap3A_453], %swap3A_456 {strides = array<i32>} : memref<3840xf32, #tpu.memory_space<vmem>>, vector<16xf32>,
      %swap3A_457 = arith.constant 944 : index
      %swap3A_458 = tpu.vector_load %arg15[%swap3A_457] {strides = array<i32>} : memref<3840xf32, #tpu.memory_space<vmem>>, vector<16xf32>,
      %swap3A_459 = vector.shape_cast %swap3A_458 : vector<16xf32> to vector<16xf32>
      %swap3A_460 = vector.shape_cast %scan3A_347#27 : vector<16xf32> to vector<16xf32>
      tpu.vector_store %arg15[%swap3A_457], %swap3A_460 {strides = array<i32>} : memref<3840xf32, #tpu.memory_space<vmem>>, vector<16xf32>,
      %swap3A_461 = arith.constant 960 : index
      %swap3A_462 = tpu.vector_load %arg15[%swap3A_461] {strides = array<i32>} : memref<3840xf32, #tpu.memory_space<vmem>>, vector<16xf32>,
      %swap3A_463 = vector.shape_cast %swap3A_462 : vector<16xf32> to vector<16xf32>
      %swap3A_464 = vector.shape_cast %scan3A_347#28 : vector<16xf32> to vector<16xf32>
      tpu.vector_store %arg15[%swap3A_461], %swap3A_464 {strides = array<i32>} : memref<3840xf32, #tpu.memory_space<vmem>>, vector<16xf32>,
      %swap3A_465 = arith.constant 976 : index
      %swap3A_466 = tpu.vector_load %arg15[%swap3A_465] {strides = array<i32>} : memref<3840xf32, #tpu.memory_space<vmem>>, vector<16xf32>,
      %swap3A_467 = vector.shape_cast %swap3A_466 : vector<16xf32> to vector<16xf32>
      %swap3A_468 = vector.shape_cast %scan3A_347#29 : vector<16xf32> to vector<16xf32>
      tpu.vector_store %arg15[%swap3A_465], %swap3A_468 {strides = array<i32>} : memref<3840xf32, #tpu.memory_space<vmem>>, vector<16xf32>,
      %swap3A_469 = arith.constant 992 : index
      %swap3A_470 = tpu.vector_load %arg15[%swap3A_469] {strides = array<i32>} : memref<3840xf32, #tpu.memory_space<vmem>>, vector<16xf32>,
      %swap3A_471 = vector.shape_cast %swap3A_470 : vector<16xf32> to vector<16xf32>
      %swap3A_472 = vector.shape_cast %scan3A_347#30 : vector<16xf32> to vector<16xf32>
      tpu.vector_store %arg15[%swap3A_469], %swap3A_472 {strides = array<i32>} : memref<3840xf32, #tpu.memory_space<vmem>>, vector<16xf32>,
      %swap3A_473 = arith.constant 1008 : index
      %swap3A_474 = tpu.vector_load %arg15[%swap3A_473] {strides = array<i32>} : memref<3840xf32, #tpu.memory_space<vmem>>, vector<16xf32>,
      %swap3A_475 = vector.shape_cast %swap3A_474 : vector<16xf32> to vector<16xf32>
      %swap3A_476 = vector.shape_cast %scan3A_347#31 : vector<16xf32> to vector<16xf32>
      tpu.vector_store %arg15[%swap3A_473], %swap3A_476 {strides = array<i32>} : memref<3840xf32, #tpu.memory_space<vmem>>, vector<16xf32>,
      %broadcast_in_dim3A_477 = arith.constant 0.000000e+00 : f32
      %broadcast_in_dim3A_478 = vector.broadcast %broadcast_in_dim3A_477 : f32 to vector<16xf32>
      %broadcast_in_dim3A_479 = arith.constant 0.000000e+00 : f32
      %broadcast_in_dim3A_480 = vector.broadcast %broadcast_in_dim3A_479 : f32 to vector<16xf32>
      %broadcast_in_dim3A_481 = arith.constant 0.000000e+00 : f32
      %broadcast_in_dim3A_482 = vector.broadcast %broadcast_in_dim3A_481 : f32 to vector<16xf32>
      %broadcast_in_dim3A_483 = arith.constant 0.000000e+00 : f32
      %broadcast_in_dim3A_484 = vector.broadcast %broadcast_in_dim3A_483 : f32 to vector<16xf32>
      %broadcast_in_dim3A_485 = arith.constant 0.000000e+00 : f32
      %broadcast_in_dim3A_486 = vector.broadcast %broadcast_in_dim3A_485 : f32 to vector<16xf32>
      %broadcast_in_dim3A_487 = arith.constant 0.000000e+00 : f32
      %broadcast_in_dim3A_488 = vector.broadcast %broadcast_in_dim3A_487 : f32 to vector<16xf32>
      %broadcast_in_dim3A_489 = arith.constant 0.000000e+00 : f32
      %broadcast_in_dim3A_490 = vector.broadcast %broadcast_in_dim3A_489 : f32 to vector<16xf32>
      %broadcast_in_dim3A_491 = arith.constant 0.000000e+00 : f32
      %broadcast_in_dim3A_492 = vector.broadcast %broadcast_in_dim3A_491 : f32 to vector<16xf32>
      %broadcast_in_dim3A_493 = arith.constant 0.000000e+00 : f32
      %broadcast_in_dim3A_494 = vector.broadcast %broadcast_in_dim3A_493 : f32 to vector<16xf32>
      %broadcast_in_dim3A_495 = arith.constant 0.000000e+00 : f32
      %broadcast_in_dim3A_496 = vector.broadcast %broadcast_in_dim3A_495 : f32 to vector<16xf32>
      %broadcast_in_dim3A_497 = arith.constant 0.000000e+00 : f32
      %broadcast_in_dim3A_498 = vector.broadcast %broadcast_in_dim3A_497 : f32 to vector<16xf32>
      %broadcast_in_dim3A_499 = arith.constant 0.000000e+00 : f32
      %broadcast_in_dim3A_500 = vector.broadcast %broadcast_in_dim3A_499 : f32 to vector<16xf32>
      %broadcast_in_dim3A_501 = arith.constant 0.000000e+00 : f32
      %broadcast_in_dim3A_502 = vector.broadcast %broadcast_in_dim3A_501 : f32 to vector<16xf32>
      %broadcast_in_dim3A_503 = arith.constant 0.000000e+00 : f32
      %broadcast_in_dim3A_504 = vector.broadcast %broadcast_in_dim3A_503 : f32 to vector<16xf32>
      %broadcast_in_dim3A_505 = arith.constant 0.000000e+00 : f32
      %broadcast_in_dim3A_506 = vector.broadcast %broadcast_in_dim3A_505 : f32 to vector<16xf32>
      %broadcast_in_dim3A_507 = arith.constant 0.000000e+00 : f32
      %broadcast_in_dim3A_508 = vector.broadcast %broadcast_in_dim3A_507 : f32 to vector<16xf32>
      %broadcast_in_dim3A_509 = arith.constant 0.000000e+00 : f32
      %broadcast_in_dim3A_510 = vector.broadcast %broadcast_in_dim3A_509 : f32 to vector<16xf32>
      %broadcast_in_dim3A_511 = arith.constant 0.000000e+00 : f32
      %broadcast_in_dim3A_512 = vector.broadcast %broadcast_in_dim3A_511 : f32 to vector<16xf32>
      %broadcast_in_dim3A_513 = arith.constant 0.000000e+00 : f32
      %broadcast_in_dim3A_514 = vector.broadcast %broadcast_in_dim3A_513 : f32 to vector<16xf32>
      %broadcast_in_dim3A_515 = arith.constant 0.000000e+00 : f32
      %broadcast_in_dim3A_516 = vector.broadcast %broadcast_in_dim3A_515 : f32 to vector<16xf32>
      %broadcast_in_dim3A_517 = arith.constant 0.000000e+00 : f32
      %broadcast_in_dim3A_518 = vector.broadcast %broadcast_in_dim3A_517 : f32 to vector<16xf32>
      %broadcast_in_dim3A_519 = arith.constant 0.000000e+00 : f32
      %broadcast_in_dim3A_520 = vector.broadcast %broadcast_in_dim3A_519 : f32 to vector<16xf32>
      %broadcast_in_dim3A_521 = arith.constant 0.000000e+00 : f32
      %broadcast_in_dim3A_522 = vector.broadcast %broadcast_in_dim3A_521 : f32 to vector<16xf32>
      %broadcast_in_dim3A_523 = arith.constant 0.000000e+00 : f32
      %broadcast_in_dim3A_524 = vector.broadcast %broadcast_in_dim3A_523 : f32 to vector<16xf32>
      %broadcast_in_dim3A_525 = arith.constant 0.000000e+00 : f32
      %broadcast_in_dim3A_526 = vector.broadcast %broadcast_in_dim3A_525 : f32 to vector<16xf32>
      %broadcast_in_dim3A_527 = arith.constant 0.000000e+00 : f32
      %broadcast_in_dim3A_528 = vector.broadcast %broadcast_in_dim3A_527 : f32 to vector<16xf32>
      %broadcast_in_dim3A_529 = arith.constant 0.000000e+00 : f32
      %broadcast_in_dim3A_530 = vector.broadcast %broadcast_in_dim3A_529 : f32 to vector<16xf32>
      %broadcast_in_dim3A_531 = arith.constant 0.000000e+00 : f32
      %broadcast_in_dim3A_532 = vector.broadcast %broadcast_in_dim3A_531 : f32 to vector<16xf32>
      %broadcast_in_dim3A_533 = arith.constant 0.000000e+00 : f32
      %broadcast_in_dim3A_534 = vector.broadcast %broadcast_in_dim3A_533 : f32 to vector<16xf32>
      %broadcast_in_dim3A_535 = arith.constant 0.000000e+00 : f32
      %broadcast_in_dim3A_536 = vector.broadcast %broadcast_in_dim3A_535 : f32 to vector<16xf32>
      %broadcast_in_dim3A_537 = arith.constant 0.000000e+00 : f32
      %broadcast_in_dim3A_538 = vector.broadcast %broadcast_in_dim3A_537 : f32 to vector<16xf32>
      %broadcast_in_dim3A_539 = arith.constant 0.000000e+00 : f32
      %broadcast_in_dim3A_540 = vector.broadcast %broadcast_in_dim3A_539 : f32 to vector<16xf32>
      %scan3A_541 = arith.constant 0 : i32
      %scan3A_542 = arith.constant 30 : i32
      %scan3A_543 = arith.addi %scan3A_541, %scan3A_542 : i32
      %scan3A_544 = arith.constant 1 : i32
      %scan3A_545:32 = scf.for %scan3A_2482 = %scan3A_541 to %scan3A_543 step %scan3A_544 iter_args(%scan3A_2483 = %broadcast_in_dim3A_478, %scan3A_2484 = %broadcast_in_dim3A_480, %scan3A_2485 = %broadcast_in_dim3A_482, %scan3A_2486 = %broadcast_in_dim3A_484, %scan3A_2487 = %broadcast_in_dim3A_486, %scan3A_2488 = %broadcast_in_dim3A_488, %scan3A_2489 = %broadcast_in_dim3A_490, %scan3A_2490 = %broadcast_in_dim3A_492, %scan3A_2491 = %broadcast_in_dim3A_494, %scan3A_2492 = %broadcast_in_dim3A_496, %scan3A_2493 = %broadcast_in_dim3A_498, %scan3A_2494 = %broadcast_in_dim3A_500, %scan3A_2495 = %broadcast_in_dim3A_502, %scan3A_2496 = %broadcast_in_dim3A_504, %scan3A_2497 = %broadcast_in_dim3A_506, %scan3A_2498 = %broadcast_in_dim3A_508, %scan3A_2499 = %broadcast_in_dim3A_510, %scan3A_2500 = %broadcast_in_dim3A_512, %scan3A_2501 = %broadcast_in_dim3A_514, %scan3A_2502 = %broadcast_in_dim3A_516, %scan3A_2503 = %broadcast_in_dim3A_518, %scan3A_2504 = %broadcast_in_dim3A_520, %scan3A_2505 = %broadcast_in_dim3A_522, %scan3A_2506 = %broadcast_in_dim3A_524, %scan3A_2507 = %broadcast_in_dim3A_526, %scan3A_2508 = %broadcast_in_dim3A_528, %scan3A_2509 = %broadcast_in_dim3A_530, %scan3A_2510 = %broadcast_in_dim3A_532, %scan3A_2511 = %broadcast_in_dim3A_534, %scan3A_2512 = %broadcast_in_dim3A_536, %scan3A_2513 = %broadcast_in_dim3A_538, %scan3A_2514 = %broadcast_in_dim3A_540) -> (vector<16xf32>, vector<16xf32>, vector<16xf32>, vector<16xf32>, vector<16xf32>, vector<16xf32>, vector<16xf32>, vector<16xf32>, vector<16xf32>, vector<16xf32>, vector<16xf32>, vector<16xf32>, vector<16xf32>, vector<16xf32>, vector<16xf32>, vector<16xf32>, vector<16xf32>, vector<16xf32>, vector<16xf32>, vector<16xf32>, vector<16xf32>, vector<16xf32>, vector<16xf32>, vector<16xf32>, vector<16xf32>, vector<16xf32>, vector<16xf32>, vector<16xf32>, vector<16xf32>, vector<16xf32>, vector<16xf32>, vector<16xf32>)  : i32 {
        %mul3A_2515 = arith.constant 30 : i32
        %mul3A_2516 = arith.muli %add3A_55, %mul3A_2515 : i32
        %add3A_2517 = arith.addi %mul3A_2516, %scan3A_2482 : i32
        %get3A_2518 = arith.index_cast %add3A_2517 : i32 to index
        %get3A_2519 = arith.constant 0 : index
        %get3A_2520 = tpu.vector_load %arg9[%get3A_2518, %get3A_2519] {strides = array<i32>} : memref<240x128xf32, #tpu.memory_space<vmem>>, vector<1x16xf32>,
        %get3A_2521 = vector.shape_cast %get3A_2520 : vector<1x16xf32> to vector<16xf32>
        %mul3A_2522 = arith.constant 30 : i32
        %mul3A_2523 = arith.muli %add3A_55, %mul3A_2522 : i32
        %add3A_2524 = arith.addi %mul3A_2523, %scan3A_2482 : i32
        %get3A_2525 = arith.index_cast %add3A_2524 : i32 to index
        %get3A_2526 = arith.constant 16 : index
        %get3A_2527 = tpu.vector_load %arg9[%get3A_2525, %get3A_2526] {strides = array<i32>} : memref<240x128xf32, #tpu.memory_space<vmem>>, vector<1x16xf32>,
        %get3A_2528 = vector.shape_cast %get3A_2527 : vector<1x16xf32> to vector<16xf32>
        %mul3A_2529 = arith.constant 30 : i32
        %mul3A_2530 = arith.muli %add3A_55, %mul3A_2529 : i32
        %add3A_2531 = arith.addi %mul3A_2530, %scan3A_2482 : i32
        %get3A_2532 = arith.index_cast %add3A_2531 : i32 to index
        %get3A_2533 = arith.constant 32 : index
        %get3A_2534 = tpu.vector_load %arg9[%get3A_2532, %get3A_2533] {strides = array<i32>} : memref<240x128xf32, #tpu.memory_space<vmem>>, vector<1x16xf32>,
        %get3A_2535 = vector.shape_cast %get3A_2534 : vector<1x16xf32> to vector<16xf32>
        %mul3A_2536 = arith.constant 30 : i32
        %mul3A_2537 = arith.muli %add3A_55, %mul3A_2536 : i32
        %add3A_2538 = arith.addi %mul3A_2537, %scan3A_2482 : i32
        %get3A_2539 = arith.index_cast %add3A_2538 : i32 to index
        %get3A_2540 = arith.constant 48 : index
        %get3A_2541 = tpu.vector_load %arg9[%get3A_2539, %get3A_2540] {strides = array<i32>} : memref<240x128xf32, #tpu.memory_space<vmem>>, vector<1x16xf32>,
        %get3A_2542 = vector.shape_cast %get3A_2541 : vector<1x16xf32> to vector<16xf32>
        %mul3A_2543 = arith.constant 30 : i32
        %mul3A_2544 = arith.muli %scan3A_2482, %mul3A_2543 : i32
        %add3A_2545 = arith.constant 16 : i32
        %add3A_2546 = arith.addi %mul3A_2544, %add3A_2545 : i32
        %get3A_2547 = arith.index_cast %add3A_2546 : i32 to index
        %get3A_2548 = tpu.vector_load %arg14[%get3A_2547] {strides = array<i32>} : memref<916xf32, #tpu.memory_space<vmem>>, vector<16xf32>,
        %get3A_2549 = vector.shape_cast %get3A_2548 : vector<16xf32> to vector<16xf32>
        %slice3A = vector.extract_strided_slice %get3A_2549 {offsets = [0], sizes = [1], strides = [1]} : vector<16xf32> to vector<1xf32>
        %squeeze3A = vector.extract %slice3A[0] : f32 from vector<1xf32>
        %mul3A_2550 = vector.broadcast %squeeze3A : f32 to vector<16xf32>
        %mul3A_2551 = arith.mulf %mul3A_2550, %get3A_2521 : vector<16xf32>
        %add3A_2552 = arith.addf %scan3A_2483, %mul3A_2551 : vector<16xf32>
        %mul3A_2553 = vector.broadcast %squeeze3A : f32 to vector<16xf32>
        %mul3A_2554 = arith.mulf %mul3A_2553, %get3A_2528 : vector<16xf32>
        %add3A_2555 = arith.addf %scan3A_2484, %mul3A_2554 : vector<16xf32>
        %mul3A_2556 = vector.broadcast %squeeze3A : f32 to vector<16xf32>
        %mul3A_2557 = arith.mulf %mul3A_2556, %get3A_2535 : vector<16xf32>
        %add3A_2558 = arith.addf %scan3A_2485, %mul3A_2557 : vector<16xf32>
        %mul3A_2559 = vector.broadcast %squeeze3A : f32 to vector<16xf32>
        %mul3A_2560 = arith.mulf %mul3A_2559, %get3A_2542 : vector<16xf32>
        %add3A_2561 = arith.addf %scan3A_2486, %mul3A_2560 : vector<16xf32>
        %slice3A_2562 = vector.extract_strided_slice %get3A_2549 {offsets = [1], sizes = [1], strides = [1]} : vector<16xf32> to vector<1xf32>
        %squeeze3A_2563 = vector.extract %slice3A_2562[0] : f32 from vector<1xf32>
        %mul3A_2564 = vector.broadcast %squeeze3A_2563 : f32 to vector<16xf32>
        %mul3A_2565 = arith.mulf %mul3A_2564, %get3A_2521 : vector<16xf32>
        %add3A_2566 = arith.addf %scan3A_2487, %mul3A_2565 : vector<16xf32>
        %mul3A_2567 = vector.broadcast %squeeze3A_2563 : f32 to vector<16xf32>
        %mul3A_2568 = arith.mulf %mul3A_2567, %get3A_2528 : vector<16xf32>
        %add3A_2569 = arith.addf %scan3A_2488, %mul3A_2568 : vector<16xf32>
        %mul3A_2570 = vector.broadcast %squeeze3A_2563 : f32 to vector<16xf32>
        %mul3A_2571 = arith.mulf %mul3A_2570, %get3A_2535 : vector<16xf32>
        %add3A_2572 = arith.addf %scan3A_2489, %mul3A_2571 : vector<16xf32>
        %mul3A_2573 = vector.broadcast %squeeze3A_2563 : f32 to vector<16xf32>
        %mul3A_2574 = arith.mulf %mul3A_2573, %get3A_2542 : vector<16xf32>
        %add3A_2575 = arith.addf %scan3A_2490, %mul3A_2574 : vector<16xf32>
        %slice3A_2576 = vector.extract_strided_slice %get3A_2549 {offsets = [2], sizes = [1], strides = [1]} : vector<16xf32> to vector<1xf32>
        %squeeze3A_2577 = vector.extract %slice3A_2576[0] : f32 from vector<1xf32>
        %mul3A_2578 = vector.broadcast %squeeze3A_2577 : f32 to vector<16xf32>
        %mul3A_2579 = arith.mulf %mul3A_2578, %get3A_2521 : vector<16xf32>
        %add3A_2580 = arith.addf %scan3A_2491, %mul3A_2579 : vector<16xf32>
        %mul3A_2581 = vector.broadcast %squeeze3A_2577 : f32 to vector<16xf32>
        %mul3A_2582 = arith.mulf %mul3A_2581, %get3A_2528 : vector<16xf32>
        %add3A_2583 = arith.addf %scan3A_2492, %mul3A_2582 : vector<16xf32>
        %mul3A_2584 = vector.broadcast %squeeze3A_2577 : f32 to vector<16xf32>
        %mul3A_2585 = arith.mulf %mul3A_2584, %get3A_2535 : vector<16xf32>
        %add3A_2586 = arith.addf %scan3A_2493, %mul3A_2585 : vector<16xf32>
        %mul3A_2587 = vector.broadcast %squeeze3A_2577 : f32 to vector<16xf32>
        %mul3A_2588 = arith.mulf %mul3A_2587, %get3A_2542 : vector<16xf32>
        %add3A_2589 = arith.addf %scan3A_2494, %mul3A_2588 : vector<16xf32>
        %slice3A_2590 = vector.extract_strided_slice %get3A_2549 {offsets = [3], sizes = [1], strides = [1]} : vector<16xf32> to vector<1xf32>
        %squeeze3A_2591 = vector.extract %slice3A_2590[0] : f32 from vector<1xf32>
        %mul3A_2592 = vector.broadcast %squeeze3A_2591 : f32 to vector<16xf32>
        %mul3A_2593 = arith.mulf %mul3A_2592, %get3A_2521 : vector<16xf32>
        %add3A_2594 = arith.addf %scan3A_2495, %mul3A_2593 : vector<16xf32>
        %mul3A_2595 = vector.broadcast %squeeze3A_2591 : f32 to vector<16xf32>
        %mul3A_2596 = arith.mulf %mul3A_2595, %get3A_2528 : vector<16xf32>
        %add3A_2597 = arith.addf %scan3A_2496, %mul3A_2596 : vector<16xf32>
        %mul3A_2598 = vector.broadcast %squeeze3A_2591 : f32 to vector<16xf32>
        %mul3A_2599 = arith.mulf %mul3A_2598, %get3A_2535 : vector<16xf32>
        %add3A_2600 = arith.addf %scan3A_2497, %mul3A_2599 : vector<16xf32>
        %mul3A_2601 = vector.broadcast %squeeze3A_2591 : f32 to vector<16xf32>
        %mul3A_2602 = arith.mulf %mul3A_2601, %get3A_2542 : vector<16xf32>
        %add3A_2603 = arith.addf %scan3A_2498, %mul3A_2602 : vector<16xf32>
        %slice3A_2604 = vector.extract_strided_slice %get3A_2549 {offsets = [4], sizes = [1], strides = [1]} : vector<16xf32> to vector<1xf32>
        %squeeze3A_2605 = vector.extract %slice3A_2604[0] : f32 from vector<1xf32>
        %mul3A_2606 = vector.broadcast %squeeze3A_2605 : f32 to vector<16xf32>
        %mul3A_2607 = arith.mulf %mul3A_2606, %get3A_2521 : vector<16xf32>
        %add3A_2608 = arith.addf %scan3A_2499, %mul3A_2607 : vector<16xf32>
        %mul3A_2609 = vector.broadcast %squeeze3A_2605 : f32 to vector<16xf32>
        %mul3A_2610 = arith.mulf %mul3A_2609, %get3A_2528 : vector<16xf32>
        %add3A_2611 = arith.addf %scan3A_2500, %mul3A_2610 : vector<16xf32>
        %mul3A_2612 = vector.broadcast %squeeze3A_2605 : f32 to vector<16xf32>
        %mul3A_2613 = arith.mulf %mul3A_2612, %get3A_2535 : vector<16xf32>
        %add3A_2614 = arith.addf %scan3A_2501, %mul3A_2613 : vector<16xf32>
        %mul3A_2615 = vector.broadcast %squeeze3A_2605 : f32 to vector<16xf32>
        %mul3A_2616 = arith.mulf %mul3A_2615, %get3A_2542 : vector<16xf32>
        %add3A_2617 = arith.addf %scan3A_2502, %mul3A_2616 : vector<16xf32>
        %slice3A_2618 = vector.extract_strided_slice %get3A_2549 {offsets = [5], sizes = [1], strides = [1]} : vector<16xf32> to vector<1xf32>
        %squeeze3A_2619 = vector.extract %slice3A_2618[0] : f32 from vector<1xf32>
        %mul3A_2620 = vector.broadcast %squeeze3A_2619 : f32 to vector<16xf32>
        %mul3A_2621 = arith.mulf %mul3A_2620, %get3A_2521 : vector<16xf32>
        %add3A_2622 = arith.addf %scan3A_2503, %mul3A_2621 : vector<16xf32>
        %mul3A_2623 = vector.broadcast %squeeze3A_2619 : f32 to vector<16xf32>
        %mul3A_2624 = arith.mulf %mul3A_2623, %get3A_2528 : vector<16xf32>
        %add3A_2625 = arith.addf %scan3A_2504, %mul3A_2624 : vector<16xf32>
        %mul3A_2626 = vector.broadcast %squeeze3A_2619 : f32 to vector<16xf32>
        %mul3A_2627 = arith.mulf %mul3A_2626, %get3A_2535 : vector<16xf32>
        %add3A_2628 = arith.addf %scan3A_2505, %mul3A_2627 : vector<16xf32>
        %mul3A_2629 = vector.broadcast %squeeze3A_2619 : f32 to vector<16xf32>
        %mul3A_2630 = arith.mulf %mul3A_2629, %get3A_2542 : vector<16xf32>
        %add3A_2631 = arith.addf %scan3A_2506, %mul3A_2630 : vector<16xf32>
        %slice3A_2632 = vector.extract_strided_slice %get3A_2549 {offsets = [6], sizes = [1], strides = [1]} : vector<16xf32> to vector<1xf32>
        %squeeze3A_2633 = vector.extract %slice3A_2632[0] : f32 from vector<1xf32>
        %mul3A_2634 = vector.broadcast %squeeze3A_2633 : f32 to vector<16xf32>
        %mul3A_2635 = arith.mulf %mul3A_2634, %get3A_2521 : vector<16xf32>
        %add3A_2636 = arith.addf %scan3A_2507, %mul3A_2635 : vector<16xf32>
        %mul3A_2637 = vector.broadcast %squeeze3A_2633 : f32 to vector<16xf32>
        %mul3A_2638 = arith.mulf %mul3A_2637, %get3A_2528 : vector<16xf32>
        %add3A_2639 = arith.addf %scan3A_2508, %mul3A_2638 : vector<16xf32>
        %mul3A_2640 = vector.broadcast %squeeze3A_2633 : f32 to vector<16xf32>
        %mul3A_2641 = arith.mulf %mul3A_2640, %get3A_2535 : vector<16xf32>
        %add3A_2642 = arith.addf %scan3A_2509, %mul3A_2641 : vector<16xf32>
        %mul3A_2643 = vector.broadcast %squeeze3A_2633 : f32 to vector<16xf32>
        %mul3A_2644 = arith.mulf %mul3A_2643, %get3A_2542 : vector<16xf32>
        %add3A_2645 = arith.addf %scan3A_2510, %mul3A_2644 : vector<16xf32>
        %slice3A_2646 = vector.extract_strided_slice %get3A_2549 {offsets = [7], sizes = [1], strides = [1]} : vector<16xf32> to vector<1xf32>
        %squeeze3A_2647 = vector.extract %slice3A_2646[0] : f32 from vector<1xf32>
        %mul3A_2648 = vector.broadcast %squeeze3A_2647 : f32 to vector<16xf32>
        %mul3A_2649 = arith.mulf %mul3A_2648, %get3A_2521 : vector<16xf32>
        %add3A_2650 = arith.addf %scan3A_2511, %mul3A_2649 : vector<16xf32>
        %mul3A_2651 = vector.broadcast %squeeze3A_2647 : f32 to vector<16xf32>
        %mul3A_2652 = arith.mulf %mul3A_2651, %get3A_2528 : vector<16xf32>
        %add3A_2653 = arith.addf %scan3A_2512, %mul3A_2652 : vector<16xf32>
        %mul3A_2654 = vector.broadcast %squeeze3A_2647 : f32 to vector<16xf32>
        %mul3A_2655 = arith.mulf %mul3A_2654, %get3A_2535 : vector<16xf32>
        %add3A_2656 = arith.addf %scan3A_2513, %mul3A_2655 : vector<16xf32>
        %mul3A_2657 = vector.broadcast %squeeze3A_2647 : f32 to vector<16xf32>
        %mul3A_2658 = arith.mulf %mul3A_2657, %get3A_2542 : vector<16xf32>
        %add3A_2659 = arith.addf %scan3A_2514, %mul3A_2658 : vector<16xf32>
        scf.yield %add3A_2552, %add3A_2555, %add3A_2558, %add3A_2561, %add3A_2566, %add3A_2569, %add3A_2572, %add3A_2575, %add3A_2580, %add3A_2583, %add3A_2586, %add3A_2589, %add3A_2594, %add3A_2597, %add3A_2600, %add3A_2603, %add3A_2608, %add3A_2611, %add3A_2614, %add3A_2617, %add3A_2622, %add3A_2625, %add3A_2628, %add3A_2631, %add3A_2636, %add3A_2639, %add3A_2642, %add3A_2645, %add3A_2650, %add3A_2653, %add3A_2656, %add3A_2659 : vector<16xf32>, vector<16xf32>, vector<16xf32>, vector<16xf32>, vector<16xf32>, vector<16xf32>, vector<16xf32>, vector<16xf32>, vector<16xf32>, vector<16xf32>, vector<16xf32>, vector<16xf32>, vector<16xf32>, vector<16xf32>, vector<16xf32>, vector<16xf32>, vector<16xf32>, vector<16xf32>, vector<16xf32>, vector<16xf32>, vector<16xf32>, vector<16xf32>, vector<16xf32>, vector<16xf32>, vector<16xf32>, vector<16xf32>, vector<16xf32>, vector<16xf32>, vector<16xf32>, vector<16xf32>, vector<16xf32>, vector<16xf32>
      }
      %scan3A_546 = arith.constant 30 : i32
      %swap3A_547 = arith.constant 1024 : index
      %swap3A_548 = tpu.vector_load %arg15[%swap3A_547] {strides = array<i32>} : memref<3840xf32, #tpu.memory_space<vmem>>, vector<16xf32>,
      %swap3A_549 = vector.shape_cast %swap3A_548 : vector<16xf32> to vector<16xf32>
      %swap3A_550 = vector.shape_cast %scan3A_545#0 : vector<16xf32> to vector<16xf32>
      tpu.vector_store %arg15[%swap3A_547], %swap3A_550 {strides = array<i32>} : memref<3840xf32, #tpu.memory_space<vmem>>, vector<16xf32>,
      %swap3A_551 = arith.constant 1040 : index
      %swap3A_552 = tpu.vector_load %arg15[%swap3A_551] {strides = array<i32>} : memref<3840xf32, #tpu.memory_space<vmem>>, vector<16xf32>,
      %swap3A_553 = vector.shape_cast %swap3A_552 : vector<16xf32> to vector<16xf32>
      %swap3A_554 = vector.shape_cast %scan3A_545#1 : vector<16xf32> to vector<16xf32>
      tpu.vector_store %arg15[%swap3A_551], %swap3A_554 {strides = array<i32>} : memref<3840xf32, #tpu.memory_space<vmem>>, vector<16xf32>,
      %swap3A_555 = arith.constant 1056 : index
      %swap3A_556 = tpu.vector_load %arg15[%swap3A_555] {strides = array<i32>} : memref<3840xf32, #tpu.memory_space<vmem>>, vector<16xf32>,
      %swap3A_557 = vector.shape_cast %swap3A_556 : vector<16xf32> to vector<16xf32>
      %swap3A_558 = vector.shape_cast %scan3A_545#2 : vector<16xf32> to vector<16xf32>
      tpu.vector_store %arg15[%swap3A_555], %swap3A_558 {strides = array<i32>} : memref<3840xf32, #tpu.memory_space<vmem>>, vector<16xf32>,
      %swap3A_559 = arith.constant 1072 : index
      %swap3A_560 = tpu.vector_load %arg15[%swap3A_559] {strides = array<i32>} : memref<3840xf32, #tpu.memory_space<vmem>>, vector<16xf32>,
      %swap3A_561 = vector.shape_cast %swap3A_560 : vector<16xf32> to vector<16xf32>
      %swap3A_562 = vector.shape_cast %scan3A_545#3 : vector<16xf32> to vector<16xf32>
      tpu.vector_store %arg15[%swap3A_559], %swap3A_562 {strides = array<i32>} : memref<3840xf32, #tpu.memory_space<vmem>>, vector<16xf32>,
      %swap3A_563 = arith.constant 1088 : index
      %swap3A_564 = tpu.vector_load %arg15[%swap3A_563] {strides = array<i32>} : memref<3840xf32, #tpu.memory_space<vmem>>, vector<16xf32>,
      %swap3A_565 = vector.shape_cast %swap3A_564 : vector<16xf32> to vector<16xf32>
      %swap3A_566 = vector.shape_cast %scan3A_545#4 : vector<16xf32> to vector<16xf32>
      tpu.vector_store %arg15[%swap3A_563], %swap3A_566 {strides = array<i32>} : memref<3840xf32, #tpu.memory_space<vmem>>, vector<16xf32>,
      %swap3A_567 = arith.constant 1104 : index
      %swap3A_568 = tpu.vector_load %arg15[%swap3A_567] {strides = array<i32>} : memref<3840xf32, #tpu.memory_space<vmem>>, vector<16xf32>,
      %swap3A_569 = vector.shape_cast %swap3A_568 : vector<16xf32> to vector<16xf32>
      %swap3A_570 = vector.shape_cast %scan3A_545#5 : vector<16xf32> to vector<16xf32>
      tpu.vector_store %arg15[%swap3A_567], %swap3A_570 {strides = array<i32>} : memref<3840xf32, #tpu.memory_space<vmem>>, vector<16xf32>,
      %swap3A_571 = arith.constant 1120 : index
      %swap3A_572 = tpu.vector_load %arg15[%swap3A_571] {strides = array<i32>} : memref<3840xf32, #tpu.memory_space<vmem>>, vector<16xf32>,
      %swap3A_573 = vector.shape_cast %swap3A_572 : vector<16xf32> to vector<16xf32>
      %swap3A_574 = vector.shape_cast %scan3A_545#6 : vector<16xf32> to vector<16xf32>
      tpu.vector_store %arg15[%swap3A_571], %swap3A_574 {strides = array<i32>} : memref<3840xf32, #tpu.memory_space<vmem>>, vector<16xf32>,
      %swap3A_575 = arith.constant 1136 : index
      %swap3A_576 = tpu.vector_load %arg15[%swap3A_575] {strides = array<i32>} : memref<3840xf32, #tpu.memory_space<vmem>>, vector<16xf32>,
      %swap3A_577 = vector.shape_cast %swap3A_576 : vector<16xf32> to vector<16xf32>
      %swap3A_578 = vector.shape_cast %scan3A_545#7 : vector<16xf32> to vector<16xf32>
      tpu.vector_store %arg15[%swap3A_575], %swap3A_578 {strides = array<i32>} : memref<3840xf32, #tpu.memory_space<vmem>>, vector<16xf32>,
      %swap3A_579 = arith.constant 1152 : index
      %swap3A_580 = tpu.vector_load %arg15[%swap3A_579] {strides = array<i32>} : memref<3840xf32, #tpu.memory_space<vmem>>, vector<16xf32>,
      %swap3A_581 = vector.shape_cast %swap3A_580 : vector<16xf32> to vector<16xf32>
      %swap3A_582 = vector.shape_cast %scan3A_545#8 : vector<16xf32> to vector<16xf32>
      tpu.vector_store %arg15[%swap3A_579], %swap3A_582 {strides = array<i32>} : memref<3840xf32, #tpu.memory_space<vmem>>, vector<16xf32>,
      %swap3A_583 = arith.constant 1168 : index
      %swap3A_584 = tpu.vector_load %arg15[%swap3A_583] {strides = array<i32>} : memref<3840xf32, #tpu.memory_space<vmem>>, vector<16xf32>,
      %swap3A_585 = vector.shape_cast %swap3A_584 : vector<16xf32> to vector<16xf32>
      %swap3A_586 = vector.shape_cast %scan3A_545#9 : vector<16xf32> to vector<16xf32>
      tpu.vector_store %arg15[%swap3A_583], %swap3A_586 {strides = array<i32>} : memref<3840xf32, #tpu.memory_space<vmem>>, vector<16xf32>,
      %swap3A_587 = arith.constant 1184 : index
      %swap3A_588 = tpu.vector_load %arg15[%swap3A_587] {strides = array<i32>} : memref<3840xf32, #tpu.memory_space<vmem>>, vector<16xf32>,
      %swap3A_589 = vector.shape_cast %swap3A_588 : vector<16xf32> to vector<16xf32>
      %swap3A_590 = vector.shape_cast %scan3A_545#10 : vector<16xf32> to vector<16xf32>
      tpu.vector_store %arg15[%swap3A_587], %swap3A_590 {strides = array<i32>} : memref<3840xf32, #tpu.memory_space<vmem>>, vector<16xf32>,
      %swap3A_591 = arith.constant 1200 : index
      %swap3A_592 = tpu.vector_load %arg15[%swap3A_591] {strides = array<i32>} : memref<3840xf32, #tpu.memory_space<vmem>>, vector<16xf32>,
      %swap3A_593 = vector.shape_cast %swap3A_592 : vector<16xf32> to vector<16xf32>
      %swap3A_594 = vector.shape_cast %scan3A_545#11 : vector<16xf32> to vector<16xf32>
      tpu.vector_store %arg15[%swap3A_591], %swap3A_594 {strides = array<i32>} : memref<3840xf32, #tpu.memory_space<vmem>>, vector<16xf32>,
      %swap3A_595 = arith.constant 1216 : index
      %swap3A_596 = tpu.vector_load %arg15[%swap3A_595] {strides = array<i32>} : memref<3840xf32, #tpu.memory_space<vmem>>, vector<16xf32>,
      %swap3A_597 = vector.shape_cast %swap3A_596 : vector<16xf32> to vector<16xf32>
      %swap3A_598 = vector.shape_cast %scan3A_545#12 : vector<16xf32> to vector<16xf32>
      tpu.vector_store %arg15[%swap3A_595], %swap3A_598 {strides = array<i32>} : memref<3840xf32, #tpu.memory_space<vmem>>, vector<16xf32>,
      %swap3A_599 = arith.constant 1232 : index
      %swap3A_600 = tpu.vector_load %arg15[%swap3A_599] {strides = array<i32>} : memref<3840xf32, #tpu.memory_space<vmem>>, vector<16xf32>,
      %swap3A_601 = vector.shape_cast %swap3A_600 : vector<16xf32> to vector<16xf32>
      %swap3A_602 = vector.shape_cast %scan3A_545#13 : vector<16xf32> to vector<16xf32>
      tpu.vector_store %arg15[%swap3A_599], %swap3A_602 {strides = array<i32>} : memref<3840xf32, #tpu.memory_space<vmem>>, vector<16xf32>,
      %swap3A_603 = arith.constant 1248 : index
      %swap3A_604 = tpu.vector_load %arg15[%swap3A_603] {strides = array<i32>} : memref<3840xf32, #tpu.memory_space<vmem>>, vector<16xf32>,
      %swap3A_605 = vector.shape_cast %swap3A_604 : vector<16xf32> to vector<16xf32>
      %swap3A_606 = vector.shape_cast %scan3A_545#14 : vector<16xf32> to vector<16xf32>
      tpu.vector_store %arg15[%swap3A_603], %swap3A_606 {strides = array<i32>} : memref<3840xf32, #tpu.memory_space<vmem>>, vector<16xf32>,
      %swap3A_607 = arith.constant 1264 : index
      %swap3A_608 = tpu.vector_load %arg15[%swap3A_607] {strides = array<i32>} : memref<3840xf32, #tpu.memory_space<vmem>>, vector<16xf32>,
      %swap3A_609 = vector.shape_cast %swap3A_608 : vector<16xf32> to vector<16xf32>
      %swap3A_610 = vector.shape_cast %scan3A_545#15 : vector<16xf32> to vector<16xf32>
      tpu.vector_store %arg15[%swap3A_607], %swap3A_610 {strides = array<i32>} : memref<3840xf32, #tpu.memory_space<vmem>>, vector<16xf32>,
      %swap3A_611 = arith.constant 1280 : index
      %swap3A_612 = tpu.vector_load %arg15[%swap3A_611] {strides = array<i32>} : memref<3840xf32, #tpu.memory_space<vmem>>, vector<16xf32>,
      %swap3A_613 = vector.shape_cast %swap3A_612 : vector<16xf32> to vector<16xf32>
      %swap3A_614 = vector.shape_cast %scan3A_545#16 : vector<16xf32> to vector<16xf32>
      tpu.vector_store %arg15[%swap3A_611], %swap3A_614 {strides = array<i32>} : memref<3840xf32, #tpu.memory_space<vmem>>, vector<16xf32>,
      %swap3A_615 = arith.constant 1296 : index
      %swap3A_616 = tpu.vector_load %arg15[%swap3A_615] {strides = array<i32>} : memref<3840xf32, #tpu.memory_space<vmem>>, vector<16xf32>,
      %swap3A_617 = vector.shape_cast %swap3A_616 : vector<16xf32> to vector<16xf32>
      %swap3A_618 = vector.shape_cast %scan3A_545#17 : vector<16xf32> to vector<16xf32>
      tpu.vector_store %arg15[%swap3A_615], %swap3A_618 {strides = array<i32>} : memref<3840xf32, #tpu.memory_space<vmem>>, vector<16xf32>,
      %swap3A_619 = arith.constant 1312 : index
      %swap3A_620 = tpu.vector_load %arg15[%swap3A_619] {strides = array<i32>} : memref<3840xf32, #tpu.memory_space<vmem>>, vector<16xf32>,
      %swap3A_621 = vector.shape_cast %swap3A_620 : vector<16xf32> to vector<16xf32>
      %swap3A_622 = vector.shape_cast %scan3A_545#18 : vector<16xf32> to vector<16xf32>
      tpu.vector_store %arg15[%swap3A_619], %swap3A_622 {strides = array<i32>} : memref<3840xf32, #tpu.memory_space<vmem>>, vector<16xf32>,
      %swap3A_623 = arith.constant 1328 : index
      %swap3A_624 = tpu.vector_load %arg15[%swap3A_623] {strides = array<i32>} : memref<3840xf32, #tpu.memory_space<vmem>>, vector<16xf32>,
      %swap3A_625 = vector.shape_cast %swap3A_624 : vector<16xf32> to vector<16xf32>
      %swap3A_626 = vector.shape_cast %scan3A_545#19 : vector<16xf32> to vector<16xf32>
      tpu.vector_store %arg15[%swap3A_623], %swap3A_626 {strides = array<i32>} : memref<3840xf32, #tpu.memory_space<vmem>>, vector<16xf32>,
      %swap3A_627 = arith.constant 1344 : index
      %swap3A_628 = tpu.vector_load %arg15[%swap3A_627] {strides = array<i32>} : memref<3840xf32, #tpu.memory_space<vmem>>, vector<16xf32>,
      %swap3A_629 = vector.shape_cast %swap3A_628 : vector<16xf32> to vector<16xf32>
      %swap3A_630 = vector.shape_cast %scan3A_545#20 : vector<16xf32> to vector<16xf32>
      tpu.vector_store %arg15[%swap3A_627], %swap3A_630 {strides = array<i32>} : memref<3840xf32, #tpu.memory_space<vmem>>, vector<16xf32>,
      %swap3A_631 = arith.constant 1360 : index
      %swap3A_632 = tpu.vector_load %arg15[%swap3A_631] {strides = array<i32>} : memref<3840xf32, #tpu.memory_space<vmem>>, vector<16xf32>,
      %swap3A_633 = vector.shape_cast %swap3A_632 : vector<16xf32> to vector<16xf32>
      %swap3A_634 = vector.shape_cast %scan3A_545#21 : vector<16xf32> to vector<16xf32>
      tpu.vector_store %arg15[%swap3A_631], %swap3A_634 {strides = array<i32>} : memref<3840xf32, #tpu.memory_space<vmem>>, vector<16xf32>,
      %swap3A_635 = arith.constant 1376 : index
      %swap3A_636 = tpu.vector_load %arg15[%swap3A_635] {strides = array<i32>} : memref<3840xf32, #tpu.memory_space<vmem>>, vector<16xf32>,
      %swap3A_637 = vector.shape_cast %swap3A_636 : vector<16xf32> to vector<16xf32>
      %swap3A_638 = vector.shape_cast %scan3A_545#22 : vector<16xf32> to vector<16xf32>
      tpu.vector_store %arg15[%swap3A_635], %swap3A_638 {strides = array<i32>} : memref<3840xf32, #tpu.memory_space<vmem>>, vector<16xf32>,
      %swap3A_639 = arith.constant 1392 : index
      %swap3A_640 = tpu.vector_load %arg15[%swap3A_639] {strides = array<i32>} : memref<3840xf32, #tpu.memory_space<vmem>>, vector<16xf32>,
      %swap3A_641 = vector.shape_cast %swap3A_640 : vector<16xf32> to vector<16xf32>
      %swap3A_642 = vector.shape_cast %scan3A_545#23 : vector<16xf32> to vector<16xf32>
      tpu.vector_store %arg15[%swap3A_639], %swap3A_642 {strides = array<i32>} : memref<3840xf32, #tpu.memory_space<vmem>>, vector<16xf32>,
      %swap3A_643 = arith.constant 1408 : index
      %swap3A_644 = tpu.vector_load %arg15[%swap3A_643] {strides = array<i32>} : memref<3840xf32, #tpu.memory_space<vmem>>, vector<16xf32>,
      %swap3A_645 = vector.shape_cast %swap3A_644 : vector<16xf32> to vector<16xf32>
      %swap3A_646 = vector.shape_cast %scan3A_545#24 : vector<16xf32> to vector<16xf32>
      tpu.vector_store %arg15[%swap3A_643], %swap3A_646 {strides = array<i32>} : memref<3840xf32, #tpu.memory_space<vmem>>, vector<16xf32>,
      %swap3A_647 = arith.constant 1424 : index
      %swap3A_648 = tpu.vector_load %arg15[%swap3A_647] {strides = array<i32>} : memref<3840xf32, #tpu.memory_space<vmem>>, vector<16xf32>,
      %swap3A_649 = vector.shape_cast %swap3A_648 : vector<16xf32> to vector<16xf32>
      %swap3A_650 = vector.shape_cast %scan3A_545#25 : vector<16xf32> to vector<16xf32>
      tpu.vector_store %arg15[%swap3A_647], %swap3A_650 {strides = array<i32>} : memref<3840xf32, #tpu.memory_space<vmem>>, vector<16xf32>,
      %swap3A_651 = arith.constant 1440 : index
      %swap3A_652 = tpu.vector_load %arg15[%swap3A_651] {strides = array<i32>} : memref<3840xf32, #tpu.memory_space<vmem>>, vector<16xf32>,
      %swap3A_653 = vector.shape_cast %swap3A_652 : vector<16xf32> to vector<16xf32>
      %swap3A_654 = vector.shape_cast %scan3A_545#26 : vector<16xf32> to vector<16xf32>
      tpu.vector_store %arg15[%swap3A_651], %swap3A_654 {strides = array<i32>} : memref<3840xf32, #tpu.memory_space<vmem>>, vector<16xf32>,
      %swap3A_655 = arith.constant 1456 : index
      %swap3A_656 = tpu.vector_load %arg15[%swap3A_655] {strides = array<i32>} : memref<3840xf32, #tpu.memory_space<vmem>>, vector<16xf32>,
      %swap3A_657 = vector.shape_cast %swap3A_656 : vector<16xf32> to vector<16xf32>
      %swap3A_658 = vector.shape_cast %scan3A_545#27 : vector<16xf32> to vector<16xf32>
      tpu.vector_store %arg15[%swap3A_655], %swap3A_658 {strides = array<i32>} : memref<3840xf32, #tpu.memory_space<vmem>>, vector<16xf32>,
      %swap3A_659 = arith.constant 1472 : index
      %swap3A_660 = tpu.vector_load %arg15[%swap3A_659] {strides = array<i32>} : memref<3840xf32, #tpu.memory_space<vmem>>, vector<16xf32>,
      %swap3A_661 = vector.shape_cast %swap3A_660 : vector<16xf32> to vector<16xf32>
      %swap3A_662 = vector.shape_cast %scan3A_545#28 : vector<16xf32> to vector<16xf32>
      tpu.vector_store %arg15[%swap3A_659], %swap3A_662 {strides = array<i32>} : memref<3840xf32, #tpu.memory_space<vmem>>, vector<16xf32>,
      %swap3A_663 = arith.constant 1488 : index
      %swap3A_664 = tpu.vector_load %arg15[%swap3A_663] {strides = array<i32>} : memref<3840xf32, #tpu.memory_space<vmem>>, vector<16xf32>,
      %swap3A_665 = vector.shape_cast %swap3A_664 : vector<16xf32> to vector<16xf32>
      %swap3A_666 = vector.shape_cast %scan3A_545#29 : vector<16xf32> to vector<16xf32>
      tpu.vector_store %arg15[%swap3A_663], %swap3A_666 {strides = array<i32>} : memref<3840xf32, #tpu.memory_space<vmem>>, vector<16xf32>,
      %swap3A_667 = arith.constant 1504 : index
      %swap3A_668 = tpu.vector_load %arg15[%swap3A_667] {strides = array<i32>} : memref<3840xf32, #tpu.memory_space<vmem>>, vector<16xf32>,
      %swap3A_669 = vector.shape_cast %swap3A_668 : vector<16xf32> to vector<16xf32>
      %swap3A_670 = vector.shape_cast %scan3A_545#30 : vector<16xf32> to vector<16xf32>
      tpu.vector_store %arg15[%swap3A_667], %swap3A_670 {strides = array<i32>} : memref<3840xf32, #tpu.memory_space<vmem>>, vector<16xf32>,
      %swap3A_671 = arith.constant 1520 : index
      %swap3A_672 = tpu.vector_load %arg15[%swap3A_671] {strides = array<i32>} : memref<3840xf32, #tpu.memory_space<vmem>>, vector<16xf32>,
      %swap3A_673 = vector.shape_cast %swap3A_672 : vector<16xf32> to vector<16xf32>
      %swap3A_674 = vector.shape_cast %scan3A_545#31 : vector<16xf32> to vector<16xf32>
      tpu.vector_store %arg15[%swap3A_671], %swap3A_674 {strides = array<i32>} : memref<3840xf32, #tpu.memory_space<vmem>>, vector<16xf32>,
      %broadcast_in_dim3A_675 = arith.constant 0.000000e+00 : f32
      %broadcast_in_dim3A_676 = vector.broadcast %broadcast_in_dim3A_675 : f32 to vector<16xf32>
      %broadcast_in_dim3A_677 = arith.constant 0.000000e+00 : f32
      %broadcast_in_dim3A_678 = vector.broadcast %broadcast_in_dim3A_677 : f32 to vector<16xf32>
      %broadcast_in_dim3A_679 = arith.constant 0.000000e+00 : f32
      %broadcast_in_dim3A_680 = vector.broadcast %broadcast_in_dim3A_679 : f32 to vector<16xf32>
      %broadcast_in_dim3A_681 = arith.constant 0.000000e+00 : f32
      %broadcast_in_dim3A_682 = vector.broadcast %broadcast_in_dim3A_681 : f32 to vector<16xf32>
      %broadcast_in_dim3A_683 = arith.constant 0.000000e+00 : f32
      %broadcast_in_dim3A_684 = vector.broadcast %broadcast_in_dim3A_683 : f32 to vector<16xf32>
      %broadcast_in_dim3A_685 = arith.constant 0.000000e+00 : f32
      %broadcast_in_dim3A_686 = vector.broadcast %broadcast_in_dim3A_685 : f32 to vector<16xf32>
      %broadcast_in_dim3A_687 = arith.constant 0.000000e+00 : f32
      %broadcast_in_dim3A_688 = vector.broadcast %broadcast_in_dim3A_687 : f32 to vector<16xf32>
      %broadcast_in_dim3A_689 = arith.constant 0.000000e+00 : f32
      %broadcast_in_dim3A_690 = vector.broadcast %broadcast_in_dim3A_689 : f32 to vector<16xf32>
      %broadcast_in_dim3A_691 = arith.constant 0.000000e+00 : f32
      %broadcast_in_dim3A_692 = vector.broadcast %broadcast_in_dim3A_691 : f32 to vector<16xf32>
      %broadcast_in_dim3A_693 = arith.constant 0.000000e+00 : f32
      %broadcast_in_dim3A_694 = vector.broadcast %broadcast_in_dim3A_693 : f32 to vector<16xf32>
      %broadcast_in_dim3A_695 = arith.constant 0.000000e+00 : f32
      %broadcast_in_dim3A_696 = vector.broadcast %broadcast_in_dim3A_695 : f32 to vector<16xf32>
      %broadcast_in_dim3A_697 = arith.constant 0.000000e+00 : f32
      %broadcast_in_dim3A_698 = vector.broadcast %broadcast_in_dim3A_697 : f32 to vector<16xf32>
      %broadcast_in_dim3A_699 = arith.constant 0.000000e+00 : f32
      %broadcast_in_dim3A_700 = vector.broadcast %broadcast_in_dim3A_699 : f32 to vector<16xf32>
      %broadcast_in_dim3A_701 = arith.constant 0.000000e+00 : f32
      %broadcast_in_dim3A_702 = vector.broadcast %broadcast_in_dim3A_701 : f32 to vector<16xf32>
      %broadcast_in_dim3A_703 = arith.constant 0.000000e+00 : f32
      %broadcast_in_dim3A_704 = vector.broadcast %broadcast_in_dim3A_703 : f32 to vector<16xf32>
      %broadcast_in_dim3A_705 = arith.constant 0.000000e+00 : f32
      %broadcast_in_dim3A_706 = vector.broadcast %broadcast_in_dim3A_705 : f32 to vector<16xf32>
      %broadcast_in_dim3A_707 = arith.constant 0.000000e+00 : f32
      %broadcast_in_dim3A_708 = vector.broadcast %broadcast_in_dim3A_707 : f32 to vector<16xf32>
      %broadcast_in_dim3A_709 = arith.constant 0.000000e+00 : f32
      %broadcast_in_dim3A_710 = vector.broadcast %broadcast_in_dim3A_709 : f32 to vector<16xf32>
      %broadcast_in_dim3A_711 = arith.constant 0.000000e+00 : f32
      %broadcast_in_dim3A_712 = vector.broadcast %broadcast_in_dim3A_711 : f32 to vector<16xf32>
      %broadcast_in_dim3A_713 = arith.constant 0.000000e+00 : f32
      %broadcast_in_dim3A_714 = vector.broadcast %broadcast_in_dim3A_713 : f32 to vector<16xf32>
      %broadcast_in_dim3A_715 = arith.constant 0.000000e+00 : f32
      %broadcast_in_dim3A_716 = vector.broadcast %broadcast_in_dim3A_715 : f32 to vector<16xf32>
      %broadcast_in_dim3A_717 = arith.constant 0.000000e+00 : f32
      %broadcast_in_dim3A_718 = vector.broadcast %broadcast_in_dim3A_717 : f32 to vector<16xf32>
      %broadcast_in_dim3A_719 = arith.constant 0.000000e+00 : f32
      %broadcast_in_dim3A_720 = vector.broadcast %broadcast_in_dim3A_719 : f32 to vector<16xf32>
      %broadcast_in_dim3A_721 = arith.constant 0.000000e+00 : f32
      %broadcast_in_dim3A_722 = vector.broadcast %broadcast_in_dim3A_721 : f32 to vector<16xf32>
      %scan3A_723 = arith.constant 0 : i32
      %scan3A_724 = arith.constant 30 : i32
      %scan3A_725 = arith.addi %scan3A_723, %scan3A_724 : i32
      %scan3A_726 = arith.constant 1 : i32
      %scan3A_727:24 = scf.for %scan3A_2482 = %scan3A_723 to %scan3A_725 step %scan3A_726 iter_args(%scan3A_2483 = %broadcast_in_dim3A_676, %scan3A_2484 = %broadcast_in_dim3A_678, %scan3A_2485 = %broadcast_in_dim3A_680, %scan3A_2486 = %broadcast_in_dim3A_682, %scan3A_2487 = %broadcast_in_dim3A_684, %scan3A_2488 = %broadcast_in_dim3A_686, %scan3A_2489 = %broadcast_in_dim3A_688, %scan3A_2490 = %broadcast_in_dim3A_690, %scan3A_2491 = %broadcast_in_dim3A_692, %scan3A_2492 = %broadcast_in_dim3A_694, %scan3A_2493 = %broadcast_in_dim3A_696, %scan3A_2494 = %broadcast_in_dim3A_698, %scan3A_2495 = %broadcast_in_dim3A_700, %scan3A_2496 = %broadcast_in_dim3A_702, %scan3A_2497 = %broadcast_in_dim3A_704, %scan3A_2498 = %broadcast_in_dim3A_706, %scan3A_2499 = %broadcast_in_dim3A_708, %scan3A_2500 = %broadcast_in_dim3A_710, %scan3A_2501 = %broadcast_in_dim3A_712, %scan3A_2502 = %broadcast_in_dim3A_714, %scan3A_2503 = %broadcast_in_dim3A_716, %scan3A_2504 = %broadcast_in_dim3A_718, %scan3A_2505 = %broadcast_in_dim3A_720, %scan3A_2506 = %broadcast_in_dim3A_722) -> (vector<16xf32>, vector<16xf32>, vector<16xf32>, vector<16xf32>, vector<16xf32>, vector<16xf32>, vector<16xf32>, vector<16xf32>, vector<16xf32>, vector<16xf32>, vector<16xf32>, vector<16xf32>, vector<16xf32>, vector<16xf32>, vector<16xf32>, vector<16xf32>, vector<16xf32>, vector<16xf32>, vector<16xf32>, vector<16xf32>, vector<16xf32>, vector<16xf32>, vector<16xf32>, vector<16xf32>)  : i32 {
        %mul3A_2507 = arith.constant 30 : i32
        %mul3A_2508 = arith.muli %add3A_55, %mul3A_2507 : i32
        %add3A_2509 = arith.addi %mul3A_2508, %scan3A_2482 : i32
        %get3A_2510 = arith.index_cast %add3A_2509 : i32 to index
        %get3A_2511 = arith.constant 0 : index
        %get3A_2512 = tpu.vector_load %arg9[%get3A_2510, %get3A_2511] {strides = array<i32>} : memref<240x128xf32, #tpu.memory_space<vmem>>, vector<1x16xf32>,
        %get3A_2513 = vector.shape_cast %get3A_2512 : vector<1x16xf32> to vector<16xf32>
        %mul3A_2514 = arith.constant 30 : i32
        %mul3A_2515 = arith.muli %add3A_55, %mul3A_2514 : i32
        %add3A_2516 = arith.addi %mul3A_2515, %scan3A_2482 : i32
        %get3A_2517 = arith.index_cast %add3A_2516 : i32 to index
        %get3A_2518 = arith.constant 16 : index
        %get3A_2519 = tpu.vector_load %arg9[%get3A_2517, %get3A_2518] {strides = array<i32>} : memref<240x128xf32, #tpu.memory_space<vmem>>, vector<1x16xf32>,
        %get3A_2520 = vector.shape_cast %get3A_2519 : vector<1x16xf32> to vector<16xf32>
        %mul3A_2521 = arith.constant 30 : i32
        %mul3A_2522 = arith.muli %add3A_55, %mul3A_2521 : i32
        %add3A_2523 = arith.addi %mul3A_2522, %scan3A_2482 : i32
        %get3A_2524 = arith.index_cast %add3A_2523 : i32 to index
        %get3A_2525 = arith.constant 32 : index
        %get3A_2526 = tpu.vector_load %arg9[%get3A_2524, %get3A_2525] {strides = array<i32>} : memref<240x128xf32, #tpu.memory_space<vmem>>, vector<1x16xf32>,
        %get3A_2527 = vector.shape_cast %get3A_2526 : vector<1x16xf32> to vector<16xf32>
        %mul3A_2528 = arith.constant 30 : i32
        %mul3A_2529 = arith.muli %add3A_55, %mul3A_2528 : i32
        %add3A_2530 = arith.addi %mul3A_2529, %scan3A_2482 : i32
        %get3A_2531 = arith.index_cast %add3A_2530 : i32 to index
        %get3A_2532 = arith.constant 48 : index
        %get3A_2533 = tpu.vector_load %arg9[%get3A_2531, %get3A_2532] {strides = array<i32>} : memref<240x128xf32, #tpu.memory_space<vmem>>, vector<1x16xf32>,
        %get3A_2534 = vector.shape_cast %get3A_2533 : vector<1x16xf32> to vector<16xf32>
        %mul3A_2535 = arith.constant 30 : i32
        %mul3A_2536 = arith.muli %scan3A_2482, %mul3A_2535 : i32
        %add3A_2537 = arith.constant 24 : i32
        %add3A_2538 = arith.addi %mul3A_2536, %add3A_2537 : i32
        %get3A_2539 = arith.index_cast %add3A_2538 : i32 to index
        %get3A_2540 = tpu.vector_load %arg14[%get3A_2539] {strides = array<i32>} : memref<916xf32, #tpu.memory_space<vmem>>, vector<16xf32>,
        %get3A_2541 = vector.shape_cast %get3A_2540 : vector<16xf32> to vector<16xf32>
        %slice3A = vector.extract_strided_slice %get3A_2541 {offsets = [0], sizes = [1], strides = [1]} : vector<16xf32> to vector<1xf32>
        %squeeze3A = vector.extract %slice3A[0] : f32 from vector<1xf32>
        %mul3A_2542 = vector.broadcast %squeeze3A : f32 to vector<16xf32>
        %mul3A_2543 = arith.mulf %mul3A_2542, %get3A_2513 : vector<16xf32>
        %add3A_2544 = arith.addf %scan3A_2483, %mul3A_2543 : vector<16xf32>
        %mul3A_2545 = vector.broadcast %squeeze3A : f32 to vector<16xf32>
        %mul3A_2546 = arith.mulf %mul3A_2545, %get3A_2520 : vector<16xf32>
        %add3A_2547 = arith.addf %scan3A_2484, %mul3A_2546 : vector<16xf32>
        %mul3A_2548 = vector.broadcast %squeeze3A : f32 to vector<16xf32>
        %mul3A_2549 = arith.mulf %mul3A_2548, %get3A_2527 : vector<16xf32>
        %add3A_2550 = arith.addf %scan3A_2485, %mul3A_2549 : vector<16xf32>
        %mul3A_2551 = vector.broadcast %squeeze3A : f32 to vector<16xf32>
        %mul3A_2552 = arith.mulf %mul3A_2551, %get3A_2534 : vector<16xf32>
        %add3A_2553 = arith.addf %scan3A_2486, %mul3A_2552 : vector<16xf32>
        %slice3A_2554 = vector.extract_strided_slice %get3A_2541 {offsets = [1], sizes = [1], strides = [1]} : vector<16xf32> to vector<1xf32>
        %squeeze3A_2555 = vector.extract %slice3A_2554[0] : f32 from vector<1xf32>
        %mul3A_2556 = vector.broadcast %squeeze3A_2555 : f32 to vector<16xf32>
        %mul3A_2557 = arith.mulf %mul3A_2556, %get3A_2513 : vector<16xf32>
        %add3A_2558 = arith.addf %scan3A_2487, %mul3A_2557 : vector<16xf32>
        %mul3A_2559 = vector.broadcast %squeeze3A_2555 : f32 to vector<16xf32>
        %mul3A_2560 = arith.mulf %mul3A_2559, %get3A_2520 : vector<16xf32>
        %add3A_2561 = arith.addf %scan3A_2488, %mul3A_2560 : vector<16xf32>
        %mul3A_2562 = vector.broadcast %squeeze3A_2555 : f32 to vector<16xf32>
        %mul3A_2563 = arith.mulf %mul3A_2562, %get3A_2527 : vector<16xf32>
        %add3A_2564 = arith.addf %scan3A_2489, %mul3A_2563 : vector<16xf32>
        %mul3A_2565 = vector.broadcast %squeeze3A_2555 : f32 to vector<16xf32>
        %mul3A_2566 = arith.mulf %mul3A_2565, %get3A_2534 : vector<16xf32>
        %add3A_2567 = arith.addf %scan3A_2490, %mul3A_2566 : vector<16xf32>
        %slice3A_2568 = vector.extract_strided_slice %get3A_2541 {offsets = [2], sizes = [1], strides = [1]} : vector<16xf32> to vector<1xf32>
        %squeeze3A_2569 = vector.extract %slice3A_2568[0] : f32 from vector<1xf32>
        %mul3A_2570 = vector.broadcast %squeeze3A_2569 : f32 to vector<16xf32>
        %mul3A_2571 = arith.mulf %mul3A_2570, %get3A_2513 : vector<16xf32>
        %add3A_2572 = arith.addf %scan3A_2491, %mul3A_2571 : vector<16xf32>
        %mul3A_2573 = vector.broadcast %squeeze3A_2569 : f32 to vector<16xf32>
        %mul3A_2574 = arith.mulf %mul3A_2573, %get3A_2520 : vector<16xf32>
        %add3A_2575 = arith.addf %scan3A_2492, %mul3A_2574 : vector<16xf32>
        %mul3A_2576 = vector.broadcast %squeeze3A_2569 : f32 to vector<16xf32>
        %mul3A_2577 = arith.mulf %mul3A_2576, %get3A_2527 : vector<16xf32>
        %add3A_2578 = arith.addf %scan3A_2493, %mul3A_2577 : vector<16xf32>
        %mul3A_2579 = vector.broadcast %squeeze3A_2569 : f32 to vector<16xf32>
        %mul3A_2580 = arith.mulf %mul3A_2579, %get3A_2534 : vector<16xf32>
        %add3A_2581 = arith.addf %scan3A_2494, %mul3A_2580 : vector<16xf32>
        %slice3A_2582 = vector.extract_strided_slice %get3A_2541 {offsets = [3], sizes = [1], strides = [1]} : vector<16xf32> to vector<1xf32>
        %squeeze3A_2583 = vector.extract %slice3A_2582[0] : f32 from vector<1xf32>
        %mul3A_2584 = vector.broadcast %squeeze3A_2583 : f32 to vector<16xf32>
        %mul3A_2585 = arith.mulf %mul3A_2584, %get3A_2513 : vector<16xf32>
        %add3A_2586 = arith.addf %scan3A_2495, %mul3A_2585 : vector<16xf32>
        %mul3A_2587 = vector.broadcast %squeeze3A_2583 : f32 to vector<16xf32>
        %mul3A_2588 = arith.mulf %mul3A_2587, %get3A_2520 : vector<16xf32>
        %add3A_2589 = arith.addf %scan3A_2496, %mul3A_2588 : vector<16xf32>
        %mul3A_2590 = vector.broadcast %squeeze3A_2583 : f32 to vector<16xf32>
        %mul3A_2591 = arith.mulf %mul3A_2590, %get3A_2527 : vector<16xf32>
        %add3A_2592 = arith.addf %scan3A_2497, %mul3A_2591 : vector<16xf32>
        %mul3A_2593 = vector.broadcast %squeeze3A_2583 : f32 to vector<16xf32>
        %mul3A_2594 = arith.mulf %mul3A_2593, %get3A_2534 : vector<16xf32>
        %add3A_2595 = arith.addf %scan3A_2498, %mul3A_2594 : vector<16xf32>
        %slice3A_2596 = vector.extract_strided_slice %get3A_2541 {offsets = [4], sizes = [1], strides = [1]} : vector<16xf32> to vector<1xf32>
        %squeeze3A_2597 = vector.extract %slice3A_2596[0] : f32 from vector<1xf32>
        %mul3A_2598 = vector.broadcast %squeeze3A_2597 : f32 to vector<16xf32>
        %mul3A_2599 = arith.mulf %mul3A_2598, %get3A_2513 : vector<16xf32>
        %add3A_2600 = arith.addf %scan3A_2499, %mul3A_2599 : vector<16xf32>
        %mul3A_2601 = vector.broadcast %squeeze3A_2597 : f32 to vector<16xf32>
        %mul3A_2602 = arith.mulf %mul3A_2601, %get3A_2520 : vector<16xf32>
        %add3A_2603 = arith.addf %scan3A_2500, %mul3A_2602 : vector<16xf32>
        %mul3A_2604 = vector.broadcast %squeeze3A_2597 : f32 to vector<16xf32>
        %mul3A_2605 = arith.mulf %mul3A_2604, %get3A_2527 : vector<16xf32>
        %add3A_2606 = arith.addf %scan3A_2501, %mul3A_2605 : vector<16xf32>
        %mul3A_2607 = vector.broadcast %squeeze3A_2597 : f32 to vector<16xf32>
        %mul3A_2608 = arith.mulf %mul3A_2607, %get3A_2534 : vector<16xf32>
        %add3A_2609 = arith.addf %scan3A_2502, %mul3A_2608 : vector<16xf32>
        %slice3A_2610 = vector.extract_strided_slice %get3A_2541 {offsets = [5], sizes = [1], strides = [1]} : vector<16xf32> to vector<1xf32>
        %squeeze3A_2611 = vector.extract %slice3A_2610[0] : f32 from vector<1xf32>
        %mul3A_2612 = vector.broadcast %squeeze3A_2611 : f32 to vector<16xf32>
        %mul3A_2613 = arith.mulf %mul3A_2612, %get3A_2513 : vector<16xf32>
        %add3A_2614 = arith.addf %scan3A_2503, %mul3A_2613 : vector<16xf32>
        %mul3A_2615 = vector.broadcast %squeeze3A_2611 : f32 to vector<16xf32>
        %mul3A_2616 = arith.mulf %mul3A_2615, %get3A_2520 : vector<16xf32>
        %add3A_2617 = arith.addf %scan3A_2504, %mul3A_2616 : vector<16xf32>
        %mul3A_2618 = vector.broadcast %squeeze3A_2611 : f32 to vector<16xf32>
        %mul3A_2619 = arith.mulf %mul3A_2618, %get3A_2527 : vector<16xf32>
        %add3A_2620 = arith.addf %scan3A_2505, %mul3A_2619 : vector<16xf32>
        %mul3A_2621 = vector.broadcast %squeeze3A_2611 : f32 to vector<16xf32>
        %mul3A_2622 = arith.mulf %mul3A_2621, %get3A_2534 : vector<16xf32>
        %add3A_2623 = arith.addf %scan3A_2506, %mul3A_2622 : vector<16xf32>
        scf.yield %add3A_2544, %add3A_2547, %add3A_2550, %add3A_2553, %add3A_2558, %add3A_2561, %add3A_2564, %add3A_2567, %add3A_2572, %add3A_2575, %add3A_2578, %add3A_2581, %add3A_2586, %add3A_2589, %add3A_2592, %add3A_2595, %add3A_2600, %add3A_2603, %add3A_2606, %add3A_2609, %add3A_2614, %add3A_2617, %add3A_2620, %add3A_2623 : vector<16xf32>, vector<16xf32>, vector<16xf32>, vector<16xf32>, vector<16xf32>, vector<16xf32>, vector<16xf32>, vector<16xf32>, vector<16xf32>, vector<16xf32>, vector<16xf32>, vector<16xf32>, vector<16xf32>, vector<16xf32>, vector<16xf32>, vector<16xf32>, vector<16xf32>, vector<16xf32>, vector<16xf32>, vector<16xf32>, vector<16xf32>, vector<16xf32>, vector<16xf32>, vector<16xf32>
      }
      %scan3A_728 = arith.constant 30 : i32
      %swap3A_729 = arith.constant 1536 : index
      %swap3A_730 = tpu.vector_load %arg15[%swap3A_729] {strides = array<i32>} : memref<3840xf32, #tpu.memory_space<vmem>>, vector<16xf32>,
      %swap3A_731 = vector.shape_cast %swap3A_730 : vector<16xf32> to vector<16xf32>
      %swap3A_732 = vector.shape_cast %scan3A_727#0 : vector<16xf32> to vector<16xf32>
      tpu.vector_store %arg15[%swap3A_729], %swap3A_732 {strides = array<i32>} : memref<3840xf32, #tpu.memory_space<vmem>>, vector<16xf32>,
      %swap3A_733 = arith.constant 1552 : index
      %swap3A_734 = tpu.vector_load %arg15[%swap3A_733] {strides = array<i32>} : memref<3840xf32, #tpu.memory_space<vmem>>, vector<16xf32>,
      %swap3A_735 = vector.shape_cast %swap3A_734 : vector<16xf32> to vector<16xf32>
      %swap3A_736 = vector.shape_cast %scan3A_727#1 : vector<16xf32> to vector<16xf32>
      tpu.vector_store %arg15[%swap3A_733], %swap3A_736 {strides = array<i32>} : memref<3840xf32, #tpu.memory_space<vmem>>, vector<16xf32>,
      %swap3A_737 = arith.constant 1568 : index
      %swap3A_738 = tpu.vector_load %arg15[%swap3A_737] {strides = array<i32>} : memref<3840xf32, #tpu.memory_space<vmem>>, vector<16xf32>,
      %swap3A_739 = vector.shape_cast %swap3A_738 : vector<16xf32> to vector<16xf32>
      %swap3A_740 = vector.shape_cast %scan3A_727#2 : vector<16xf32> to vector<16xf32>
      tpu.vector_store %arg15[%swap3A_737], %swap3A_740 {strides = array<i32>} : memref<3840xf32, #tpu.memory_space<vmem>>, vector<16xf32>,
      %swap3A_741 = arith.constant 1584 : index
      %swap3A_742 = tpu.vector_load %arg15[%swap3A_741] {strides = array<i32>} : memref<3840xf32, #tpu.memory_space<vmem>>, vector<16xf32>,
      %swap3A_743 = vector.shape_cast %swap3A_742 : vector<16xf32> to vector<16xf32>
      %swap3A_744 = vector.shape_cast %scan3A_727#3 : vector<16xf32> to vector<16xf32>
      tpu.vector_store %arg15[%swap3A_741], %swap3A_744 {strides = array<i32>} : memref<3840xf32, #tpu.memory_space<vmem>>, vector<16xf32>,
      %swap3A_745 = arith.constant 1600 : index
      %swap3A_746 = tpu.vector_load %arg15[%swap3A_745] {strides = array<i32>} : memref<3840xf32, #tpu.memory_space<vmem>>, vector<16xf32>,
      %swap3A_747 = vector.shape_cast %swap3A_746 : vector<16xf32> to vector<16xf32>
      %swap3A_748 = vector.shape_cast %scan3A_727#4 : vector<16xf32> to vector<16xf32>
      tpu.vector_store %arg15[%swap3A_745], %swap3A_748 {strides = array<i32>} : memref<3840xf32, #tpu.memory_space<vmem>>, vector<16xf32>,
      %swap3A_749 = arith.constant 1616 : index
      %swap3A_750 = tpu.vector_load %arg15[%swap3A_749] {strides = array<i32>} : memref<3840xf32, #tpu.memory_space<vmem>>, vector<16xf32>,
      %swap3A_751 = vector.shape_cast %swap3A_750 : vector<16xf32> to vector<16xf32>
      %swap3A_752 = vector.shape_cast %scan3A_727#5 : vector<16xf32> to vector<16xf32>
      tpu.vector_store %arg15[%swap3A_749], %swap3A_752 {strides = array<i32>} : memref<3840xf32, #tpu.memory_space<vmem>>, vector<16xf32>,
      %swap3A_753 = arith.constant 1632 : index
      %swap3A_754 = tpu.vector_load %arg15[%swap3A_753] {strides = array<i32>} : memref<3840xf32, #tpu.memory_space<vmem>>, vector<16xf32>,
      %swap3A_755 = vector.shape_cast %swap3A_754 : vector<16xf32> to vector<16xf32>
      %swap3A_756 = vector.shape_cast %scan3A_727#6 : vector<16xf32> to vector<16xf32>
      tpu.vector_store %arg15[%swap3A_753], %swap3A_756 {strides = array<i32>} : memref<3840xf32, #tpu.memory_space<vmem>>, vector<16xf32>,
      %swap3A_757 = arith.constant 1648 : index
      %swap3A_758 = tpu.vector_load %arg15[%swap3A_757] {strides = array<i32>} : memref<3840xf32, #tpu.memory_space<vmem>>, vector<16xf32>,
      %swap3A_759 = vector.shape_cast %swap3A_758 : vector<16xf32> to vector<16xf32>
      %swap3A_760 = vector.shape_cast %scan3A_727#7 : vector<16xf32> to vector<16xf32>
      tpu.vector_store %arg15[%swap3A_757], %swap3A_760 {strides = array<i32>} : memref<3840xf32, #tpu.memory_space<vmem>>, vector<16xf32>,
      %swap3A_761 = arith.constant 1664 : index
      %swap3A_762 = tpu.vector_load %arg15[%swap3A_761] {strides = array<i32>} : memref<3840xf32, #tpu.memory_space<vmem>>, vector<16xf32>,
      %swap3A_763 = vector.shape_cast %swap3A_762 : vector<16xf32> to vector<16xf32>
      %swap3A_764 = vector.shape_cast %scan3A_727#8 : vector<16xf32> to vector<16xf32>
      tpu.vector_store %arg15[%swap3A_761], %swap3A_764 {strides = array<i32>} : memref<3840xf32, #tpu.memory_space<vmem>>, vector<16xf32>,
      %swap3A_765 = arith.constant 1680 : index
      %swap3A_766 = tpu.vector_load %arg15[%swap3A_765] {strides = array<i32>} : memref<3840xf32, #tpu.memory_space<vmem>>, vector<16xf32>,
      %swap3A_767 = vector.shape_cast %swap3A_766 : vector<16xf32> to vector<16xf32>
      %swap3A_768 = vector.shape_cast %scan3A_727#9 : vector<16xf32> to vector<16xf32>
      tpu.vector_store %arg15[%swap3A_765], %swap3A_768 {strides = array<i32>} : memref<3840xf32, #tpu.memory_space<vmem>>, vector<16xf32>,
      %swap3A_769 = arith.constant 1696 : index
      %swap3A_770 = tpu.vector_load %arg15[%swap3A_769] {strides = array<i32>} : memref<3840xf32, #tpu.memory_space<vmem>>, vector<16xf32>,
      %swap3A_771 = vector.shape_cast %swap3A_770 : vector<16xf32> to vector<16xf32>
      %swap3A_772 = vector.shape_cast %scan3A_727#10 : vector<16xf32> to vector<16xf32>
      tpu.vector_store %arg15[%swap3A_769], %swap3A_772 {strides = array<i32>} : memref<3840xf32, #tpu.memory_space<vmem>>, vector<16xf32>,
      %swap3A_773 = arith.constant 1712 : index
      %swap3A_774 = tpu.vector_load %arg15[%swap3A_773] {strides = array<i32>} : memref<3840xf32, #tpu.memory_space<vmem>>, vector<16xf32>,
      %swap3A_775 = vector.shape_cast %swap3A_774 : vector<16xf32> to vector<16xf32>
      %swap3A_776 = vector.shape_cast %scan3A_727#11 : vector<16xf32> to vector<16xf32>
      tpu.vector_store %arg15[%swap3A_773], %swap3A_776 {strides = array<i32>} : memref<3840xf32, #tpu.memory_space<vmem>>, vector<16xf32>,
      %swap3A_777 = arith.constant 1728 : index
      %swap3A_778 = tpu.vector_load %arg15[%swap3A_777] {strides = array<i32>} : memref<3840xf32, #tpu.memory_space<vmem>>, vector<16xf32>,
      %swap3A_779 = vector.shape_cast %swap3A_778 : vector<16xf32> to vector<16xf32>
      %swap3A_780 = vector.shape_cast %scan3A_727#12 : vector<16xf32> to vector<16xf32>
      tpu.vector_store %arg15[%swap3A_777], %swap3A_780 {strides = array<i32>} : memref<3840xf32, #tpu.memory_space<vmem>>, vector<16xf32>,
      %swap3A_781 = arith.constant 1744 : index
      %swap3A_782 = tpu.vector_load %arg15[%swap3A_781] {strides = array<i32>} : memref<3840xf32, #tpu.memory_space<vmem>>, vector<16xf32>,
      %swap3A_783 = vector.shape_cast %swap3A_782 : vector<16xf32> to vector<16xf32>
      %swap3A_784 = vector.shape_cast %scan3A_727#13 : vector<16xf32> to vector<16xf32>
      tpu.vector_store %arg15[%swap3A_781], %swap3A_784 {strides = array<i32>} : memref<3840xf32, #tpu.memory_space<vmem>>, vector<16xf32>,
      %swap3A_785 = arith.constant 1760 : index
      %swap3A_786 = tpu.vector_load %arg15[%swap3A_785] {strides = array<i32>} : memref<3840xf32, #tpu.memory_space<vmem>>, vector<16xf32>,
      %swap3A_787 = vector.shape_cast %swap3A_786 : vector<16xf32> to vector<16xf32>
      %swap3A_788 = vector.shape_cast %scan3A_727#14 : vector<16xf32> to vector<16xf32>
      tpu.vector_store %arg15[%swap3A_785], %swap3A_788 {strides = array<i32>} : memref<3840xf32, #tpu.memory_space<vmem>>, vector<16xf32>,
      %swap3A_789 = arith.constant 1776 : index
      %swap3A_790 = tpu.vector_load %arg15[%swap3A_789] {strides = array<i32>} : memref<3840xf32, #tpu.memory_space<vmem>>, vector<16xf32>,
      %swap3A_791 = vector.shape_cast %swap3A_790 : vector<16xf32> to vector<16xf32>
      %swap3A_792 = vector.shape_cast %scan3A_727#15 : vector<16xf32> to vector<16xf32>
      tpu.vector_store %arg15[%swap3A_789], %swap3A_792 {strides = array<i32>} : memref<3840xf32, #tpu.memory_space<vmem>>, vector<16xf32>,
      %swap3A_793 = arith.constant 1792 : index
      %swap3A_794 = tpu.vector_load %arg15[%swap3A_793] {strides = array<i32>} : memref<3840xf32, #tpu.memory_space<vmem>>, vector<16xf32>,
      %swap3A_795 = vector.shape_cast %swap3A_794 : vector<16xf32> to vector<16xf32>
      %swap3A_796 = vector.shape_cast %scan3A_727#16 : vector<16xf32> to vector<16xf32>
      tpu.vector_store %arg15[%swap3A_793], %swap3A_796 {strides = array<i32>} : memref<3840xf32, #tpu.memory_space<vmem>>, vector<16xf32>,
      %swap3A_797 = arith.constant 1808 : index
      %swap3A_798 = tpu.vector_load %arg15[%swap3A_797] {strides = array<i32>} : memref<3840xf32, #tpu.memory_space<vmem>>, vector<16xf32>,
      %swap3A_799 = vector.shape_cast %swap3A_798 : vector<16xf32> to vector<16xf32>
      %swap3A_800 = vector.shape_cast %scan3A_727#17 : vector<16xf32> to vector<16xf32>
      tpu.vector_store %arg15[%swap3A_797], %swap3A_800 {strides = array<i32>} : memref<3840xf32, #tpu.memory_space<vmem>>, vector<16xf32>,
      %swap3A_801 = arith.constant 1824 : index
      %swap3A_802 = tpu.vector_load %arg15[%swap3A_801] {strides = array<i32>} : memref<3840xf32, #tpu.memory_space<vmem>>, vector<16xf32>,
      %swap3A_803 = vector.shape_cast %swap3A_802 : vector<16xf32> to vector<16xf32>
      %swap3A_804 = vector.shape_cast %scan3A_727#18 : vector<16xf32> to vector<16xf32>
      tpu.vector_store %arg15[%swap3A_801], %swap3A_804 {strides = array<i32>} : memref<3840xf32, #tpu.memory_space<vmem>>, vector<16xf32>,
      %swap3A_805 = arith.constant 1840 : index
      %swap3A_806 = tpu.vector_load %arg15[%swap3A_805] {strides = array<i32>} : memref<3840xf32, #tpu.memory_space<vmem>>, vector<16xf32>,
      %swap3A_807 = vector.shape_cast %swap3A_806 : vector<16xf32> to vector<16xf32>
      %swap3A_808 = vector.shape_cast %scan3A_727#19 : vector<16xf32> to vector<16xf32>
      tpu.vector_store %arg15[%swap3A_805], %swap3A_808 {strides = array<i32>} : memref<3840xf32, #tpu.memory_space<vmem>>, vector<16xf32>,
      %swap3A_809 = arith.constant 1856 : index
      %swap3A_810 = tpu.vector_load %arg15[%swap3A_809] {strides = array<i32>} : memref<3840xf32, #tpu.memory_space<vmem>>, vector<16xf32>,
      %swap3A_811 = vector.shape_cast %swap3A_810 : vector<16xf32> to vector<16xf32>
      %swap3A_812 = vector.shape_cast %scan3A_727#20 : vector<16xf32> to vector<16xf32>
      tpu.vector_store %arg15[%swap3A_809], %swap3A_812 {strides = array<i32>} : memref<3840xf32, #tpu.memory_space<vmem>>, vector<16xf32>,
      %swap3A_813 = arith.constant 1872 : index
      %swap3A_814 = tpu.vector_load %arg15[%swap3A_813] {strides = array<i32>} : memref<3840xf32, #tpu.memory_space<vmem>>, vector<16xf32>,
      %swap3A_815 = vector.shape_cast %swap3A_814 : vector<16xf32> to vector<16xf32>
      %swap3A_816 = vector.shape_cast %scan3A_727#21 : vector<16xf32> to vector<16xf32>
      tpu.vector_store %arg15[%swap3A_813], %swap3A_816 {strides = array<i32>} : memref<3840xf32, #tpu.memory_space<vmem>>, vector<16xf32>,
      %swap3A_817 = arith.constant 1888 : index
      %swap3A_818 = tpu.vector_load %arg15[%swap3A_817] {strides = array<i32>} : memref<3840xf32, #tpu.memory_space<vmem>>, vector<16xf32>,
      %swap3A_819 = vector.shape_cast %swap3A_818 : vector<16xf32> to vector<16xf32>
      %swap3A_820 = vector.shape_cast %scan3A_727#22 : vector<16xf32> to vector<16xf32>
      tpu.vector_store %arg15[%swap3A_817], %swap3A_820 {strides = array<i32>} : memref<3840xf32, #tpu.memory_space<vmem>>, vector<16xf32>,
      %swap3A_821 = arith.constant 1904 : index
      %swap3A_822 = tpu.vector_load %arg15[%swap3A_821] {strides = array<i32>} : memref<3840xf32, #tpu.memory_space<vmem>>, vector<16xf32>,
      %swap3A_823 = vector.shape_cast %swap3A_822 : vector<16xf32> to vector<16xf32>
      %swap3A_824 = vector.shape_cast %scan3A_727#23 : vector<16xf32> to vector<16xf32>
      tpu.vector_store %arg15[%swap3A_821], %swap3A_824 {strides = array<i32>} : memref<3840xf32, #tpu.memory_space<vmem>>, vector<16xf32>,
      %mul3A_825 = arith.constant 2 : i32
      %mul3A_826 = arith.muli %scan3A_50, %mul3A_825 : i32
      %add3A_827 = arith.constant 1 : i32
      %add3A_828 = arith.addi %mul3A_826, %add3A_827 : i32
      %mul3A_829 = arith.constant 8 : i32
      %mul3A_830 = arith.muli %add3A, %mul3A_829 : i32
      %add3A_831 = arith.addi %mul3A_830, %add3A_828 : i32
      %add3A_832 = arith.constant 1 : i32
      %add3A_833 = arith.addi %add3A_831, %add3A_832 : i32
      %min3A_834 = arith.minsi %add3A_833, %sub3A_23 : i32
      %mul3A_835 = arith.constant 7200 : i32
      %mul3A_836 = arith.muli %min3A_834, %mul3A_835 : i32
      %dma_start3A_837 = arith.constant 0 : i32
      %dma_start3A_838 = tpu.memref_slice %arg8[%dma_start3A_837] : memref<14400xf32, #tpu.memory_space<vmem>> -> memref<7200xf32, #tpu.memory_space<vmem>>
      %dma_start3A_839 = tpu.memref_slice %arg2[%mul3A_836] : memref<1843200xf32, #tpu.memory_space<hbm>> -> memref<7200xf32, #tpu.memory_space<hbm>>
      %dma_start3A_840 = arith.constant 0 : i32
      %dma_start3A_841 = tpu.memref_slice %arg8[%dma_start3A_840] : memref<14400xf32, #tpu.memory_space<vmem>> -> memref<7200xf32, #tpu.memory_space<vmem>>
      %dma_start3A_842 = tpu.memref_slice %arg2[%mul3A_836] : memref<1843200xf32, #tpu.memory_space<hbm>> -> memref<7200xf32, #tpu.memory_space<hbm>>
      tpu.enqueue_dma source(%dma_start3A_842 : memref<7200xf32, #tpu.memory_space<hbm>>) target(%dma_start3A_841 : memref<7200xf32, #tpu.memory_space<vmem>>) target_semaphore(%arg16 : memref<!tpu.dma_semaphore, #tpu.memory_space<semaphore_mem>>)
      %mul3A_843 = arith.constant 7200 : i32
      %mul3A_844 = arith.muli %add3A_831, %mul3A_843 : i32
      %dma_wait3A_845 = arith.constant 7200 : i32
      %dma_wait3A_846 = tpu.memref_slice %arg8[%dma_wait3A_845] : memref<14400xf32, #tpu.memory_space<vmem>> -> memref<7200xf32, #tpu.memory_space<vmem>>
      %dma_wait3A_847 = tpu.memref_slice %arg2[%mul3A_844] : memref<1843200xf32, #tpu.memory_space<hbm>> -> memref<7200xf32, #tpu.memory_space<hbm>>
      %dma_wait3A_848 = arith.constant 7200 : i32
      %dma_wait3A_849 = tpu.memref_slice %arg8[%dma_wait3A_848] : memref<14400xf32, #tpu.memory_space<vmem>> -> memref<7200xf32, #tpu.memory_space<vmem>>
      %dma_wait3A_850 = tpu.memref_slice %arg2[%mul3A_844] : memref<1843200xf32, #tpu.memory_space<hbm>> -> memref<7200xf32, #tpu.memory_space<hbm>>
      tpu.wait_dma2 semaphore(%arg17 : memref<!tpu.dma_semaphore, #tpu.memory_space<semaphore_mem>>) src(%dma_wait3A_850 : memref<7200xf32, #tpu.memory_space<hbm>>) dst(%dma_wait3A_849 : memref<7200xf32, #tpu.memory_space<vmem>>)
      %scan3A_851 = arith.constant 0 : i32
      %scan3A_852 = arith.constant 0 : i32
      %scan3A_853 = arith.constant 57 : i32
      %scan3A_854 = arith.addi %scan3A_852, %scan3A_853 : i32
      %scan3A_855 = arith.constant 1 : i32
      scf.for %scan3A_2482 = %scan3A_852 to %scan3A_854 step %scan3A_855  : i32 {
        %mul3A_2483 = arith.constant 16 : i32
        %mul3A_2484 = arith.muli %scan3A_2482, %mul3A_2483 : i32
        %min3A_2485 = arith.constant 884 : i32
        %min3A_2486 = arith.minsi %mul3A_2484, %min3A_2485 : i32
        %add3A_2487 = arith.constant 7200 : i32
        %add3A_2488 = arith.addi %add3A_2487, %min3A_2486 : i32
        %get3A_2489 = arith.index_cast %add3A_2488 : i32 to index
        %get3A_2490 = tpu.vector_load %arg8[%get3A_2489] {strides = array<i32>} : memref<14400xf32, #tpu.memory_space<vmem>>, vector<16xf32>,
        %get3A_2491 = vector.shape_cast %get3A_2490 : vector<16xf32> to vector<16xf32>
        %add3A_2492 = arith.constant 8100 : i32
        %add3A_2493 = arith.addi %add3A_2492, %min3A_2486 : i32
        %get3A_2494 = arith.index_cast %add3A_2493 : i32 to index
        %get3A_2495 = tpu.vector_load %arg8[%get3A_2494] {strides = array<i32>} : memref<14400xf32, #tpu.memory_space<vmem>>, vector<16xf32>,
        %get3A_2496 = vector.shape_cast %get3A_2495 : vector<16xf32> to vector<16xf32>
        %add3A_2497 = arith.addf %get3A_2491, %get3A_2496 : vector<16xf32>
        %add3A_2498 = arith.constant 9000 : i32
        %add3A_2499 = arith.addi %add3A_2498, %min3A_2486 : i32
        %get3A_2500 = arith.index_cast %add3A_2499 : i32 to index
        %get3A_2501 = tpu.vector_load %arg8[%get3A_2500] {strides = array<i32>} : memref<14400xf32, #tpu.memory_space<vmem>>, vector<16xf32>,
        %get3A_2502 = vector.shape_cast %get3A_2501 : vector<16xf32> to vector<16xf32>
        %add3A_2503 = arith.addf %add3A_2497, %get3A_2502 : vector<16xf32>
        %add3A_2504 = arith.constant 9900 : i32
        %add3A_2505 = arith.addi %add3A_2504, %min3A_2486 : i32
        %get3A_2506 = arith.index_cast %add3A_2505 : i32 to index
        %get3A_2507 = tpu.vector_load %arg8[%get3A_2506] {strides = array<i32>} : memref<14400xf32, #tpu.memory_space<vmem>>, vector<16xf32>,
        %get3A_2508 = vector.shape_cast %get3A_2507 : vector<16xf32> to vector<16xf32>
        %add3A_2509 = arith.addf %add3A_2503, %get3A_2508 : vector<16xf32>
        %add3A_2510 = arith.constant 10800 : i32
        %add3A_2511 = arith.addi %add3A_2510, %min3A_2486 : i32
        %get3A_2512 = arith.index_cast %add3A_2511 : i32 to index
        %get3A_2513 = tpu.vector_load %arg8[%get3A_2512] {strides = array<i32>} : memref<14400xf32, #tpu.memory_space<vmem>>, vector<16xf32>,
        %get3A_2514 = vector.shape_cast %get3A_2513 : vector<16xf32> to vector<16xf32>
        %add3A_2515 = arith.addf %add3A_2509, %get3A_2514 : vector<16xf32>
        %add3A_2516 = arith.constant 11700 : i32
        %add3A_2517 = arith.addi %add3A_2516, %min3A_2486 : i32
        %get3A_2518 = arith.index_cast %add3A_2517 : i32 to index
        %get3A_2519 = tpu.vector_load %arg8[%get3A_2518] {strides = array<i32>} : memref<14400xf32, #tpu.memory_space<vmem>>, vector<16xf32>,
        %get3A_2520 = vector.shape_cast %get3A_2519 : vector<16xf32> to vector<16xf32>
        %add3A_2521 = arith.addf %add3A_2515, %get3A_2520 : vector<16xf32>
        %add3A_2522 = arith.constant 12600 : i32
        %add3A_2523 = arith.addi %add3A_2522, %min3A_2486 : i32
        %get3A_2524 = arith.index_cast %add3A_2523 : i32 to index
        %get3A_2525 = tpu.vector_load %arg8[%get3A_2524] {strides = array<i32>} : memref<14400xf32, #tpu.memory_space<vmem>>, vector<16xf32>,
        %get3A_2526 = vector.shape_cast %get3A_2525 : vector<16xf32> to vector<16xf32>
        %add3A_2527 = arith.addf %add3A_2521, %get3A_2526 : vector<16xf32>
        %add3A_2528 = arith.constant 13500 : i32
        %add3A_2529 = arith.addi %add3A_2528, %min3A_2486 : i32
        %get3A_2530 = arith.index_cast %add3A_2529 : i32 to index
        %get3A_2531 = tpu.vector_load %arg8[%get3A_2530] {strides = array<i32>} : memref<14400xf32, #tpu.memory_space<vmem>>, vector<16xf32>,
        %get3A_2532 = vector.shape_cast %get3A_2531 : vector<16xf32> to vector<16xf32>
        %add3A_2533 = arith.addf %add3A_2527, %get3A_2532 : vector<16xf32>
        %swap3A_2534 = arith.index_cast %min3A_2486 : i32 to index
        %swap3A_2535 = tpu.vector_load %arg14[%swap3A_2534] {strides = array<i32>} : memref<916xf32, #tpu.memory_space<vmem>>, vector<16xf32>,
        %swap3A_2536 = vector.shape_cast %swap3A_2535 : vector<16xf32> to vector<16xf32>
        %swap3A_2537 = vector.shape_cast %add3A_2533 : vector<16xf32> to vector<16xf32>
        tpu.vector_store %arg14[%swap3A_2534], %swap3A_2537 {strides = array<i32>} : memref<916xf32, #tpu.memory_space<vmem>>, vector<16xf32>,
      }
      %scan3A_856 = arith.constant 57 : i32
      %broadcast_in_dim3A_857 = arith.constant 0.000000e+00 : f32
      %broadcast_in_dim3A_858 = vector.broadcast %broadcast_in_dim3A_857 : f32 to vector<16xf32>
      %broadcast_in_dim3A_859 = arith.constant 0.000000e+00 : f32
      %broadcast_in_dim3A_860 = vector.broadcast %broadcast_in_dim3A_859 : f32 to vector<16xf32>
      %broadcast_in_dim3A_861 = arith.constant 0.000000e+00 : f32
      %broadcast_in_dim3A_862 = vector.broadcast %broadcast_in_dim3A_861 : f32 to vector<16xf32>
      %broadcast_in_dim3A_863 = arith.constant 0.000000e+00 : f32
      %broadcast_in_dim3A_864 = vector.broadcast %broadcast_in_dim3A_863 : f32 to vector<16xf32>
      %broadcast_in_dim3A_865 = arith.constant 0.000000e+00 : f32
      %broadcast_in_dim3A_866 = vector.broadcast %broadcast_in_dim3A_865 : f32 to vector<16xf32>
      %broadcast_in_dim3A_867 = arith.constant 0.000000e+00 : f32
      %broadcast_in_dim3A_868 = vector.broadcast %broadcast_in_dim3A_867 : f32 to vector<16xf32>
      %broadcast_in_dim3A_869 = arith.constant 0.000000e+00 : f32
      %broadcast_in_dim3A_870 = vector.broadcast %broadcast_in_dim3A_869 : f32 to vector<16xf32>
      %broadcast_in_dim3A_871 = arith.constant 0.000000e+00 : f32
      %broadcast_in_dim3A_872 = vector.broadcast %broadcast_in_dim3A_871 : f32 to vector<16xf32>
      %broadcast_in_dim3A_873 = arith.constant 0.000000e+00 : f32
      %broadcast_in_dim3A_874 = vector.broadcast %broadcast_in_dim3A_873 : f32 to vector<16xf32>
      %broadcast_in_dim3A_875 = arith.constant 0.000000e+00 : f32
      %broadcast_in_dim3A_876 = vector.broadcast %broadcast_in_dim3A_875 : f32 to vector<16xf32>
      %broadcast_in_dim3A_877 = arith.constant 0.000000e+00 : f32
      %broadcast_in_dim3A_878 = vector.broadcast %broadcast_in_dim3A_877 : f32 to vector<16xf32>
      %broadcast_in_dim3A_879 = arith.constant 0.000000e+00 : f32
      %broadcast_in_dim3A_880 = vector.broadcast %broadcast_in_dim3A_879 : f32 to vector<16xf32>
      %broadcast_in_dim3A_881 = arith.constant 0.000000e+00 : f32
      %broadcast_in_dim3A_882 = vector.broadcast %broadcast_in_dim3A_881 : f32 to vector<16xf32>
      %broadcast_in_dim3A_883 = arith.constant 0.000000e+00 : f32
      %broadcast_in_dim3A_884 = vector.broadcast %broadcast_in_dim3A_883 : f32 to vector<16xf32>
      %broadcast_in_dim3A_885 = arith.constant 0.000000e+00 : f32
      %broadcast_in_dim3A_886 = vector.broadcast %broadcast_in_dim3A_885 : f32 to vector<16xf32>
      %broadcast_in_dim3A_887 = arith.constant 0.000000e+00 : f32
      %broadcast_in_dim3A_888 = vector.broadcast %broadcast_in_dim3A_887 : f32 to vector<16xf32>
      %broadcast_in_dim3A_889 = arith.constant 0.000000e+00 : f32
      %broadcast_in_dim3A_890 = vector.broadcast %broadcast_in_dim3A_889 : f32 to vector<16xf32>
      %broadcast_in_dim3A_891 = arith.constant 0.000000e+00 : f32
      %broadcast_in_dim3A_892 = vector.broadcast %broadcast_in_dim3A_891 : f32 to vector<16xf32>
      %broadcast_in_dim3A_893 = arith.constant 0.000000e+00 : f32
      %broadcast_in_dim3A_894 = vector.broadcast %broadcast_in_dim3A_893 : f32 to vector<16xf32>
      %broadcast_in_dim3A_895 = arith.constant 0.000000e+00 : f32
      %broadcast_in_dim3A_896 = vector.broadcast %broadcast_in_dim3A_895 : f32 to vector<16xf32>
      %broadcast_in_dim3A_897 = arith.constant 0.000000e+00 : f32
      %broadcast_in_dim3A_898 = vector.broadcast %broadcast_in_dim3A_897 : f32 to vector<16xf32>
      %broadcast_in_dim3A_899 = arith.constant 0.000000e+00 : f32
      %broadcast_in_dim3A_900 = vector.broadcast %broadcast_in_dim3A_899 : f32 to vector<16xf32>
      %broadcast_in_dim3A_901 = arith.constant 0.000000e+00 : f32
      %broadcast_in_dim3A_902 = vector.broadcast %broadcast_in_dim3A_901 : f32 to vector<16xf32>
      %broadcast_in_dim3A_903 = arith.constant 0.000000e+00 : f32
      %broadcast_in_dim3A_904 = vector.broadcast %broadcast_in_dim3A_903 : f32 to vector<16xf32>
      %broadcast_in_dim3A_905 = arith.constant 0.000000e+00 : f32
      %broadcast_in_dim3A_906 = vector.broadcast %broadcast_in_dim3A_905 : f32 to vector<16xf32>
      %broadcast_in_dim3A_907 = arith.constant 0.000000e+00 : f32
      %broadcast_in_dim3A_908 = vector.broadcast %broadcast_in_dim3A_907 : f32 to vector<16xf32>
      %broadcast_in_dim3A_909 = arith.constant 0.000000e+00 : f32
      %broadcast_in_dim3A_910 = vector.broadcast %broadcast_in_dim3A_909 : f32 to vector<16xf32>
      %broadcast_in_dim3A_911 = arith.constant 0.000000e+00 : f32
      %broadcast_in_dim3A_912 = vector.broadcast %broadcast_in_dim3A_911 : f32 to vector<16xf32>
      %broadcast_in_dim3A_913 = arith.constant 0.000000e+00 : f32
      %broadcast_in_dim3A_914 = vector.broadcast %broadcast_in_dim3A_913 : f32 to vector<16xf32>
      %broadcast_in_dim3A_915 = arith.constant 0.000000e+00 : f32
      %broadcast_in_dim3A_916 = vector.broadcast %broadcast_in_dim3A_915 : f32 to vector<16xf32>
      %broadcast_in_dim3A_917 = arith.constant 0.000000e+00 : f32
      %broadcast_in_dim3A_918 = vector.broadcast %broadcast_in_dim3A_917 : f32 to vector<16xf32>
      %broadcast_in_dim3A_919 = arith.constant 0.000000e+00 : f32
      %broadcast_in_dim3A_920 = vector.broadcast %broadcast_in_dim3A_919 : f32 to vector<16xf32>
      %scan3A_921 = arith.constant 0 : i32
      %scan3A_922 = arith.constant 30 : i32
      %scan3A_923 = arith.addi %scan3A_921, %scan3A_922 : i32
      %scan3A_924 = arith.constant 1 : i32
      %scan3A_925:32 = scf.for %scan3A_2482 = %scan3A_921 to %scan3A_923 step %scan3A_924 iter_args(%scan3A_2483 = %broadcast_in_dim3A_858, %scan3A_2484 = %broadcast_in_dim3A_860, %scan3A_2485 = %broadcast_in_dim3A_862, %scan3A_2486 = %broadcast_in_dim3A_864, %scan3A_2487 = %broadcast_in_dim3A_866, %scan3A_2488 = %broadcast_in_dim3A_868, %scan3A_2489 = %broadcast_in_dim3A_870, %scan3A_2490 = %broadcast_in_dim3A_872, %scan3A_2491 = %broadcast_in_dim3A_874, %scan3A_2492 = %broadcast_in_dim3A_876, %scan3A_2493 = %broadcast_in_dim3A_878, %scan3A_2494 = %broadcast_in_dim3A_880, %scan3A_2495 = %broadcast_in_dim3A_882, %scan3A_2496 = %broadcast_in_dim3A_884, %scan3A_2497 = %broadcast_in_dim3A_886, %scan3A_2498 = %broadcast_in_dim3A_888, %scan3A_2499 = %broadcast_in_dim3A_890, %scan3A_2500 = %broadcast_in_dim3A_892, %scan3A_2501 = %broadcast_in_dim3A_894, %scan3A_2502 = %broadcast_in_dim3A_896, %scan3A_2503 = %broadcast_in_dim3A_898, %scan3A_2504 = %broadcast_in_dim3A_900, %scan3A_2505 = %broadcast_in_dim3A_902, %scan3A_2506 = %broadcast_in_dim3A_904, %scan3A_2507 = %broadcast_in_dim3A_906, %scan3A_2508 = %broadcast_in_dim3A_908, %scan3A_2509 = %broadcast_in_dim3A_910, %scan3A_2510 = %broadcast_in_dim3A_912, %scan3A_2511 = %broadcast_in_dim3A_914, %scan3A_2512 = %broadcast_in_dim3A_916, %scan3A_2513 = %broadcast_in_dim3A_918, %scan3A_2514 = %broadcast_in_dim3A_920) -> (vector<16xf32>, vector<16xf32>, vector<16xf32>, vector<16xf32>, vector<16xf32>, vector<16xf32>, vector<16xf32>, vector<16xf32>, vector<16xf32>, vector<16xf32>, vector<16xf32>, vector<16xf32>, vector<16xf32>, vector<16xf32>, vector<16xf32>, vector<16xf32>, vector<16xf32>, vector<16xf32>, vector<16xf32>, vector<16xf32>, vector<16xf32>, vector<16xf32>, vector<16xf32>, vector<16xf32>, vector<16xf32>, vector<16xf32>, vector<16xf32>, vector<16xf32>, vector<16xf32>, vector<16xf32>, vector<16xf32>, vector<16xf32>)  : i32 {
        %mul3A_2515 = arith.constant 30 : i32
        %mul3A_2516 = arith.muli %add3A_828, %mul3A_2515 : i32
        %add3A_2517 = arith.addi %mul3A_2516, %scan3A_2482 : i32
        %get3A_2518 = arith.index_cast %add3A_2517 : i32 to index
        %get3A_2519 = arith.constant 0 : index
        %get3A_2520 = tpu.vector_load %arg9[%get3A_2518, %get3A_2519] {strides = array<i32>} : memref<240x128xf32, #tpu.memory_space<vmem>>, vector<1x16xf32>,
        %get3A_2521 = vector.shape_cast %get3A_2520 : vector<1x16xf32> to vector<16xf32>
        %mul3A_2522 = arith.constant 30 : i32
        %mul3A_2523 = arith.muli %add3A_828, %mul3A_2522 : i32
        %add3A_2524 = arith.addi %mul3A_2523, %scan3A_2482 : i32
        %get3A_2525 = arith.index_cast %add3A_2524 : i32 to index
        %get3A_2526 = arith.constant 16 : index
        %get3A_2527 = tpu.vector_load %arg9[%get3A_2525, %get3A_2526] {strides = array<i32>} : memref<240x128xf32, #tpu.memory_space<vmem>>, vector<1x16xf32>,
        %get3A_2528 = vector.shape_cast %get3A_2527 : vector<1x16xf32> to vector<16xf32>
        %mul3A_2529 = arith.constant 30 : i32
        %mul3A_2530 = arith.muli %add3A_828, %mul3A_2529 : i32
        %add3A_2531 = arith.addi %mul3A_2530, %scan3A_2482 : i32
        %get3A_2532 = arith.index_cast %add3A_2531 : i32 to index
        %get3A_2533 = arith.constant 32 : index
        %get3A_2534 = tpu.vector_load %arg9[%get3A_2532, %get3A_2533] {strides = array<i32>} : memref<240x128xf32, #tpu.memory_space<vmem>>, vector<1x16xf32>,
        %get3A_2535 = vector.shape_cast %get3A_2534 : vector<1x16xf32> to vector<16xf32>
        %mul3A_2536 = arith.constant 30 : i32
        %mul3A_2537 = arith.muli %add3A_828, %mul3A_2536 : i32
        %add3A_2538 = arith.addi %mul3A_2537, %scan3A_2482 : i32
        %get3A_2539 = arith.index_cast %add3A_2538 : i32 to index
        %get3A_2540 = arith.constant 48 : index
        %get3A_2541 = tpu.vector_load %arg9[%get3A_2539, %get3A_2540] {strides = array<i32>} : memref<240x128xf32, #tpu.memory_space<vmem>>, vector<1x16xf32>,
        %get3A_2542 = vector.shape_cast %get3A_2541 : vector<1x16xf32> to vector<16xf32>
        %mul3A_2543 = arith.constant 30 : i32
        %mul3A_2544 = arith.muli %scan3A_2482, %mul3A_2543 : i32
        %add3A_2545 = arith.constant 0 : i32
        %add3A_2546 = arith.addi %mul3A_2544, %add3A_2545 : i32
        %get3A_2547 = arith.index_cast %add3A_2546 : i32 to index
        %get3A_2548 = tpu.vector_load %arg14[%get3A_2547] {strides = array<i32>} : memref<916xf32, #tpu.memory_space<vmem>>, vector<16xf32>,
        %get3A_2549 = vector.shape_cast %get3A_2548 : vector<16xf32> to vector<16xf32>
        %slice3A = vector.extract_strided_slice %get3A_2549 {offsets = [0], sizes = [1], strides = [1]} : vector<16xf32> to vector<1xf32>
        %squeeze3A = vector.extract %slice3A[0] : f32 from vector<1xf32>
        %mul3A_2550 = vector.broadcast %squeeze3A : f32 to vector<16xf32>
        %mul3A_2551 = arith.mulf %mul3A_2550, %get3A_2521 : vector<16xf32>
        %add3A_2552 = arith.addf %scan3A_2483, %mul3A_2551 : vector<16xf32>
        %mul3A_2553 = vector.broadcast %squeeze3A : f32 to vector<16xf32>
        %mul3A_2554 = arith.mulf %mul3A_2553, %get3A_2528 : vector<16xf32>
        %add3A_2555 = arith.addf %scan3A_2484, %mul3A_2554 : vector<16xf32>
        %mul3A_2556 = vector.broadcast %squeeze3A : f32 to vector<16xf32>
        %mul3A_2557 = arith.mulf %mul3A_2556, %get3A_2535 : vector<16xf32>
        %add3A_2558 = arith.addf %scan3A_2485, %mul3A_2557 : vector<16xf32>
        %mul3A_2559 = vector.broadcast %squeeze3A : f32 to vector<16xf32>
        %mul3A_2560 = arith.mulf %mul3A_2559, %get3A_2542 : vector<16xf32>
        %add3A_2561 = arith.addf %scan3A_2486, %mul3A_2560 : vector<16xf32>
        %slice3A_2562 = vector.extract_strided_slice %get3A_2549 {offsets = [1], sizes = [1], strides = [1]} : vector<16xf32> to vector<1xf32>
        %squeeze3A_2563 = vector.extract %slice3A_2562[0] : f32 from vector<1xf32>
        %mul3A_2564 = vector.broadcast %squeeze3A_2563 : f32 to vector<16xf32>
        %mul3A_2565 = arith.mulf %mul3A_2564, %get3A_2521 : vector<16xf32>
        %add3A_2566 = arith.addf %scan3A_2487, %mul3A_2565 : vector<16xf32>
        %mul3A_2567 = vector.broadcast %squeeze3A_2563 : f32 to vector<16xf32>
        %mul3A_2568 = arith.mulf %mul3A_2567, %get3A_2528 : vector<16xf32>
        %add3A_2569 = arith.addf %scan3A_2488, %mul3A_2568 : vector<16xf32>
        %mul3A_2570 = vector.broadcast %squeeze3A_2563 : f32 to vector<16xf32>
        %mul3A_2571 = arith.mulf %mul3A_2570, %get3A_2535 : vector<16xf32>
        %add3A_2572 = arith.addf %scan3A_2489, %mul3A_2571 : vector<16xf32>
        %mul3A_2573 = vector.broadcast %squeeze3A_2563 : f32 to vector<16xf32>
        %mul3A_2574 = arith.mulf %mul3A_2573, %get3A_2542 : vector<16xf32>
        %add3A_2575 = arith.addf %scan3A_2490, %mul3A_2574 : vector<16xf32>
        %slice3A_2576 = vector.extract_strided_slice %get3A_2549 {offsets = [2], sizes = [1], strides = [1]} : vector<16xf32> to vector<1xf32>
        %squeeze3A_2577 = vector.extract %slice3A_2576[0] : f32 from vector<1xf32>
        %mul3A_2578 = vector.broadcast %squeeze3A_2577 : f32 to vector<16xf32>
        %mul3A_2579 = arith.mulf %mul3A_2578, %get3A_2521 : vector<16xf32>
        %add3A_2580 = arith.addf %scan3A_2491, %mul3A_2579 : vector<16xf32>
        %mul3A_2581 = vector.broadcast %squeeze3A_2577 : f32 to vector<16xf32>
        %mul3A_2582 = arith.mulf %mul3A_2581, %get3A_2528 : vector<16xf32>
        %add3A_2583 = arith.addf %scan3A_2492, %mul3A_2582 : vector<16xf32>
        %mul3A_2584 = vector.broadcast %squeeze3A_2577 : f32 to vector<16xf32>
        %mul3A_2585 = arith.mulf %mul3A_2584, %get3A_2535 : vector<16xf32>
        %add3A_2586 = arith.addf %scan3A_2493, %mul3A_2585 : vector<16xf32>
        %mul3A_2587 = vector.broadcast %squeeze3A_2577 : f32 to vector<16xf32>
        %mul3A_2588 = arith.mulf %mul3A_2587, %get3A_2542 : vector<16xf32>
        %add3A_2589 = arith.addf %scan3A_2494, %mul3A_2588 : vector<16xf32>
        %slice3A_2590 = vector.extract_strided_slice %get3A_2549 {offsets = [3], sizes = [1], strides = [1]} : vector<16xf32> to vector<1xf32>
        %squeeze3A_2591 = vector.extract %slice3A_2590[0] : f32 from vector<1xf32>
        %mul3A_2592 = vector.broadcast %squeeze3A_2591 : f32 to vector<16xf32>
        %mul3A_2593 = arith.mulf %mul3A_2592, %get3A_2521 : vector<16xf32>
        %add3A_2594 = arith.addf %scan3A_2495, %mul3A_2593 : vector<16xf32>
        %mul3A_2595 = vector.broadcast %squeeze3A_2591 : f32 to vector<16xf32>
        %mul3A_2596 = arith.mulf %mul3A_2595, %get3A_2528 : vector<16xf32>
        %add3A_2597 = arith.addf %scan3A_2496, %mul3A_2596 : vector<16xf32>
        %mul3A_2598 = vector.broadcast %squeeze3A_2591 : f32 to vector<16xf32>
        %mul3A_2599 = arith.mulf %mul3A_2598, %get3A_2535 : vector<16xf32>
        %add3A_2600 = arith.addf %scan3A_2497, %mul3A_2599 : vector<16xf32>
        %mul3A_2601 = vector.broadcast %squeeze3A_2591 : f32 to vector<16xf32>
        %mul3A_2602 = arith.mulf %mul3A_2601, %get3A_2542 : vector<16xf32>
        %add3A_2603 = arith.addf %scan3A_2498, %mul3A_2602 : vector<16xf32>
        %slice3A_2604 = vector.extract_strided_slice %get3A_2549 {offsets = [4], sizes = [1], strides = [1]} : vector<16xf32> to vector<1xf32>
        %squeeze3A_2605 = vector.extract %slice3A_2604[0] : f32 from vector<1xf32>
        %mul3A_2606 = vector.broadcast %squeeze3A_2605 : f32 to vector<16xf32>
        %mul3A_2607 = arith.mulf %mul3A_2606, %get3A_2521 : vector<16xf32>
        %add3A_2608 = arith.addf %scan3A_2499, %mul3A_2607 : vector<16xf32>
        %mul3A_2609 = vector.broadcast %squeeze3A_2605 : f32 to vector<16xf32>
        %mul3A_2610 = arith.mulf %mul3A_2609, %get3A_2528 : vector<16xf32>
        %add3A_2611 = arith.addf %scan3A_2500, %mul3A_2610 : vector<16xf32>
        %mul3A_2612 = vector.broadcast %squeeze3A_2605 : f32 to vector<16xf32>
        %mul3A_2613 = arith.mulf %mul3A_2612, %get3A_2535 : vector<16xf32>
        %add3A_2614 = arith.addf %scan3A_2501, %mul3A_2613 : vector<16xf32>
        %mul3A_2615 = vector.broadcast %squeeze3A_2605 : f32 to vector<16xf32>
        %mul3A_2616 = arith.mulf %mul3A_2615, %get3A_2542 : vector<16xf32>
        %add3A_2617 = arith.addf %scan3A_2502, %mul3A_2616 : vector<16xf32>
        %slice3A_2618 = vector.extract_strided_slice %get3A_2549 {offsets = [5], sizes = [1], strides = [1]} : vector<16xf32> to vector<1xf32>
        %squeeze3A_2619 = vector.extract %slice3A_2618[0] : f32 from vector<1xf32>
        %mul3A_2620 = vector.broadcast %squeeze3A_2619 : f32 to vector<16xf32>
        %mul3A_2621 = arith.mulf %mul3A_2620, %get3A_2521 : vector<16xf32>
        %add3A_2622 = arith.addf %scan3A_2503, %mul3A_2621 : vector<16xf32>
        %mul3A_2623 = vector.broadcast %squeeze3A_2619 : f32 to vector<16xf32>
        %mul3A_2624 = arith.mulf %mul3A_2623, %get3A_2528 : vector<16xf32>
        %add3A_2625 = arith.addf %scan3A_2504, %mul3A_2624 : vector<16xf32>
        %mul3A_2626 = vector.broadcast %squeeze3A_2619 : f32 to vector<16xf32>
        %mul3A_2627 = arith.mulf %mul3A_2626, %get3A_2535 : vector<16xf32>
        %add3A_2628 = arith.addf %scan3A_2505, %mul3A_2627 : vector<16xf32>
        %mul3A_2629 = vector.broadcast %squeeze3A_2619 : f32 to vector<16xf32>
        %mul3A_2630 = arith.mulf %mul3A_2629, %get3A_2542 : vector<16xf32>
        %add3A_2631 = arith.addf %scan3A_2506, %mul3A_2630 : vector<16xf32>
        %slice3A_2632 = vector.extract_strided_slice %get3A_2549 {offsets = [6], sizes = [1], strides = [1]} : vector<16xf32> to vector<1xf32>
        %squeeze3A_2633 = vector.extract %slice3A_2632[0] : f32 from vector<1xf32>
        %mul3A_2634 = vector.broadcast %squeeze3A_2633 : f32 to vector<16xf32>
        %mul3A_2635 = arith.mulf %mul3A_2634, %get3A_2521 : vector<16xf32>
        %add3A_2636 = arith.addf %scan3A_2507, %mul3A_2635 : vector<16xf32>
        %mul3A_2637 = vector.broadcast %squeeze3A_2633 : f32 to vector<16xf32>
        %mul3A_2638 = arith.mulf %mul3A_2637, %get3A_2528 : vector<16xf32>
        %add3A_2639 = arith.addf %scan3A_2508, %mul3A_2638 : vector<16xf32>
        %mul3A_2640 = vector.broadcast %squeeze3A_2633 : f32 to vector<16xf32>
        %mul3A_2641 = arith.mulf %mul3A_2640, %get3A_2535 : vector<16xf32>
        %add3A_2642 = arith.addf %scan3A_2509, %mul3A_2641 : vector<16xf32>
        %mul3A_2643 = vector.broadcast %squeeze3A_2633 : f32 to vector<16xf32>
        %mul3A_2644 = arith.mulf %mul3A_2643, %get3A_2542 : vector<16xf32>
        %add3A_2645 = arith.addf %scan3A_2510, %mul3A_2644 : vector<16xf32>
        %slice3A_2646 = vector.extract_strided_slice %get3A_2549 {offsets = [7], sizes = [1], strides = [1]} : vector<16xf32> to vector<1xf32>
        %squeeze3A_2647 = vector.extract %slice3A_2646[0] : f32 from vector<1xf32>
        %mul3A_2648 = vector.broadcast %squeeze3A_2647 : f32 to vector<16xf32>
        %mul3A_2649 = arith.mulf %mul3A_2648, %get3A_2521 : vector<16xf32>
        %add3A_2650 = arith.addf %scan3A_2511, %mul3A_2649 : vector<16xf32>
        %mul3A_2651 = vector.broadcast %squeeze3A_2647 : f32 to vector<16xf32>
        %mul3A_2652 = arith.mulf %mul3A_2651, %get3A_2528 : vector<16xf32>
        %add3A_2653 = arith.addf %scan3A_2512, %mul3A_2652 : vector<16xf32>
        %mul3A_2654 = vector.broadcast %squeeze3A_2647 : f32 to vector<16xf32>
        %mul3A_2655 = arith.mulf %mul3A_2654, %get3A_2535 : vector<16xf32>
        %add3A_2656 = arith.addf %scan3A_2513, %mul3A_2655 : vector<16xf32>
        %mul3A_2657 = vector.broadcast %squeeze3A_2647 : f32 to vector<16xf32>
        %mul3A_2658 = arith.mulf %mul3A_2657, %get3A_2542 : vector<16xf32>
        %add3A_2659 = arith.addf %scan3A_2514, %mul3A_2658 : vector<16xf32>
        scf.yield %add3A_2552, %add3A_2555, %add3A_2558, %add3A_2561, %add3A_2566, %add3A_2569, %add3A_2572, %add3A_2575, %add3A_2580, %add3A_2583, %add3A_2586, %add3A_2589, %add3A_2594, %add3A_2597, %add3A_2600, %add3A_2603, %add3A_2608, %add3A_2611, %add3A_2614, %add3A_2617, %add3A_2622, %add3A_2625, %add3A_2628, %add3A_2631, %add3A_2636, %add3A_2639, %add3A_2642, %add3A_2645, %add3A_2650, %add3A_2653, %add3A_2656, %add3A_2659 : vector<16xf32>, vector<16xf32>, vector<16xf32>, vector<16xf32>, vector<16xf32>, vector<16xf32>, vector<16xf32>, vector<16xf32>, vector<16xf32>, vector<16xf32>, vector<16xf32>, vector<16xf32>, vector<16xf32>, vector<16xf32>, vector<16xf32>, vector<16xf32>, vector<16xf32>, vector<16xf32>, vector<16xf32>, vector<16xf32>, vector<16xf32>, vector<16xf32>, vector<16xf32>, vector<16xf32>, vector<16xf32>, vector<16xf32>, vector<16xf32>, vector<16xf32>, vector<16xf32>, vector<16xf32>, vector<16xf32>, vector<16xf32>
      }
      %scan3A_926 = arith.constant 30 : i32
      %swap3A_927 = arith.constant 1920 : index
      %swap3A_928 = tpu.vector_load %arg15[%swap3A_927] {strides = array<i32>} : memref<3840xf32, #tpu.memory_space<vmem>>, vector<16xf32>,
      %swap3A_929 = vector.shape_cast %swap3A_928 : vector<16xf32> to vector<16xf32>
      %swap3A_930 = vector.shape_cast %scan3A_925#0 : vector<16xf32> to vector<16xf32>
      tpu.vector_store %arg15[%swap3A_927], %swap3A_930 {strides = array<i32>} : memref<3840xf32, #tpu.memory_space<vmem>>, vector<16xf32>,
      %swap3A_931 = arith.constant 1936 : index
      %swap3A_932 = tpu.vector_load %arg15[%swap3A_931] {strides = array<i32>} : memref<3840xf32, #tpu.memory_space<vmem>>, vector<16xf32>,
      %swap3A_933 = vector.shape_cast %swap3A_932 : vector<16xf32> to vector<16xf32>
      %swap3A_934 = vector.shape_cast %scan3A_925#1 : vector<16xf32> to vector<16xf32>
      tpu.vector_store %arg15[%swap3A_931], %swap3A_934 {strides = array<i32>} : memref<3840xf32, #tpu.memory_space<vmem>>, vector<16xf32>,
      %swap3A_935 = arith.constant 1952 : index
      %swap3A_936 = tpu.vector_load %arg15[%swap3A_935] {strides = array<i32>} : memref<3840xf32, #tpu.memory_space<vmem>>, vector<16xf32>,
      %swap3A_937 = vector.shape_cast %swap3A_936 : vector<16xf32> to vector<16xf32>
      %swap3A_938 = vector.shape_cast %scan3A_925#2 : vector<16xf32> to vector<16xf32>
      tpu.vector_store %arg15[%swap3A_935], %swap3A_938 {strides = array<i32>} : memref<3840xf32, #tpu.memory_space<vmem>>, vector<16xf32>,
      %swap3A_939 = arith.constant 1968 : index
      %swap3A_940 = tpu.vector_load %arg15[%swap3A_939] {strides = array<i32>} : memref<3840xf32, #tpu.memory_space<vmem>>, vector<16xf32>,
      %swap3A_941 = vector.shape_cast %swap3A_940 : vector<16xf32> to vector<16xf32>
      %swap3A_942 = vector.shape_cast %scan3A_925#3 : vector<16xf32> to vector<16xf32>
      tpu.vector_store %arg15[%swap3A_939], %swap3A_942 {strides = array<i32>} : memref<3840xf32, #tpu.memory_space<vmem>>, vector<16xf32>,
      %swap3A_943 = arith.constant 1984 : index
      %swap3A_944 = tpu.vector_load %arg15[%swap3A_943] {strides = array<i32>} : memref<3840xf32, #tpu.memory_space<vmem>>, vector<16xf32>,
      %swap3A_945 = vector.shape_cast %swap3A_944 : vector<16xf32> to vector<16xf32>
      %swap3A_946 = vector.shape_cast %scan3A_925#4 : vector<16xf32> to vector<16xf32>
      tpu.vector_store %arg15[%swap3A_943], %swap3A_946 {strides = array<i32>} : memref<3840xf32, #tpu.memory_space<vmem>>, vector<16xf32>,
      %swap3A_947 = arith.constant 2000 : index
      %swap3A_948 = tpu.vector_load %arg15[%swap3A_947] {strides = array<i32>} : memref<3840xf32, #tpu.memory_space<vmem>>, vector<16xf32>,
      %swap3A_949 = vector.shape_cast %swap3A_948 : vector<16xf32> to vector<16xf32>
      %swap3A_950 = vector.shape_cast %scan3A_925#5 : vector<16xf32> to vector<16xf32>
      tpu.vector_store %arg15[%swap3A_947], %swap3A_950 {strides = array<i32>} : memref<3840xf32, #tpu.memory_space<vmem>>, vector<16xf32>,
      %swap3A_951 = arith.constant 2016 : index
      %swap3A_952 = tpu.vector_load %arg15[%swap3A_951] {strides = array<i32>} : memref<3840xf32, #tpu.memory_space<vmem>>, vector<16xf32>,
      %swap3A_953 = vector.shape_cast %swap3A_952 : vector<16xf32> to vector<16xf32>
      %swap3A_954 = vector.shape_cast %scan3A_925#6 : vector<16xf32> to vector<16xf32>
      tpu.vector_store %arg15[%swap3A_951], %swap3A_954 {strides = array<i32>} : memref<3840xf32, #tpu.memory_space<vmem>>, vector<16xf32>,
      %swap3A_955 = arith.constant 2032 : index
      %swap3A_956 = tpu.vector_load %arg15[%swap3A_955] {strides = array<i32>} : memref<3840xf32, #tpu.memory_space<vmem>>, vector<16xf32>,
      %swap3A_957 = vector.shape_cast %swap3A_956 : vector<16xf32> to vector<16xf32>
      %swap3A_958 = vector.shape_cast %scan3A_925#7 : vector<16xf32> to vector<16xf32>
      tpu.vector_store %arg15[%swap3A_955], %swap3A_958 {strides = array<i32>} : memref<3840xf32, #tpu.memory_space<vmem>>, vector<16xf32>,
      %swap3A_959 = arith.constant 2048 : index
      %swap3A_960 = tpu.vector_load %arg15[%swap3A_959] {strides = array<i32>} : memref<3840xf32, #tpu.memory_space<vmem>>, vector<16xf32>,
      %swap3A_961 = vector.shape_cast %swap3A_960 : vector<16xf32> to vector<16xf32>
      %swap3A_962 = vector.shape_cast %scan3A_925#8 : vector<16xf32> to vector<16xf32>
      tpu.vector_store %arg15[%swap3A_959], %swap3A_962 {strides = array<i32>} : memref<3840xf32, #tpu.memory_space<vmem>>, vector<16xf32>,
      %swap3A_963 = arith.constant 2064 : index
      %swap3A_964 = tpu.vector_load %arg15[%swap3A_963] {strides = array<i32>} : memref<3840xf32, #tpu.memory_space<vmem>>, vector<16xf32>,
      %swap3A_965 = vector.shape_cast %swap3A_964 : vector<16xf32> to vector<16xf32>
      %swap3A_966 = vector.shape_cast %scan3A_925#9 : vector<16xf32> to vector<16xf32>
      tpu.vector_store %arg15[%swap3A_963], %swap3A_966 {strides = array<i32>} : memref<3840xf32, #tpu.memory_space<vmem>>, vector<16xf32>,
      %swap3A_967 = arith.constant 2080 : index
      %swap3A_968 = tpu.vector_load %arg15[%swap3A_967] {strides = array<i32>} : memref<3840xf32, #tpu.memory_space<vmem>>, vector<16xf32>,
      %swap3A_969 = vector.shape_cast %swap3A_968 : vector<16xf32> to vector<16xf32>
      %swap3A_970 = vector.shape_cast %scan3A_925#10 : vector<16xf32> to vector<16xf32>
      tpu.vector_store %arg15[%swap3A_967], %swap3A_970 {strides = array<i32>} : memref<3840xf32, #tpu.memory_space<vmem>>, vector<16xf32>,
      %swap3A_971 = arith.constant 2096 : index
      %swap3A_972 = tpu.vector_load %arg15[%swap3A_971] {strides = array<i32>} : memref<3840xf32, #tpu.memory_space<vmem>>, vector<16xf32>,
      %swap3A_973 = vector.shape_cast %swap3A_972 : vector<16xf32> to vector<16xf32>
      %swap3A_974 = vector.shape_cast %scan3A_925#11 : vector<16xf32> to vector<16xf32>
      tpu.vector_store %arg15[%swap3A_971], %swap3A_974 {strides = array<i32>} : memref<3840xf32, #tpu.memory_space<vmem>>, vector<16xf32>,
      %swap3A_975 = arith.constant 2112 : index
      %swap3A_976 = tpu.vector_load %arg15[%swap3A_975] {strides = array<i32>} : memref<3840xf32, #tpu.memory_space<vmem>>, vector<16xf32>,
      %swap3A_977 = vector.shape_cast %swap3A_976 : vector<16xf32> to vector<16xf32>
      %swap3A_978 = vector.shape_cast %scan3A_925#12 : vector<16xf32> to vector<16xf32>
      tpu.vector_store %arg15[%swap3A_975], %swap3A_978 {strides = array<i32>} : memref<3840xf32, #tpu.memory_space<vmem>>, vector<16xf32>,
      %swap3A_979 = arith.constant 2128 : index
      %swap3A_980 = tpu.vector_load %arg15[%swap3A_979] {strides = array<i32>} : memref<3840xf32, #tpu.memory_space<vmem>>, vector<16xf32>,
      %swap3A_981 = vector.shape_cast %swap3A_980 : vector<16xf32> to vector<16xf32>
      %swap3A_982 = vector.shape_cast %scan3A_925#13 : vector<16xf32> to vector<16xf32>
      tpu.vector_store %arg15[%swap3A_979], %swap3A_982 {strides = array<i32>} : memref<3840xf32, #tpu.memory_space<vmem>>, vector<16xf32>,
      %swap3A_983 = arith.constant 2144 : index
      %swap3A_984 = tpu.vector_load %arg15[%swap3A_983] {strides = array<i32>} : memref<3840xf32, #tpu.memory_space<vmem>>, vector<16xf32>,
      %swap3A_985 = vector.shape_cast %swap3A_984 : vector<16xf32> to vector<16xf32>
      %swap3A_986 = vector.shape_cast %scan3A_925#14 : vector<16xf32> to vector<16xf32>
      tpu.vector_store %arg15[%swap3A_983], %swap3A_986 {strides = array<i32>} : memref<3840xf32, #tpu.memory_space<vmem>>, vector<16xf32>,
      %swap3A_987 = arith.constant 2160 : index
      %swap3A_988 = tpu.vector_load %arg15[%swap3A_987] {strides = array<i32>} : memref<3840xf32, #tpu.memory_space<vmem>>, vector<16xf32>,
      %swap3A_989 = vector.shape_cast %swap3A_988 : vector<16xf32> to vector<16xf32>
      %swap3A_990 = vector.shape_cast %scan3A_925#15 : vector<16xf32> to vector<16xf32>
      tpu.vector_store %arg15[%swap3A_987], %swap3A_990 {strides = array<i32>} : memref<3840xf32, #tpu.memory_space<vmem>>, vector<16xf32>,
      %swap3A_991 = arith.constant 2176 : index
      %swap3A_992 = tpu.vector_load %arg15[%swap3A_991] {strides = array<i32>} : memref<3840xf32, #tpu.memory_space<vmem>>, vector<16xf32>,
      %swap3A_993 = vector.shape_cast %swap3A_992 : vector<16xf32> to vector<16xf32>
      %swap3A_994 = vector.shape_cast %scan3A_925#16 : vector<16xf32> to vector<16xf32>
      tpu.vector_store %arg15[%swap3A_991], %swap3A_994 {strides = array<i32>} : memref<3840xf32, #tpu.memory_space<vmem>>, vector<16xf32>,
      %swap3A_995 = arith.constant 2192 : index
      %swap3A_996 = tpu.vector_load %arg15[%swap3A_995] {strides = array<i32>} : memref<3840xf32, #tpu.memory_space<vmem>>, vector<16xf32>,
      %swap3A_997 = vector.shape_cast %swap3A_996 : vector<16xf32> to vector<16xf32>
      %swap3A_998 = vector.shape_cast %scan3A_925#17 : vector<16xf32> to vector<16xf32>
      tpu.vector_store %arg15[%swap3A_995], %swap3A_998 {strides = array<i32>} : memref<3840xf32, #tpu.memory_space<vmem>>, vector<16xf32>,
      %swap3A_999 = arith.constant 2208 : index
      %swap3A_1000 = tpu.vector_load %arg15[%swap3A_999] {strides = array<i32>} : memref<3840xf32, #tpu.memory_space<vmem>>, vector<16xf32>,
      %swap3A_1001 = vector.shape_cast %swap3A_1000 : vector<16xf32> to vector<16xf32>
      %swap3A_1002 = vector.shape_cast %scan3A_925#18 : vector<16xf32> to vector<16xf32>
      tpu.vector_store %arg15[%swap3A_999], %swap3A_1002 {strides = array<i32>} : memref<3840xf32, #tpu.memory_space<vmem>>, vector<16xf32>,
      %swap3A_1003 = arith.constant 2224 : index
      %swap3A_1004 = tpu.vector_load %arg15[%swap3A_1003] {strides = array<i32>} : memref<3840xf32, #tpu.memory_space<vmem>>, vector<16xf32>,
      %swap3A_1005 = vector.shape_cast %swap3A_1004 : vector<16xf32> to vector<16xf32>
      %swap3A_1006 = vector.shape_cast %scan3A_925#19 : vector<16xf32> to vector<16xf32>
      tpu.vector_store %arg15[%swap3A_1003], %swap3A_1006 {strides = array<i32>} : memref<3840xf32, #tpu.memory_space<vmem>>, vector<16xf32>,
      %swap3A_1007 = arith.constant 2240 : index
      %swap3A_1008 = tpu.vector_load %arg15[%swap3A_1007] {strides = array<i32>} : memref<3840xf32, #tpu.memory_space<vmem>>, vector<16xf32>,
      %swap3A_1009 = vector.shape_cast %swap3A_1008 : vector<16xf32> to vector<16xf32>
      %swap3A_1010 = vector.shape_cast %scan3A_925#20 : vector<16xf32> to vector<16xf32>
      tpu.vector_store %arg15[%swap3A_1007], %swap3A_1010 {strides = array<i32>} : memref<3840xf32, #tpu.memory_space<vmem>>, vector<16xf32>,
      %swap3A_1011 = arith.constant 2256 : index
      %swap3A_1012 = tpu.vector_load %arg15[%swap3A_1011] {strides = array<i32>} : memref<3840xf32, #tpu.memory_space<vmem>>, vector<16xf32>,
      %swap3A_1013 = vector.shape_cast %swap3A_1012 : vector<16xf32> to vector<16xf32>
      %swap3A_1014 = vector.shape_cast %scan3A_925#21 : vector<16xf32> to vector<16xf32>
      tpu.vector_store %arg15[%swap3A_1011], %swap3A_1014 {strides = array<i32>} : memref<3840xf32, #tpu.memory_space<vmem>>, vector<16xf32>,
      %swap3A_1015 = arith.constant 2272 : index
      %swap3A_1016 = tpu.vector_load %arg15[%swap3A_1015] {strides = array<i32>} : memref<3840xf32, #tpu.memory_space<vmem>>, vector<16xf32>,
      %swap3A_1017 = vector.shape_cast %swap3A_1016 : vector<16xf32> to vector<16xf32>
      %swap3A_1018 = vector.shape_cast %scan3A_925#22 : vector<16xf32> to vector<16xf32>
      tpu.vector_store %arg15[%swap3A_1015], %swap3A_1018 {strides = array<i32>} : memref<3840xf32, #tpu.memory_space<vmem>>, vector<16xf32>,
      %swap3A_1019 = arith.constant 2288 : index
      %swap3A_1020 = tpu.vector_load %arg15[%swap3A_1019] {strides = array<i32>} : memref<3840xf32, #tpu.memory_space<vmem>>, vector<16xf32>,
      %swap3A_1021 = vector.shape_cast %swap3A_1020 : vector<16xf32> to vector<16xf32>
      %swap3A_1022 = vector.shape_cast %scan3A_925#23 : vector<16xf32> to vector<16xf32>
      tpu.vector_store %arg15[%swap3A_1019], %swap3A_1022 {strides = array<i32>} : memref<3840xf32, #tpu.memory_space<vmem>>, vector<16xf32>,
      %swap3A_1023 = arith.constant 2304 : index
      %swap3A_1024 = tpu.vector_load %arg15[%swap3A_1023] {strides = array<i32>} : memref<3840xf32, #tpu.memory_space<vmem>>, vector<16xf32>,
      %swap3A_1025 = vector.shape_cast %swap3A_1024 : vector<16xf32> to vector<16xf32>
      %swap3A_1026 = vector.shape_cast %scan3A_925#24 : vector<16xf32> to vector<16xf32>
      tpu.vector_store %arg15[%swap3A_1023], %swap3A_1026 {strides = array<i32>} : memref<3840xf32, #tpu.memory_space<vmem>>, vector<16xf32>,
      %swap3A_1027 = arith.constant 2320 : index
      %swap3A_1028 = tpu.vector_load %arg15[%swap3A_1027] {strides = array<i32>} : memref<3840xf32, #tpu.memory_space<vmem>>, vector<16xf32>,
      %swap3A_1029 = vector.shape_cast %swap3A_1028 : vector<16xf32> to vector<16xf32>
      %swap3A_1030 = vector.shape_cast %scan3A_925#25 : vector<16xf32> to vector<16xf32>
      tpu.vector_store %arg15[%swap3A_1027], %swap3A_1030 {strides = array<i32>} : memref<3840xf32, #tpu.memory_space<vmem>>, vector<16xf32>,
      %swap3A_1031 = arith.constant 2336 : index
      %swap3A_1032 = tpu.vector_load %arg15[%swap3A_1031] {strides = array<i32>} : memref<3840xf32, #tpu.memory_space<vmem>>, vector<16xf32>,
      %swap3A_1033 = vector.shape_cast %swap3A_1032 : vector<16xf32> to vector<16xf32>
      %swap3A_1034 = vector.shape_cast %scan3A_925#26 : vector<16xf32> to vector<16xf32>
      tpu.vector_store %arg15[%swap3A_1031], %swap3A_1034 {strides = array<i32>} : memref<3840xf32, #tpu.memory_space<vmem>>, vector<16xf32>,
      %swap3A_1035 = arith.constant 2352 : index
      %swap3A_1036 = tpu.vector_load %arg15[%swap3A_1035] {strides = array<i32>} : memref<3840xf32, #tpu.memory_space<vmem>>, vector<16xf32>,
      %swap3A_1037 = vector.shape_cast %swap3A_1036 : vector<16xf32> to vector<16xf32>
      %swap3A_1038 = vector.shape_cast %scan3A_925#27 : vector<16xf32> to vector<16xf32>
      tpu.vector_store %arg15[%swap3A_1035], %swap3A_1038 {strides = array<i32>} : memref<3840xf32, #tpu.memory_space<vmem>>, vector<16xf32>,
      %swap3A_1039 = arith.constant 2368 : index
      %swap3A_1040 = tpu.vector_load %arg15[%swap3A_1039] {strides = array<i32>} : memref<3840xf32, #tpu.memory_space<vmem>>, vector<16xf32>,
      %swap3A_1041 = vector.shape_cast %swap3A_1040 : vector<16xf32> to vector<16xf32>
      %swap3A_1042 = vector.shape_cast %scan3A_925#28 : vector<16xf32> to vector<16xf32>
      tpu.vector_store %arg15[%swap3A_1039], %swap3A_1042 {strides = array<i32>} : memref<3840xf32, #tpu.memory_space<vmem>>, vector<16xf32>,
      %swap3A_1043 = arith.constant 2384 : index
      %swap3A_1044 = tpu.vector_load %arg15[%swap3A_1043] {strides = array<i32>} : memref<3840xf32, #tpu.memory_space<vmem>>, vector<16xf32>,
      %swap3A_1045 = vector.shape_cast %swap3A_1044 : vector<16xf32> to vector<16xf32>
      %swap3A_1046 = vector.shape_cast %scan3A_925#29 : vector<16xf32> to vector<16xf32>
      tpu.vector_store %arg15[%swap3A_1043], %swap3A_1046 {strides = array<i32>} : memref<3840xf32, #tpu.memory_space<vmem>>, vector<16xf32>,
      %swap3A_1047 = arith.constant 2400 : index
      %swap3A_1048 = tpu.vector_load %arg15[%swap3A_1047] {strides = array<i32>} : memref<3840xf32, #tpu.memory_space<vmem>>, vector<16xf32>,
      %swap3A_1049 = vector.shape_cast %swap3A_1048 : vector<16xf32> to vector<16xf32>
      %swap3A_1050 = vector.shape_cast %scan3A_925#30 : vector<16xf32> to vector<16xf32>
      tpu.vector_store %arg15[%swap3A_1047], %swap3A_1050 {strides = array<i32>} : memref<3840xf32, #tpu.memory_space<vmem>>, vector<16xf32>,
      %swap3A_1051 = arith.constant 2416 : index
      %swap3A_1052 = tpu.vector_load %arg15[%swap3A_1051] {strides = array<i32>} : memref<3840xf32, #tpu.memory_space<vmem>>, vector<16xf32>,
      %swap3A_1053 = vector.shape_cast %swap3A_1052 : vector<16xf32> to vector<16xf32>
      %swap3A_1054 = vector.shape_cast %scan3A_925#31 : vector<16xf32> to vector<16xf32>
      tpu.vector_store %arg15[%swap3A_1051], %swap3A_1054 {strides = array<i32>} : memref<3840xf32, #tpu.memory_space<vmem>>, vector<16xf32>,
      %broadcast_in_dim3A_1055 = arith.constant 0.000000e+00 : f32
      %broadcast_in_dim3A_1056 = vector.broadcast %broadcast_in_dim3A_1055 : f32 to vector<16xf32>
      %broadcast_in_dim3A_1057 = arith.constant 0.000000e+00 : f32
      %broadcast_in_dim3A_1058 = vector.broadcast %broadcast_in_dim3A_1057 : f32 to vector<16xf32>
      %broadcast_in_dim3A_1059 = arith.constant 0.000000e+00 : f32
      %broadcast_in_dim3A_1060 = vector.broadcast %broadcast_in_dim3A_1059 : f32 to vector<16xf32>
      %broadcast_in_dim3A_1061 = arith.constant 0.000000e+00 : f32
      %broadcast_in_dim3A_1062 = vector.broadcast %broadcast_in_dim3A_1061 : f32 to vector<16xf32>
      %broadcast_in_dim3A_1063 = arith.constant 0.000000e+00 : f32
      %broadcast_in_dim3A_1064 = vector.broadcast %broadcast_in_dim3A_1063 : f32 to vector<16xf32>
      %broadcast_in_dim3A_1065 = arith.constant 0.000000e+00 : f32
      %broadcast_in_dim3A_1066 = vector.broadcast %broadcast_in_dim3A_1065 : f32 to vector<16xf32>
      %broadcast_in_dim3A_1067 = arith.constant 0.000000e+00 : f32
      %broadcast_in_dim3A_1068 = vector.broadcast %broadcast_in_dim3A_1067 : f32 to vector<16xf32>
      %broadcast_in_dim3A_1069 = arith.constant 0.000000e+00 : f32
      %broadcast_in_dim3A_1070 = vector.broadcast %broadcast_in_dim3A_1069 : f32 to vector<16xf32>
      %broadcast_in_dim3A_1071 = arith.constant 0.000000e+00 : f32
      %broadcast_in_dim3A_1072 = vector.broadcast %broadcast_in_dim3A_1071 : f32 to vector<16xf32>
      %broadcast_in_dim3A_1073 = arith.constant 0.000000e+00 : f32
      %broadcast_in_dim3A_1074 = vector.broadcast %broadcast_in_dim3A_1073 : f32 to vector<16xf32>
      %broadcast_in_dim3A_1075 = arith.constant 0.000000e+00 : f32
      %broadcast_in_dim3A_1076 = vector.broadcast %broadcast_in_dim3A_1075 : f32 to vector<16xf32>
      %broadcast_in_dim3A_1077 = arith.constant 0.000000e+00 : f32
      %broadcast_in_dim3A_1078 = vector.broadcast %broadcast_in_dim3A_1077 : f32 to vector<16xf32>
      %broadcast_in_dim3A_1079 = arith.constant 0.000000e+00 : f32
      %broadcast_in_dim3A_1080 = vector.broadcast %broadcast_in_dim3A_1079 : f32 to vector<16xf32>
      %broadcast_in_dim3A_1081 = arith.constant 0.000000e+00 : f32
      %broadcast_in_dim3A_1082 = vector.broadcast %broadcast_in_dim3A_1081 : f32 to vector<16xf32>
      %broadcast_in_dim3A_1083 = arith.constant 0.000000e+00 : f32
      %broadcast_in_dim3A_1084 = vector.broadcast %broadcast_in_dim3A_1083 : f32 to vector<16xf32>
      %broadcast_in_dim3A_1085 = arith.constant 0.000000e+00 : f32
      %broadcast_in_dim3A_1086 = vector.broadcast %broadcast_in_dim3A_1085 : f32 to vector<16xf32>
      %broadcast_in_dim3A_1087 = arith.constant 0.000000e+00 : f32
      %broadcast_in_dim3A_1088 = vector.broadcast %broadcast_in_dim3A_1087 : f32 to vector<16xf32>
      %broadcast_in_dim3A_1089 = arith.constant 0.000000e+00 : f32
      %broadcast_in_dim3A_1090 = vector.broadcast %broadcast_in_dim3A_1089 : f32 to vector<16xf32>
      %broadcast_in_dim3A_1091 = arith.constant 0.000000e+00 : f32
      %broadcast_in_dim3A_1092 = vector.broadcast %broadcast_in_dim3A_1091 : f32 to vector<16xf32>
      %broadcast_in_dim3A_1093 = arith.constant 0.000000e+00 : f32
      %broadcast_in_dim3A_1094 = vector.broadcast %broadcast_in_dim3A_1093 : f32 to vector<16xf32>
      %broadcast_in_dim3A_1095 = arith.constant 0.000000e+00 : f32
      %broadcast_in_dim3A_1096 = vector.broadcast %broadcast_in_dim3A_1095 : f32 to vector<16xf32>
      %broadcast_in_dim3A_1097 = arith.constant 0.000000e+00 : f32
      %broadcast_in_dim3A_1098 = vector.broadcast %broadcast_in_dim3A_1097 : f32 to vector<16xf32>
      %broadcast_in_dim3A_1099 = arith.constant 0.000000e+00 : f32
      %broadcast_in_dim3A_1100 = vector.broadcast %broadcast_in_dim3A_1099 : f32 to vector<16xf32>
      %broadcast_in_dim3A_1101 = arith.constant 0.000000e+00 : f32
      %broadcast_in_dim3A_1102 = vector.broadcast %broadcast_in_dim3A_1101 : f32 to vector<16xf32>
      %broadcast_in_dim3A_1103 = arith.constant 0.000000e+00 : f32
      %broadcast_in_dim3A_1104 = vector.broadcast %broadcast_in_dim3A_1103 : f32 to vector<16xf32>
      %broadcast_in_dim3A_1105 = arith.constant 0.000000e+00 : f32
      %broadcast_in_dim3A_1106 = vector.broadcast %broadcast_in_dim3A_1105 : f32 to vector<16xf32>
      %broadcast_in_dim3A_1107 = arith.constant 0.000000e+00 : f32
      %broadcast_in_dim3A_1108 = vector.broadcast %broadcast_in_dim3A_1107 : f32 to vector<16xf32>
      %broadcast_in_dim3A_1109 = arith.constant 0.000000e+00 : f32
      %broadcast_in_dim3A_1110 = vector.broadcast %broadcast_in_dim3A_1109 : f32 to vector<16xf32>
      %broadcast_in_dim3A_1111 = arith.constant 0.000000e+00 : f32
      %broadcast_in_dim3A_1112 = vector.broadcast %broadcast_in_dim3A_1111 : f32 to vector<16xf32>
      %broadcast_in_dim3A_1113 = arith.constant 0.000000e+00 : f32
      %broadcast_in_dim3A_1114 = vector.broadcast %broadcast_in_dim3A_1113 : f32 to vector<16xf32>
      %broadcast_in_dim3A_1115 = arith.constant 0.000000e+00 : f32
      %broadcast_in_dim3A_1116 = vector.broadcast %broadcast_in_dim3A_1115 : f32 to vector<16xf32>
      %broadcast_in_dim3A_1117 = arith.constant 0.000000e+00 : f32
      %broadcast_in_dim3A_1118 = vector.broadcast %broadcast_in_dim3A_1117 : f32 to vector<16xf32>
      %scan3A_1119 = arith.constant 0 : i32
      %scan3A_1120 = arith.constant 30 : i32
      %scan3A_1121 = arith.addi %scan3A_1119, %scan3A_1120 : i32
      %scan3A_1122 = arith.constant 1 : i32
      %scan3A_1123:32 = scf.for %scan3A_2482 = %scan3A_1119 to %scan3A_1121 step %scan3A_1122 iter_args(%scan3A_2483 = %broadcast_in_dim3A_1056, %scan3A_2484 = %broadcast_in_dim3A_1058, %scan3A_2485 = %broadcast_in_dim3A_1060, %scan3A_2486 = %broadcast_in_dim3A_1062, %scan3A_2487 = %broadcast_in_dim3A_1064, %scan3A_2488 = %broadcast_in_dim3A_1066, %scan3A_2489 = %broadcast_in_dim3A_1068, %scan3A_2490 = %broadcast_in_dim3A_1070, %scan3A_2491 = %broadcast_in_dim3A_1072, %scan3A_2492 = %broadcast_in_dim3A_1074, %scan3A_2493 = %broadcast_in_dim3A_1076, %scan3A_2494 = %broadcast_in_dim3A_1078, %scan3A_2495 = %broadcast_in_dim3A_1080, %scan3A_2496 = %broadcast_in_dim3A_1082, %scan3A_2497 = %broadcast_in_dim3A_1084, %scan3A_2498 = %broadcast_in_dim3A_1086, %scan3A_2499 = %broadcast_in_dim3A_1088, %scan3A_2500 = %broadcast_in_dim3A_1090, %scan3A_2501 = %broadcast_in_dim3A_1092, %scan3A_2502 = %broadcast_in_dim3A_1094, %scan3A_2503 = %broadcast_in_dim3A_1096, %scan3A_2504 = %broadcast_in_dim3A_1098, %scan3A_2505 = %broadcast_in_dim3A_1100, %scan3A_2506 = %broadcast_in_dim3A_1102, %scan3A_2507 = %broadcast_in_dim3A_1104, %scan3A_2508 = %broadcast_in_dim3A_1106, %scan3A_2509 = %broadcast_in_dim3A_1108, %scan3A_2510 = %broadcast_in_dim3A_1110, %scan3A_2511 = %broadcast_in_dim3A_1112, %scan3A_2512 = %broadcast_in_dim3A_1114, %scan3A_2513 = %broadcast_in_dim3A_1116, %scan3A_2514 = %broadcast_in_dim3A_1118) -> (vector<16xf32>, vector<16xf32>, vector<16xf32>, vector<16xf32>, vector<16xf32>, vector<16xf32>, vector<16xf32>, vector<16xf32>, vector<16xf32>, vector<16xf32>, vector<16xf32>, vector<16xf32>, vector<16xf32>, vector<16xf32>, vector<16xf32>, vector<16xf32>, vector<16xf32>, vector<16xf32>, vector<16xf32>, vector<16xf32>, vector<16xf32>, vector<16xf32>, vector<16xf32>, vector<16xf32>, vector<16xf32>, vector<16xf32>, vector<16xf32>, vector<16xf32>, vector<16xf32>, vector<16xf32>, vector<16xf32>, vector<16xf32>)  : i32 {
        %mul3A_2515 = arith.constant 30 : i32
        %mul3A_2516 = arith.muli %add3A_828, %mul3A_2515 : i32
        %add3A_2517 = arith.addi %mul3A_2516, %scan3A_2482 : i32
        %get3A_2518 = arith.index_cast %add3A_2517 : i32 to index
        %get3A_2519 = arith.constant 0 : index
        %get3A_2520 = tpu.vector_load %arg9[%get3A_2518, %get3A_2519] {strides = array<i32>} : memref<240x128xf32, #tpu.memory_space<vmem>>, vector<1x16xf32>,
        %get3A_2521 = vector.shape_cast %get3A_2520 : vector<1x16xf32> to vector<16xf32>
        %mul3A_2522 = arith.constant 30 : i32
        %mul3A_2523 = arith.muli %add3A_828, %mul3A_2522 : i32
        %add3A_2524 = arith.addi %mul3A_2523, %scan3A_2482 : i32
        %get3A_2525 = arith.index_cast %add3A_2524 : i32 to index
        %get3A_2526 = arith.constant 16 : index
        %get3A_2527 = tpu.vector_load %arg9[%get3A_2525, %get3A_2526] {strides = array<i32>} : memref<240x128xf32, #tpu.memory_space<vmem>>, vector<1x16xf32>,
        %get3A_2528 = vector.shape_cast %get3A_2527 : vector<1x16xf32> to vector<16xf32>
        %mul3A_2529 = arith.constant 30 : i32
        %mul3A_2530 = arith.muli %add3A_828, %mul3A_2529 : i32
        %add3A_2531 = arith.addi %mul3A_2530, %scan3A_2482 : i32
        %get3A_2532 = arith.index_cast %add3A_2531 : i32 to index
        %get3A_2533 = arith.constant 32 : index
        %get3A_2534 = tpu.vector_load %arg9[%get3A_2532, %get3A_2533] {strides = array<i32>} : memref<240x128xf32, #tpu.memory_space<vmem>>, vector<1x16xf32>,
        %get3A_2535 = vector.shape_cast %get3A_2534 : vector<1x16xf32> to vector<16xf32>
        %mul3A_2536 = arith.constant 30 : i32
        %mul3A_2537 = arith.muli %add3A_828, %mul3A_2536 : i32
        %add3A_2538 = arith.addi %mul3A_2537, %scan3A_2482 : i32
        %get3A_2539 = arith.index_cast %add3A_2538 : i32 to index
        %get3A_2540 = arith.constant 48 : index
        %get3A_2541 = tpu.vector_load %arg9[%get3A_2539, %get3A_2540] {strides = array<i32>} : memref<240x128xf32, #tpu.memory_space<vmem>>, vector<1x16xf32>,
        %get3A_2542 = vector.shape_cast %get3A_2541 : vector<1x16xf32> to vector<16xf32>
        %mul3A_2543 = arith.constant 30 : i32
        %mul3A_2544 = arith.muli %scan3A_2482, %mul3A_2543 : i32
        %add3A_2545 = arith.constant 8 : i32
        %add3A_2546 = arith.addi %mul3A_2544, %add3A_2545 : i32
        %get3A_2547 = arith.index_cast %add3A_2546 : i32 to index
        %get3A_2548 = tpu.vector_load %arg14[%get3A_2547] {strides = array<i32>} : memref<916xf32, #tpu.memory_space<vmem>>, vector<16xf32>,
        %get3A_2549 = vector.shape_cast %get3A_2548 : vector<16xf32> to vector<16xf32>
        %slice3A = vector.extract_strided_slice %get3A_2549 {offsets = [0], sizes = [1], strides = [1]} : vector<16xf32> to vector<1xf32>
        %squeeze3A = vector.extract %slice3A[0] : f32 from vector<1xf32>
        %mul3A_2550 = vector.broadcast %squeeze3A : f32 to vector<16xf32>
        %mul3A_2551 = arith.mulf %mul3A_2550, %get3A_2521 : vector<16xf32>
        %add3A_2552 = arith.addf %scan3A_2483, %mul3A_2551 : vector<16xf32>
        %mul3A_2553 = vector.broadcast %squeeze3A : f32 to vector<16xf32>
        %mul3A_2554 = arith.mulf %mul3A_2553, %get3A_2528 : vector<16xf32>
        %add3A_2555 = arith.addf %scan3A_2484, %mul3A_2554 : vector<16xf32>
        %mul3A_2556 = vector.broadcast %squeeze3A : f32 to vector<16xf32>
        %mul3A_2557 = arith.mulf %mul3A_2556, %get3A_2535 : vector<16xf32>
        %add3A_2558 = arith.addf %scan3A_2485, %mul3A_2557 : vector<16xf32>
        %mul3A_2559 = vector.broadcast %squeeze3A : f32 to vector<16xf32>
        %mul3A_2560 = arith.mulf %mul3A_2559, %get3A_2542 : vector<16xf32>
        %add3A_2561 = arith.addf %scan3A_2486, %mul3A_2560 : vector<16xf32>
        %slice3A_2562 = vector.extract_strided_slice %get3A_2549 {offsets = [1], sizes = [1], strides = [1]} : vector<16xf32> to vector<1xf32>
        %squeeze3A_2563 = vector.extract %slice3A_2562[0] : f32 from vector<1xf32>
        %mul3A_2564 = vector.broadcast %squeeze3A_2563 : f32 to vector<16xf32>
        %mul3A_2565 = arith.mulf %mul3A_2564, %get3A_2521 : vector<16xf32>
        %add3A_2566 = arith.addf %scan3A_2487, %mul3A_2565 : vector<16xf32>
        %mul3A_2567 = vector.broadcast %squeeze3A_2563 : f32 to vector<16xf32>
        %mul3A_2568 = arith.mulf %mul3A_2567, %get3A_2528 : vector<16xf32>
        %add3A_2569 = arith.addf %scan3A_2488, %mul3A_2568 : vector<16xf32>
        %mul3A_2570 = vector.broadcast %squeeze3A_2563 : f32 to vector<16xf32>
        %mul3A_2571 = arith.mulf %mul3A_2570, %get3A_2535 : vector<16xf32>
        %add3A_2572 = arith.addf %scan3A_2489, %mul3A_2571 : vector<16xf32>
        %mul3A_2573 = vector.broadcast %squeeze3A_2563 : f32 to vector<16xf32>
        %mul3A_2574 = arith.mulf %mul3A_2573, %get3A_2542 : vector<16xf32>
        %add3A_2575 = arith.addf %scan3A_2490, %mul3A_2574 : vector<16xf32>
        %slice3A_2576 = vector.extract_strided_slice %get3A_2549 {offsets = [2], sizes = [1], strides = [1]} : vector<16xf32> to vector<1xf32>
        %squeeze3A_2577 = vector.extract %slice3A_2576[0] : f32 from vector<1xf32>
        %mul3A_2578 = vector.broadcast %squeeze3A_2577 : f32 to vector<16xf32>
        %mul3A_2579 = arith.mulf %mul3A_2578, %get3A_2521 : vector<16xf32>
        %add3A_2580 = arith.addf %scan3A_2491, %mul3A_2579 : vector<16xf32>
        %mul3A_2581 = vector.broadcast %squeeze3A_2577 : f32 to vector<16xf32>
        %mul3A_2582 = arith.mulf %mul3A_2581, %get3A_2528 : vector<16xf32>
        %add3A_2583 = arith.addf %scan3A_2492, %mul3A_2582 : vector<16xf32>
        %mul3A_2584 = vector.broadcast %squeeze3A_2577 : f32 to vector<16xf32>
        %mul3A_2585 = arith.mulf %mul3A_2584, %get3A_2535 : vector<16xf32>
        %add3A_2586 = arith.addf %scan3A_2493, %mul3A_2585 : vector<16xf32>
        %mul3A_2587 = vector.broadcast %squeeze3A_2577 : f32 to vector<16xf32>
        %mul3A_2588 = arith.mulf %mul3A_2587, %get3A_2542 : vector<16xf32>
        %add3A_2589 = arith.addf %scan3A_2494, %mul3A_2588 : vector<16xf32>
        %slice3A_2590 = vector.extract_strided_slice %get3A_2549 {offsets = [3], sizes = [1], strides = [1]} : vector<16xf32> to vector<1xf32>
        %squeeze3A_2591 = vector.extract %slice3A_2590[0] : f32 from vector<1xf32>
        %mul3A_2592 = vector.broadcast %squeeze3A_2591 : f32 to vector<16xf32>
        %mul3A_2593 = arith.mulf %mul3A_2592, %get3A_2521 : vector<16xf32>
        %add3A_2594 = arith.addf %scan3A_2495, %mul3A_2593 : vector<16xf32>
        %mul3A_2595 = vector.broadcast %squeeze3A_2591 : f32 to vector<16xf32>
        %mul3A_2596 = arith.mulf %mul3A_2595, %get3A_2528 : vector<16xf32>
        %add3A_2597 = arith.addf %scan3A_2496, %mul3A_2596 : vector<16xf32>
        %mul3A_2598 = vector.broadcast %squeeze3A_2591 : f32 to vector<16xf32>
        %mul3A_2599 = arith.mulf %mul3A_2598, %get3A_2535 : vector<16xf32>
        %add3A_2600 = arith.addf %scan3A_2497, %mul3A_2599 : vector<16xf32>
        %mul3A_2601 = vector.broadcast %squeeze3A_2591 : f32 to vector<16xf32>
        %mul3A_2602 = arith.mulf %mul3A_2601, %get3A_2542 : vector<16xf32>
        %add3A_2603 = arith.addf %scan3A_2498, %mul3A_2602 : vector<16xf32>
        %slice3A_2604 = vector.extract_strided_slice %get3A_2549 {offsets = [4], sizes = [1], strides = [1]} : vector<16xf32> to vector<1xf32>
        %squeeze3A_2605 = vector.extract %slice3A_2604[0] : f32 from vector<1xf32>
        %mul3A_2606 = vector.broadcast %squeeze3A_2605 : f32 to vector<16xf32>
        %mul3A_2607 = arith.mulf %mul3A_2606, %get3A_2521 : vector<16xf32>
        %add3A_2608 = arith.addf %scan3A_2499, %mul3A_2607 : vector<16xf32>
        %mul3A_2609 = vector.broadcast %squeeze3A_2605 : f32 to vector<16xf32>
        %mul3A_2610 = arith.mulf %mul3A_2609, %get3A_2528 : vector<16xf32>
        %add3A_2611 = arith.addf %scan3A_2500, %mul3A_2610 : vector<16xf32>
        %mul3A_2612 = vector.broadcast %squeeze3A_2605 : f32 to vector<16xf32>
        %mul3A_2613 = arith.mulf %mul3A_2612, %get3A_2535 : vector<16xf32>
        %add3A_2614 = arith.addf %scan3A_2501, %mul3A_2613 : vector<16xf32>
        %mul3A_2615 = vector.broadcast %squeeze3A_2605 : f32 to vector<16xf32>
        %mul3A_2616 = arith.mulf %mul3A_2615, %get3A_2542 : vector<16xf32>
        %add3A_2617 = arith.addf %scan3A_2502, %mul3A_2616 : vector<16xf32>
        %slice3A_2618 = vector.extract_strided_slice %get3A_2549 {offsets = [5], sizes = [1], strides = [1]} : vector<16xf32> to vector<1xf32>
        %squeeze3A_2619 = vector.extract %slice3A_2618[0] : f32 from vector<1xf32>
        %mul3A_2620 = vector.broadcast %squeeze3A_2619 : f32 to vector<16xf32>
        %mul3A_2621 = arith.mulf %mul3A_2620, %get3A_2521 : vector<16xf32>
        %add3A_2622 = arith.addf %scan3A_2503, %mul3A_2621 : vector<16xf32>
        %mul3A_2623 = vector.broadcast %squeeze3A_2619 : f32 to vector<16xf32>
        %mul3A_2624 = arith.mulf %mul3A_2623, %get3A_2528 : vector<16xf32>
        %add3A_2625 = arith.addf %scan3A_2504, %mul3A_2624 : vector<16xf32>
        %mul3A_2626 = vector.broadcast %squeeze3A_2619 : f32 to vector<16xf32>
        %mul3A_2627 = arith.mulf %mul3A_2626, %get3A_2535 : vector<16xf32>
        %add3A_2628 = arith.addf %scan3A_2505, %mul3A_2627 : vector<16xf32>
        %mul3A_2629 = vector.broadcast %squeeze3A_2619 : f32 to vector<16xf32>
        %mul3A_2630 = arith.mulf %mul3A_2629, %get3A_2542 : vector<16xf32>
        %add3A_2631 = arith.addf %scan3A_2506, %mul3A_2630 : vector<16xf32>
        %slice3A_2632 = vector.extract_strided_slice %get3A_2549 {offsets = [6], sizes = [1], strides = [1]} : vector<16xf32> to vector<1xf32>
        %squeeze3A_2633 = vector.extract %slice3A_2632[0] : f32 from vector<1xf32>
        %mul3A_2634 = vector.broadcast %squeeze3A_2633 : f32 to vector<16xf32>
        %mul3A_2635 = arith.mulf %mul3A_2634, %get3A_2521 : vector<16xf32>
        %add3A_2636 = arith.addf %scan3A_2507, %mul3A_2635 : vector<16xf32>
        %mul3A_2637 = vector.broadcast %squeeze3A_2633 : f32 to vector<16xf32>
        %mul3A_2638 = arith.mulf %mul3A_2637, %get3A_2528 : vector<16xf32>
        %add3A_2639 = arith.addf %scan3A_2508, %mul3A_2638 : vector<16xf32>
        %mul3A_2640 = vector.broadcast %squeeze3A_2633 : f32 to vector<16xf32>
        %mul3A_2641 = arith.mulf %mul3A_2640, %get3A_2535 : vector<16xf32>
        %add3A_2642 = arith.addf %scan3A_2509, %mul3A_2641 : vector<16xf32>
        %mul3A_2643 = vector.broadcast %squeeze3A_2633 : f32 to vector<16xf32>
        %mul3A_2644 = arith.mulf %mul3A_2643, %get3A_2542 : vector<16xf32>
        %add3A_2645 = arith.addf %scan3A_2510, %mul3A_2644 : vector<16xf32>
        %slice3A_2646 = vector.extract_strided_slice %get3A_2549 {offsets = [7], sizes = [1], strides = [1]} : vector<16xf32> to vector<1xf32>
        %squeeze3A_2647 = vector.extract %slice3A_2646[0] : f32 from vector<1xf32>
        %mul3A_2648 = vector.broadcast %squeeze3A_2647 : f32 to vector<16xf32>
        %mul3A_2649 = arith.mulf %mul3A_2648, %get3A_2521 : vector<16xf32>
        %add3A_2650 = arith.addf %scan3A_2511, %mul3A_2649 : vector<16xf32>
        %mul3A_2651 = vector.broadcast %squeeze3A_2647 : f32 to vector<16xf32>
        %mul3A_2652 = arith.mulf %mul3A_2651, %get3A_2528 : vector<16xf32>
        %add3A_2653 = arith.addf %scan3A_2512, %mul3A_2652 : vector<16xf32>
        %mul3A_2654 = vector.broadcast %squeeze3A_2647 : f32 to vector<16xf32>
        %mul3A_2655 = arith.mulf %mul3A_2654, %get3A_2535 : vector<16xf32>
        %add3A_2656 = arith.addf %scan3A_2513, %mul3A_2655 : vector<16xf32>
        %mul3A_2657 = vector.broadcast %squeeze3A_2647 : f32 to vector<16xf32>
        %mul3A_2658 = arith.mulf %mul3A_2657, %get3A_2542 : vector<16xf32>
        %add3A_2659 = arith.addf %scan3A_2514, %mul3A_2658 : vector<16xf32>
        scf.yield %add3A_2552, %add3A_2555, %add3A_2558, %add3A_2561, %add3A_2566, %add3A_2569, %add3A_2572, %add3A_2575, %add3A_2580, %add3A_2583, %add3A_2586, %add3A_2589, %add3A_2594, %add3A_2597, %add3A_2600, %add3A_2603, %add3A_2608, %add3A_2611, %add3A_2614, %add3A_2617, %add3A_2622, %add3A_2625, %add3A_2628, %add3A_2631, %add3A_2636, %add3A_2639, %add3A_2642, %add3A_2645, %add3A_2650, %add3A_2653, %add3A_2656, %add3A_2659 : vector<16xf32>, vector<16xf32>, vector<16xf32>, vector<16xf32>, vector<16xf32>, vector<16xf32>, vector<16xf32>, vector<16xf32>, vector<16xf32>, vector<16xf32>, vector<16xf32>, vector<16xf32>, vector<16xf32>, vector<16xf32>, vector<16xf32>, vector<16xf32>, vector<16xf32>, vector<16xf32>, vector<16xf32>, vector<16xf32>, vector<16xf32>, vector<16xf32>, vector<16xf32>, vector<16xf32>, vector<16xf32>, vector<16xf32>, vector<16xf32>, vector<16xf32>, vector<16xf32>, vector<16xf32>, vector<16xf32>, vector<16xf32>
      }
      %scan3A_1124 = arith.constant 30 : i32
      %swap3A_1125 = arith.constant 2432 : index
      %swap3A_1126 = tpu.vector_load %arg15[%swap3A_1125] {strides = array<i32>} : memref<3840xf32, #tpu.memory_space<vmem>>, vector<16xf32>,
      %swap3A_1127 = vector.shape_cast %swap3A_1126 : vector<16xf32> to vector<16xf32>
      %swap3A_1128 = vector.shape_cast %scan3A_1123#0 : vector<16xf32> to vector<16xf32>
      tpu.vector_store %arg15[%swap3A_1125], %swap3A_1128 {strides = array<i32>} : memref<3840xf32, #tpu.memory_space<vmem>>, vector<16xf32>,
      %swap3A_1129 = arith.constant 2448 : index
      %swap3A_1130 = tpu.vector_load %arg15[%swap3A_1129] {strides = array<i32>} : memref<3840xf32, #tpu.memory_space<vmem>>, vector<16xf32>,
      %swap3A_1131 = vector.shape_cast %swap3A_1130 : vector<16xf32> to vector<16xf32>
      %swap3A_1132 = vector.shape_cast %scan3A_1123#1 : vector<16xf32> to vector<16xf32>
      tpu.vector_store %arg15[%swap3A_1129], %swap3A_1132 {strides = array<i32>} : memref<3840xf32, #tpu.memory_space<vmem>>, vector<16xf32>,
      %swap3A_1133 = arith.constant 2464 : index
      %swap3A_1134 = tpu.vector_load %arg15[%swap3A_1133] {strides = array<i32>} : memref<3840xf32, #tpu.memory_space<vmem>>, vector<16xf32>,
      %swap3A_1135 = vector.shape_cast %swap3A_1134 : vector<16xf32> to vector<16xf32>
      %swap3A_1136 = vector.shape_cast %scan3A_1123#2 : vector<16xf32> to vector<16xf32>
      tpu.vector_store %arg15[%swap3A_1133], %swap3A_1136 {strides = array<i32>} : memref<3840xf32, #tpu.memory_space<vmem>>, vector<16xf32>,
      %swap3A_1137 = arith.constant 2480 : index
      %swap3A_1138 = tpu.vector_load %arg15[%swap3A_1137] {strides = array<i32>} : memref<3840xf32, #tpu.memory_space<vmem>>, vector<16xf32>,
      %swap3A_1139 = vector.shape_cast %swap3A_1138 : vector<16xf32> to vector<16xf32>
      %swap3A_1140 = vector.shape_cast %scan3A_1123#3 : vector<16xf32> to vector<16xf32>
      tpu.vector_store %arg15[%swap3A_1137], %swap3A_1140 {strides = array<i32>} : memref<3840xf32, #tpu.memory_space<vmem>>, vector<16xf32>,
      %swap3A_1141 = arith.constant 2496 : index
      %swap3A_1142 = tpu.vector_load %arg15[%swap3A_1141] {strides = array<i32>} : memref<3840xf32, #tpu.memory_space<vmem>>, vector<16xf32>,
      %swap3A_1143 = vector.shape_cast %swap3A_1142 : vector<16xf32> to vector<16xf32>
      %swap3A_1144 = vector.shape_cast %scan3A_1123#4 : vector<16xf32> to vector<16xf32>
      tpu.vector_store %arg15[%swap3A_1141], %swap3A_1144 {strides = array<i32>} : memref<3840xf32, #tpu.memory_space<vmem>>, vector<16xf32>,
      %swap3A_1145 = arith.constant 2512 : index
      %swap3A_1146 = tpu.vector_load %arg15[%swap3A_1145] {strides = array<i32>} : memref<3840xf32, #tpu.memory_space<vmem>>, vector<16xf32>,
      %swap3A_1147 = vector.shape_cast %swap3A_1146 : vector<16xf32> to vector<16xf32>
      %swap3A_1148 = vector.shape_cast %scan3A_1123#5 : vector<16xf32> to vector<16xf32>
      tpu.vector_store %arg15[%swap3A_1145], %swap3A_1148 {strides = array<i32>} : memref<3840xf32, #tpu.memory_space<vmem>>, vector<16xf32>,
      %swap3A_1149 = arith.constant 2528 : index
      %swap3A_1150 = tpu.vector_load %arg15[%swap3A_1149] {strides = array<i32>} : memref<3840xf32, #tpu.memory_space<vmem>>, vector<16xf32>,
      %swap3A_1151 = vector.shape_cast %swap3A_1150 : vector<16xf32> to vector<16xf32>
      %swap3A_1152 = vector.shape_cast %scan3A_1123#6 : vector<16xf32> to vector<16xf32>
      tpu.vector_store %arg15[%swap3A_1149], %swap3A_1152 {strides = array<i32>} : memref<3840xf32, #tpu.memory_space<vmem>>, vector<16xf32>,
      %swap3A_1153 = arith.constant 2544 : index
      %swap3A_1154 = tpu.vector_load %arg15[%swap3A_1153] {strides = array<i32>} : memref<3840xf32, #tpu.memory_space<vmem>>, vector<16xf32>,
      %swap3A_1155 = vector.shape_cast %swap3A_1154 : vector<16xf32> to vector<16xf32>
      %swap3A_1156 = vector.shape_cast %scan3A_1123#7 : vector<16xf32> to vector<16xf32>
      tpu.vector_store %arg15[%swap3A_1153], %swap3A_1156 {strides = array<i32>} : memref<3840xf32, #tpu.memory_space<vmem>>, vector<16xf32>,
      %swap3A_1157 = arith.constant 2560 : index
      %swap3A_1158 = tpu.vector_load %arg15[%swap3A_1157] {strides = array<i32>} : memref<3840xf32, #tpu.memory_space<vmem>>, vector<16xf32>,
      %swap3A_1159 = vector.shape_cast %swap3A_1158 : vector<16xf32> to vector<16xf32>
      %swap3A_1160 = vector.shape_cast %scan3A_1123#8 : vector<16xf32> to vector<16xf32>
      tpu.vector_store %arg15[%swap3A_1157], %swap3A_1160 {strides = array<i32>} : memref<3840xf32, #tpu.memory_space<vmem>>, vector<16xf32>,
      %swap3A_1161 = arith.constant 2576 : index
      %swap3A_1162 = tpu.vector_load %arg15[%swap3A_1161] {strides = array<i32>} : memref<3840xf32, #tpu.memory_space<vmem>>, vector<16xf32>,
      %swap3A_1163 = vector.shape_cast %swap3A_1162 : vector<16xf32> to vector<16xf32>
      %swap3A_1164 = vector.shape_cast %scan3A_1123#9 : vector<16xf32> to vector<16xf32>
      tpu.vector_store %arg15[%swap3A_1161], %swap3A_1164 {strides = array<i32>} : memref<3840xf32, #tpu.memory_space<vmem>>, vector<16xf32>,
      %swap3A_1165 = arith.constant 2592 : index
      %swap3A_1166 = tpu.vector_load %arg15[%swap3A_1165] {strides = array<i32>} : memref<3840xf32, #tpu.memory_space<vmem>>, vector<16xf32>,
      %swap3A_1167 = vector.shape_cast %swap3A_1166 : vector<16xf32> to vector<16xf32>
      %swap3A_1168 = vector.shape_cast %scan3A_1123#10 : vector<16xf32> to vector<16xf32>
      tpu.vector_store %arg15[%swap3A_1165], %swap3A_1168 {strides = array<i32>} : memref<3840xf32, #tpu.memory_space<vmem>>, vector<16xf32>,
      %swap3A_1169 = arith.constant 2608 : index
      %swap3A_1170 = tpu.vector_load %arg15[%swap3A_1169] {strides = array<i32>} : memref<3840xf32, #tpu.memory_space<vmem>>, vector<16xf32>,
      %swap3A_1171 = vector.shape_cast %swap3A_1170 : vector<16xf32> to vector<16xf32>
      %swap3A_1172 = vector.shape_cast %scan3A_1123#11 : vector<16xf32> to vector<16xf32>
      tpu.vector_store %arg15[%swap3A_1169], %swap3A_1172 {strides = array<i32>} : memref<3840xf32, #tpu.memory_space<vmem>>, vector<16xf32>,
      %swap3A_1173 = arith.constant 2624 : index
      %swap3A_1174 = tpu.vector_load %arg15[%swap3A_1173] {strides = array<i32>} : memref<3840xf32, #tpu.memory_space<vmem>>, vector<16xf32>,
      %swap3A_1175 = vector.shape_cast %swap3A_1174 : vector<16xf32> to vector<16xf32>
      %swap3A_1176 = vector.shape_cast %scan3A_1123#12 : vector<16xf32> to vector<16xf32>
      tpu.vector_store %arg15[%swap3A_1173], %swap3A_1176 {strides = array<i32>} : memref<3840xf32, #tpu.memory_space<vmem>>, vector<16xf32>,
      %swap3A_1177 = arith.constant 2640 : index
      %swap3A_1178 = tpu.vector_load %arg15[%swap3A_1177] {strides = array<i32>} : memref<3840xf32, #tpu.memory_space<vmem>>, vector<16xf32>,
      %swap3A_1179 = vector.shape_cast %swap3A_1178 : vector<16xf32> to vector<16xf32>
      %swap3A_1180 = vector.shape_cast %scan3A_1123#13 : vector<16xf32> to vector<16xf32>
      tpu.vector_store %arg15[%swap3A_1177], %swap3A_1180 {strides = array<i32>} : memref<3840xf32, #tpu.memory_space<vmem>>, vector<16xf32>,
      %swap3A_1181 = arith.constant 2656 : index
      %swap3A_1182 = tpu.vector_load %arg15[%swap3A_1181] {strides = array<i32>} : memref<3840xf32, #tpu.memory_space<vmem>>, vector<16xf32>,
      %swap3A_1183 = vector.shape_cast %swap3A_1182 : vector<16xf32> to vector<16xf32>
      %swap3A_1184 = vector.shape_cast %scan3A_1123#14 : vector<16xf32> to vector<16xf32>
      tpu.vector_store %arg15[%swap3A_1181], %swap3A_1184 {strides = array<i32>} : memref<3840xf32, #tpu.memory_space<vmem>>, vector<16xf32>,
      %swap3A_1185 = arith.constant 2672 : index
      %swap3A_1186 = tpu.vector_load %arg15[%swap3A_1185] {strides = array<i32>} : memref<3840xf32, #tpu.memory_space<vmem>>, vector<16xf32>,
      %swap3A_1187 = vector.shape_cast %swap3A_1186 : vector<16xf32> to vector<16xf32>
      %swap3A_1188 = vector.shape_cast %scan3A_1123#15 : vector<16xf32> to vector<16xf32>
      tpu.vector_store %arg15[%swap3A_1185], %swap3A_1188 {strides = array<i32>} : memref<3840xf32, #tpu.memory_space<vmem>>, vector<16xf32>,
      %swap3A_1189 = arith.constant 2688 : index
      %swap3A_1190 = tpu.vector_load %arg15[%swap3A_1189] {strides = array<i32>} : memref<3840xf32, #tpu.memory_space<vmem>>, vector<16xf32>,
      %swap3A_1191 = vector.shape_cast %swap3A_1190 : vector<16xf32> to vector<16xf32>
      %swap3A_1192 = vector.shape_cast %scan3A_1123#16 : vector<16xf32> to vector<16xf32>
      tpu.vector_store %arg15[%swap3A_1189], %swap3A_1192 {strides = array<i32>} : memref<3840xf32, #tpu.memory_space<vmem>>, vector<16xf32>,
      %swap3A_1193 = arith.constant 2704 : index
      %swap3A_1194 = tpu.vector_load %arg15[%swap3A_1193] {strides = array<i32>} : memref<3840xf32, #tpu.memory_space<vmem>>, vector<16xf32>,
      %swap3A_1195 = vector.shape_cast %swap3A_1194 : vector<16xf32> to vector<16xf32>
      %swap3A_1196 = vector.shape_cast %scan3A_1123#17 : vector<16xf32> to vector<16xf32>
      tpu.vector_store %arg15[%swap3A_1193], %swap3A_1196 {strides = array<i32>} : memref<3840xf32, #tpu.memory_space<vmem>>, vector<16xf32>,
      %swap3A_1197 = arith.constant 2720 : index
      %swap3A_1198 = tpu.vector_load %arg15[%swap3A_1197] {strides = array<i32>} : memref<3840xf32, #tpu.memory_space<vmem>>, vector<16xf32>,
      %swap3A_1199 = vector.shape_cast %swap3A_1198 : vector<16xf32> to vector<16xf32>
      %swap3A_1200 = vector.shape_cast %scan3A_1123#18 : vector<16xf32> to vector<16xf32>
      tpu.vector_store %arg15[%swap3A_1197], %swap3A_1200 {strides = array<i32>} : memref<3840xf32, #tpu.memory_space<vmem>>, vector<16xf32>,
      %swap3A_1201 = arith.constant 2736 : index
      %swap3A_1202 = tpu.vector_load %arg15[%swap3A_1201] {strides = array<i32>} : memref<3840xf32, #tpu.memory_space<vmem>>, vector<16xf32>,
      %swap3A_1203 = vector.shape_cast %swap3A_1202 : vector<16xf32> to vector<16xf32>
      %swap3A_1204 = vector.shape_cast %scan3A_1123#19 : vector<16xf32> to vector<16xf32>
      tpu.vector_store %arg15[%swap3A_1201], %swap3A_1204 {strides = array<i32>} : memref<3840xf32, #tpu.memory_space<vmem>>, vector<16xf32>,
      %swap3A_1205 = arith.constant 2752 : index
      %swap3A_1206 = tpu.vector_load %arg15[%swap3A_1205] {strides = array<i32>} : memref<3840xf32, #tpu.memory_space<vmem>>, vector<16xf32>,
      %swap3A_1207 = vector.shape_cast %swap3A_1206 : vector<16xf32> to vector<16xf32>
      %swap3A_1208 = vector.shape_cast %scan3A_1123#20 : vector<16xf32> to vector<16xf32>
      tpu.vector_store %arg15[%swap3A_1205], %swap3A_1208 {strides = array<i32>} : memref<3840xf32, #tpu.memory_space<vmem>>, vector<16xf32>,
      %swap3A_1209 = arith.constant 2768 : index
      %swap3A_1210 = tpu.vector_load %arg15[%swap3A_1209] {strides = array<i32>} : memref<3840xf32, #tpu.memory_space<vmem>>, vector<16xf32>,
      %swap3A_1211 = vector.shape_cast %swap3A_1210 : vector<16xf32> to vector<16xf32>
      %swap3A_1212 = vector.shape_cast %scan3A_1123#21 : vector<16xf32> to vector<16xf32>
      tpu.vector_store %arg15[%swap3A_1209], %swap3A_1212 {strides = array<i32>} : memref<3840xf32, #tpu.memory_space<vmem>>, vector<16xf32>,
      %swap3A_1213 = arith.constant 2784 : index
      %swap3A_1214 = tpu.vector_load %arg15[%swap3A_1213] {strides = array<i32>} : memref<3840xf32, #tpu.memory_space<vmem>>, vector<16xf32>,
      %swap3A_1215 = vector.shape_cast %swap3A_1214 : vector<16xf32> to vector<16xf32>
      %swap3A_1216 = vector.shape_cast %scan3A_1123#22 : vector<16xf32> to vector<16xf32>
      tpu.vector_store %arg15[%swap3A_1213], %swap3A_1216 {strides = array<i32>} : memref<3840xf32, #tpu.memory_space<vmem>>, vector<16xf32>,
      %swap3A_1217 = arith.constant 2800 : index
      %swap3A_1218 = tpu.vector_load %arg15[%swap3A_1217] {strides = array<i32>} : memref<3840xf32, #tpu.memory_space<vmem>>, vector<16xf32>,
      %swap3A_1219 = vector.shape_cast %swap3A_1218 : vector<16xf32> to vector<16xf32>
      %swap3A_1220 = vector.shape_cast %scan3A_1123#23 : vector<16xf32> to vector<16xf32>
      tpu.vector_store %arg15[%swap3A_1217], %swap3A_1220 {strides = array<i32>} : memref<3840xf32, #tpu.memory_space<vmem>>, vector<16xf32>,
      %swap3A_1221 = arith.constant 2816 : index
      %swap3A_1222 = tpu.vector_load %arg15[%swap3A_1221] {strides = array<i32>} : memref<3840xf32, #tpu.memory_space<vmem>>, vector<16xf32>,
      %swap3A_1223 = vector.shape_cast %swap3A_1222 : vector<16xf32> to vector<16xf32>
      %swap3A_1224 = vector.shape_cast %scan3A_1123#24 : vector<16xf32> to vector<16xf32>
      tpu.vector_store %arg15[%swap3A_1221], %swap3A_1224 {strides = array<i32>} : memref<3840xf32, #tpu.memory_space<vmem>>, vector<16xf32>,
      %swap3A_1225 = arith.constant 2832 : index
      %swap3A_1226 = tpu.vector_load %arg15[%swap3A_1225] {strides = array<i32>} : memref<3840xf32, #tpu.memory_space<vmem>>, vector<16xf32>,
      %swap3A_1227 = vector.shape_cast %swap3A_1226 : vector<16xf32> to vector<16xf32>
      %swap3A_1228 = vector.shape_cast %scan3A_1123#25 : vector<16xf32> to vector<16xf32>
      tpu.vector_store %arg15[%swap3A_1225], %swap3A_1228 {strides = array<i32>} : memref<3840xf32, #tpu.memory_space<vmem>>, vector<16xf32>,
      %swap3A_1229 = arith.constant 2848 : index
      %swap3A_1230 = tpu.vector_load %arg15[%swap3A_1229] {strides = array<i32>} : memref<3840xf32, #tpu.memory_space<vmem>>, vector<16xf32>,
      %swap3A_1231 = vector.shape_cast %swap3A_1230 : vector<16xf32> to vector<16xf32>
      %swap3A_1232 = vector.shape_cast %scan3A_1123#26 : vector<16xf32> to vector<16xf32>
      tpu.vector_store %arg15[%swap3A_1229], %swap3A_1232 {strides = array<i32>} : memref<3840xf32, #tpu.memory_space<vmem>>, vector<16xf32>,
      %swap3A_1233 = arith.constant 2864 : index
      %swap3A_1234 = tpu.vector_load %arg15[%swap3A_1233] {strides = array<i32>} : memref<3840xf32, #tpu.memory_space<vmem>>, vector<16xf32>,
      %swap3A_1235 = vector.shape_cast %swap3A_1234 : vector<16xf32> to vector<16xf32>
      %swap3A_1236 = vector.shape_cast %scan3A_1123#27 : vector<16xf32> to vector<16xf32>
      tpu.vector_store %arg15[%swap3A_1233], %swap3A_1236 {strides = array<i32>} : memref<3840xf32, #tpu.memory_space<vmem>>, vector<16xf32>,
      %swap3A_1237 = arith.constant 2880 : index
      %swap3A_1238 = tpu.vector_load %arg15[%swap3A_1237] {strides = array<i32>} : memref<3840xf32, #tpu.memory_space<vmem>>, vector<16xf32>,
      %swap3A_1239 = vector.shape_cast %swap3A_1238 : vector<16xf32> to vector<16xf32>
      %swap3A_1240 = vector.shape_cast %scan3A_1123#28 : vector<16xf32> to vector<16xf32>
      tpu.vector_store %arg15[%swap3A_1237], %swap3A_1240 {strides = array<i32>} : memref<3840xf32, #tpu.memory_space<vmem>>, vector<16xf32>,
      %swap3A_1241 = arith.constant 2896 : index
      %swap3A_1242 = tpu.vector_load %arg15[%swap3A_1241] {strides = array<i32>} : memref<3840xf32, #tpu.memory_space<vmem>>, vector<16xf32>,
      %swap3A_1243 = vector.shape_cast %swap3A_1242 : vector<16xf32> to vector<16xf32>
      %swap3A_1244 = vector.shape_cast %scan3A_1123#29 : vector<16xf32> to vector<16xf32>
      tpu.vector_store %arg15[%swap3A_1241], %swap3A_1244 {strides = array<i32>} : memref<3840xf32, #tpu.memory_space<vmem>>, vector<16xf32>,
      %swap3A_1245 = arith.constant 2912 : index
      %swap3A_1246 = tpu.vector_load %arg15[%swap3A_1245] {strides = array<i32>} : memref<3840xf32, #tpu.memory_space<vmem>>, vector<16xf32>,
      %swap3A_1247 = vector.shape_cast %swap3A_1246 : vector<16xf32> to vector<16xf32>
      %swap3A_1248 = vector.shape_cast %scan3A_1123#30 : vector<16xf32> to vector<16xf32>
      tpu.vector_store %arg15[%swap3A_1245], %swap3A_1248 {strides = array<i32>} : memref<3840xf32, #tpu.memory_space<vmem>>, vector<16xf32>,
      %swap3A_1249 = arith.constant 2928 : index
      %swap3A_1250 = tpu.vector_load %arg15[%swap3A_1249] {strides = array<i32>} : memref<3840xf32, #tpu.memory_space<vmem>>, vector<16xf32>,
      %swap3A_1251 = vector.shape_cast %swap3A_1250 : vector<16xf32> to vector<16xf32>
      %swap3A_1252 = vector.shape_cast %scan3A_1123#31 : vector<16xf32> to vector<16xf32>
      tpu.vector_store %arg15[%swap3A_1249], %swap3A_1252 {strides = array<i32>} : memref<3840xf32, #tpu.memory_space<vmem>>, vector<16xf32>,
      %broadcast_in_dim3A_1253 = arith.constant 0.000000e+00 : f32
      %broadcast_in_dim3A_1254 = vector.broadcast %broadcast_in_dim3A_1253 : f32 to vector<16xf32>
      %broadcast_in_dim3A_1255 = arith.constant 0.000000e+00 : f32
      %broadcast_in_dim3A_1256 = vector.broadcast %broadcast_in_dim3A_1255 : f32 to vector<16xf32>
      %broadcast_in_dim3A_1257 = arith.constant 0.000000e+00 : f32
      %broadcast_in_dim3A_1258 = vector.broadcast %broadcast_in_dim3A_1257 : f32 to vector<16xf32>
      %broadcast_in_dim3A_1259 = arith.constant 0.000000e+00 : f32
      %broadcast_in_dim3A_1260 = vector.broadcast %broadcast_in_dim3A_1259 : f32 to vector<16xf32>
      %broadcast_in_dim3A_1261 = arith.constant 0.000000e+00 : f32
      %broadcast_in_dim3A_1262 = vector.broadcast %broadcast_in_dim3A_1261 : f32 to vector<16xf32>
      %broadcast_in_dim3A_1263 = arith.constant 0.000000e+00 : f32
      %broadcast_in_dim3A_1264 = vector.broadcast %broadcast_in_dim3A_1263 : f32 to vector<16xf32>
      %broadcast_in_dim3A_1265 = arith.constant 0.000000e+00 : f32
      %broadcast_in_dim3A_1266 = vector.broadcast %broadcast_in_dim3A_1265 : f32 to vector<16xf32>
      %broadcast_in_dim3A_1267 = arith.constant 0.000000e+00 : f32
      %broadcast_in_dim3A_1268 = vector.broadcast %broadcast_in_dim3A_1267 : f32 to vector<16xf32>
      %broadcast_in_dim3A_1269 = arith.constant 0.000000e+00 : f32
      %broadcast_in_dim3A_1270 = vector.broadcast %broadcast_in_dim3A_1269 : f32 to vector<16xf32>
      %broadcast_in_dim3A_1271 = arith.constant 0.000000e+00 : f32
      %broadcast_in_dim3A_1272 = vector.broadcast %broadcast_in_dim3A_1271 : f32 to vector<16xf32>
      %broadcast_in_dim3A_1273 = arith.constant 0.000000e+00 : f32
      %broadcast_in_dim3A_1274 = vector.broadcast %broadcast_in_dim3A_1273 : f32 to vector<16xf32>
      %broadcast_in_dim3A_1275 = arith.constant 0.000000e+00 : f32
      %broadcast_in_dim3A_1276 = vector.broadcast %broadcast_in_dim3A_1275 : f32 to vector<16xf32>
      %broadcast_in_dim3A_1277 = arith.constant 0.000000e+00 : f32
      %broadcast_in_dim3A_1278 = vector.broadcast %broadcast_in_dim3A_1277 : f32 to vector<16xf32>
      %broadcast_in_dim3A_1279 = arith.constant 0.000000e+00 : f32
      %broadcast_in_dim3A_1280 = vector.broadcast %broadcast_in_dim3A_1279 : f32 to vector<16xf32>
      %broadcast_in_dim3A_1281 = arith.constant 0.000000e+00 : f32
      %broadcast_in_dim3A_1282 = vector.broadcast %broadcast_in_dim3A_1281 : f32 to vector<16xf32>
      %broadcast_in_dim3A_1283 = arith.constant 0.000000e+00 : f32
      %broadcast_in_dim3A_1284 = vector.broadcast %broadcast_in_dim3A_1283 : f32 to vector<16xf32>
      %broadcast_in_dim3A_1285 = arith.constant 0.000000e+00 : f32
      %broadcast_in_dim3A_1286 = vector.broadcast %broadcast_in_dim3A_1285 : f32 to vector<16xf32>
      %broadcast_in_dim3A_1287 = arith.constant 0.000000e+00 : f32
      %broadcast_in_dim3A_1288 = vector.broadcast %broadcast_in_dim3A_1287 : f32 to vector<16xf32>
      %broadcast_in_dim3A_1289 = arith.constant 0.000000e+00 : f32
      %broadcast_in_dim3A_1290 = vector.broadcast %broadcast_in_dim3A_1289 : f32 to vector<16xf32>
      %broadcast_in_dim3A_1291 = arith.constant 0.000000e+00 : f32
      %broadcast_in_dim3A_1292 = vector.broadcast %broadcast_in_dim3A_1291 : f32 to vector<16xf32>
      %broadcast_in_dim3A_1293 = arith.constant 0.000000e+00 : f32
      %broadcast_in_dim3A_1294 = vector.broadcast %broadcast_in_dim3A_1293 : f32 to vector<16xf32>
      %broadcast_in_dim3A_1295 = arith.constant 0.000000e+00 : f32
      %broadcast_in_dim3A_1296 = vector.broadcast %broadcast_in_dim3A_1295 : f32 to vector<16xf32>
      %broadcast_in_dim3A_1297 = arith.constant 0.000000e+00 : f32
      %broadcast_in_dim3A_1298 = vector.broadcast %broadcast_in_dim3A_1297 : f32 to vector<16xf32>
      %broadcast_in_dim3A_1299 = arith.constant 0.000000e+00 : f32
      %broadcast_in_dim3A_1300 = vector.broadcast %broadcast_in_dim3A_1299 : f32 to vector<16xf32>
      %broadcast_in_dim3A_1301 = arith.constant 0.000000e+00 : f32
      %broadcast_in_dim3A_1302 = vector.broadcast %broadcast_in_dim3A_1301 : f32 to vector<16xf32>
      %broadcast_in_dim3A_1303 = arith.constant 0.000000e+00 : f32
      %broadcast_in_dim3A_1304 = vector.broadcast %broadcast_in_dim3A_1303 : f32 to vector<16xf32>
      %broadcast_in_dim3A_1305 = arith.constant 0.000000e+00 : f32
      %broadcast_in_dim3A_1306 = vector.broadcast %broadcast_in_dim3A_1305 : f32 to vector<16xf32>
      %broadcast_in_dim3A_1307 = arith.constant 0.000000e+00 : f32
      %broadcast_in_dim3A_1308 = vector.broadcast %broadcast_in_dim3A_1307 : f32 to vector<16xf32>
      %broadcast_in_dim3A_1309 = arith.constant 0.000000e+00 : f32
      %broadcast_in_dim3A_1310 = vector.broadcast %broadcast_in_dim3A_1309 : f32 to vector<16xf32>
      %broadcast_in_dim3A_1311 = arith.constant 0.000000e+00 : f32
      %broadcast_in_dim3A_1312 = vector.broadcast %broadcast_in_dim3A_1311 : f32 to vector<16xf32>
      %broadcast_in_dim3A_1313 = arith.constant 0.000000e+00 : f32
      %broadcast_in_dim3A_1314 = vector.broadcast %broadcast_in_dim3A_1313 : f32 to vector<16xf32>
      %broadcast_in_dim3A_1315 = arith.constant 0.000000e+00 : f32
      %broadcast_in_dim3A_1316 = vector.broadcast %broadcast_in_dim3A_1315 : f32 to vector<16xf32>
      %scan3A_1317 = arith.constant 0 : i32
      %scan3A_1318 = arith.constant 30 : i32
      %scan3A_1319 = arith.addi %scan3A_1317, %scan3A_1318 : i32
      %scan3A_1320 = arith.constant 1 : i32
      %scan3A_1321:32 = scf.for %scan3A_2482 = %scan3A_1317 to %scan3A_1319 step %scan3A_1320 iter_args(%scan3A_2483 = %broadcast_in_dim3A_1254, %scan3A_2484 = %broadcast_in_dim3A_1256, %scan3A_2485 = %broadcast_in_dim3A_1258, %scan3A_2486 = %broadcast_in_dim3A_1260, %scan3A_2487 = %broadcast_in_dim3A_1262, %scan3A_2488 = %broadcast_in_dim3A_1264, %scan3A_2489 = %broadcast_in_dim3A_1266, %scan3A_2490 = %broadcast_in_dim3A_1268, %scan3A_2491 = %broadcast_in_dim3A_1270, %scan3A_2492 = %broadcast_in_dim3A_1272, %scan3A_2493 = %broadcast_in_dim3A_1274, %scan3A_2494 = %broadcast_in_dim3A_1276, %scan3A_2495 = %broadcast_in_dim3A_1278, %scan3A_2496 = %broadcast_in_dim3A_1280, %scan3A_2497 = %broadcast_in_dim3A_1282, %scan3A_2498 = %broadcast_in_dim3A_1284, %scan3A_2499 = %broadcast_in_dim3A_1286, %scan3A_2500 = %broadcast_in_dim3A_1288, %scan3A_2501 = %broadcast_in_dim3A_1290, %scan3A_2502 = %broadcast_in_dim3A_1292, %scan3A_2503 = %broadcast_in_dim3A_1294, %scan3A_2504 = %broadcast_in_dim3A_1296, %scan3A_2505 = %broadcast_in_dim3A_1298, %scan3A_2506 = %broadcast_in_dim3A_1300, %scan3A_2507 = %broadcast_in_dim3A_1302, %scan3A_2508 = %broadcast_in_dim3A_1304, %scan3A_2509 = %broadcast_in_dim3A_1306, %scan3A_2510 = %broadcast_in_dim3A_1308, %scan3A_2511 = %broadcast_in_dim3A_1310, %scan3A_2512 = %broadcast_in_dim3A_1312, %scan3A_2513 = %broadcast_in_dim3A_1314, %scan3A_2514 = %broadcast_in_dim3A_1316) -> (vector<16xf32>, vector<16xf32>, vector<16xf32>, vector<16xf32>, vector<16xf32>, vector<16xf32>, vector<16xf32>, vector<16xf32>, vector<16xf32>, vector<16xf32>, vector<16xf32>, vector<16xf32>, vector<16xf32>, vector<16xf32>, vector<16xf32>, vector<16xf32>, vector<16xf32>, vector<16xf32>, vector<16xf32>, vector<16xf32>, vector<16xf32>, vector<16xf32>, vector<16xf32>, vector<16xf32>, vector<16xf32>, vector<16xf32>, vector<16xf32>, vector<16xf32>, vector<16xf32>, vector<16xf32>, vector<16xf32>, vector<16xf32>)  : i32 {
        %mul3A_2515 = arith.constant 30 : i32
        %mul3A_2516 = arith.muli %add3A_828, %mul3A_2515 : i32
        %add3A_2517 = arith.addi %mul3A_2516, %scan3A_2482 : i32
        %get3A_2518 = arith.index_cast %add3A_2517 : i32 to index
        %get3A_2519 = arith.constant 0 : index
        %get3A_2520 = tpu.vector_load %arg9[%get3A_2518, %get3A_2519] {strides = array<i32>} : memref<240x128xf32, #tpu.memory_space<vmem>>, vector<1x16xf32>,
        %get3A_2521 = vector.shape_cast %get3A_2520 : vector<1x16xf32> to vector<16xf32>
        %mul3A_2522 = arith.constant 30 : i32
        %mul3A_2523 = arith.muli %add3A_828, %mul3A_2522 : i32
        %add3A_2524 = arith.addi %mul3A_2523, %scan3A_2482 : i32
        %get3A_2525 = arith.index_cast %add3A_2524 : i32 to index
        %get3A_2526 = arith.constant 16 : index
        %get3A_2527 = tpu.vector_load %arg9[%get3A_2525, %get3A_2526] {strides = array<i32>} : memref<240x128xf32, #tpu.memory_space<vmem>>, vector<1x16xf32>,
        %get3A_2528 = vector.shape_cast %get3A_2527 : vector<1x16xf32> to vector<16xf32>
        %mul3A_2529 = arith.constant 30 : i32
        %mul3A_2530 = arith.muli %add3A_828, %mul3A_2529 : i32
        %add3A_2531 = arith.addi %mul3A_2530, %scan3A_2482 : i32
        %get3A_2532 = arith.index_cast %add3A_2531 : i32 to index
        %get3A_2533 = arith.constant 32 : index
        %get3A_2534 = tpu.vector_load %arg9[%get3A_2532, %get3A_2533] {strides = array<i32>} : memref<240x128xf32, #tpu.memory_space<vmem>>, vector<1x16xf32>,
        %get3A_2535 = vector.shape_cast %get3A_2534 : vector<1x16xf32> to vector<16xf32>
        %mul3A_2536 = arith.constant 30 : i32
        %mul3A_2537 = arith.muli %add3A_828, %mul3A_2536 : i32
        %add3A_2538 = arith.addi %mul3A_2537, %scan3A_2482 : i32
        %get3A_2539 = arith.index_cast %add3A_2538 : i32 to index
        %get3A_2540 = arith.constant 48 : index
        %get3A_2541 = tpu.vector_load %arg9[%get3A_2539, %get3A_2540] {strides = array<i32>} : memref<240x128xf32, #tpu.memory_space<vmem>>, vector<1x16xf32>,
        %get3A_2542 = vector.shape_cast %get3A_2541 : vector<1x16xf32> to vector<16xf32>
        %mul3A_2543 = arith.constant 30 : i32
        %mul3A_2544 = arith.muli %scan3A_2482, %mul3A_2543 : i32
        %add3A_2545 = arith.constant 16 : i32
        %add3A_2546 = arith.addi %mul3A_2544, %add3A_2545 : i32
        %get3A_2547 = arith.index_cast %add3A_2546 : i32 to index
        %get3A_2548 = tpu.vector_load %arg14[%get3A_2547] {strides = array<i32>} : memref<916xf32, #tpu.memory_space<vmem>>, vector<16xf32>,
        %get3A_2549 = vector.shape_cast %get3A_2548 : vector<16xf32> to vector<16xf32>
        %slice3A = vector.extract_strided_slice %get3A_2549 {offsets = [0], sizes = [1], strides = [1]} : vector<16xf32> to vector<1xf32>
        %squeeze3A = vector.extract %slice3A[0] : f32 from vector<1xf32>
        %mul3A_2550 = vector.broadcast %squeeze3A : f32 to vector<16xf32>
        %mul3A_2551 = arith.mulf %mul3A_2550, %get3A_2521 : vector<16xf32>
        %add3A_2552 = arith.addf %scan3A_2483, %mul3A_2551 : vector<16xf32>
        %mul3A_2553 = vector.broadcast %squeeze3A : f32 to vector<16xf32>
        %mul3A_2554 = arith.mulf %mul3A_2553, %get3A_2528 : vector<16xf32>
        %add3A_2555 = arith.addf %scan3A_2484, %mul3A_2554 : vector<16xf32>
        %mul3A_2556 = vector.broadcast %squeeze3A : f32 to vector<16xf32>
        %mul3A_2557 = arith.mulf %mul3A_2556, %get3A_2535 : vector<16xf32>
        %add3A_2558 = arith.addf %scan3A_2485, %mul3A_2557 : vector<16xf32>
        %mul3A_2559 = vector.broadcast %squeeze3A : f32 to vector<16xf32>
        %mul3A_2560 = arith.mulf %mul3A_2559, %get3A_2542 : vector<16xf32>
        %add3A_2561 = arith.addf %scan3A_2486, %mul3A_2560 : vector<16xf32>
        %slice3A_2562 = vector.extract_strided_slice %get3A_2549 {offsets = [1], sizes = [1], strides = [1]} : vector<16xf32> to vector<1xf32>
        %squeeze3A_2563 = vector.extract %slice3A_2562[0] : f32 from vector<1xf32>
        %mul3A_2564 = vector.broadcast %squeeze3A_2563 : f32 to vector<16xf32>
        %mul3A_2565 = arith.mulf %mul3A_2564, %get3A_2521 : vector<16xf32>
        %add3A_2566 = arith.addf %scan3A_2487, %mul3A_2565 : vector<16xf32>
        %mul3A_2567 = vector.broadcast %squeeze3A_2563 : f32 to vector<16xf32>
        %mul3A_2568 = arith.mulf %mul3A_2567, %get3A_2528 : vector<16xf32>
        %add3A_2569 = arith.addf %scan3A_2488, %mul3A_2568 : vector<16xf32>
        %mul3A_2570 = vector.broadcast %squeeze3A_2563 : f32 to vector<16xf32>
        %mul3A_2571 = arith.mulf %mul3A_2570, %get3A_2535 : vector<16xf32>
        %add3A_2572 = arith.addf %scan3A_2489, %mul3A_2571 : vector<16xf32>
        %mul3A_2573 = vector.broadcast %squeeze3A_2563 : f32 to vector<16xf32>
        %mul3A_2574 = arith.mulf %mul3A_2573, %get3A_2542 : vector<16xf32>
        %add3A_2575 = arith.addf %scan3A_2490, %mul3A_2574 : vector<16xf32>
        %slice3A_2576 = vector.extract_strided_slice %get3A_2549 {offsets = [2], sizes = [1], strides = [1]} : vector<16xf32> to vector<1xf32>
        %squeeze3A_2577 = vector.extract %slice3A_2576[0] : f32 from vector<1xf32>
        %mul3A_2578 = vector.broadcast %squeeze3A_2577 : f32 to vector<16xf32>
        %mul3A_2579 = arith.mulf %mul3A_2578, %get3A_2521 : vector<16xf32>
        %add3A_2580 = arith.addf %scan3A_2491, %mul3A_2579 : vector<16xf32>
        %mul3A_2581 = vector.broadcast %squeeze3A_2577 : f32 to vector<16xf32>
        %mul3A_2582 = arith.mulf %mul3A_2581, %get3A_2528 : vector<16xf32>
        %add3A_2583 = arith.addf %scan3A_2492, %mul3A_2582 : vector<16xf32>
        %mul3A_2584 = vector.broadcast %squeeze3A_2577 : f32 to vector<16xf32>
        %mul3A_2585 = arith.mulf %mul3A_2584, %get3A_2535 : vector<16xf32>
        %add3A_2586 = arith.addf %scan3A_2493, %mul3A_2585 : vector<16xf32>
        %mul3A_2587 = vector.broadcast %squeeze3A_2577 : f32 to vector<16xf32>
        %mul3A_2588 = arith.mulf %mul3A_2587, %get3A_2542 : vector<16xf32>
        %add3A_2589 = arith.addf %scan3A_2494, %mul3A_2588 : vector<16xf32>
        %slice3A_2590 = vector.extract_strided_slice %get3A_2549 {offsets = [3], sizes = [1], strides = [1]} : vector<16xf32> to vector<1xf32>
        %squeeze3A_2591 = vector.extract %slice3A_2590[0] : f32 from vector<1xf32>
        %mul3A_2592 = vector.broadcast %squeeze3A_2591 : f32 to vector<16xf32>
        %mul3A_2593 = arith.mulf %mul3A_2592, %get3A_2521 : vector<16xf32>
        %add3A_2594 = arith.addf %scan3A_2495, %mul3A_2593 : vector<16xf32>
        %mul3A_2595 = vector.broadcast %squeeze3A_2591 : f32 to vector<16xf32>
        %mul3A_2596 = arith.mulf %mul3A_2595, %get3A_2528 : vector<16xf32>
        %add3A_2597 = arith.addf %scan3A_2496, %mul3A_2596 : vector<16xf32>
        %mul3A_2598 = vector.broadcast %squeeze3A_2591 : f32 to vector<16xf32>
        %mul3A_2599 = arith.mulf %mul3A_2598, %get3A_2535 : vector<16xf32>
        %add3A_2600 = arith.addf %scan3A_2497, %mul3A_2599 : vector<16xf32>
        %mul3A_2601 = vector.broadcast %squeeze3A_2591 : f32 to vector<16xf32>
        %mul3A_2602 = arith.mulf %mul3A_2601, %get3A_2542 : vector<16xf32>
        %add3A_2603 = arith.addf %scan3A_2498, %mul3A_2602 : vector<16xf32>
        %slice3A_2604 = vector.extract_strided_slice %get3A_2549 {offsets = [4], sizes = [1], strides = [1]} : vector<16xf32> to vector<1xf32>
        %squeeze3A_2605 = vector.extract %slice3A_2604[0] : f32 from vector<1xf32>
        %mul3A_2606 = vector.broadcast %squeeze3A_2605 : f32 to vector<16xf32>
        %mul3A_2607 = arith.mulf %mul3A_2606, %get3A_2521 : vector<16xf32>
        %add3A_2608 = arith.addf %scan3A_2499, %mul3A_2607 : vector<16xf32>
        %mul3A_2609 = vector.broadcast %squeeze3A_2605 : f32 to vector<16xf32>
        %mul3A_2610 = arith.mulf %mul3A_2609, %get3A_2528 : vector<16xf32>
        %add3A_2611 = arith.addf %scan3A_2500, %mul3A_2610 : vector<16xf32>
        %mul3A_2612 = vector.broadcast %squeeze3A_2605 : f32 to vector<16xf32>
        %mul3A_2613 = arith.mulf %mul3A_2612, %get3A_2535 : vector<16xf32>
        %add3A_2614 = arith.addf %scan3A_2501, %mul3A_2613 : vector<16xf32>
        %mul3A_2615 = vector.broadcast %squeeze3A_2605 : f32 to vector<16xf32>
        %mul3A_2616 = arith.mulf %mul3A_2615, %get3A_2542 : vector<16xf32>
        %add3A_2617 = arith.addf %scan3A_2502, %mul3A_2616 : vector<16xf32>
        %slice3A_2618 = vector.extract_strided_slice %get3A_2549 {offsets = [5], sizes = [1], strides = [1]} : vector<16xf32> to vector<1xf32>
        %squeeze3A_2619 = vector.extract %slice3A_2618[0] : f32 from vector<1xf32>
        %mul3A_2620 = vector.broadcast %squeeze3A_2619 : f32 to vector<16xf32>
        %mul3A_2621 = arith.mulf %mul3A_2620, %get3A_2521 : vector<16xf32>
        %add3A_2622 = arith.addf %scan3A_2503, %mul3A_2621 : vector<16xf32>
        %mul3A_2623 = vector.broadcast %squeeze3A_2619 : f32 to vector<16xf32>
        %mul3A_2624 = arith.mulf %mul3A_2623, %get3A_2528 : vector<16xf32>
        %add3A_2625 = arith.addf %scan3A_2504, %mul3A_2624 : vector<16xf32>
        %mul3A_2626 = vector.broadcast %squeeze3A_2619 : f32 to vector<16xf32>
        %mul3A_2627 = arith.mulf %mul3A_2626, %get3A_2535 : vector<16xf32>
        %add3A_2628 = arith.addf %scan3A_2505, %mul3A_2627 : vector<16xf32>
        %mul3A_2629 = vector.broadcast %squeeze3A_2619 : f32 to vector<16xf32>
        %mul3A_2630 = arith.mulf %mul3A_2629, %get3A_2542 : vector<16xf32>
        %add3A_2631 = arith.addf %scan3A_2506, %mul3A_2630 : vector<16xf32>
        %slice3A_2632 = vector.extract_strided_slice %get3A_2549 {offsets = [6], sizes = [1], strides = [1]} : vector<16xf32> to vector<1xf32>
        %squeeze3A_2633 = vector.extract %slice3A_2632[0] : f32 from vector<1xf32>
        %mul3A_2634 = vector.broadcast %squeeze3A_2633 : f32 to vector<16xf32>
        %mul3A_2635 = arith.mulf %mul3A_2634, %get3A_2521 : vector<16xf32>
        %add3A_2636 = arith.addf %scan3A_2507, %mul3A_2635 : vector<16xf32>
        %mul3A_2637 = vector.broadcast %squeeze3A_2633 : f32 to vector<16xf32>
        %mul3A_2638 = arith.mulf %mul3A_2637, %get3A_2528 : vector<16xf32>
        %add3A_2639 = arith.addf %scan3A_2508, %mul3A_2638 : vector<16xf32>
        %mul3A_2640 = vector.broadcast %squeeze3A_2633 : f32 to vector<16xf32>
        %mul3A_2641 = arith.mulf %mul3A_2640, %get3A_2535 : vector<16xf32>
        %add3A_2642 = arith.addf %scan3A_2509, %mul3A_2641 : vector<16xf32>
        %mul3A_2643 = vector.broadcast %squeeze3A_2633 : f32 to vector<16xf32>
        %mul3A_2644 = arith.mulf %mul3A_2643, %get3A_2542 : vector<16xf32>
        %add3A_2645 = arith.addf %scan3A_2510, %mul3A_2644 : vector<16xf32>
        %slice3A_2646 = vector.extract_strided_slice %get3A_2549 {offsets = [7], sizes = [1], strides = [1]} : vector<16xf32> to vector<1xf32>
        %squeeze3A_2647 = vector.extract %slice3A_2646[0] : f32 from vector<1xf32>
        %mul3A_2648 = vector.broadcast %squeeze3A_2647 : f32 to vector<16xf32>
        %mul3A_2649 = arith.mulf %mul3A_2648, %get3A_2521 : vector<16xf32>
        %add3A_2650 = arith.addf %scan3A_2511, %mul3A_2649 : vector<16xf32>
        %mul3A_2651 = vector.broadcast %squeeze3A_2647 : f32 to vector<16xf32>
        %mul3A_2652 = arith.mulf %mul3A_2651, %get3A_2528 : vector<16xf32>
        %add3A_2653 = arith.addf %scan3A_2512, %mul3A_2652 : vector<16xf32>
        %mul3A_2654 = vector.broadcast %squeeze3A_2647 : f32 to vector<16xf32>
        %mul3A_2655 = arith.mulf %mul3A_2654, %get3A_2535 : vector<16xf32>
        %add3A_2656 = arith.addf %scan3A_2513, %mul3A_2655 : vector<16xf32>
        %mul3A_2657 = vector.broadcast %squeeze3A_2647 : f32 to vector<16xf32>
        %mul3A_2658 = arith.mulf %mul3A_2657, %get3A_2542 : vector<16xf32>
        %add3A_2659 = arith.addf %scan3A_2514, %mul3A_2658 : vector<16xf32>
        scf.yield %add3A_2552, %add3A_2555, %add3A_2558, %add3A_2561, %add3A_2566, %add3A_2569, %add3A_2572, %add3A_2575, %add3A_2580, %add3A_2583, %add3A_2586, %add3A_2589, %add3A_2594, %add3A_2597, %add3A_2600, %add3A_2603, %add3A_2608, %add3A_2611, %add3A_2614, %add3A_2617, %add3A_2622, %add3A_2625, %add3A_2628, %add3A_2631, %add3A_2636, %add3A_2639, %add3A_2642, %add3A_2645, %add3A_2650, %add3A_2653, %add3A_2656, %add3A_2659 : vector<16xf32>, vector<16xf32>, vector<16xf32>, vector<16xf32>, vector<16xf32>, vector<16xf32>, vector<16xf32>, vector<16xf32>, vector<16xf32>, vector<16xf32>, vector<16xf32>, vector<16xf32>, vector<16xf32>, vector<16xf32>, vector<16xf32>, vector<16xf32>, vector<16xf32>, vector<16xf32>, vector<16xf32>, vector<16xf32>, vector<16xf32>, vector<16xf32>, vector<16xf32>, vector<16xf32>, vector<16xf32>, vector<16xf32>, vector<16xf32>, vector<16xf32>, vector<16xf32>, vector<16xf32>, vector<16xf32>, vector<16xf32>
      }
      %scan3A_1322 = arith.constant 30 : i32
      %swap3A_1323 = arith.constant 2944 : index
      %swap3A_1324 = tpu.vector_load %arg15[%swap3A_1323] {strides = array<i32>} : memref<3840xf32, #tpu.memory_space<vmem>>, vector<16xf32>,
      %swap3A_1325 = vector.shape_cast %swap3A_1324 : vector<16xf32> to vector<16xf32>
      %swap3A_1326 = vector.shape_cast %scan3A_1321#0 : vector<16xf32> to vector<16xf32>
      tpu.vector_store %arg15[%swap3A_1323], %swap3A_1326 {strides = array<i32>} : memref<3840xf32, #tpu.memory_space<vmem>>, vector<16xf32>,
      %swap3A_1327 = arith.constant 2960 : index
      %swap3A_1328 = tpu.vector_load %arg15[%swap3A_1327] {strides = array<i32>} : memref<3840xf32, #tpu.memory_space<vmem>>, vector<16xf32>,
      %swap3A_1329 = vector.shape_cast %swap3A_1328 : vector<16xf32> to vector<16xf32>
      %swap3A_1330 = vector.shape_cast %scan3A_1321#1 : vector<16xf32> to vector<16xf32>
      tpu.vector_store %arg15[%swap3A_1327], %swap3A_1330 {strides = array<i32>} : memref<3840xf32, #tpu.memory_space<vmem>>, vector<16xf32>,
      %swap3A_1331 = arith.constant 2976 : index
      %swap3A_1332 = tpu.vector_load %arg15[%swap3A_1331] {strides = array<i32>} : memref<3840xf32, #tpu.memory_space<vmem>>, vector<16xf32>,
      %swap3A_1333 = vector.shape_cast %swap3A_1332 : vector<16xf32> to vector<16xf32>
      %swap3A_1334 = vector.shape_cast %scan3A_1321#2 : vector<16xf32> to vector<16xf32>
      tpu.vector_store %arg15[%swap3A_1331], %swap3A_1334 {strides = array<i32>} : memref<3840xf32, #tpu.memory_space<vmem>>, vector<16xf32>,
      %swap3A_1335 = arith.constant 2992 : index
      %swap3A_1336 = tpu.vector_load %arg15[%swap3A_1335] {strides = array<i32>} : memref<3840xf32, #tpu.memory_space<vmem>>, vector<16xf32>,
      %swap3A_1337 = vector.shape_cast %swap3A_1336 : vector<16xf32> to vector<16xf32>
      %swap3A_1338 = vector.shape_cast %scan3A_1321#3 : vector<16xf32> to vector<16xf32>
      tpu.vector_store %arg15[%swap3A_1335], %swap3A_1338 {strides = array<i32>} : memref<3840xf32, #tpu.memory_space<vmem>>, vector<16xf32>,
      %swap3A_1339 = arith.constant 3008 : index
      %swap3A_1340 = tpu.vector_load %arg15[%swap3A_1339] {strides = array<i32>} : memref<3840xf32, #tpu.memory_space<vmem>>, vector<16xf32>,
      %swap3A_1341 = vector.shape_cast %swap3A_1340 : vector<16xf32> to vector<16xf32>
      %swap3A_1342 = vector.shape_cast %scan3A_1321#4 : vector<16xf32> to vector<16xf32>
      tpu.vector_store %arg15[%swap3A_1339], %swap3A_1342 {strides = array<i32>} : memref<3840xf32, #tpu.memory_space<vmem>>, vector<16xf32>,
      %swap3A_1343 = arith.constant 3024 : index
      %swap3A_1344 = tpu.vector_load %arg15[%swap3A_1343] {strides = array<i32>} : memref<3840xf32, #tpu.memory_space<vmem>>, vector<16xf32>,
      %swap3A_1345 = vector.shape_cast %swap3A_1344 : vector<16xf32> to vector<16xf32>
      %swap3A_1346 = vector.shape_cast %scan3A_1321#5 : vector<16xf32> to vector<16xf32>
      tpu.vector_store %arg15[%swap3A_1343], %swap3A_1346 {strides = array<i32>} : memref<3840xf32, #tpu.memory_space<vmem>>, vector<16xf32>,
      %swap3A_1347 = arith.constant 3040 : index
      %swap3A_1348 = tpu.vector_load %arg15[%swap3A_1347] {strides = array<i32>} : memref<3840xf32, #tpu.memory_space<vmem>>, vector<16xf32>,
      %swap3A_1349 = vector.shape_cast %swap3A_1348 : vector<16xf32> to vector<16xf32>
      %swap3A_1350 = vector.shape_cast %scan3A_1321#6 : vector<16xf32> to vector<16xf32>
      tpu.vector_store %arg15[%swap3A_1347], %swap3A_1350 {strides = array<i32>} : memref<3840xf32, #tpu.memory_space<vmem>>, vector<16xf32>,
      %swap3A_1351 = arith.constant 3056 : index
      %swap3A_1352 = tpu.vector_load %arg15[%swap3A_1351] {strides = array<i32>} : memref<3840xf32, #tpu.memory_space<vmem>>, vector<16xf32>,
      %swap3A_1353 = vector.shape_cast %swap3A_1352 : vector<16xf32> to vector<16xf32>
      %swap3A_1354 = vector.shape_cast %scan3A_1321#7 : vector<16xf32> to vector<16xf32>
      tpu.vector_store %arg15[%swap3A_1351], %swap3A_1354 {strides = array<i32>} : memref<3840xf32, #tpu.memory_space<vmem>>, vector<16xf32>,
      %swap3A_1355 = arith.constant 3072 : index
      %swap3A_1356 = tpu.vector_load %arg15[%swap3A_1355] {strides = array<i32>} : memref<3840xf32, #tpu.memory_space<vmem>>, vector<16xf32>,
      %swap3A_1357 = vector.shape_cast %swap3A_1356 : vector<16xf32> to vector<16xf32>
      %swap3A_1358 = vector.shape_cast %scan3A_1321#8 : vector<16xf32> to vector<16xf32>
      tpu.vector_store %arg15[%swap3A_1355], %swap3A_1358 {strides = array<i32>} : memref<3840xf32, #tpu.memory_space<vmem>>, vector<16xf32>,
      %swap3A_1359 = arith.constant 3088 : index
      %swap3A_1360 = tpu.vector_load %arg15[%swap3A_1359] {strides = array<i32>} : memref<3840xf32, #tpu.memory_space<vmem>>, vector<16xf32>,
      %swap3A_1361 = vector.shape_cast %swap3A_1360 : vector<16xf32> to vector<16xf32>
      %swap3A_1362 = vector.shape_cast %scan3A_1321#9 : vector<16xf32> to vector<16xf32>
      tpu.vector_store %arg15[%swap3A_1359], %swap3A_1362 {strides = array<i32>} : memref<3840xf32, #tpu.memory_space<vmem>>, vector<16xf32>,
      %swap3A_1363 = arith.constant 3104 : index
      %swap3A_1364 = tpu.vector_load %arg15[%swap3A_1363] {strides = array<i32>} : memref<3840xf32, #tpu.memory_space<vmem>>, vector<16xf32>,
      %swap3A_1365 = vector.shape_cast %swap3A_1364 : vector<16xf32> to vector<16xf32>
      %swap3A_1366 = vector.shape_cast %scan3A_1321#10 : vector<16xf32> to vector<16xf32>
      tpu.vector_store %arg15[%swap3A_1363], %swap3A_1366 {strides = array<i32>} : memref<3840xf32, #tpu.memory_space<vmem>>, vector<16xf32>,
      %swap3A_1367 = arith.constant 3120 : index
      %swap3A_1368 = tpu.vector_load %arg15[%swap3A_1367] {strides = array<i32>} : memref<3840xf32, #tpu.memory_space<vmem>>, vector<16xf32>,
      %swap3A_1369 = vector.shape_cast %swap3A_1368 : vector<16xf32> to vector<16xf32>
      %swap3A_1370 = vector.shape_cast %scan3A_1321#11 : vector<16xf32> to vector<16xf32>
      tpu.vector_store %arg15[%swap3A_1367], %swap3A_1370 {strides = array<i32>} : memref<3840xf32, #tpu.memory_space<vmem>>, vector<16xf32>,
      %swap3A_1371 = arith.constant 3136 : index
      %swap3A_1372 = tpu.vector_load %arg15[%swap3A_1371] {strides = array<i32>} : memref<3840xf32, #tpu.memory_space<vmem>>, vector<16xf32>,
      %swap3A_1373 = vector.shape_cast %swap3A_1372 : vector<16xf32> to vector<16xf32>
      %swap3A_1374 = vector.shape_cast %scan3A_1321#12 : vector<16xf32> to vector<16xf32>
      tpu.vector_store %arg15[%swap3A_1371], %swap3A_1374 {strides = array<i32>} : memref<3840xf32, #tpu.memory_space<vmem>>, vector<16xf32>,
      %swap3A_1375 = arith.constant 3152 : index
      %swap3A_1376 = tpu.vector_load %arg15[%swap3A_1375] {strides = array<i32>} : memref<3840xf32, #tpu.memory_space<vmem>>, vector<16xf32>,
      %swap3A_1377 = vector.shape_cast %swap3A_1376 : vector<16xf32> to vector<16xf32>
      %swap3A_1378 = vector.shape_cast %scan3A_1321#13 : vector<16xf32> to vector<16xf32>
      tpu.vector_store %arg15[%swap3A_1375], %swap3A_1378 {strides = array<i32>} : memref<3840xf32, #tpu.memory_space<vmem>>, vector<16xf32>,
      %swap3A_1379 = arith.constant 3168 : index
      %swap3A_1380 = tpu.vector_load %arg15[%swap3A_1379] {strides = array<i32>} : memref<3840xf32, #tpu.memory_space<vmem>>, vector<16xf32>,
      %swap3A_1381 = vector.shape_cast %swap3A_1380 : vector<16xf32> to vector<16xf32>
      %swap3A_1382 = vector.shape_cast %scan3A_1321#14 : vector<16xf32> to vector<16xf32>
      tpu.vector_store %arg15[%swap3A_1379], %swap3A_1382 {strides = array<i32>} : memref<3840xf32, #tpu.memory_space<vmem>>, vector<16xf32>,
      %swap3A_1383 = arith.constant 3184 : index
      %swap3A_1384 = tpu.vector_load %arg15[%swap3A_1383] {strides = array<i32>} : memref<3840xf32, #tpu.memory_space<vmem>>, vector<16xf32>,
      %swap3A_1385 = vector.shape_cast %swap3A_1384 : vector<16xf32> to vector<16xf32>
      %swap3A_1386 = vector.shape_cast %scan3A_1321#15 : vector<16xf32> to vector<16xf32>
      tpu.vector_store %arg15[%swap3A_1383], %swap3A_1386 {strides = array<i32>} : memref<3840xf32, #tpu.memory_space<vmem>>, vector<16xf32>,
      %swap3A_1387 = arith.constant 3200 : index
      %swap3A_1388 = tpu.vector_load %arg15[%swap3A_1387] {strides = array<i32>} : memref<3840xf32, #tpu.memory_space<vmem>>, vector<16xf32>,
      %swap3A_1389 = vector.shape_cast %swap3A_1388 : vector<16xf32> to vector<16xf32>
      %swap3A_1390 = vector.shape_cast %scan3A_1321#16 : vector<16xf32> to vector<16xf32>
      tpu.vector_store %arg15[%swap3A_1387], %swap3A_1390 {strides = array<i32>} : memref<3840xf32, #tpu.memory_space<vmem>>, vector<16xf32>,
      %swap3A_1391 = arith.constant 3216 : index
      %swap3A_1392 = tpu.vector_load %arg15[%swap3A_1391] {strides = array<i32>} : memref<3840xf32, #tpu.memory_space<vmem>>, vector<16xf32>,
      %swap3A_1393 = vector.shape_cast %swap3A_1392 : vector<16xf32> to vector<16xf32>
      %swap3A_1394 = vector.shape_cast %scan3A_1321#17 : vector<16xf32> to vector<16xf32>
      tpu.vector_store %arg15[%swap3A_1391], %swap3A_1394 {strides = array<i32>} : memref<3840xf32, #tpu.memory_space<vmem>>, vector<16xf32>,
      %swap3A_1395 = arith.constant 3232 : index
      %swap3A_1396 = tpu.vector_load %arg15[%swap3A_1395] {strides = array<i32>} : memref<3840xf32, #tpu.memory_space<vmem>>, vector<16xf32>,
      %swap3A_1397 = vector.shape_cast %swap3A_1396 : vector<16xf32> to vector<16xf32>
      %swap3A_1398 = vector.shape_cast %scan3A_1321#18 : vector<16xf32> to vector<16xf32>
      tpu.vector_store %arg15[%swap3A_1395], %swap3A_1398 {strides = array<i32>} : memref<3840xf32, #tpu.memory_space<vmem>>, vector<16xf32>,
      %swap3A_1399 = arith.constant 3248 : index
      %swap3A_1400 = tpu.vector_load %arg15[%swap3A_1399] {strides = array<i32>} : memref<3840xf32, #tpu.memory_space<vmem>>, vector<16xf32>,
      %swap3A_1401 = vector.shape_cast %swap3A_1400 : vector<16xf32> to vector<16xf32>
      %swap3A_1402 = vector.shape_cast %scan3A_1321#19 : vector<16xf32> to vector<16xf32>
      tpu.vector_store %arg15[%swap3A_1399], %swap3A_1402 {strides = array<i32>} : memref<3840xf32, #tpu.memory_space<vmem>>, vector<16xf32>,
      %swap3A_1403 = arith.constant 3264 : index
      %swap3A_1404 = tpu.vector_load %arg15[%swap3A_1403] {strides = array<i32>} : memref<3840xf32, #tpu.memory_space<vmem>>, vector<16xf32>,
      %swap3A_1405 = vector.shape_cast %swap3A_1404 : vector<16xf32> to vector<16xf32>
      %swap3A_1406 = vector.shape_cast %scan3A_1321#20 : vector<16xf32> to vector<16xf32>
      tpu.vector_store %arg15[%swap3A_1403], %swap3A_1406 {strides = array<i32>} : memref<3840xf32, #tpu.memory_space<vmem>>, vector<16xf32>,
      %swap3A_1407 = arith.constant 3280 : index
      %swap3A_1408 = tpu.vector_load %arg15[%swap3A_1407] {strides = array<i32>} : memref<3840xf32, #tpu.memory_space<vmem>>, vector<16xf32>,
      %swap3A_1409 = vector.shape_cast %swap3A_1408 : vector<16xf32> to vector<16xf32>
      %swap3A_1410 = vector.shape_cast %scan3A_1321#21 : vector<16xf32> to vector<16xf32>
      tpu.vector_store %arg15[%swap3A_1407], %swap3A_1410 {strides = array<i32>} : memref<3840xf32, #tpu.memory_space<vmem>>, vector<16xf32>,
      %swap3A_1411 = arith.constant 3296 : index
      %swap3A_1412 = tpu.vector_load %arg15[%swap3A_1411] {strides = array<i32>} : memref<3840xf32, #tpu.memory_space<vmem>>, vector<16xf32>,
      %swap3A_1413 = vector.shape_cast %swap3A_1412 : vector<16xf32> to vector<16xf32>
      %swap3A_1414 = vector.shape_cast %scan3A_1321#22 : vector<16xf32> to vector<16xf32>
      tpu.vector_store %arg15[%swap3A_1411], %swap3A_1414 {strides = array<i32>} : memref<3840xf32, #tpu.memory_space<vmem>>, vector<16xf32>,
      %swap3A_1415 = arith.constant 3312 : index
      %swap3A_1416 = tpu.vector_load %arg15[%swap3A_1415] {strides = array<i32>} : memref<3840xf32, #tpu.memory_space<vmem>>, vector<16xf32>,
      %swap3A_1417 = vector.shape_cast %swap3A_1416 : vector<16xf32> to vector<16xf32>
      %swap3A_1418 = vector.shape_cast %scan3A_1321#23 : vector<16xf32> to vector<16xf32>
      tpu.vector_store %arg15[%swap3A_1415], %swap3A_1418 {strides = array<i32>} : memref<3840xf32, #tpu.memory_space<vmem>>, vector<16xf32>,
      %swap3A_1419 = arith.constant 3328 : index
      %swap3A_1420 = tpu.vector_load %arg15[%swap3A_1419] {strides = array<i32>} : memref<3840xf32, #tpu.memory_space<vmem>>, vector<16xf32>,
      %swap3A_1421 = vector.shape_cast %swap3A_1420 : vector<16xf32> to vector<16xf32>
      %swap3A_1422 = vector.shape_cast %scan3A_1321#24 : vector<16xf32> to vector<16xf32>
      tpu.vector_store %arg15[%swap3A_1419], %swap3A_1422 {strides = array<i32>} : memref<3840xf32, #tpu.memory_space<vmem>>, vector<16xf32>,
      %swap3A_1423 = arith.constant 3344 : index
      %swap3A_1424 = tpu.vector_load %arg15[%swap3A_1423] {strides = array<i32>} : memref<3840xf32, #tpu.memory_space<vmem>>, vector<16xf32>,
      %swap3A_1425 = vector.shape_cast %swap3A_1424 : vector<16xf32> to vector<16xf32>
      %swap3A_1426 = vector.shape_cast %scan3A_1321#25 : vector<16xf32> to vector<16xf32>
      tpu.vector_store %arg15[%swap3A_1423], %swap3A_1426 {strides = array<i32>} : memref<3840xf32, #tpu.memory_space<vmem>>, vector<16xf32>,
      %swap3A_1427 = arith.constant 3360 : index
      %swap3A_1428 = tpu.vector_load %arg15[%swap3A_1427] {strides = array<i32>} : memref<3840xf32, #tpu.memory_space<vmem>>, vector<16xf32>,
      %swap3A_1429 = vector.shape_cast %swap3A_1428 : vector<16xf32> to vector<16xf32>
      %swap3A_1430 = vector.shape_cast %scan3A_1321#26 : vector<16xf32> to vector<16xf32>
      tpu.vector_store %arg15[%swap3A_1427], %swap3A_1430 {strides = array<i32>} : memref<3840xf32, #tpu.memory_space<vmem>>, vector<16xf32>,
      %swap3A_1431 = arith.constant 3376 : index
      %swap3A_1432 = tpu.vector_load %arg15[%swap3A_1431] {strides = array<i32>} : memref<3840xf32, #tpu.memory_space<vmem>>, vector<16xf32>,
      %swap3A_1433 = vector.shape_cast %swap3A_1432 : vector<16xf32> to vector<16xf32>
      %swap3A_1434 = vector.shape_cast %scan3A_1321#27 : vector<16xf32> to vector<16xf32>
      tpu.vector_store %arg15[%swap3A_1431], %swap3A_1434 {strides = array<i32>} : memref<3840xf32, #tpu.memory_space<vmem>>, vector<16xf32>,
      %swap3A_1435 = arith.constant 3392 : index
      %swap3A_1436 = tpu.vector_load %arg15[%swap3A_1435] {strides = array<i32>} : memref<3840xf32, #tpu.memory_space<vmem>>, vector<16xf32>,
      %swap3A_1437 = vector.shape_cast %swap3A_1436 : vector<16xf32> to vector<16xf32>
      %swap3A_1438 = vector.shape_cast %scan3A_1321#28 : vector<16xf32> to vector<16xf32>
      tpu.vector_store %arg15[%swap3A_1435], %swap3A_1438 {strides = array<i32>} : memref<3840xf32, #tpu.memory_space<vmem>>, vector<16xf32>,
      %swap3A_1439 = arith.constant 3408 : index
      %swap3A_1440 = tpu.vector_load %arg15[%swap3A_1439] {strides = array<i32>} : memref<3840xf32, #tpu.memory_space<vmem>>, vector<16xf32>,
      %swap3A_1441 = vector.shape_cast %swap3A_1440 : vector<16xf32> to vector<16xf32>
      %swap3A_1442 = vector.shape_cast %scan3A_1321#29 : vector<16xf32> to vector<16xf32>
      tpu.vector_store %arg15[%swap3A_1439], %swap3A_1442 {strides = array<i32>} : memref<3840xf32, #tpu.memory_space<vmem>>, vector<16xf32>,
      %swap3A_1443 = arith.constant 3424 : index
      %swap3A_1444 = tpu.vector_load %arg15[%swap3A_1443] {strides = array<i32>} : memref<3840xf32, #tpu.memory_space<vmem>>, vector<16xf32>,
      %swap3A_1445 = vector.shape_cast %swap3A_1444 : vector<16xf32> to vector<16xf32>
      %swap3A_1446 = vector.shape_cast %scan3A_1321#30 : vector<16xf32> to vector<16xf32>
      tpu.vector_store %arg15[%swap3A_1443], %swap3A_1446 {strides = array<i32>} : memref<3840xf32, #tpu.memory_space<vmem>>, vector<16xf32>,
      %swap3A_1447 = arith.constant 3440 : index
      %swap3A_1448 = tpu.vector_load %arg15[%swap3A_1447] {strides = array<i32>} : memref<3840xf32, #tpu.memory_space<vmem>>, vector<16xf32>,
      %swap3A_1449 = vector.shape_cast %swap3A_1448 : vector<16xf32> to vector<16xf32>
      %swap3A_1450 = vector.shape_cast %scan3A_1321#31 : vector<16xf32> to vector<16xf32>
      tpu.vector_store %arg15[%swap3A_1447], %swap3A_1450 {strides = array<i32>} : memref<3840xf32, #tpu.memory_space<vmem>>, vector<16xf32>,
      %broadcast_in_dim3A_1451 = arith.constant 0.000000e+00 : f32
      %broadcast_in_dim3A_1452 = vector.broadcast %broadcast_in_dim3A_1451 : f32 to vector<16xf32>
      %broadcast_in_dim3A_1453 = arith.constant 0.000000e+00 : f32
      %broadcast_in_dim3A_1454 = vector.broadcast %broadcast_in_dim3A_1453 : f32 to vector<16xf32>
      %broadcast_in_dim3A_1455 = arith.constant 0.000000e+00 : f32
      %broadcast_in_dim3A_1456 = vector.broadcast %broadcast_in_dim3A_1455 : f32 to vector<16xf32>
      %broadcast_in_dim3A_1457 = arith.constant 0.000000e+00 : f32
      %broadcast_in_dim3A_1458 = vector.broadcast %broadcast_in_dim3A_1457 : f32 to vector<16xf32>
      %broadcast_in_dim3A_1459 = arith.constant 0.000000e+00 : f32
      %broadcast_in_dim3A_1460 = vector.broadcast %broadcast_in_dim3A_1459 : f32 to vector<16xf32>
      %broadcast_in_dim3A_1461 = arith.constant 0.000000e+00 : f32
      %broadcast_in_dim3A_1462 = vector.broadcast %broadcast_in_dim3A_1461 : f32 to vector<16xf32>
      %broadcast_in_dim3A_1463 = arith.constant 0.000000e+00 : f32
      %broadcast_in_dim3A_1464 = vector.broadcast %broadcast_in_dim3A_1463 : f32 to vector<16xf32>
      %broadcast_in_dim3A_1465 = arith.constant 0.000000e+00 : f32
      %broadcast_in_dim3A_1466 = vector.broadcast %broadcast_in_dim3A_1465 : f32 to vector<16xf32>
      %broadcast_in_dim3A_1467 = arith.constant 0.000000e+00 : f32
      %broadcast_in_dim3A_1468 = vector.broadcast %broadcast_in_dim3A_1467 : f32 to vector<16xf32>
      %broadcast_in_dim3A_1469 = arith.constant 0.000000e+00 : f32
      %broadcast_in_dim3A_1470 = vector.broadcast %broadcast_in_dim3A_1469 : f32 to vector<16xf32>
      %broadcast_in_dim3A_1471 = arith.constant 0.000000e+00 : f32
      %broadcast_in_dim3A_1472 = vector.broadcast %broadcast_in_dim3A_1471 : f32 to vector<16xf32>
      %broadcast_in_dim3A_1473 = arith.constant 0.000000e+00 : f32
      %broadcast_in_dim3A_1474 = vector.broadcast %broadcast_in_dim3A_1473 : f32 to vector<16xf32>
      %broadcast_in_dim3A_1475 = arith.constant 0.000000e+00 : f32
      %broadcast_in_dim3A_1476 = vector.broadcast %broadcast_in_dim3A_1475 : f32 to vector<16xf32>
      %broadcast_in_dim3A_1477 = arith.constant 0.000000e+00 : f32
      %broadcast_in_dim3A_1478 = vector.broadcast %broadcast_in_dim3A_1477 : f32 to vector<16xf32>
      %broadcast_in_dim3A_1479 = arith.constant 0.000000e+00 : f32
      %broadcast_in_dim3A_1480 = vector.broadcast %broadcast_in_dim3A_1479 : f32 to vector<16xf32>
      %broadcast_in_dim3A_1481 = arith.constant 0.000000e+00 : f32
      %broadcast_in_dim3A_1482 = vector.broadcast %broadcast_in_dim3A_1481 : f32 to vector<16xf32>
      %broadcast_in_dim3A_1483 = arith.constant 0.000000e+00 : f32
      %broadcast_in_dim3A_1484 = vector.broadcast %broadcast_in_dim3A_1483 : f32 to vector<16xf32>
      %broadcast_in_dim3A_1485 = arith.constant 0.000000e+00 : f32
      %broadcast_in_dim3A_1486 = vector.broadcast %broadcast_in_dim3A_1485 : f32 to vector<16xf32>
      %broadcast_in_dim3A_1487 = arith.constant 0.000000e+00 : f32
      %broadcast_in_dim3A_1488 = vector.broadcast %broadcast_in_dim3A_1487 : f32 to vector<16xf32>
      %broadcast_in_dim3A_1489 = arith.constant 0.000000e+00 : f32
      %broadcast_in_dim3A_1490 = vector.broadcast %broadcast_in_dim3A_1489 : f32 to vector<16xf32>
      %broadcast_in_dim3A_1491 = arith.constant 0.000000e+00 : f32
      %broadcast_in_dim3A_1492 = vector.broadcast %broadcast_in_dim3A_1491 : f32 to vector<16xf32>
      %broadcast_in_dim3A_1493 = arith.constant 0.000000e+00 : f32
      %broadcast_in_dim3A_1494 = vector.broadcast %broadcast_in_dim3A_1493 : f32 to vector<16xf32>
      %broadcast_in_dim3A_1495 = arith.constant 0.000000e+00 : f32
      %broadcast_in_dim3A_1496 = vector.broadcast %broadcast_in_dim3A_1495 : f32 to vector<16xf32>
      %broadcast_in_dim3A_1497 = arith.constant 0.000000e+00 : f32
      %broadcast_in_dim3A_1498 = vector.broadcast %broadcast_in_dim3A_1497 : f32 to vector<16xf32>
      %scan3A_1499 = arith.constant 0 : i32
      %scan3A_1500 = arith.constant 30 : i32
      %scan3A_1501 = arith.addi %scan3A_1499, %scan3A_1500 : i32
      %scan3A_1502 = arith.constant 1 : i32
      %scan3A_1503:24 = scf.for %scan3A_2482 = %scan3A_1499 to %scan3A_1501 step %scan3A_1502 iter_args(%scan3A_2483 = %broadcast_in_dim3A_1452, %scan3A_2484 = %broadcast_in_dim3A_1454, %scan3A_2485 = %broadcast_in_dim3A_1456, %scan3A_2486 = %broadcast_in_dim3A_1458, %scan3A_2487 = %broadcast_in_dim3A_1460, %scan3A_2488 = %broadcast_in_dim3A_1462, %scan3A_2489 = %broadcast_in_dim3A_1464, %scan3A_2490 = %broadcast_in_dim3A_1466, %scan3A_2491 = %broadcast_in_dim3A_1468, %scan3A_2492 = %broadcast_in_dim3A_1470, %scan3A_2493 = %broadcast_in_dim3A_1472, %scan3A_2494 = %broadcast_in_dim3A_1474, %scan3A_2495 = %broadcast_in_dim3A_1476, %scan3A_2496 = %broadcast_in_dim3A_1478, %scan3A_2497 = %broadcast_in_dim3A_1480, %scan3A_2498 = %broadcast_in_dim3A_1482, %scan3A_2499 = %broadcast_in_dim3A_1484, %scan3A_2500 = %broadcast_in_dim3A_1486, %scan3A_2501 = %broadcast_in_dim3A_1488, %scan3A_2502 = %broadcast_in_dim3A_1490, %scan3A_2503 = %broadcast_in_dim3A_1492, %scan3A_2504 = %broadcast_in_dim3A_1494, %scan3A_2505 = %broadcast_in_dim3A_1496, %scan3A_2506 = %broadcast_in_dim3A_1498) -> (vector<16xf32>, vector<16xf32>, vector<16xf32>, vector<16xf32>, vector<16xf32>, vector<16xf32>, vector<16xf32>, vector<16xf32>, vector<16xf32>, vector<16xf32>, vector<16xf32>, vector<16xf32>, vector<16xf32>, vector<16xf32>, vector<16xf32>, vector<16xf32>, vector<16xf32>, vector<16xf32>, vector<16xf32>, vector<16xf32>, vector<16xf32>, vector<16xf32>, vector<16xf32>, vector<16xf32>)  : i32 {
        %mul3A_2507 = arith.constant 30 : i32
        %mul3A_2508 = arith.muli %add3A_828, %mul3A_2507 : i32
        %add3A_2509 = arith.addi %mul3A_2508, %scan3A_2482 : i32
        %get3A_2510 = arith.index_cast %add3A_2509 : i32 to index
        %get3A_2511 = arith.constant 0 : index
        %get3A_2512 = tpu.vector_load %arg9[%get3A_2510, %get3A_2511] {strides = array<i32>} : memref<240x128xf32, #tpu.memory_space<vmem>>, vector<1x16xf32>,
        %get3A_2513 = vector.shape_cast %get3A_2512 : vector<1x16xf32> to vector<16xf32>
        %mul3A_2514 = arith.constant 30 : i32
        %mul3A_2515 = arith.muli %add3A_828, %mul3A_2514 : i32
        %add3A_2516 = arith.addi %mul3A_2515, %scan3A_2482 : i32
        %get3A_2517 = arith.index_cast %add3A_2516 : i32 to index
        %get3A_2518 = arith.constant 16 : index
        %get3A_2519 = tpu.vector_load %arg9[%get3A_2517, %get3A_2518] {strides = array<i32>} : memref<240x128xf32, #tpu.memory_space<vmem>>, vector<1x16xf32>,
        %get3A_2520 = vector.shape_cast %get3A_2519 : vector<1x16xf32> to vector<16xf32>
        %mul3A_2521 = arith.constant 30 : i32
        %mul3A_2522 = arith.muli %add3A_828, %mul3A_2521 : i32
        %add3A_2523 = arith.addi %mul3A_2522, %scan3A_2482 : i32
        %get3A_2524 = arith.index_cast %add3A_2523 : i32 to index
        %get3A_2525 = arith.constant 32 : index
        %get3A_2526 = tpu.vector_load %arg9[%get3A_2524, %get3A_2525] {strides = array<i32>} : memref<240x128xf32, #tpu.memory_space<vmem>>, vector<1x16xf32>,
        %get3A_2527 = vector.shape_cast %get3A_2526 : vector<1x16xf32> to vector<16xf32>
        %mul3A_2528 = arith.constant 30 : i32
        %mul3A_2529 = arith.muli %add3A_828, %mul3A_2528 : i32
        %add3A_2530 = arith.addi %mul3A_2529, %scan3A_2482 : i32
        %get3A_2531 = arith.index_cast %add3A_2530 : i32 to index
        %get3A_2532 = arith.constant 48 : index
        %get3A_2533 = tpu.vector_load %arg9[%get3A_2531, %get3A_2532] {strides = array<i32>} : memref<240x128xf32, #tpu.memory_space<vmem>>, vector<1x16xf32>,
        %get3A_2534 = vector.shape_cast %get3A_2533 : vector<1x16xf32> to vector<16xf32>
        %mul3A_2535 = arith.constant 30 : i32
        %mul3A_2536 = arith.muli %scan3A_2482, %mul3A_2535 : i32
        %add3A_2537 = arith.constant 24 : i32
        %add3A_2538 = arith.addi %mul3A_2536, %add3A_2537 : i32
        %get3A_2539 = arith.index_cast %add3A_2538 : i32 to index
        %get3A_2540 = tpu.vector_load %arg14[%get3A_2539] {strides = array<i32>} : memref<916xf32, #tpu.memory_space<vmem>>, vector<16xf32>,
        %get3A_2541 = vector.shape_cast %get3A_2540 : vector<16xf32> to vector<16xf32>
        %slice3A = vector.extract_strided_slice %get3A_2541 {offsets = [0], sizes = [1], strides = [1]} : vector<16xf32> to vector<1xf32>
        %squeeze3A = vector.extract %slice3A[0] : f32 from vector<1xf32>
        %mul3A_2542 = vector.broadcast %squeeze3A : f32 to vector<16xf32>
        %mul3A_2543 = arith.mulf %mul3A_2542, %get3A_2513 : vector<16xf32>
        %add3A_2544 = arith.addf %scan3A_2483, %mul3A_2543 : vector<16xf32>
        %mul3A_2545 = vector.broadcast %squeeze3A : f32 to vector<16xf32>
        %mul3A_2546 = arith.mulf %mul3A_2545, %get3A_2520 : vector<16xf32>
        %add3A_2547 = arith.addf %scan3A_2484, %mul3A_2546 : vector<16xf32>
        %mul3A_2548 = vector.broadcast %squeeze3A : f32 to vector<16xf32>
        %mul3A_2549 = arith.mulf %mul3A_2548, %get3A_2527 : vector<16xf32>
        %add3A_2550 = arith.addf %scan3A_2485, %mul3A_2549 : vector<16xf32>
        %mul3A_2551 = vector.broadcast %squeeze3A : f32 to vector<16xf32>
        %mul3A_2552 = arith.mulf %mul3A_2551, %get3A_2534 : vector<16xf32>
        %add3A_2553 = arith.addf %scan3A_2486, %mul3A_2552 : vector<16xf32>
        %slice3A_2554 = vector.extract_strided_slice %get3A_2541 {offsets = [1], sizes = [1], strides = [1]} : vector<16xf32> to vector<1xf32>
        %squeeze3A_2555 = vector.extract %slice3A_2554[0] : f32 from vector<1xf32>
        %mul3A_2556 = vector.broadcast %squeeze3A_2555 : f32 to vector<16xf32>
        %mul3A_2557 = arith.mulf %mul3A_2556, %get3A_2513 : vector<16xf32>
        %add3A_2558 = arith.addf %scan3A_2487, %mul3A_2557 : vector<16xf32>
        %mul3A_2559 = vector.broadcast %squeeze3A_2555 : f32 to vector<16xf32>
        %mul3A_2560 = arith.mulf %mul3A_2559, %get3A_2520 : vector<16xf32>
        %add3A_2561 = arith.addf %scan3A_2488, %mul3A_2560 : vector<16xf32>
        %mul3A_2562 = vector.broadcast %squeeze3A_2555 : f32 to vector<16xf32>
        %mul3A_2563 = arith.mulf %mul3A_2562, %get3A_2527 : vector<16xf32>
        %add3A_2564 = arith.addf %scan3A_2489, %mul3A_2563 : vector<16xf32>
        %mul3A_2565 = vector.broadcast %squeeze3A_2555 : f32 to vector<16xf32>
        %mul3A_2566 = arith.mulf %mul3A_2565, %get3A_2534 : vector<16xf32>
        %add3A_2567 = arith.addf %scan3A_2490, %mul3A_2566 : vector<16xf32>
        %slice3A_2568 = vector.extract_strided_slice %get3A_2541 {offsets = [2], sizes = [1], strides = [1]} : vector<16xf32> to vector<1xf32>
        %squeeze3A_2569 = vector.extract %slice3A_2568[0] : f32 from vector<1xf32>
        %mul3A_2570 = vector.broadcast %squeeze3A_2569 : f32 to vector<16xf32>
        %mul3A_2571 = arith.mulf %mul3A_2570, %get3A_2513 : vector<16xf32>
        %add3A_2572 = arith.addf %scan3A_2491, %mul3A_2571 : vector<16xf32>
        %mul3A_2573 = vector.broadcast %squeeze3A_2569 : f32 to vector<16xf32>
        %mul3A_2574 = arith.mulf %mul3A_2573, %get3A_2520 : vector<16xf32>
        %add3A_2575 = arith.addf %scan3A_2492, %mul3A_2574 : vector<16xf32>
        %mul3A_2576 = vector.broadcast %squeeze3A_2569 : f32 to vector<16xf32>
        %mul3A_2577 = arith.mulf %mul3A_2576, %get3A_2527 : vector<16xf32>
        %add3A_2578 = arith.addf %scan3A_2493, %mul3A_2577 : vector<16xf32>
        %mul3A_2579 = vector.broadcast %squeeze3A_2569 : f32 to vector<16xf32>
        %mul3A_2580 = arith.mulf %mul3A_2579, %get3A_2534 : vector<16xf32>
        %add3A_2581 = arith.addf %scan3A_2494, %mul3A_2580 : vector<16xf32>
        %slice3A_2582 = vector.extract_strided_slice %get3A_2541 {offsets = [3], sizes = [1], strides = [1]} : vector<16xf32> to vector<1xf32>
        %squeeze3A_2583 = vector.extract %slice3A_2582[0] : f32 from vector<1xf32>
        %mul3A_2584 = vector.broadcast %squeeze3A_2583 : f32 to vector<16xf32>
        %mul3A_2585 = arith.mulf %mul3A_2584, %get3A_2513 : vector<16xf32>
        %add3A_2586 = arith.addf %scan3A_2495, %mul3A_2585 : vector<16xf32>
        %mul3A_2587 = vector.broadcast %squeeze3A_2583 : f32 to vector<16xf32>
        %mul3A_2588 = arith.mulf %mul3A_2587, %get3A_2520 : vector<16xf32>
        %add3A_2589 = arith.addf %scan3A_2496, %mul3A_2588 : vector<16xf32>
        %mul3A_2590 = vector.broadcast %squeeze3A_2583 : f32 to vector<16xf32>
        %mul3A_2591 = arith.mulf %mul3A_2590, %get3A_2527 : vector<16xf32>
        %add3A_2592 = arith.addf %scan3A_2497, %mul3A_2591 : vector<16xf32>
        %mul3A_2593 = vector.broadcast %squeeze3A_2583 : f32 to vector<16xf32>
        %mul3A_2594 = arith.mulf %mul3A_2593, %get3A_2534 : vector<16xf32>
        %add3A_2595 = arith.addf %scan3A_2498, %mul3A_2594 : vector<16xf32>
        %slice3A_2596 = vector.extract_strided_slice %get3A_2541 {offsets = [4], sizes = [1], strides = [1]} : vector<16xf32> to vector<1xf32>
        %squeeze3A_2597 = vector.extract %slice3A_2596[0] : f32 from vector<1xf32>
        %mul3A_2598 = vector.broadcast %squeeze3A_2597 : f32 to vector<16xf32>
        %mul3A_2599 = arith.mulf %mul3A_2598, %get3A_2513 : vector<16xf32>
        %add3A_2600 = arith.addf %scan3A_2499, %mul3A_2599 : vector<16xf32>
        %mul3A_2601 = vector.broadcast %squeeze3A_2597 : f32 to vector<16xf32>
        %mul3A_2602 = arith.mulf %mul3A_2601, %get3A_2520 : vector<16xf32>
        %add3A_2603 = arith.addf %scan3A_2500, %mul3A_2602 : vector<16xf32>
        %mul3A_2604 = vector.broadcast %squeeze3A_2597 : f32 to vector<16xf32>
        %mul3A_2605 = arith.mulf %mul3A_2604, %get3A_2527 : vector<16xf32>
        %add3A_2606 = arith.addf %scan3A_2501, %mul3A_2605 : vector<16xf32>
        %mul3A_2607 = vector.broadcast %squeeze3A_2597 : f32 to vector<16xf32>
        %mul3A_2608 = arith.mulf %mul3A_2607, %get3A_2534 : vector<16xf32>
        %add3A_2609 = arith.addf %scan3A_2502, %mul3A_2608 : vector<16xf32>
        %slice3A_2610 = vector.extract_strided_slice %get3A_2541 {offsets = [5], sizes = [1], strides = [1]} : vector<16xf32> to vector<1xf32>
        %squeeze3A_2611 = vector.extract %slice3A_2610[0] : f32 from vector<1xf32>
        %mul3A_2612 = vector.broadcast %squeeze3A_2611 : f32 to vector<16xf32>
        %mul3A_2613 = arith.mulf %mul3A_2612, %get3A_2513 : vector<16xf32>
        %add3A_2614 = arith.addf %scan3A_2503, %mul3A_2613 : vector<16xf32>
        %mul3A_2615 = vector.broadcast %squeeze3A_2611 : f32 to vector<16xf32>
        %mul3A_2616 = arith.mulf %mul3A_2615, %get3A_2520 : vector<16xf32>
        %add3A_2617 = arith.addf %scan3A_2504, %mul3A_2616 : vector<16xf32>
        %mul3A_2618 = vector.broadcast %squeeze3A_2611 : f32 to vector<16xf32>
        %mul3A_2619 = arith.mulf %mul3A_2618, %get3A_2527 : vector<16xf32>
        %add3A_2620 = arith.addf %scan3A_2505, %mul3A_2619 : vector<16xf32>
        %mul3A_2621 = vector.broadcast %squeeze3A_2611 : f32 to vector<16xf32>
        %mul3A_2622 = arith.mulf %mul3A_2621, %get3A_2534 : vector<16xf32>
        %add3A_2623 = arith.addf %scan3A_2506, %mul3A_2622 : vector<16xf32>
        scf.yield %add3A_2544, %add3A_2547, %add3A_2550, %add3A_2553, %add3A_2558, %add3A_2561, %add3A_2564, %add3A_2567, %add3A_2572, %add3A_2575, %add3A_2578, %add3A_2581, %add3A_2586, %add3A_2589, %add3A_2592, %add3A_2595, %add3A_2600, %add3A_2603, %add3A_2606, %add3A_2609, %add3A_2614, %add3A_2617, %add3A_2620, %add3A_2623 : vector<16xf32>, vector<16xf32>, vector<16xf32>, vector<16xf32>, vector<16xf32>, vector<16xf32>, vector<16xf32>, vector<16xf32>, vector<16xf32>, vector<16xf32>, vector<16xf32>, vector<16xf32>, vector<16xf32>, vector<16xf32>, vector<16xf32>, vector<16xf32>, vector<16xf32>, vector<16xf32>, vector<16xf32>, vector<16xf32>, vector<16xf32>, vector<16xf32>, vector<16xf32>, vector<16xf32>
      }
      %scan3A_1504 = arith.constant 30 : i32
      %swap3A_1505 = arith.constant 3456 : index
      %swap3A_1506 = tpu.vector_load %arg15[%swap3A_1505] {strides = array<i32>} : memref<3840xf32, #tpu.memory_space<vmem>>, vector<16xf32>,
      %swap3A_1507 = vector.shape_cast %swap3A_1506 : vector<16xf32> to vector<16xf32>
      %swap3A_1508 = vector.shape_cast %scan3A_1503#0 : vector<16xf32> to vector<16xf32>
      tpu.vector_store %arg15[%swap3A_1505], %swap3A_1508 {strides = array<i32>} : memref<3840xf32, #tpu.memory_space<vmem>>, vector<16xf32>,
      %swap3A_1509 = arith.constant 3472 : index
      %swap3A_1510 = tpu.vector_load %arg15[%swap3A_1509] {strides = array<i32>} : memref<3840xf32, #tpu.memory_space<vmem>>, vector<16xf32>,
      %swap3A_1511 = vector.shape_cast %swap3A_1510 : vector<16xf32> to vector<16xf32>
      %swap3A_1512 = vector.shape_cast %scan3A_1503#1 : vector<16xf32> to vector<16xf32>
      tpu.vector_store %arg15[%swap3A_1509], %swap3A_1512 {strides = array<i32>} : memref<3840xf32, #tpu.memory_space<vmem>>, vector<16xf32>,
      %swap3A_1513 = arith.constant 3488 : index
      %swap3A_1514 = tpu.vector_load %arg15[%swap3A_1513] {strides = array<i32>} : memref<3840xf32, #tpu.memory_space<vmem>>, vector<16xf32>,
      %swap3A_1515 = vector.shape_cast %swap3A_1514 : vector<16xf32> to vector<16xf32>
      %swap3A_1516 = vector.shape_cast %scan3A_1503#2 : vector<16xf32> to vector<16xf32>
      tpu.vector_store %arg15[%swap3A_1513], %swap3A_1516 {strides = array<i32>} : memref<3840xf32, #tpu.memory_space<vmem>>, vector<16xf32>,
      %swap3A_1517 = arith.constant 3504 : index
      %swap3A_1518 = tpu.vector_load %arg15[%swap3A_1517] {strides = array<i32>} : memref<3840xf32, #tpu.memory_space<vmem>>, vector<16xf32>,
      %swap3A_1519 = vector.shape_cast %swap3A_1518 : vector<16xf32> to vector<16xf32>
      %swap3A_1520 = vector.shape_cast %scan3A_1503#3 : vector<16xf32> to vector<16xf32>
      tpu.vector_store %arg15[%swap3A_1517], %swap3A_1520 {strides = array<i32>} : memref<3840xf32, #tpu.memory_space<vmem>>, vector<16xf32>,
      %swap3A_1521 = arith.constant 3520 : index
      %swap3A_1522 = tpu.vector_load %arg15[%swap3A_1521] {strides = array<i32>} : memref<3840xf32, #tpu.memory_space<vmem>>, vector<16xf32>,
      %swap3A_1523 = vector.shape_cast %swap3A_1522 : vector<16xf32> to vector<16xf32>
      %swap3A_1524 = vector.shape_cast %scan3A_1503#4 : vector<16xf32> to vector<16xf32>
      tpu.vector_store %arg15[%swap3A_1521], %swap3A_1524 {strides = array<i32>} : memref<3840xf32, #tpu.memory_space<vmem>>, vector<16xf32>,
      %swap3A_1525 = arith.constant 3536 : index
      %swap3A_1526 = tpu.vector_load %arg15[%swap3A_1525] {strides = array<i32>} : memref<3840xf32, #tpu.memory_space<vmem>>, vector<16xf32>,
      %swap3A_1527 = vector.shape_cast %swap3A_1526 : vector<16xf32> to vector<16xf32>
      %swap3A_1528 = vector.shape_cast %scan3A_1503#5 : vector<16xf32> to vector<16xf32>
      tpu.vector_store %arg15[%swap3A_1525], %swap3A_1528 {strides = array<i32>} : memref<3840xf32, #tpu.memory_space<vmem>>, vector<16xf32>,
      %swap3A_1529 = arith.constant 3552 : index
      %swap3A_1530 = tpu.vector_load %arg15[%swap3A_1529] {strides = array<i32>} : memref<3840xf32, #tpu.memory_space<vmem>>, vector<16xf32>,
      %swap3A_1531 = vector.shape_cast %swap3A_1530 : vector<16xf32> to vector<16xf32>
      %swap3A_1532 = vector.shape_cast %scan3A_1503#6 : vector<16xf32> to vector<16xf32>
      tpu.vector_store %arg15[%swap3A_1529], %swap3A_1532 {strides = array<i32>} : memref<3840xf32, #tpu.memory_space<vmem>>, vector<16xf32>,
      %swap3A_1533 = arith.constant 3568 : index
      %swap3A_1534 = tpu.vector_load %arg15[%swap3A_1533] {strides = array<i32>} : memref<3840xf32, #tpu.memory_space<vmem>>, vector<16xf32>,
      %swap3A_1535 = vector.shape_cast %swap3A_1534 : vector<16xf32> to vector<16xf32>
      %swap3A_1536 = vector.shape_cast %scan3A_1503#7 : vector<16xf32> to vector<16xf32>
      tpu.vector_store %arg15[%swap3A_1533], %swap3A_1536 {strides = array<i32>} : memref<3840xf32, #tpu.memory_space<vmem>>, vector<16xf32>,
      %swap3A_1537 = arith.constant 3584 : index
      %swap3A_1538 = tpu.vector_load %arg15[%swap3A_1537] {strides = array<i32>} : memref<3840xf32, #tpu.memory_space<vmem>>, vector<16xf32>,
      %swap3A_1539 = vector.shape_cast %swap3A_1538 : vector<16xf32> to vector<16xf32>
      %swap3A_1540 = vector.shape_cast %scan3A_1503#8 : vector<16xf32> to vector<16xf32>
      tpu.vector_store %arg15[%swap3A_1537], %swap3A_1540 {strides = array<i32>} : memref<3840xf32, #tpu.memory_space<vmem>>, vector<16xf32>,
      %swap3A_1541 = arith.constant 3600 : index
      %swap3A_1542 = tpu.vector_load %arg15[%swap3A_1541] {strides = array<i32>} : memref<3840xf32, #tpu.memory_space<vmem>>, vector<16xf32>,
      %swap3A_1543 = vector.shape_cast %swap3A_1542 : vector<16xf32> to vector<16xf32>
      %swap3A_1544 = vector.shape_cast %scan3A_1503#9 : vector<16xf32> to vector<16xf32>
      tpu.vector_store %arg15[%swap3A_1541], %swap3A_1544 {strides = array<i32>} : memref<3840xf32, #tpu.memory_space<vmem>>, vector<16xf32>,
      %swap3A_1545 = arith.constant 3616 : index
      %swap3A_1546 = tpu.vector_load %arg15[%swap3A_1545] {strides = array<i32>} : memref<3840xf32, #tpu.memory_space<vmem>>, vector<16xf32>,
      %swap3A_1547 = vector.shape_cast %swap3A_1546 : vector<16xf32> to vector<16xf32>
      %swap3A_1548 = vector.shape_cast %scan3A_1503#10 : vector<16xf32> to vector<16xf32>
      tpu.vector_store %arg15[%swap3A_1545], %swap3A_1548 {strides = array<i32>} : memref<3840xf32, #tpu.memory_space<vmem>>, vector<16xf32>,
      %swap3A_1549 = arith.constant 3632 : index
      %swap3A_1550 = tpu.vector_load %arg15[%swap3A_1549] {strides = array<i32>} : memref<3840xf32, #tpu.memory_space<vmem>>, vector<16xf32>,
      %swap3A_1551 = vector.shape_cast %swap3A_1550 : vector<16xf32> to vector<16xf32>
      %swap3A_1552 = vector.shape_cast %scan3A_1503#11 : vector<16xf32> to vector<16xf32>
      tpu.vector_store %arg15[%swap3A_1549], %swap3A_1552 {strides = array<i32>} : memref<3840xf32, #tpu.memory_space<vmem>>, vector<16xf32>,
      %swap3A_1553 = arith.constant 3648 : index
      %swap3A_1554 = tpu.vector_load %arg15[%swap3A_1553] {strides = array<i32>} : memref<3840xf32, #tpu.memory_space<vmem>>, vector<16xf32>,
      %swap3A_1555 = vector.shape_cast %swap3A_1554 : vector<16xf32> to vector<16xf32>
      %swap3A_1556 = vector.shape_cast %scan3A_1503#12 : vector<16xf32> to vector<16xf32>
      tpu.vector_store %arg15[%swap3A_1553], %swap3A_1556 {strides = array<i32>} : memref<3840xf32, #tpu.memory_space<vmem>>, vector<16xf32>,
      %swap3A_1557 = arith.constant 3664 : index
      %swap3A_1558 = tpu.vector_load %arg15[%swap3A_1557] {strides = array<i32>} : memref<3840xf32, #tpu.memory_space<vmem>>, vector<16xf32>,
      %swap3A_1559 = vector.shape_cast %swap3A_1558 : vector<16xf32> to vector<16xf32>
      %swap3A_1560 = vector.shape_cast %scan3A_1503#13 : vector<16xf32> to vector<16xf32>
      tpu.vector_store %arg15[%swap3A_1557], %swap3A_1560 {strides = array<i32>} : memref<3840xf32, #tpu.memory_space<vmem>>, vector<16xf32>,
      %swap3A_1561 = arith.constant 3680 : index
      %swap3A_1562 = tpu.vector_load %arg15[%swap3A_1561] {strides = array<i32>} : memref<3840xf32, #tpu.memory_space<vmem>>, vector<16xf32>,
      %swap3A_1563 = vector.shape_cast %swap3A_1562 : vector<16xf32> to vector<16xf32>
      %swap3A_1564 = vector.shape_cast %scan3A_1503#14 : vector<16xf32> to vector<16xf32>
      tpu.vector_store %arg15[%swap3A_1561], %swap3A_1564 {strides = array<i32>} : memref<3840xf32, #tpu.memory_space<vmem>>, vector<16xf32>,
      %swap3A_1565 = arith.constant 3696 : index
      %swap3A_1566 = tpu.vector_load %arg15[%swap3A_1565] {strides = array<i32>} : memref<3840xf32, #tpu.memory_space<vmem>>, vector<16xf32>,
      %swap3A_1567 = vector.shape_cast %swap3A_1566 : vector<16xf32> to vector<16xf32>
      %swap3A_1568 = vector.shape_cast %scan3A_1503#15 : vector<16xf32> to vector<16xf32>
      tpu.vector_store %arg15[%swap3A_1565], %swap3A_1568 {strides = array<i32>} : memref<3840xf32, #tpu.memory_space<vmem>>, vector<16xf32>,
      %swap3A_1569 = arith.constant 3712 : index
      %swap3A_1570 = tpu.vector_load %arg15[%swap3A_1569] {strides = array<i32>} : memref<3840xf32, #tpu.memory_space<vmem>>, vector<16xf32>,
      %swap3A_1571 = vector.shape_cast %swap3A_1570 : vector<16xf32> to vector<16xf32>
      %swap3A_1572 = vector.shape_cast %scan3A_1503#16 : vector<16xf32> to vector<16xf32>
      tpu.vector_store %arg15[%swap3A_1569], %swap3A_1572 {strides = array<i32>} : memref<3840xf32, #tpu.memory_space<vmem>>, vector<16xf32>,
      %swap3A_1573 = arith.constant 3728 : index
      %swap3A_1574 = tpu.vector_load %arg15[%swap3A_1573] {strides = array<i32>} : memref<3840xf32, #tpu.memory_space<vmem>>, vector<16xf32>,
      %swap3A_1575 = vector.shape_cast %swap3A_1574 : vector<16xf32> to vector<16xf32>
      %swap3A_1576 = vector.shape_cast %scan3A_1503#17 : vector<16xf32> to vector<16xf32>
      tpu.vector_store %arg15[%swap3A_1573], %swap3A_1576 {strides = array<i32>} : memref<3840xf32, #tpu.memory_space<vmem>>, vector<16xf32>,
      %swap3A_1577 = arith.constant 3744 : index
      %swap3A_1578 = tpu.vector_load %arg15[%swap3A_1577] {strides = array<i32>} : memref<3840xf32, #tpu.memory_space<vmem>>, vector<16xf32>,
      %swap3A_1579 = vector.shape_cast %swap3A_1578 : vector<16xf32> to vector<16xf32>
      %swap3A_1580 = vector.shape_cast %scan3A_1503#18 : vector<16xf32> to vector<16xf32>
      tpu.vector_store %arg15[%swap3A_1577], %swap3A_1580 {strides = array<i32>} : memref<3840xf32, #tpu.memory_space<vmem>>, vector<16xf32>,
      %swap3A_1581 = arith.constant 3760 : index
      %swap3A_1582 = tpu.vector_load %arg15[%swap3A_1581] {strides = array<i32>} : memref<3840xf32, #tpu.memory_space<vmem>>, vector<16xf32>,
      %swap3A_1583 = vector.shape_cast %swap3A_1582 : vector<16xf32> to vector<16xf32>
      %swap3A_1584 = vector.shape_cast %scan3A_1503#19 : vector<16xf32> to vector<16xf32>
      tpu.vector_store %arg15[%swap3A_1581], %swap3A_1584 {strides = array<i32>} : memref<3840xf32, #tpu.memory_space<vmem>>, vector<16xf32>,
      %swap3A_1585 = arith.constant 3776 : index
      %swap3A_1586 = tpu.vector_load %arg15[%swap3A_1585] {strides = array<i32>} : memref<3840xf32, #tpu.memory_space<vmem>>, vector<16xf32>,
      %swap3A_1587 = vector.shape_cast %swap3A_1586 : vector<16xf32> to vector<16xf32>
      %swap3A_1588 = vector.shape_cast %scan3A_1503#20 : vector<16xf32> to vector<16xf32>
      tpu.vector_store %arg15[%swap3A_1585], %swap3A_1588 {strides = array<i32>} : memref<3840xf32, #tpu.memory_space<vmem>>, vector<16xf32>,
      %swap3A_1589 = arith.constant 3792 : index
      %swap3A_1590 = tpu.vector_load %arg15[%swap3A_1589] {strides = array<i32>} : memref<3840xf32, #tpu.memory_space<vmem>>, vector<16xf32>,
      %swap3A_1591 = vector.shape_cast %swap3A_1590 : vector<16xf32> to vector<16xf32>
      %swap3A_1592 = vector.shape_cast %scan3A_1503#21 : vector<16xf32> to vector<16xf32>
      tpu.vector_store %arg15[%swap3A_1589], %swap3A_1592 {strides = array<i32>} : memref<3840xf32, #tpu.memory_space<vmem>>, vector<16xf32>,
      %swap3A_1593 = arith.constant 3808 : index
      %swap3A_1594 = tpu.vector_load %arg15[%swap3A_1593] {strides = array<i32>} : memref<3840xf32, #tpu.memory_space<vmem>>, vector<16xf32>,
      %swap3A_1595 = vector.shape_cast %swap3A_1594 : vector<16xf32> to vector<16xf32>
      %swap3A_1596 = vector.shape_cast %scan3A_1503#22 : vector<16xf32> to vector<16xf32>
      tpu.vector_store %arg15[%swap3A_1593], %swap3A_1596 {strides = array<i32>} : memref<3840xf32, #tpu.memory_space<vmem>>, vector<16xf32>,
      %swap3A_1597 = arith.constant 3824 : index
      %swap3A_1598 = tpu.vector_load %arg15[%swap3A_1597] {strides = array<i32>} : memref<3840xf32, #tpu.memory_space<vmem>>, vector<16xf32>,
      %swap3A_1599 = vector.shape_cast %swap3A_1598 : vector<16xf32> to vector<16xf32>
      %swap3A_1600 = vector.shape_cast %scan3A_1503#23 : vector<16xf32> to vector<16xf32>
      tpu.vector_store %arg15[%swap3A_1597], %swap3A_1600 {strides = array<i32>} : memref<3840xf32, #tpu.memory_space<vmem>>, vector<16xf32>,
      %broadcast_in_dim3A_1601 = arith.constant 0.000000e+00 : f32
      %broadcast_in_dim3A_1602 = vector.broadcast %broadcast_in_dim3A_1601 : f32 to vector<16xf32>
      %broadcast_in_dim3A_1603 = arith.constant 0.000000e+00 : f32
      %broadcast_in_dim3A_1604 = vector.broadcast %broadcast_in_dim3A_1603 : f32 to vector<16xf32>
      %broadcast_in_dim3A_1605 = arith.constant 0.000000e+00 : f32
      %broadcast_in_dim3A_1606 = vector.broadcast %broadcast_in_dim3A_1605 : f32 to vector<16xf32>
      %broadcast_in_dim3A_1607 = arith.constant 0.000000e+00 : f32
      %broadcast_in_dim3A_1608 = vector.broadcast %broadcast_in_dim3A_1607 : f32 to vector<16xf32>
      %broadcast_in_dim3A_1609 = arith.constant 0.000000e+00 : f32
      %broadcast_in_dim3A_1610 = vector.broadcast %broadcast_in_dim3A_1609 : f32 to vector<16xf32>
      %broadcast_in_dim3A_1611 = arith.constant 0.000000e+00 : f32
      %broadcast_in_dim3A_1612 = vector.broadcast %broadcast_in_dim3A_1611 : f32 to vector<16xf32>
      %broadcast_in_dim3A_1613 = arith.constant 0.000000e+00 : f32
      %broadcast_in_dim3A_1614 = vector.broadcast %broadcast_in_dim3A_1613 : f32 to vector<16xf32>
      %broadcast_in_dim3A_1615 = arith.constant 0.000000e+00 : f32
      %broadcast_in_dim3A_1616 = vector.broadcast %broadcast_in_dim3A_1615 : f32 to vector<16xf32>
      %broadcast_in_dim3A_1617 = arith.constant 0.000000e+00 : f32
      %broadcast_in_dim3A_1618 = vector.broadcast %broadcast_in_dim3A_1617 : f32 to vector<16xf32>
      %broadcast_in_dim3A_1619 = arith.constant 0.000000e+00 : f32
      %broadcast_in_dim3A_1620 = vector.broadcast %broadcast_in_dim3A_1619 : f32 to vector<16xf32>
      %scan3A_1621 = arith.constant 0 : i32
      %scan3A_1622 = arith.constant 30 : i32
      %scan3A_1623 = arith.addi %scan3A_1621, %scan3A_1622 : i32
      %scan3A_1624 = arith.constant 1 : i32
      %scan3A_1625:20 = scf.for %scan3A_2482 = %scan3A_1621 to %scan3A_1623 step %scan3A_1624 iter_args(%scan3A_2483 = %broadcast_in_dim3A_1602, %scan3A_2484 = %broadcast_in_dim3A_1604, %scan3A_2485 = %broadcast_in_dim3A_1606, %scan3A_2486 = %broadcast_in_dim3A_1608, %scan3A_2487 = %broadcast_in_dim3A_1610, %scan3A_2488 = %broadcast_in_dim3A_1612, %scan3A_2489 = %broadcast_in_dim3A_1614, %scan3A_2490 = %broadcast_in_dim3A_1616, %scan3A_2491 = %broadcast_in_dim3A_1618, %scan3A_2492 = %broadcast_in_dim3A_1620, %scan3A_2493 = %broadcast_in_dim3A_1602, %scan3A_2494 = %broadcast_in_dim3A_1604, %scan3A_2495 = %broadcast_in_dim3A_1606, %scan3A_2496 = %broadcast_in_dim3A_1608, %scan3A_2497 = %broadcast_in_dim3A_1610, %scan3A_2498 = %broadcast_in_dim3A_1612, %scan3A_2499 = %broadcast_in_dim3A_1614, %scan3A_2500 = %broadcast_in_dim3A_1616, %scan3A_2501 = %broadcast_in_dim3A_1618, %scan3A_2502 = %broadcast_in_dim3A_1620) -> (vector<16xf32>, vector<16xf32>, vector<16xf32>, vector<16xf32>, vector<16xf32>, vector<16xf32>, vector<16xf32>, vector<16xf32>, vector<16xf32>, vector<16xf32>, vector<16xf32>, vector<16xf32>, vector<16xf32>, vector<16xf32>, vector<16xf32>, vector<16xf32>, vector<16xf32>, vector<16xf32>, vector<16xf32>, vector<16xf32>)  : i32 {
        %mul3A_2503 = arith.constant 64 : i32
        %mul3A_2504 = arith.muli %scan3A_2482, %mul3A_2503 : i32
        %add3A_2505 = arith.constant 0 : i32
        %add3A_2506 = arith.addi %mul3A_2504, %add3A_2505 : i32
        %get3A_2507 = arith.index_cast %add3A_2506 : i32 to index
        %get3A_2508 = tpu.vector_load %arg15[%get3A_2507] {strides = array<i32>} : memref<3840xf32, #tpu.memory_space<vmem>>, vector<16xf32>,
        %get3A_2509 = vector.shape_cast %get3A_2508 : vector<16xf32> to vector<16xf32>
        %add3A_2510 = arith.addf %get3A_2509, %get3A_2 : vector<16xf32>
        %max3A_2511 = arith.constant 0.000000e+00 : f32
        %max3A_2512 = vector.broadcast %max3A_2511 : f32 to vector<16xf32>
        %max3A_2513 = arith.maximumf %add3A_2510, %max3A_2512 : vector<16xf32>
        %add3A_2514 = arith.constant 1920 : i32
        %add3A_2515 = arith.addi %add3A_2514, %mul3A_2504 : i32
        %add3A_2516 = arith.constant 0 : i32
        %add3A_2517 = arith.addi %add3A_2515, %add3A_2516 : i32
        %get3A_2518 = arith.index_cast %add3A_2517 : i32 to index
        %get3A_2519 = tpu.vector_load %arg15[%get3A_2518] {strides = array<i32>} : memref<3840xf32, #tpu.memory_space<vmem>>, vector<16xf32>,
        %get3A_2520 = vector.shape_cast %get3A_2519 : vector<16xf32> to vector<16xf32>
        %add3A_2521 = arith.addf %get3A_2520, %get3A_2 : vector<16xf32>
        %max3A_2522 = arith.constant 0.000000e+00 : f32
        %max3A_2523 = vector.broadcast %max3A_2522 : f32 to vector<16xf32>
        %max3A_2524 = arith.maximumf %add3A_2521, %max3A_2523 : vector<16xf32>
        %add3A_2525 = arith.constant 0 : i32
        %add3A_2526 = arith.addi %add3A_2525, %mul3A_2504 : i32
        %add3A_2527 = arith.constant 0 : i32
        %add3A_2528 = arith.addi %add3A_2526, %add3A_2527 : i32
        %get3A_2529 = arith.index_cast %add3A_2528 : i32 to index
        %get3A_2530 = tpu.vector_load %arg10[%get3A_2529] {strides = array<i32>} : memref<19200xf32, #tpu.memory_space<vmem>>, vector<16xf32>,
        %get3A_2531 = vector.shape_cast %get3A_2530 : vector<16xf32> to vector<16xf32>
        %mul3A_2532 = arith.mulf %get3A_2531, %max3A_2513 : vector<16xf32>
        %add3A_2533 = arith.addf %scan3A_2483, %mul3A_2532 : vector<16xf32>
        %mul3A_2534 = arith.mulf %get3A_2531, %max3A_2524 : vector<16xf32>
        %add3A_2535 = arith.addf %scan3A_2493, %mul3A_2534 : vector<16xf32>
        %add3A_2536 = arith.constant 1920 : i32
        %add3A_2537 = arith.addi %add3A_2536, %mul3A_2504 : i32
        %add3A_2538 = arith.constant 0 : i32
        %add3A_2539 = arith.addi %add3A_2537, %add3A_2538 : i32
        %get3A_2540 = arith.index_cast %add3A_2539 : i32 to index
        %get3A_2541 = tpu.vector_load %arg10[%get3A_2540] {strides = array<i32>} : memref<19200xf32, #tpu.memory_space<vmem>>, vector<16xf32>,
        %get3A_2542 = vector.shape_cast %get3A_2541 : vector<16xf32> to vector<16xf32>
        %mul3A_2543 = arith.mulf %get3A_2542, %max3A_2513 : vector<16xf32>
        %add3A_2544 = arith.addf %scan3A_2484, %mul3A_2543 : vector<16xf32>
        %mul3A_2545 = arith.mulf %get3A_2542, %max3A_2524 : vector<16xf32>
        %add3A_2546 = arith.addf %scan3A_2494, %mul3A_2545 : vector<16xf32>
        %add3A_2547 = arith.constant 3840 : i32
        %add3A_2548 = arith.addi %add3A_2547, %mul3A_2504 : i32
        %add3A_2549 = arith.constant 0 : i32
        %add3A_2550 = arith.addi %add3A_2548, %add3A_2549 : i32
        %get3A_2551 = arith.index_cast %add3A_2550 : i32 to index
        %get3A_2552 = tpu.vector_load %arg10[%get3A_2551] {strides = array<i32>} : memref<19200xf32, #tpu.memory_space<vmem>>, vector<16xf32>,
        %get3A_2553 = vector.shape_cast %get3A_2552 : vector<16xf32> to vector<16xf32>
        %mul3A_2554 = arith.mulf %get3A_2553, %max3A_2513 : vector<16xf32>
        %add3A_2555 = arith.addf %scan3A_2485, %mul3A_2554 : vector<16xf32>
        %mul3A_2556 = arith.mulf %get3A_2553, %max3A_2524 : vector<16xf32>
        %add3A_2557 = arith.addf %scan3A_2495, %mul3A_2556 : vector<16xf32>
        %add3A_2558 = arith.constant 5760 : i32
        %add3A_2559 = arith.addi %add3A_2558, %mul3A_2504 : i32
        %add3A_2560 = arith.constant 0 : i32
        %add3A_2561 = arith.addi %add3A_2559, %add3A_2560 : i32
        %get3A_2562 = arith.index_cast %add3A_2561 : i32 to index
        %get3A_2563 = tpu.vector_load %arg10[%get3A_2562] {strides = array<i32>} : memref<19200xf32, #tpu.memory_space<vmem>>, vector<16xf32>,
        %get3A_2564 = vector.shape_cast %get3A_2563 : vector<16xf32> to vector<16xf32>
        %mul3A_2565 = arith.mulf %get3A_2564, %max3A_2513 : vector<16xf32>
        %add3A_2566 = arith.addf %scan3A_2486, %mul3A_2565 : vector<16xf32>
        %mul3A_2567 = arith.mulf %get3A_2564, %max3A_2524 : vector<16xf32>
        %add3A_2568 = arith.addf %scan3A_2496, %mul3A_2567 : vector<16xf32>
        %add3A_2569 = arith.constant 7680 : i32
        %add3A_2570 = arith.addi %add3A_2569, %mul3A_2504 : i32
        %add3A_2571 = arith.constant 0 : i32
        %add3A_2572 = arith.addi %add3A_2570, %add3A_2571 : i32
        %get3A_2573 = arith.index_cast %add3A_2572 : i32 to index
        %get3A_2574 = tpu.vector_load %arg10[%get3A_2573] {strides = array<i32>} : memref<19200xf32, #tpu.memory_space<vmem>>, vector<16xf32>,
        %get3A_2575 = vector.shape_cast %get3A_2574 : vector<16xf32> to vector<16xf32>
        %mul3A_2576 = arith.mulf %get3A_2575, %max3A_2513 : vector<16xf32>
        %add3A_2577 = arith.addf %scan3A_2487, %mul3A_2576 : vector<16xf32>
        %mul3A_2578 = arith.mulf %get3A_2575, %max3A_2524 : vector<16xf32>
        %add3A_2579 = arith.addf %scan3A_2497, %mul3A_2578 : vector<16xf32>
        %add3A_2580 = arith.constant 9600 : i32
        %add3A_2581 = arith.addi %add3A_2580, %mul3A_2504 : i32
        %add3A_2582 = arith.constant 0 : i32
        %add3A_2583 = arith.addi %add3A_2581, %add3A_2582 : i32
        %get3A_2584 = arith.index_cast %add3A_2583 : i32 to index
        %get3A_2585 = tpu.vector_load %arg10[%get3A_2584] {strides = array<i32>} : memref<19200xf32, #tpu.memory_space<vmem>>, vector<16xf32>,
        %get3A_2586 = vector.shape_cast %get3A_2585 : vector<16xf32> to vector<16xf32>
        %mul3A_2587 = arith.mulf %get3A_2586, %max3A_2513 : vector<16xf32>
        %add3A_2588 = arith.addf %scan3A_2488, %mul3A_2587 : vector<16xf32>
        %mul3A_2589 = arith.mulf %get3A_2586, %max3A_2524 : vector<16xf32>
        %add3A_2590 = arith.addf %scan3A_2498, %mul3A_2589 : vector<16xf32>
        %add3A_2591 = arith.constant 11520 : i32
        %add3A_2592 = arith.addi %add3A_2591, %mul3A_2504 : i32
        %add3A_2593 = arith.constant 0 : i32
        %add3A_2594 = arith.addi %add3A_2592, %add3A_2593 : i32
        %get3A_2595 = arith.index_cast %add3A_2594 : i32 to index
        %get3A_2596 = tpu.vector_load %arg10[%get3A_2595] {strides = array<i32>} : memref<19200xf32, #tpu.memory_space<vmem>>, vector<16xf32>,
        %get3A_2597 = vector.shape_cast %get3A_2596 : vector<16xf32> to vector<16xf32>
        %mul3A_2598 = arith.mulf %get3A_2597, %max3A_2513 : vector<16xf32>
        %add3A_2599 = arith.addf %scan3A_2489, %mul3A_2598 : vector<16xf32>
        %mul3A_2600 = arith.mulf %get3A_2597, %max3A_2524 : vector<16xf32>
        %add3A_2601 = arith.addf %scan3A_2499, %mul3A_2600 : vector<16xf32>
        %add3A_2602 = arith.constant 13440 : i32
        %add3A_2603 = arith.addi %add3A_2602, %mul3A_2504 : i32
        %add3A_2604 = arith.constant 0 : i32
        %add3A_2605 = arith.addi %add3A_2603, %add3A_2604 : i32
        %get3A_2606 = arith.index_cast %add3A_2605 : i32 to index
        %get3A_2607 = tpu.vector_load %arg10[%get3A_2606] {strides = array<i32>} : memref<19200xf32, #tpu.memory_space<vmem>>, vector<16xf32>,
        %get3A_2608 = vector.shape_cast %get3A_2607 : vector<16xf32> to vector<16xf32>
        %mul3A_2609 = arith.mulf %get3A_2608, %max3A_2513 : vector<16xf32>
        %add3A_2610 = arith.addf %scan3A_2490, %mul3A_2609 : vector<16xf32>
        %mul3A_2611 = arith.mulf %get3A_2608, %max3A_2524 : vector<16xf32>
        %add3A_2612 = arith.addf %scan3A_2500, %mul3A_2611 : vector<16xf32>
        %add3A_2613 = arith.constant 15360 : i32
        %add3A_2614 = arith.addi %add3A_2613, %mul3A_2504 : i32
        %add3A_2615 = arith.constant 0 : i32
        %add3A_2616 = arith.addi %add3A_2614, %add3A_2615 : i32
        %get3A_2617 = arith.index_cast %add3A_2616 : i32 to index
        %get3A_2618 = tpu.vector_load %arg10[%get3A_2617] {strides = array<i32>} : memref<19200xf32, #tpu.memory_space<vmem>>, vector<16xf32>,
        %get3A_2619 = vector.shape_cast %get3A_2618 : vector<16xf32> to vector<16xf32>
        %mul3A_2620 = arith.mulf %get3A_2619, %max3A_2513 : vector<16xf32>
        %add3A_2621 = arith.addf %scan3A_2491, %mul3A_2620 : vector<16xf32>
        %mul3A_2622 = arith.mulf %get3A_2619, %max3A_2524 : vector<16xf32>
        %add3A_2623 = arith.addf %scan3A_2501, %mul3A_2622 : vector<16xf32>
        %add3A_2624 = arith.constant 17280 : i32
        %add3A_2625 = arith.addi %add3A_2624, %mul3A_2504 : i32
        %add3A_2626 = arith.constant 0 : i32
        %add3A_2627 = arith.addi %add3A_2625, %add3A_2626 : i32
        %get3A_2628 = arith.index_cast %add3A_2627 : i32 to index
        %get3A_2629 = tpu.vector_load %arg10[%get3A_2628] {strides = array<i32>} : memref<19200xf32, #tpu.memory_space<vmem>>, vector<16xf32>,
        %get3A_2630 = vector.shape_cast %get3A_2629 : vector<16xf32> to vector<16xf32>
        %mul3A_2631 = arith.mulf %get3A_2630, %max3A_2513 : vector<16xf32>
        %add3A_2632 = arith.addf %scan3A_2492, %mul3A_2631 : vector<16xf32>
        %mul3A_2633 = arith.mulf %get3A_2630, %max3A_2524 : vector<16xf32>
        %add3A_2634 = arith.addf %scan3A_2502, %mul3A_2633 : vector<16xf32>
        %add3A_2635 = arith.constant 16 : i32
        %add3A_2636 = arith.addi %mul3A_2504, %add3A_2635 : i32
        %get3A_2637 = arith.index_cast %add3A_2636 : i32 to index
        %get3A_2638 = tpu.vector_load %arg15[%get3A_2637] {strides = array<i32>} : memref<3840xf32, #tpu.memory_space<vmem>>, vector<16xf32>,
        %get3A_2639 = vector.shape_cast %get3A_2638 : vector<16xf32> to vector<16xf32>
        %add3A_2640 = arith.addf %get3A_2639, %get3A_5 : vector<16xf32>
        %max3A_2641 = arith.constant 0.000000e+00 : f32
        %max3A_2642 = vector.broadcast %max3A_2641 : f32 to vector<16xf32>
        %max3A_2643 = arith.maximumf %add3A_2640, %max3A_2642 : vector<16xf32>
        %add3A_2644 = arith.constant 1920 : i32
        %add3A_2645 = arith.addi %add3A_2644, %mul3A_2504 : i32
        %add3A_2646 = arith.constant 16 : i32
        %add3A_2647 = arith.addi %add3A_2645, %add3A_2646 : i32
        %get3A_2648 = arith.index_cast %add3A_2647 : i32 to index
        %get3A_2649 = tpu.vector_load %arg15[%get3A_2648] {strides = array<i32>} : memref<3840xf32, #tpu.memory_space<vmem>>, vector<16xf32>,
        %get3A_2650 = vector.shape_cast %get3A_2649 : vector<16xf32> to vector<16xf32>
        %add3A_2651 = arith.addf %get3A_2650, %get3A_5 : vector<16xf32>
        %max3A_2652 = arith.constant 0.000000e+00 : f32
        %max3A_2653 = vector.broadcast %max3A_2652 : f32 to vector<16xf32>
        %max3A_2654 = arith.maximumf %add3A_2651, %max3A_2653 : vector<16xf32>
        %add3A_2655 = arith.constant 0 : i32
        %add3A_2656 = arith.addi %add3A_2655, %mul3A_2504 : i32
        %add3A_2657 = arith.constant 16 : i32
        %add3A_2658 = arith.addi %add3A_2656, %add3A_2657 : i32
        %get3A_2659 = arith.index_cast %add3A_2658 : i32 to index
        %get3A_2660 = tpu.vector_load %arg10[%get3A_2659] {strides = array<i32>} : memref<19200xf32, #tpu.memory_space<vmem>>, vector<16xf32>,
        %get3A_2661 = vector.shape_cast %get3A_2660 : vector<16xf32> to vector<16xf32>
        %mul3A_2662 = arith.mulf %get3A_2661, %max3A_2643 : vector<16xf32>
        %add3A_2663 = arith.addf %add3A_2533, %mul3A_2662 : vector<16xf32>
        %mul3A_2664 = arith.mulf %get3A_2661, %max3A_2654 : vector<16xf32>
        %add3A_2665 = arith.addf %add3A_2535, %mul3A_2664 : vector<16xf32>
        %add3A_2666 = arith.constant 1920 : i32
        %add3A_2667 = arith.addi %add3A_2666, %mul3A_2504 : i32
        %add3A_2668 = arith.constant 16 : i32
        %add3A_2669 = arith.addi %add3A_2667, %add3A_2668 : i32
        %get3A_2670 = arith.index_cast %add3A_2669 : i32 to index
        %get3A_2671 = tpu.vector_load %arg10[%get3A_2670] {strides = array<i32>} : memref<19200xf32, #tpu.memory_space<vmem>>, vector<16xf32>,
        %get3A_2672 = vector.shape_cast %get3A_2671 : vector<16xf32> to vector<16xf32>
        %mul3A_2673 = arith.mulf %get3A_2672, %max3A_2643 : vector<16xf32>
        %add3A_2674 = arith.addf %add3A_2544, %mul3A_2673 : vector<16xf32>
        %mul3A_2675 = arith.mulf %get3A_2672, %max3A_2654 : vector<16xf32>
        %add3A_2676 = arith.addf %add3A_2546, %mul3A_2675 : vector<16xf32>
        %add3A_2677 = arith.constant 3840 : i32
        %add3A_2678 = arith.addi %add3A_2677, %mul3A_2504 : i32
        %add3A_2679 = arith.constant 16 : i32
        %add3A_2680 = arith.addi %add3A_2678, %add3A_2679 : i32
        %get3A_2681 = arith.index_cast %add3A_2680 : i32 to index
        %get3A_2682 = tpu.vector_load %arg10[%get3A_2681] {strides = array<i32>} : memref<19200xf32, #tpu.memory_space<vmem>>, vector<16xf32>,
        %get3A_2683 = vector.shape_cast %get3A_2682 : vector<16xf32> to vector<16xf32>
        %mul3A_2684 = arith.mulf %get3A_2683, %max3A_2643 : vector<16xf32>
        %add3A_2685 = arith.addf %add3A_2555, %mul3A_2684 : vector<16xf32>
        %mul3A_2686 = arith.mulf %get3A_2683, %max3A_2654 : vector<16xf32>
        %add3A_2687 = arith.addf %add3A_2557, %mul3A_2686 : vector<16xf32>
        %add3A_2688 = arith.constant 5760 : i32
        %add3A_2689 = arith.addi %add3A_2688, %mul3A_2504 : i32
        %add3A_2690 = arith.constant 16 : i32
        %add3A_2691 = arith.addi %add3A_2689, %add3A_2690 : i32
        %get3A_2692 = arith.index_cast %add3A_2691 : i32 to index
        %get3A_2693 = tpu.vector_load %arg10[%get3A_2692] {strides = array<i32>} : memref<19200xf32, #tpu.memory_space<vmem>>, vector<16xf32>,
        %get3A_2694 = vector.shape_cast %get3A_2693 : vector<16xf32> to vector<16xf32>
        %mul3A_2695 = arith.mulf %get3A_2694, %max3A_2643 : vector<16xf32>
        %add3A_2696 = arith.addf %add3A_2566, %mul3A_2695 : vector<16xf32>
        %mul3A_2697 = arith.mulf %get3A_2694, %max3A_2654 : vector<16xf32>
        %add3A_2698 = arith.addf %add3A_2568, %mul3A_2697 : vector<16xf32>
        %add3A_2699 = arith.constant 7680 : i32
        %add3A_2700 = arith.addi %add3A_2699, %mul3A_2504 : i32
        %add3A_2701 = arith.constant 16 : i32
        %add3A_2702 = arith.addi %add3A_2700, %add3A_2701 : i32
        %get3A_2703 = arith.index_cast %add3A_2702 : i32 to index
        %get3A_2704 = tpu.vector_load %arg10[%get3A_2703] {strides = array<i32>} : memref<19200xf32, #tpu.memory_space<vmem>>, vector<16xf32>,
        %get3A_2705 = vector.shape_cast %get3A_2704 : vector<16xf32> to vector<16xf32>
        %mul3A_2706 = arith.mulf %get3A_2705, %max3A_2643 : vector<16xf32>
        %add3A_2707 = arith.addf %add3A_2577, %mul3A_2706 : vector<16xf32>
        %mul3A_2708 = arith.mulf %get3A_2705, %max3A_2654 : vector<16xf32>
        %add3A_2709 = arith.addf %add3A_2579, %mul3A_2708 : vector<16xf32>
        %add3A_2710 = arith.constant 9600 : i32
        %add3A_2711 = arith.addi %add3A_2710, %mul3A_2504 : i32
        %add3A_2712 = arith.constant 16 : i32
        %add3A_2713 = arith.addi %add3A_2711, %add3A_2712 : i32
        %get3A_2714 = arith.index_cast %add3A_2713 : i32 to index
        %get3A_2715 = tpu.vector_load %arg10[%get3A_2714] {strides = array<i32>} : memref<19200xf32, #tpu.memory_space<vmem>>, vector<16xf32>,
        %get3A_2716 = vector.shape_cast %get3A_2715 : vector<16xf32> to vector<16xf32>
        %mul3A_2717 = arith.mulf %get3A_2716, %max3A_2643 : vector<16xf32>
        %add3A_2718 = arith.addf %add3A_2588, %mul3A_2717 : vector<16xf32>
        %mul3A_2719 = arith.mulf %get3A_2716, %max3A_2654 : vector<16xf32>
        %add3A_2720 = arith.addf %add3A_2590, %mul3A_2719 : vector<16xf32>
        %add3A_2721 = arith.constant 11520 : i32
        %add3A_2722 = arith.addi %add3A_2721, %mul3A_2504 : i32
        %add3A_2723 = arith.constant 16 : i32
        %add3A_2724 = arith.addi %add3A_2722, %add3A_2723 : i32
        %get3A_2725 = arith.index_cast %add3A_2724 : i32 to index
        %get3A_2726 = tpu.vector_load %arg10[%get3A_2725] {strides = array<i32>} : memref<19200xf32, #tpu.memory_space<vmem>>, vector<16xf32>,
        %get3A_2727 = vector.shape_cast %get3A_2726 : vector<16xf32> to vector<16xf32>
        %mul3A_2728 = arith.mulf %get3A_2727, %max3A_2643 : vector<16xf32>
        %add3A_2729 = arith.addf %add3A_2599, %mul3A_2728 : vector<16xf32>
        %mul3A_2730 = arith.mulf %get3A_2727, %max3A_2654 : vector<16xf32>
        %add3A_2731 = arith.addf %add3A_2601, %mul3A_2730 : vector<16xf32>
        %add3A_2732 = arith.constant 13440 : i32
        %add3A_2733 = arith.addi %add3A_2732, %mul3A_2504 : i32
        %add3A_2734 = arith.constant 16 : i32
        %add3A_2735 = arith.addi %add3A_2733, %add3A_2734 : i32
        %get3A_2736 = arith.index_cast %add3A_2735 : i32 to index
        %get3A_2737 = tpu.vector_load %arg10[%get3A_2736] {strides = array<i32>} : memref<19200xf32, #tpu.memory_space<vmem>>, vector<16xf32>,
        %get3A_2738 = vector.shape_cast %get3A_2737 : vector<16xf32> to vector<16xf32>
        %mul3A_2739 = arith.mulf %get3A_2738, %max3A_2643 : vector<16xf32>
        %add3A_2740 = arith.addf %add3A_2610, %mul3A_2739 : vector<16xf32>
        %mul3A_2741 = arith.mulf %get3A_2738, %max3A_2654 : vector<16xf32>
        %add3A_2742 = arith.addf %add3A_2612, %mul3A_2741 : vector<16xf32>
        %add3A_2743 = arith.constant 15360 : i32
        %add3A_2744 = arith.addi %add3A_2743, %mul3A_2504 : i32
        %add3A_2745 = arith.constant 16 : i32
        %add3A_2746 = arith.addi %add3A_2744, %add3A_2745 : i32
        %get3A_2747 = arith.index_cast %add3A_2746 : i32 to index
        %get3A_2748 = tpu.vector_load %arg10[%get3A_2747] {strides = array<i32>} : memref<19200xf32, #tpu.memory_space<vmem>>, vector<16xf32>,
        %get3A_2749 = vector.shape_cast %get3A_2748 : vector<16xf32> to vector<16xf32>
        %mul3A_2750 = arith.mulf %get3A_2749, %max3A_2643 : vector<16xf32>
        %add3A_2751 = arith.addf %add3A_2621, %mul3A_2750 : vector<16xf32>
        %mul3A_2752 = arith.mulf %get3A_2749, %max3A_2654 : vector<16xf32>
        %add3A_2753 = arith.addf %add3A_2623, %mul3A_2752 : vector<16xf32>
        %add3A_2754 = arith.constant 17280 : i32
        %add3A_2755 = arith.addi %add3A_2754, %mul3A_2504 : i32
        %add3A_2756 = arith.constant 16 : i32
        %add3A_2757 = arith.addi %add3A_2755, %add3A_2756 : i32
        %get3A_2758 = arith.index_cast %add3A_2757 : i32 to index
        %get3A_2759 = tpu.vector_load %arg10[%get3A_2758] {strides = array<i32>} : memref<19200xf32, #tpu.memory_space<vmem>>, vector<16xf32>,
        %get3A_2760 = vector.shape_cast %get3A_2759 : vector<16xf32> to vector<16xf32>
        %mul3A_2761 = arith.mulf %get3A_2760, %max3A_2643 : vector<16xf32>
        %add3A_2762 = arith.addf %add3A_2632, %mul3A_2761 : vector<16xf32>
        %mul3A_2763 = arith.mulf %get3A_2760, %max3A_2654 : vector<16xf32>
        %add3A_2764 = arith.addf %add3A_2634, %mul3A_2763 : vector<16xf32>
        %add3A_2765 = arith.constant 32 : i32
        %add3A_2766 = arith.addi %mul3A_2504, %add3A_2765 : i32
        %get3A_2767 = arith.index_cast %add3A_2766 : i32 to index
        %get3A_2768 = tpu.vector_load %arg15[%get3A_2767] {strides = array<i32>} : memref<3840xf32, #tpu.memory_space<vmem>>, vector<16xf32>,
        %get3A_2769 = vector.shape_cast %get3A_2768 : vector<16xf32> to vector<16xf32>
        %add3A_2770 = arith.addf %get3A_2769, %get3A_8 : vector<16xf32>
        %max3A_2771 = arith.constant 0.000000e+00 : f32
        %max3A_2772 = vector.broadcast %max3A_2771 : f32 to vector<16xf32>
        %max3A_2773 = arith.maximumf %add3A_2770, %max3A_2772 : vector<16xf32>
        %add3A_2774 = arith.constant 1920 : i32
        %add3A_2775 = arith.addi %add3A_2774, %mul3A_2504 : i32
        %add3A_2776 = arith.constant 32 : i32
        %add3A_2777 = arith.addi %add3A_2775, %add3A_2776 : i32
        %get3A_2778 = arith.index_cast %add3A_2777 : i32 to index
        %get3A_2779 = tpu.vector_load %arg15[%get3A_2778] {strides = array<i32>} : memref<3840xf32, #tpu.memory_space<vmem>>, vector<16xf32>,
        %get3A_2780 = vector.shape_cast %get3A_2779 : vector<16xf32> to vector<16xf32>
        %add3A_2781 = arith.addf %get3A_2780, %get3A_8 : vector<16xf32>
        %max3A_2782 = arith.constant 0.000000e+00 : f32
        %max3A_2783 = vector.broadcast %max3A_2782 : f32 to vector<16xf32>
        %max3A_2784 = arith.maximumf %add3A_2781, %max3A_2783 : vector<16xf32>
        %add3A_2785 = arith.constant 0 : i32
        %add3A_2786 = arith.addi %add3A_2785, %mul3A_2504 : i32
        %add3A_2787 = arith.constant 32 : i32
        %add3A_2788 = arith.addi %add3A_2786, %add3A_2787 : i32
        %get3A_2789 = arith.index_cast %add3A_2788 : i32 to index
        %get3A_2790 = tpu.vector_load %arg10[%get3A_2789] {strides = array<i32>} : memref<19200xf32, #tpu.memory_space<vmem>>, vector<16xf32>,
        %get3A_2791 = vector.shape_cast %get3A_2790 : vector<16xf32> to vector<16xf32>
        %mul3A_2792 = arith.mulf %get3A_2791, %max3A_2773 : vector<16xf32>
        %add3A_2793 = arith.addf %add3A_2663, %mul3A_2792 : vector<16xf32>
        %mul3A_2794 = arith.mulf %get3A_2791, %max3A_2784 : vector<16xf32>
        %add3A_2795 = arith.addf %add3A_2665, %mul3A_2794 : vector<16xf32>
        %add3A_2796 = arith.constant 1920 : i32
        %add3A_2797 = arith.addi %add3A_2796, %mul3A_2504 : i32
        %add3A_2798 = arith.constant 32 : i32
        %add3A_2799 = arith.addi %add3A_2797, %add3A_2798 : i32
        %get3A_2800 = arith.index_cast %add3A_2799 : i32 to index
        %get3A_2801 = tpu.vector_load %arg10[%get3A_2800] {strides = array<i32>} : memref<19200xf32, #tpu.memory_space<vmem>>, vector<16xf32>,
        %get3A_2802 = vector.shape_cast %get3A_2801 : vector<16xf32> to vector<16xf32>
        %mul3A_2803 = arith.mulf %get3A_2802, %max3A_2773 : vector<16xf32>
        %add3A_2804 = arith.addf %add3A_2674, %mul3A_2803 : vector<16xf32>
        %mul3A_2805 = arith.mulf %get3A_2802, %max3A_2784 : vector<16xf32>
        %add3A_2806 = arith.addf %add3A_2676, %mul3A_2805 : vector<16xf32>
        %add3A_2807 = arith.constant 3840 : i32
        %add3A_2808 = arith.addi %add3A_2807, %mul3A_2504 : i32
        %add3A_2809 = arith.constant 32 : i32
        %add3A_2810 = arith.addi %add3A_2808, %add3A_2809 : i32
        %get3A_2811 = arith.index_cast %add3A_2810 : i32 to index
        %get3A_2812 = tpu.vector_load %arg10[%get3A_2811] {strides = array<i32>} : memref<19200xf32, #tpu.memory_space<vmem>>, vector<16xf32>,
        %get3A_2813 = vector.shape_cast %get3A_2812 : vector<16xf32> to vector<16xf32>
        %mul3A_2814 = arith.mulf %get3A_2813, %max3A_2773 : vector<16xf32>
        %add3A_2815 = arith.addf %add3A_2685, %mul3A_2814 : vector<16xf32>
        %mul3A_2816 = arith.mulf %get3A_2813, %max3A_2784 : vector<16xf32>
        %add3A_2817 = arith.addf %add3A_2687, %mul3A_2816 : vector<16xf32>
        %add3A_2818 = arith.constant 5760 : i32
        %add3A_2819 = arith.addi %add3A_2818, %mul3A_2504 : i32
        %add3A_2820 = arith.constant 32 : i32
        %add3A_2821 = arith.addi %add3A_2819, %add3A_2820 : i32
        %get3A_2822 = arith.index_cast %add3A_2821 : i32 to index
        %get3A_2823 = tpu.vector_load %arg10[%get3A_2822] {strides = array<i32>} : memref<19200xf32, #tpu.memory_space<vmem>>, vector<16xf32>,
        %get3A_2824 = vector.shape_cast %get3A_2823 : vector<16xf32> to vector<16xf32>
        %mul3A_2825 = arith.mulf %get3A_2824, %max3A_2773 : vector<16xf32>
        %add3A_2826 = arith.addf %add3A_2696, %mul3A_2825 : vector<16xf32>
        %mul3A_2827 = arith.mulf %get3A_2824, %max3A_2784 : vector<16xf32>
        %add3A_2828 = arith.addf %add3A_2698, %mul3A_2827 : vector<16xf32>
        %add3A_2829 = arith.constant 7680 : i32
        %add3A_2830 = arith.addi %add3A_2829, %mul3A_2504 : i32
        %add3A_2831 = arith.constant 32 : i32
        %add3A_2832 = arith.addi %add3A_2830, %add3A_2831 : i32
        %get3A_2833 = arith.index_cast %add3A_2832 : i32 to index
        %get3A_2834 = tpu.vector_load %arg10[%get3A_2833] {strides = array<i32>} : memref<19200xf32, #tpu.memory_space<vmem>>, vector<16xf32>,
        %get3A_2835 = vector.shape_cast %get3A_2834 : vector<16xf32> to vector<16xf32>
        %mul3A_2836 = arith.mulf %get3A_2835, %max3A_2773 : vector<16xf32>
        %add3A_2837 = arith.addf %add3A_2707, %mul3A_2836 : vector<16xf32>
        %mul3A_2838 = arith.mulf %get3A_2835, %max3A_2784 : vector<16xf32>
        %add3A_2839 = arith.addf %add3A_2709, %mul3A_2838 : vector<16xf32>
        %add3A_2840 = arith.constant 9600 : i32
        %add3A_2841 = arith.addi %add3A_2840, %mul3A_2504 : i32
        %add3A_2842 = arith.constant 32 : i32
        %add3A_2843 = arith.addi %add3A_2841, %add3A_2842 : i32
        %get3A_2844 = arith.index_cast %add3A_2843 : i32 to index
        %get3A_2845 = tpu.vector_load %arg10[%get3A_2844] {strides = array<i32>} : memref<19200xf32, #tpu.memory_space<vmem>>, vector<16xf32>,
        %get3A_2846 = vector.shape_cast %get3A_2845 : vector<16xf32> to vector<16xf32>
        %mul3A_2847 = arith.mulf %get3A_2846, %max3A_2773 : vector<16xf32>
        %add3A_2848 = arith.addf %add3A_2718, %mul3A_2847 : vector<16xf32>
        %mul3A_2849 = arith.mulf %get3A_2846, %max3A_2784 : vector<16xf32>
        %add3A_2850 = arith.addf %add3A_2720, %mul3A_2849 : vector<16xf32>
        %add3A_2851 = arith.constant 11520 : i32
        %add3A_2852 = arith.addi %add3A_2851, %mul3A_2504 : i32
        %add3A_2853 = arith.constant 32 : i32
        %add3A_2854 = arith.addi %add3A_2852, %add3A_2853 : i32
        %get3A_2855 = arith.index_cast %add3A_2854 : i32 to index
        %get3A_2856 = tpu.vector_load %arg10[%get3A_2855] {strides = array<i32>} : memref<19200xf32, #tpu.memory_space<vmem>>, vector<16xf32>,
        %get3A_2857 = vector.shape_cast %get3A_2856 : vector<16xf32> to vector<16xf32>
        %mul3A_2858 = arith.mulf %get3A_2857, %max3A_2773 : vector<16xf32>
        %add3A_2859 = arith.addf %add3A_2729, %mul3A_2858 : vector<16xf32>
        %mul3A_2860 = arith.mulf %get3A_2857, %max3A_2784 : vector<16xf32>
        %add3A_2861 = arith.addf %add3A_2731, %mul3A_2860 : vector<16xf32>
        %add3A_2862 = arith.constant 13440 : i32
        %add3A_2863 = arith.addi %add3A_2862, %mul3A_2504 : i32
        %add3A_2864 = arith.constant 32 : i32
        %add3A_2865 = arith.addi %add3A_2863, %add3A_2864 : i32
        %get3A_2866 = arith.index_cast %add3A_2865 : i32 to index
        %get3A_2867 = tpu.vector_load %arg10[%get3A_2866] {strides = array<i32>} : memref<19200xf32, #tpu.memory_space<vmem>>, vector<16xf32>,
        %get3A_2868 = vector.shape_cast %get3A_2867 : vector<16xf32> to vector<16xf32>
        %mul3A_2869 = arith.mulf %get3A_2868, %max3A_2773 : vector<16xf32>
        %add3A_2870 = arith.addf %add3A_2740, %mul3A_2869 : vector<16xf32>
        %mul3A_2871 = arith.mulf %get3A_2868, %max3A_2784 : vector<16xf32>
        %add3A_2872 = arith.addf %add3A_2742, %mul3A_2871 : vector<16xf32>
        %add3A_2873 = arith.constant 15360 : i32
        %add3A_2874 = arith.addi %add3A_2873, %mul3A_2504 : i32
        %add3A_2875 = arith.constant 32 : i32
        %add3A_2876 = arith.addi %add3A_2874, %add3A_2875 : i32
        %get3A_2877 = arith.index_cast %add3A_2876 : i32 to index
        %get3A_2878 = tpu.vector_load %arg10[%get3A_2877] {strides = array<i32>} : memref<19200xf32, #tpu.memory_space<vmem>>, vector<16xf32>,
        %get3A_2879 = vector.shape_cast %get3A_2878 : vector<16xf32> to vector<16xf32>
        %mul3A_2880 = arith.mulf %get3A_2879, %max3A_2773 : vector<16xf32>
        %add3A_2881 = arith.addf %add3A_2751, %mul3A_2880 : vector<16xf32>
        %mul3A_2882 = arith.mulf %get3A_2879, %max3A_2784 : vector<16xf32>
        %add3A_2883 = arith.addf %add3A_2753, %mul3A_2882 : vector<16xf32>
        %add3A_2884 = arith.constant 17280 : i32
        %add3A_2885 = arith.addi %add3A_2884, %mul3A_2504 : i32
        %add3A_2886 = arith.constant 32 : i32
        %add3A_2887 = arith.addi %add3A_2885, %add3A_2886 : i32
        %get3A_2888 = arith.index_cast %add3A_2887 : i32 to index
        %get3A_2889 = tpu.vector_load %arg10[%get3A_2888] {strides = array<i32>} : memref<19200xf32, #tpu.memory_space<vmem>>, vector<16xf32>,
        %get3A_2890 = vector.shape_cast %get3A_2889 : vector<16xf32> to vector<16xf32>
        %mul3A_2891 = arith.mulf %get3A_2890, %max3A_2773 : vector<16xf32>
        %add3A_2892 = arith.addf %add3A_2762, %mul3A_2891 : vector<16xf32>
        %mul3A_2893 = arith.mulf %get3A_2890, %max3A_2784 : vector<16xf32>
        %add3A_2894 = arith.addf %add3A_2764, %mul3A_2893 : vector<16xf32>
        %add3A_2895 = arith.constant 48 : i32
        %add3A_2896 = arith.addi %mul3A_2504, %add3A_2895 : i32
        %get3A_2897 = arith.index_cast %add3A_2896 : i32 to index
        %get3A_2898 = tpu.vector_load %arg15[%get3A_2897] {strides = array<i32>} : memref<3840xf32, #tpu.memory_space<vmem>>, vector<16xf32>,
        %get3A_2899 = vector.shape_cast %get3A_2898 : vector<16xf32> to vector<16xf32>
        %add3A_2900 = arith.addf %get3A_2899, %get3A_11 : vector<16xf32>
        %max3A_2901 = arith.constant 0.000000e+00 : f32
        %max3A_2902 = vector.broadcast %max3A_2901 : f32 to vector<16xf32>
        %max3A_2903 = arith.maximumf %add3A_2900, %max3A_2902 : vector<16xf32>
        %add3A_2904 = arith.constant 1920 : i32
        %add3A_2905 = arith.addi %add3A_2904, %mul3A_2504 : i32
        %add3A_2906 = arith.constant 48 : i32
        %add3A_2907 = arith.addi %add3A_2905, %add3A_2906 : i32
        %get3A_2908 = arith.index_cast %add3A_2907 : i32 to index
        %get3A_2909 = tpu.vector_load %arg15[%get3A_2908] {strides = array<i32>} : memref<3840xf32, #tpu.memory_space<vmem>>, vector<16xf32>,
        %get3A_2910 = vector.shape_cast %get3A_2909 : vector<16xf32> to vector<16xf32>
        %add3A_2911 = arith.addf %get3A_2910, %get3A_11 : vector<16xf32>
        %max3A_2912 = arith.constant 0.000000e+00 : f32
        %max3A_2913 = vector.broadcast %max3A_2912 : f32 to vector<16xf32>
        %max3A_2914 = arith.maximumf %add3A_2911, %max3A_2913 : vector<16xf32>
        %add3A_2915 = arith.constant 0 : i32
        %add3A_2916 = arith.addi %add3A_2915, %mul3A_2504 : i32
        %add3A_2917 = arith.constant 48 : i32
        %add3A_2918 = arith.addi %add3A_2916, %add3A_2917 : i32
        %get3A_2919 = arith.index_cast %add3A_2918 : i32 to index
        %get3A_2920 = tpu.vector_load %arg10[%get3A_2919] {strides = array<i32>} : memref<19200xf32, #tpu.memory_space<vmem>>, vector<16xf32>,
        %get3A_2921 = vector.shape_cast %get3A_2920 : vector<16xf32> to vector<16xf32>
        %mul3A_2922 = arith.mulf %get3A_2921, %max3A_2903 : vector<16xf32>
        %add3A_2923 = arith.addf %add3A_2793, %mul3A_2922 : vector<16xf32>
        %mul3A_2924 = arith.mulf %get3A_2921, %max3A_2914 : vector<16xf32>
        %add3A_2925 = arith.addf %add3A_2795, %mul3A_2924 : vector<16xf32>
        %add3A_2926 = arith.constant 1920 : i32
        %add3A_2927 = arith.addi %add3A_2926, %mul3A_2504 : i32
        %add3A_2928 = arith.constant 48 : i32
        %add3A_2929 = arith.addi %add3A_2927, %add3A_2928 : i32
        %get3A_2930 = arith.index_cast %add3A_2929 : i32 to index
        %get3A_2931 = tpu.vector_load %arg10[%get3A_2930] {strides = array<i32>} : memref<19200xf32, #tpu.memory_space<vmem>>, vector<16xf32>,
        %get3A_2932 = vector.shape_cast %get3A_2931 : vector<16xf32> to vector<16xf32>
        %mul3A_2933 = arith.mulf %get3A_2932, %max3A_2903 : vector<16xf32>
        %add3A_2934 = arith.addf %add3A_2804, %mul3A_2933 : vector<16xf32>
        %mul3A_2935 = arith.mulf %get3A_2932, %max3A_2914 : vector<16xf32>
        %add3A_2936 = arith.addf %add3A_2806, %mul3A_2935 : vector<16xf32>
        %add3A_2937 = arith.constant 3840 : i32
        %add3A_2938 = arith.addi %add3A_2937, %mul3A_2504 : i32
        %add3A_2939 = arith.constant 48 : i32
        %add3A_2940 = arith.addi %add3A_2938, %add3A_2939 : i32
        %get3A_2941 = arith.index_cast %add3A_2940 : i32 to index
        %get3A_2942 = tpu.vector_load %arg10[%get3A_2941] {strides = array<i32>} : memref<19200xf32, #tpu.memory_space<vmem>>, vector<16xf32>,
        %get3A_2943 = vector.shape_cast %get3A_2942 : vector<16xf32> to vector<16xf32>
        %mul3A_2944 = arith.mulf %get3A_2943, %max3A_2903 : vector<16xf32>
        %add3A_2945 = arith.addf %add3A_2815, %mul3A_2944 : vector<16xf32>
        %mul3A_2946 = arith.mulf %get3A_2943, %max3A_2914 : vector<16xf32>
        %add3A_2947 = arith.addf %add3A_2817, %mul3A_2946 : vector<16xf32>
        %add3A_2948 = arith.constant 5760 : i32
        %add3A_2949 = arith.addi %add3A_2948, %mul3A_2504 : i32
        %add3A_2950 = arith.constant 48 : i32
        %add3A_2951 = arith.addi %add3A_2949, %add3A_2950 : i32
        %get3A_2952 = arith.index_cast %add3A_2951 : i32 to index
        %get3A_2953 = tpu.vector_load %arg10[%get3A_2952] {strides = array<i32>} : memref<19200xf32, #tpu.memory_space<vmem>>, vector<16xf32>,
        %get3A_2954 = vector.shape_cast %get3A_2953 : vector<16xf32> to vector<16xf32>
        %mul3A_2955 = arith.mulf %get3A_2954, %max3A_2903 : vector<16xf32>
        %add3A_2956 = arith.addf %add3A_2826, %mul3A_2955 : vector<16xf32>
        %mul3A_2957 = arith.mulf %get3A_2954, %max3A_2914 : vector<16xf32>
        %add3A_2958 = arith.addf %add3A_2828, %mul3A_2957 : vector<16xf32>
        %add3A_2959 = arith.constant 7680 : i32
        %add3A_2960 = arith.addi %add3A_2959, %mul3A_2504 : i32
        %add3A_2961 = arith.constant 48 : i32
        %add3A_2962 = arith.addi %add3A_2960, %add3A_2961 : i32
        %get3A_2963 = arith.index_cast %add3A_2962 : i32 to index
        %get3A_2964 = tpu.vector_load %arg10[%get3A_2963] {strides = array<i32>} : memref<19200xf32, #tpu.memory_space<vmem>>, vector<16xf32>,
        %get3A_2965 = vector.shape_cast %get3A_2964 : vector<16xf32> to vector<16xf32>
        %mul3A_2966 = arith.mulf %get3A_2965, %max3A_2903 : vector<16xf32>
        %add3A_2967 = arith.addf %add3A_2837, %mul3A_2966 : vector<16xf32>
        %mul3A_2968 = arith.mulf %get3A_2965, %max3A_2914 : vector<16xf32>
        %add3A_2969 = arith.addf %add3A_2839, %mul3A_2968 : vector<16xf32>
        %add3A_2970 = arith.constant 9600 : i32
        %add3A_2971 = arith.addi %add3A_2970, %mul3A_2504 : i32
        %add3A_2972 = arith.constant 48 : i32
        %add3A_2973 = arith.addi %add3A_2971, %add3A_2972 : i32
        %get3A_2974 = arith.index_cast %add3A_2973 : i32 to index
        %get3A_2975 = tpu.vector_load %arg10[%get3A_2974] {strides = array<i32>} : memref<19200xf32, #tpu.memory_space<vmem>>, vector<16xf32>,
        %get3A_2976 = vector.shape_cast %get3A_2975 : vector<16xf32> to vector<16xf32>
        %mul3A_2977 = arith.mulf %get3A_2976, %max3A_2903 : vector<16xf32>
        %add3A_2978 = arith.addf %add3A_2848, %mul3A_2977 : vector<16xf32>
        %mul3A_2979 = arith.mulf %get3A_2976, %max3A_2914 : vector<16xf32>
        %add3A_2980 = arith.addf %add3A_2850, %mul3A_2979 : vector<16xf32>
        %add3A_2981 = arith.constant 11520 : i32
        %add3A_2982 = arith.addi %add3A_2981, %mul3A_2504 : i32
        %add3A_2983 = arith.constant 48 : i32
        %add3A_2984 = arith.addi %add3A_2982, %add3A_2983 : i32
        %get3A_2985 = arith.index_cast %add3A_2984 : i32 to index
        %get3A_2986 = tpu.vector_load %arg10[%get3A_2985] {strides = array<i32>} : memref<19200xf32, #tpu.memory_space<vmem>>, vector<16xf32>,
        %get3A_2987 = vector.shape_cast %get3A_2986 : vector<16xf32> to vector<16xf32>
        %mul3A_2988 = arith.mulf %get3A_2987, %max3A_2903 : vector<16xf32>
        %add3A_2989 = arith.addf %add3A_2859, %mul3A_2988 : vector<16xf32>
        %mul3A_2990 = arith.mulf %get3A_2987, %max3A_2914 : vector<16xf32>
        %add3A_2991 = arith.addf %add3A_2861, %mul3A_2990 : vector<16xf32>
        %add3A_2992 = arith.constant 13440 : i32
        %add3A_2993 = arith.addi %add3A_2992, %mul3A_2504 : i32
        %add3A_2994 = arith.constant 48 : i32
        %add3A_2995 = arith.addi %add3A_2993, %add3A_2994 : i32
        %get3A_2996 = arith.index_cast %add3A_2995 : i32 to index
        %get3A_2997 = tpu.vector_load %arg10[%get3A_2996] {strides = array<i32>} : memref<19200xf32, #tpu.memory_space<vmem>>, vector<16xf32>,
        %get3A_2998 = vector.shape_cast %get3A_2997 : vector<16xf32> to vector<16xf32>
        %mul3A_2999 = arith.mulf %get3A_2998, %max3A_2903 : vector<16xf32>
        %add3A_3000 = arith.addf %add3A_2870, %mul3A_2999 : vector<16xf32>
        %mul3A_3001 = arith.mulf %get3A_2998, %max3A_2914 : vector<16xf32>
        %add3A_3002 = arith.addf %add3A_2872, %mul3A_3001 : vector<16xf32>
        %add3A_3003 = arith.constant 15360 : i32
        %add3A_3004 = arith.addi %add3A_3003, %mul3A_2504 : i32
        %add3A_3005 = arith.constant 48 : i32
        %add3A_3006 = arith.addi %add3A_3004, %add3A_3005 : i32
        %get3A_3007 = arith.index_cast %add3A_3006 : i32 to index
        %get3A_3008 = tpu.vector_load %arg10[%get3A_3007] {strides = array<i32>} : memref<19200xf32, #tpu.memory_space<vmem>>, vector<16xf32>,
        %get3A_3009 = vector.shape_cast %get3A_3008 : vector<16xf32> to vector<16xf32>
        %mul3A_3010 = arith.mulf %get3A_3009, %max3A_2903 : vector<16xf32>
        %add3A_3011 = arith.addf %add3A_2881, %mul3A_3010 : vector<16xf32>
        %mul3A_3012 = arith.mulf %get3A_3009, %max3A_2914 : vector<16xf32>
        %add3A_3013 = arith.addf %add3A_2883, %mul3A_3012 : vector<16xf32>
        %add3A_3014 = arith.constant 17280 : i32
        %add3A_3015 = arith.addi %add3A_3014, %mul3A_2504 : i32
        %add3A_3016 = arith.constant 48 : i32
        %add3A_3017 = arith.addi %add3A_3015, %add3A_3016 : i32
        %get3A_3018 = arith.index_cast %add3A_3017 : i32 to index
        %get3A_3019 = tpu.vector_load %arg10[%get3A_3018] {strides = array<i32>} : memref<19200xf32, #tpu.memory_space<vmem>>, vector<16xf32>,
        %get3A_3020 = vector.shape_cast %get3A_3019 : vector<16xf32> to vector<16xf32>
        %mul3A_3021 = arith.mulf %get3A_3020, %max3A_2903 : vector<16xf32>
        %add3A_3022 = arith.addf %add3A_2892, %mul3A_3021 : vector<16xf32>
        %mul3A_3023 = arith.mulf %get3A_3020, %max3A_2914 : vector<16xf32>
        %add3A_3024 = arith.addf %add3A_2894, %mul3A_3023 : vector<16xf32>
        scf.yield %add3A_2923, %add3A_2934, %add3A_2945, %add3A_2956, %add3A_2967, %add3A_2978, %add3A_2989, %add3A_3000, %add3A_3011, %add3A_3022, %add3A_2925, %add3A_2936, %add3A_2947, %add3A_2958, %add3A_2969, %add3A_2980, %add3A_2991, %add3A_3002, %add3A_3013, %add3A_3024 : vector<16xf32>, vector<16xf32>, vector<16xf32>, vector<16xf32>, vector<16xf32>, vector<16xf32>, vector<16xf32>, vector<16xf32>, vector<16xf32>, vector<16xf32>, vector<16xf32>, vector<16xf32>, vector<16xf32>, vector<16xf32>, vector<16xf32>, vector<16xf32>, vector<16xf32>, vector<16xf32>, vector<16xf32>, vector<16xf32>
      }
      %scan3A_1626 = arith.constant 30 : i32
      %iota3A = tpu.iota {dimensions = array<i32: 0>} : vector<16xi32>
      %eq3A = arith.constant 0 : i32
      %eq3A_1627 = vector.broadcast %eq3A : i32 to vector<16xi32>
      %eq3A_1628 = arith.cmpi eq, %iota3A, %eq3A_1627 : vector<16xi32>
      %iota3A_1629 = tpu.iota {dimensions = array<i32: 0>} : vector<16xi32>
      %xor3A = arith.constant 8 : i32
      %xor3A_1630 = vector.broadcast %xor3A : i32 to vector<16xi32>
      %xor3A_1631 = arith.xori %iota3A_1629, %xor3A_1630 : vector<16xi32>
      %broadcast_in_dim3A_1632 = vector.shape_cast %xor3A_1631 : vector<16xi32> to vector<16x1xi32>
      %gather3A = vector.shape_cast %broadcast_in_dim3A_1632 : vector<16x1xi32> to vector<16xi32>
      %gather3A_1633 = tpu.dynamic_gather %scan3A_1625#0[%gather3A] in [0] : vector<16xf32>, vector<16xi32> -> vector<16xf32>
      %add3A_1634 = arith.addf %scan3A_1625#0, %gather3A_1633 : vector<16xf32>
      %xor3A_1635 = arith.constant 4 : i32
      %xor3A_1636 = vector.broadcast %xor3A_1635 : i32 to vector<16xi32>
      %xor3A_1637 = arith.xori %iota3A_1629, %xor3A_1636 : vector<16xi32>
      %broadcast_in_dim3A_1638 = vector.shape_cast %xor3A_1637 : vector<16xi32> to vector<16x1xi32>
      %gather3A_1639 = vector.shape_cast %broadcast_in_dim3A_1638 : vector<16x1xi32> to vector<16xi32>
      %gather3A_1640 = tpu.dynamic_gather %add3A_1634[%gather3A_1639] in [0] : vector<16xf32>, vector<16xi32> -> vector<16xf32>
      %add3A_1641 = arith.addf %add3A_1634, %gather3A_1640 : vector<16xf32>
      %xor3A_1642 = arith.constant 2 : i32
      %xor3A_1643 = vector.broadcast %xor3A_1642 : i32 to vector<16xi32>
      %xor3A_1644 = arith.xori %iota3A_1629, %xor3A_1643 : vector<16xi32>
      %broadcast_in_dim3A_1645 = vector.shape_cast %xor3A_1644 : vector<16xi32> to vector<16x1xi32>
      %gather3A_1646 = vector.shape_cast %broadcast_in_dim3A_1645 : vector<16x1xi32> to vector<16xi32>
      %gather3A_1647 = tpu.dynamic_gather %add3A_1641[%gather3A_1646] in [0] : vector<16xf32>, vector<16xi32> -> vector<16xf32>
      %add3A_1648 = arith.addf %add3A_1641, %gather3A_1647 : vector<16xf32>
      %xor3A_1649 = arith.constant 1 : i32
      %xor3A_1650 = vector.broadcast %xor3A_1649 : i32 to vector<16xi32>
      %xor3A_1651 = arith.xori %iota3A_1629, %xor3A_1650 : vector<16xi32>
      %broadcast_in_dim3A_1652 = vector.shape_cast %xor3A_1651 : vector<16xi32> to vector<16x1xi32>
      %gather3A_1653 = vector.shape_cast %broadcast_in_dim3A_1652 : vector<16x1xi32> to vector<16xi32>
      %gather3A_1654 = tpu.dynamic_gather %add3A_1648[%gather3A_1653] in [0] : vector<16xf32>, vector<16xi32> -> vector<16xf32>
      %add3A_1655 = arith.addf %add3A_1648, %gather3A_1654 : vector<16xf32>
      %jit3A = arith.constant 0.000000e+00 : f32
      %broadcast_in_dim3A_1656 = vector.broadcast %jit3A : f32 to vector<16xf32>
      %select_n3A = arith.select %eq3A_1628, %add3A_1655, %broadcast_in_dim3A_1656 : vector<16xi1>, vector<16xf32>
      %add3A_1657 = arith.addf %get3A_14, %select_n3A : vector<16xf32>
      %eq3A_1658 = arith.constant 1 : i32
      %eq3A_1659 = vector.broadcast %eq3A_1658 : i32 to vector<16xi32>
      %eq3A_1660 = arith.cmpi eq, %iota3A, %eq3A_1659 : vector<16xi32>
      %iota3A_1661 = tpu.iota {dimensions = array<i32: 0>} : vector<16xi32>
      %xor3A_1662 = arith.constant 8 : i32
      %xor3A_1663 = vector.broadcast %xor3A_1662 : i32 to vector<16xi32>
      %xor3A_1664 = arith.xori %iota3A_1661, %xor3A_1663 : vector<16xi32>
      %broadcast_in_dim3A_1665 = vector.shape_cast %xor3A_1664 : vector<16xi32> to vector<16x1xi32>
      %gather3A_1666 = vector.shape_cast %broadcast_in_dim3A_1665 : vector<16x1xi32> to vector<16xi32>
      %gather3A_1667 = tpu.dynamic_gather %scan3A_1625#1[%gather3A_1666] in [0] : vector<16xf32>, vector<16xi32> -> vector<16xf32>
      %add3A_1668 = arith.addf %scan3A_1625#1, %gather3A_1667 : vector<16xf32>
      %xor3A_1669 = arith.constant 4 : i32
      %xor3A_1670 = vector.broadcast %xor3A_1669 : i32 to vector<16xi32>
      %xor3A_1671 = arith.xori %iota3A_1661, %xor3A_1670 : vector<16xi32>
      %broadcast_in_dim3A_1672 = vector.shape_cast %xor3A_1671 : vector<16xi32> to vector<16x1xi32>
      %gather3A_1673 = vector.shape_cast %broadcast_in_dim3A_1672 : vector<16x1xi32> to vector<16xi32>
      %gather3A_1674 = tpu.dynamic_gather %add3A_1668[%gather3A_1673] in [0] : vector<16xf32>, vector<16xi32> -> vector<16xf32>
      %add3A_1675 = arith.addf %add3A_1668, %gather3A_1674 : vector<16xf32>
      %xor3A_1676 = arith.constant 2 : i32
      %xor3A_1677 = vector.broadcast %xor3A_1676 : i32 to vector<16xi32>
      %xor3A_1678 = arith.xori %iota3A_1661, %xor3A_1677 : vector<16xi32>
      %broadcast_in_dim3A_1679 = vector.shape_cast %xor3A_1678 : vector<16xi32> to vector<16x1xi32>
      %gather3A_1680 = vector.shape_cast %broadcast_in_dim3A_1679 : vector<16x1xi32> to vector<16xi32>
      %gather3A_1681 = tpu.dynamic_gather %add3A_1675[%gather3A_1680] in [0] : vector<16xf32>, vector<16xi32> -> vector<16xf32>
      %add3A_1682 = arith.addf %add3A_1675, %gather3A_1681 : vector<16xf32>
      %xor3A_1683 = arith.constant 1 : i32
      %xor3A_1684 = vector.broadcast %xor3A_1683 : i32 to vector<16xi32>
      %xor3A_1685 = arith.xori %iota3A_1661, %xor3A_1684 : vector<16xi32>
      %broadcast_in_dim3A_1686 = vector.shape_cast %xor3A_1685 : vector<16xi32> to vector<16x1xi32>
      %gather3A_1687 = vector.shape_cast %broadcast_in_dim3A_1686 : vector<16x1xi32> to vector<16xi32>
      %gather3A_1688 = tpu.dynamic_gather %add3A_1682[%gather3A_1687] in [0] : vector<16xf32>, vector<16xi32> -> vector<16xf32>
      %add3A_1689 = arith.addf %add3A_1682, %gather3A_1688 : vector<16xf32>
      %jit3A_1690 = arith.constant 0.000000e+00 : f32
      %broadcast_in_dim3A_1691 = vector.broadcast %jit3A_1690 : f32 to vector<16xf32>
      %select_n3A_1692 = arith.select %eq3A_1660, %add3A_1689, %broadcast_in_dim3A_1691 : vector<16xi1>, vector<16xf32>
      %add3A_1693 = arith.addf %add3A_1657, %select_n3A_1692 : vector<16xf32>
      %eq3A_1694 = arith.constant 2 : i32
      %eq3A_1695 = vector.broadcast %eq3A_1694 : i32 to vector<16xi32>
      %eq3A_1696 = arith.cmpi eq, %iota3A, %eq3A_1695 : vector<16xi32>
      %iota3A_1697 = tpu.iota {dimensions = array<i32: 0>} : vector<16xi32>
      %xor3A_1698 = arith.constant 8 : i32
      %xor3A_1699 = vector.broadcast %xor3A_1698 : i32 to vector<16xi32>
      %xor3A_1700 = arith.xori %iota3A_1697, %xor3A_1699 : vector<16xi32>
      %broadcast_in_dim3A_1701 = vector.shape_cast %xor3A_1700 : vector<16xi32> to vector<16x1xi32>
      %gather3A_1702 = vector.shape_cast %broadcast_in_dim3A_1701 : vector<16x1xi32> to vector<16xi32>
      %gather3A_1703 = tpu.dynamic_gather %scan3A_1625#2[%gather3A_1702] in [0] : vector<16xf32>, vector<16xi32> -> vector<16xf32>
      %add3A_1704 = arith.addf %scan3A_1625#2, %gather3A_1703 : vector<16xf32>
      %xor3A_1705 = arith.constant 4 : i32
      %xor3A_1706 = vector.broadcast %xor3A_1705 : i32 to vector<16xi32>
      %xor3A_1707 = arith.xori %iota3A_1697, %xor3A_1706 : vector<16xi32>
      %broadcast_in_dim3A_1708 = vector.shape_cast %xor3A_1707 : vector<16xi32> to vector<16x1xi32>
      %gather3A_1709 = vector.shape_cast %broadcast_in_dim3A_1708 : vector<16x1xi32> to vector<16xi32>
      %gather3A_1710 = tpu.dynamic_gather %add3A_1704[%gather3A_1709] in [0] : vector<16xf32>, vector<16xi32> -> vector<16xf32>
      %add3A_1711 = arith.addf %add3A_1704, %gather3A_1710 : vector<16xf32>
      %xor3A_1712 = arith.constant 2 : i32
      %xor3A_1713 = vector.broadcast %xor3A_1712 : i32 to vector<16xi32>
      %xor3A_1714 = arith.xori %iota3A_1697, %xor3A_1713 : vector<16xi32>
      %broadcast_in_dim3A_1715 = vector.shape_cast %xor3A_1714 : vector<16xi32> to vector<16x1xi32>
      %gather3A_1716 = vector.shape_cast %broadcast_in_dim3A_1715 : vector<16x1xi32> to vector<16xi32>
      %gather3A_1717 = tpu.dynamic_gather %add3A_1711[%gather3A_1716] in [0] : vector<16xf32>, vector<16xi32> -> vector<16xf32>
      %add3A_1718 = arith.addf %add3A_1711, %gather3A_1717 : vector<16xf32>
      %xor3A_1719 = arith.constant 1 : i32
      %xor3A_1720 = vector.broadcast %xor3A_1719 : i32 to vector<16xi32>
      %xor3A_1721 = arith.xori %iota3A_1697, %xor3A_1720 : vector<16xi32>
      %broadcast_in_dim3A_1722 = vector.shape_cast %xor3A_1721 : vector<16xi32> to vector<16x1xi32>
      %gather3A_1723 = vector.shape_cast %broadcast_in_dim3A_1722 : vector<16x1xi32> to vector<16xi32>
      %gather3A_1724 = tpu.dynamic_gather %add3A_1718[%gather3A_1723] in [0] : vector<16xf32>, vector<16xi32> -> vector<16xf32>
      %add3A_1725 = arith.addf %add3A_1718, %gather3A_1724 : vector<16xf32>
      %jit3A_1726 = arith.constant 0.000000e+00 : f32
      %broadcast_in_dim3A_1727 = vector.broadcast %jit3A_1726 : f32 to vector<16xf32>
      %select_n3A_1728 = arith.select %eq3A_1696, %add3A_1725, %broadcast_in_dim3A_1727 : vector<16xi1>, vector<16xf32>
      %add3A_1729 = arith.addf %add3A_1693, %select_n3A_1728 : vector<16xf32>
      %eq3A_1730 = arith.constant 3 : i32
      %eq3A_1731 = vector.broadcast %eq3A_1730 : i32 to vector<16xi32>
      %eq3A_1732 = arith.cmpi eq, %iota3A, %eq3A_1731 : vector<16xi32>
      %iota3A_1733 = tpu.iota {dimensions = array<i32: 0>} : vector<16xi32>
      %xor3A_1734 = arith.constant 8 : i32
      %xor3A_1735 = vector.broadcast %xor3A_1734 : i32 to vector<16xi32>
      %xor3A_1736 = arith.xori %iota3A_1733, %xor3A_1735 : vector<16xi32>
      %broadcast_in_dim3A_1737 = vector.shape_cast %xor3A_1736 : vector<16xi32> to vector<16x1xi32>
      %gather3A_1738 = vector.shape_cast %broadcast_in_dim3A_1737 : vector<16x1xi32> to vector<16xi32>
      %gather3A_1739 = tpu.dynamic_gather %scan3A_1625#3[%gather3A_1738] in [0] : vector<16xf32>, vector<16xi32> -> vector<16xf32>
      %add3A_1740 = arith.addf %scan3A_1625#3, %gather3A_1739 : vector<16xf32>
      %xor3A_1741 = arith.constant 4 : i32
      %xor3A_1742 = vector.broadcast %xor3A_1741 : i32 to vector<16xi32>
      %xor3A_1743 = arith.xori %iota3A_1733, %xor3A_1742 : vector<16xi32>
      %broadcast_in_dim3A_1744 = vector.shape_cast %xor3A_1743 : vector<16xi32> to vector<16x1xi32>
      %gather3A_1745 = vector.shape_cast %broadcast_in_dim3A_1744 : vector<16x1xi32> to vector<16xi32>
      %gather3A_1746 = tpu.dynamic_gather %add3A_1740[%gather3A_1745] in [0] : vector<16xf32>, vector<16xi32> -> vector<16xf32>
      %add3A_1747 = arith.addf %add3A_1740, %gather3A_1746 : vector<16xf32>
      %xor3A_1748 = arith.constant 2 : i32
      %xor3A_1749 = vector.broadcast %xor3A_1748 : i32 to vector<16xi32>
      %xor3A_1750 = arith.xori %iota3A_1733, %xor3A_1749 : vector<16xi32>
      %broadcast_in_dim3A_1751 = vector.shape_cast %xor3A_1750 : vector<16xi32> to vector<16x1xi32>
      %gather3A_1752 = vector.shape_cast %broadcast_in_dim3A_1751 : vector<16x1xi32> to vector<16xi32>
      %gather3A_1753 = tpu.dynamic_gather %add3A_1747[%gather3A_1752] in [0] : vector<16xf32>, vector<16xi32> -> vector<16xf32>
      %add3A_1754 = arith.addf %add3A_1747, %gather3A_1753 : vector<16xf32>
      %xor3A_1755 = arith.constant 1 : i32
      %xor3A_1756 = vector.broadcast %xor3A_1755 : i32 to vector<16xi32>
      %xor3A_1757 = arith.xori %iota3A_1733, %xor3A_1756 : vector<16xi32>
      %broadcast_in_dim3A_1758 = vector.shape_cast %xor3A_1757 : vector<16xi32> to vector<16x1xi32>
      %gather3A_1759 = vector.shape_cast %broadcast_in_dim3A_1758 : vector<16x1xi32> to vector<16xi32>
      %gather3A_1760 = tpu.dynamic_gather %add3A_1754[%gather3A_1759] in [0] : vector<16xf32>, vector<16xi32> -> vector<16xf32>
      %add3A_1761 = arith.addf %add3A_1754, %gather3A_1760 : vector<16xf32>
      %jit3A_1762 = arith.constant 0.000000e+00 : f32
      %broadcast_in_dim3A_1763 = vector.broadcast %jit3A_1762 : f32 to vector<16xf32>
      %select_n3A_1764 = arith.select %eq3A_1732, %add3A_1761, %broadcast_in_dim3A_1763 : vector<16xi1>, vector<16xf32>
      %add3A_1765 = arith.addf %add3A_1729, %select_n3A_1764 : vector<16xf32>
      %eq3A_1766 = arith.constant 4 : i32
      %eq3A_1767 = vector.broadcast %eq3A_1766 : i32 to vector<16xi32>
      %eq3A_1768 = arith.cmpi eq, %iota3A, %eq3A_1767 : vector<16xi32>
      %iota3A_1769 = tpu.iota {dimensions = array<i32: 0>} : vector<16xi32>
      %xor3A_1770 = arith.constant 8 : i32
      %xor3A_1771 = vector.broadcast %xor3A_1770 : i32 to vector<16xi32>
      %xor3A_1772 = arith.xori %iota3A_1769, %xor3A_1771 : vector<16xi32>
      %broadcast_in_dim3A_1773 = vector.shape_cast %xor3A_1772 : vector<16xi32> to vector<16x1xi32>
      %gather3A_1774 = vector.shape_cast %broadcast_in_dim3A_1773 : vector<16x1xi32> to vector<16xi32>
      %gather3A_1775 = tpu.dynamic_gather %scan3A_1625#4[%gather3A_1774] in [0] : vector<16xf32>, vector<16xi32> -> vector<16xf32>
      %add3A_1776 = arith.addf %scan3A_1625#4, %gather3A_1775 : vector<16xf32>
      %xor3A_1777 = arith.constant 4 : i32
      %xor3A_1778 = vector.broadcast %xor3A_1777 : i32 to vector<16xi32>
      %xor3A_1779 = arith.xori %iota3A_1769, %xor3A_1778 : vector<16xi32>
      %broadcast_in_dim3A_1780 = vector.shape_cast %xor3A_1779 : vector<16xi32> to vector<16x1xi32>
      %gather3A_1781 = vector.shape_cast %broadcast_in_dim3A_1780 : vector<16x1xi32> to vector<16xi32>
      %gather3A_1782 = tpu.dynamic_gather %add3A_1776[%gather3A_1781] in [0] : vector<16xf32>, vector<16xi32> -> vector<16xf32>
      %add3A_1783 = arith.addf %add3A_1776, %gather3A_1782 : vector<16xf32>
      %xor3A_1784 = arith.constant 2 : i32
      %xor3A_1785 = vector.broadcast %xor3A_1784 : i32 to vector<16xi32>
      %xor3A_1786 = arith.xori %iota3A_1769, %xor3A_1785 : vector<16xi32>
      %broadcast_in_dim3A_1787 = vector.shape_cast %xor3A_1786 : vector<16xi32> to vector<16x1xi32>
      %gather3A_1788 = vector.shape_cast %broadcast_in_dim3A_1787 : vector<16x1xi32> to vector<16xi32>
      %gather3A_1789 = tpu.dynamic_gather %add3A_1783[%gather3A_1788] in [0] : vector<16xf32>, vector<16xi32> -> vector<16xf32>
      %add3A_1790 = arith.addf %add3A_1783, %gather3A_1789 : vector<16xf32>
      %xor3A_1791 = arith.constant 1 : i32
      %xor3A_1792 = vector.broadcast %xor3A_1791 : i32 to vector<16xi32>
      %xor3A_1793 = arith.xori %iota3A_1769, %xor3A_1792 : vector<16xi32>
      %broadcast_in_dim3A_1794 = vector.shape_cast %xor3A_1793 : vector<16xi32> to vector<16x1xi32>
      %gather3A_1795 = vector.shape_cast %broadcast_in_dim3A_1794 : vector<16x1xi32> to vector<16xi32>
      %gather3A_1796 = tpu.dynamic_gather %add3A_1790[%gather3A_1795] in [0] : vector<16xf32>, vector<16xi32> -> vector<16xf32>
      %add3A_1797 = arith.addf %add3A_1790, %gather3A_1796 : vector<16xf32>
      %jit3A_1798 = arith.constant 0.000000e+00 : f32
      %broadcast_in_dim3A_1799 = vector.broadcast %jit3A_1798 : f32 to vector<16xf32>
      %select_n3A_1800 = arith.select %eq3A_1768, %add3A_1797, %broadcast_in_dim3A_1799 : vector<16xi1>, vector<16xf32>
      %add3A_1801 = arith.addf %add3A_1765, %select_n3A_1800 : vector<16xf32>
      %eq3A_1802 = arith.constant 5 : i32
      %eq3A_1803 = vector.broadcast %eq3A_1802 : i32 to vector<16xi32>
      %eq3A_1804 = arith.cmpi eq, %iota3A, %eq3A_1803 : vector<16xi32>
      %iota3A_1805 = tpu.iota {dimensions = array<i32: 0>} : vector<16xi32>
      %xor3A_1806 = arith.constant 8 : i32
      %xor3A_1807 = vector.broadcast %xor3A_1806 : i32 to vector<16xi32>
      %xor3A_1808 = arith.xori %iota3A_1805, %xor3A_1807 : vector<16xi32>
      %broadcast_in_dim3A_1809 = vector.shape_cast %xor3A_1808 : vector<16xi32> to vector<16x1xi32>
      %gather3A_1810 = vector.shape_cast %broadcast_in_dim3A_1809 : vector<16x1xi32> to vector<16xi32>
      %gather3A_1811 = tpu.dynamic_gather %scan3A_1625#5[%gather3A_1810] in [0] : vector<16xf32>, vector<16xi32> -> vector<16xf32>
      %add3A_1812 = arith.addf %scan3A_1625#5, %gather3A_1811 : vector<16xf32>
      %xor3A_1813 = arith.constant 4 : i32
      %xor3A_1814 = vector.broadcast %xor3A_1813 : i32 to vector<16xi32>
      %xor3A_1815 = arith.xori %iota3A_1805, %xor3A_1814 : vector<16xi32>
      %broadcast_in_dim3A_1816 = vector.shape_cast %xor3A_1815 : vector<16xi32> to vector<16x1xi32>
      %gather3A_1817 = vector.shape_cast %broadcast_in_dim3A_1816 : vector<16x1xi32> to vector<16xi32>
      %gather3A_1818 = tpu.dynamic_gather %add3A_1812[%gather3A_1817] in [0] : vector<16xf32>, vector<16xi32> -> vector<16xf32>
      %add3A_1819 = arith.addf %add3A_1812, %gather3A_1818 : vector<16xf32>
      %xor3A_1820 = arith.constant 2 : i32
      %xor3A_1821 = vector.broadcast %xor3A_1820 : i32 to vector<16xi32>
      %xor3A_1822 = arith.xori %iota3A_1805, %xor3A_1821 : vector<16xi32>
      %broadcast_in_dim3A_1823 = vector.shape_cast %xor3A_1822 : vector<16xi32> to vector<16x1xi32>
      %gather3A_1824 = vector.shape_cast %broadcast_in_dim3A_1823 : vector<16x1xi32> to vector<16xi32>
      %gather3A_1825 = tpu.dynamic_gather %add3A_1819[%gather3A_1824] in [0] : vector<16xf32>, vector<16xi32> -> vector<16xf32>
      %add3A_1826 = arith.addf %add3A_1819, %gather3A_1825 : vector<16xf32>
      %xor3A_1827 = arith.constant 1 : i32
      %xor3A_1828 = vector.broadcast %xor3A_1827 : i32 to vector<16xi32>
      %xor3A_1829 = arith.xori %iota3A_1805, %xor3A_1828 : vector<16xi32>
      %broadcast_in_dim3A_1830 = vector.shape_cast %xor3A_1829 : vector<16xi32> to vector<16x1xi32>
      %gather3A_1831 = vector.shape_cast %broadcast_in_dim3A_1830 : vector<16x1xi32> to vector<16xi32>
      %gather3A_1832 = tpu.dynamic_gather %add3A_1826[%gather3A_1831] in [0] : vector<16xf32>, vector<16xi32> -> vector<16xf32>
      %add3A_1833 = arith.addf %add3A_1826, %gather3A_1832 : vector<16xf32>
      %jit3A_1834 = arith.constant 0.000000e+00 : f32
      %broadcast_in_dim3A_1835 = vector.broadcast %jit3A_1834 : f32 to vector<16xf32>
      %select_n3A_1836 = arith.select %eq3A_1804, %add3A_1833, %broadcast_in_dim3A_1835 : vector<16xi1>, vector<16xf32>
      %add3A_1837 = arith.addf %add3A_1801, %select_n3A_1836 : vector<16xf32>
      %eq3A_1838 = arith.constant 6 : i32
      %eq3A_1839 = vector.broadcast %eq3A_1838 : i32 to vector<16xi32>
      %eq3A_1840 = arith.cmpi eq, %iota3A, %eq3A_1839 : vector<16xi32>
      %iota3A_1841 = tpu.iota {dimensions = array<i32: 0>} : vector<16xi32>
      %xor3A_1842 = arith.constant 8 : i32
      %xor3A_1843 = vector.broadcast %xor3A_1842 : i32 to vector<16xi32>
      %xor3A_1844 = arith.xori %iota3A_1841, %xor3A_1843 : vector<16xi32>
      %broadcast_in_dim3A_1845 = vector.shape_cast %xor3A_1844 : vector<16xi32> to vector<16x1xi32>
      %gather3A_1846 = vector.shape_cast %broadcast_in_dim3A_1845 : vector<16x1xi32> to vector<16xi32>
      %gather3A_1847 = tpu.dynamic_gather %scan3A_1625#6[%gather3A_1846] in [0] : vector<16xf32>, vector<16xi32> -> vector<16xf32>
      %add3A_1848 = arith.addf %scan3A_1625#6, %gather3A_1847 : vector<16xf32>
      %xor3A_1849 = arith.constant 4 : i32
      %xor3A_1850 = vector.broadcast %xor3A_1849 : i32 to vector<16xi32>
      %xor3A_1851 = arith.xori %iota3A_1841, %xor3A_1850 : vector<16xi32>
      %broadcast_in_dim3A_1852 = vector.shape_cast %xor3A_1851 : vector<16xi32> to vector<16x1xi32>
      %gather3A_1853 = vector.shape_cast %broadcast_in_dim3A_1852 : vector<16x1xi32> to vector<16xi32>
      %gather3A_1854 = tpu.dynamic_gather %add3A_1848[%gather3A_1853] in [0] : vector<16xf32>, vector<16xi32> -> vector<16xf32>
      %add3A_1855 = arith.addf %add3A_1848, %gather3A_1854 : vector<16xf32>
      %xor3A_1856 = arith.constant 2 : i32
      %xor3A_1857 = vector.broadcast %xor3A_1856 : i32 to vector<16xi32>
      %xor3A_1858 = arith.xori %iota3A_1841, %xor3A_1857 : vector<16xi32>
      %broadcast_in_dim3A_1859 = vector.shape_cast %xor3A_1858 : vector<16xi32> to vector<16x1xi32>
      %gather3A_1860 = vector.shape_cast %broadcast_in_dim3A_1859 : vector<16x1xi32> to vector<16xi32>
      %gather3A_1861 = tpu.dynamic_gather %add3A_1855[%gather3A_1860] in [0] : vector<16xf32>, vector<16xi32> -> vector<16xf32>
      %add3A_1862 = arith.addf %add3A_1855, %gather3A_1861 : vector<16xf32>
      %xor3A_1863 = arith.constant 1 : i32
      %xor3A_1864 = vector.broadcast %xor3A_1863 : i32 to vector<16xi32>
      %xor3A_1865 = arith.xori %iota3A_1841, %xor3A_1864 : vector<16xi32>
      %broadcast_in_dim3A_1866 = vector.shape_cast %xor3A_1865 : vector<16xi32> to vector<16x1xi32>
      %gather3A_1867 = vector.shape_cast %broadcast_in_dim3A_1866 : vector<16x1xi32> to vector<16xi32>
      %gather3A_1868 = tpu.dynamic_gather %add3A_1862[%gather3A_1867] in [0] : vector<16xf32>, vector<16xi32> -> vector<16xf32>
      %add3A_1869 = arith.addf %add3A_1862, %gather3A_1868 : vector<16xf32>
      %jit3A_1870 = arith.constant 0.000000e+00 : f32
      %broadcast_in_dim3A_1871 = vector.broadcast %jit3A_1870 : f32 to vector<16xf32>
      %select_n3A_1872 = arith.select %eq3A_1840, %add3A_1869, %broadcast_in_dim3A_1871 : vector<16xi1>, vector<16xf32>
      %add3A_1873 = arith.addf %add3A_1837, %select_n3A_1872 : vector<16xf32>
      %eq3A_1874 = arith.constant 7 : i32
      %eq3A_1875 = vector.broadcast %eq3A_1874 : i32 to vector<16xi32>
      %eq3A_1876 = arith.cmpi eq, %iota3A, %eq3A_1875 : vector<16xi32>
      %iota3A_1877 = tpu.iota {dimensions = array<i32: 0>} : vector<16xi32>
      %xor3A_1878 = arith.constant 8 : i32
      %xor3A_1879 = vector.broadcast %xor3A_1878 : i32 to vector<16xi32>
      %xor3A_1880 = arith.xori %iota3A_1877, %xor3A_1879 : vector<16xi32>
      %broadcast_in_dim3A_1881 = vector.shape_cast %xor3A_1880 : vector<16xi32> to vector<16x1xi32>
      %gather3A_1882 = vector.shape_cast %broadcast_in_dim3A_1881 : vector<16x1xi32> to vector<16xi32>
      %gather3A_1883 = tpu.dynamic_gather %scan3A_1625#7[%gather3A_1882] in [0] : vector<16xf32>, vector<16xi32> -> vector<16xf32>
      %add3A_1884 = arith.addf %scan3A_1625#7, %gather3A_1883 : vector<16xf32>
      %xor3A_1885 = arith.constant 4 : i32
      %xor3A_1886 = vector.broadcast %xor3A_1885 : i32 to vector<16xi32>
      %xor3A_1887 = arith.xori %iota3A_1877, %xor3A_1886 : vector<16xi32>
      %broadcast_in_dim3A_1888 = vector.shape_cast %xor3A_1887 : vector<16xi32> to vector<16x1xi32>
      %gather3A_1889 = vector.shape_cast %broadcast_in_dim3A_1888 : vector<16x1xi32> to vector<16xi32>
      %gather3A_1890 = tpu.dynamic_gather %add3A_1884[%gather3A_1889] in [0] : vector<16xf32>, vector<16xi32> -> vector<16xf32>
      %add3A_1891 = arith.addf %add3A_1884, %gather3A_1890 : vector<16xf32>
      %xor3A_1892 = arith.constant 2 : i32
      %xor3A_1893 = vector.broadcast %xor3A_1892 : i32 to vector<16xi32>
      %xor3A_1894 = arith.xori %iota3A_1877, %xor3A_1893 : vector<16xi32>
      %broadcast_in_dim3A_1895 = vector.shape_cast %xor3A_1894 : vector<16xi32> to vector<16x1xi32>
      %gather3A_1896 = vector.shape_cast %broadcast_in_dim3A_1895 : vector<16x1xi32> to vector<16xi32>
      %gather3A_1897 = tpu.dynamic_gather %add3A_1891[%gather3A_1896] in [0] : vector<16xf32>, vector<16xi32> -> vector<16xf32>
      %add3A_1898 = arith.addf %add3A_1891, %gather3A_1897 : vector<16xf32>
      %xor3A_1899 = arith.constant 1 : i32
      %xor3A_1900 = vector.broadcast %xor3A_1899 : i32 to vector<16xi32>
      %xor3A_1901 = arith.xori %iota3A_1877, %xor3A_1900 : vector<16xi32>
      %broadcast_in_dim3A_1902 = vector.shape_cast %xor3A_1901 : vector<16xi32> to vector<16x1xi32>
      %gather3A_1903 = vector.shape_cast %broadcast_in_dim3A_1902 : vector<16x1xi32> to vector<16xi32>
      %gather3A_1904 = tpu.dynamic_gather %add3A_1898[%gather3A_1903] in [0] : vector<16xf32>, vector<16xi32> -> vector<16xf32>
      %add3A_1905 = arith.addf %add3A_1898, %gather3A_1904 : vector<16xf32>
      %jit3A_1906 = arith.constant 0.000000e+00 : f32
      %broadcast_in_dim3A_1907 = vector.broadcast %jit3A_1906 : f32 to vector<16xf32>
      %select_n3A_1908 = arith.select %eq3A_1876, %add3A_1905, %broadcast_in_dim3A_1907 : vector<16xi1>, vector<16xf32>
      %add3A_1909 = arith.addf %add3A_1873, %select_n3A_1908 : vector<16xf32>
      %eq3A_1910 = arith.constant 8 : i32
      %eq3A_1911 = vector.broadcast %eq3A_1910 : i32 to vector<16xi32>
      %eq3A_1912 = arith.cmpi eq, %iota3A, %eq3A_1911 : vector<16xi32>
      %iota3A_1913 = tpu.iota {dimensions = array<i32: 0>} : vector<16xi32>
      %xor3A_1914 = arith.constant 8 : i32
      %xor3A_1915 = vector.broadcast %xor3A_1914 : i32 to vector<16xi32>
      %xor3A_1916 = arith.xori %iota3A_1913, %xor3A_1915 : vector<16xi32>
      %broadcast_in_dim3A_1917 = vector.shape_cast %xor3A_1916 : vector<16xi32> to vector<16x1xi32>
      %gather3A_1918 = vector.shape_cast %broadcast_in_dim3A_1917 : vector<16x1xi32> to vector<16xi32>
      %gather3A_1919 = tpu.dynamic_gather %scan3A_1625#8[%gather3A_1918] in [0] : vector<16xf32>, vector<16xi32> -> vector<16xf32>
      %add3A_1920 = arith.addf %scan3A_1625#8, %gather3A_1919 : vector<16xf32>
      %xor3A_1921 = arith.constant 4 : i32
      %xor3A_1922 = vector.broadcast %xor3A_1921 : i32 to vector<16xi32>
      %xor3A_1923 = arith.xori %iota3A_1913, %xor3A_1922 : vector<16xi32>
      %broadcast_in_dim3A_1924 = vector.shape_cast %xor3A_1923 : vector<16xi32> to vector<16x1xi32>
      %gather3A_1925 = vector.shape_cast %broadcast_in_dim3A_1924 : vector<16x1xi32> to vector<16xi32>
      %gather3A_1926 = tpu.dynamic_gather %add3A_1920[%gather3A_1925] in [0] : vector<16xf32>, vector<16xi32> -> vector<16xf32>
      %add3A_1927 = arith.addf %add3A_1920, %gather3A_1926 : vector<16xf32>
      %xor3A_1928 = arith.constant 2 : i32
      %xor3A_1929 = vector.broadcast %xor3A_1928 : i32 to vector<16xi32>
      %xor3A_1930 = arith.xori %iota3A_1913, %xor3A_1929 : vector<16xi32>
      %broadcast_in_dim3A_1931 = vector.shape_cast %xor3A_1930 : vector<16xi32> to vector<16x1xi32>
      %gather3A_1932 = vector.shape_cast %broadcast_in_dim3A_1931 : vector<16x1xi32> to vector<16xi32>
      %gather3A_1933 = tpu.dynamic_gather %add3A_1927[%gather3A_1932] in [0] : vector<16xf32>, vector<16xi32> -> vector<16xf32>
      %add3A_1934 = arith.addf %add3A_1927, %gather3A_1933 : vector<16xf32>
      %xor3A_1935 = arith.constant 1 : i32
      %xor3A_1936 = vector.broadcast %xor3A_1935 : i32 to vector<16xi32>
      %xor3A_1937 = arith.xori %iota3A_1913, %xor3A_1936 : vector<16xi32>
      %broadcast_in_dim3A_1938 = vector.shape_cast %xor3A_1937 : vector<16xi32> to vector<16x1xi32>
      %gather3A_1939 = vector.shape_cast %broadcast_in_dim3A_1938 : vector<16x1xi32> to vector<16xi32>
      %gather3A_1940 = tpu.dynamic_gather %add3A_1934[%gather3A_1939] in [0] : vector<16xf32>, vector<16xi32> -> vector<16xf32>
      %add3A_1941 = arith.addf %add3A_1934, %gather3A_1940 : vector<16xf32>
      %jit3A_1942 = arith.constant 0.000000e+00 : f32
      %broadcast_in_dim3A_1943 = vector.broadcast %jit3A_1942 : f32 to vector<16xf32>
      %select_n3A_1944 = arith.select %eq3A_1912, %add3A_1941, %broadcast_in_dim3A_1943 : vector<16xi1>, vector<16xf32>
      %add3A_1945 = arith.addf %add3A_1909, %select_n3A_1944 : vector<16xf32>
      %eq3A_1946 = arith.constant 9 : i32
      %eq3A_1947 = vector.broadcast %eq3A_1946 : i32 to vector<16xi32>
      %eq3A_1948 = arith.cmpi eq, %iota3A, %eq3A_1947 : vector<16xi32>
      %iota3A_1949 = tpu.iota {dimensions = array<i32: 0>} : vector<16xi32>
      %xor3A_1950 = arith.constant 8 : i32
      %xor3A_1951 = vector.broadcast %xor3A_1950 : i32 to vector<16xi32>
      %xor3A_1952 = arith.xori %iota3A_1949, %xor3A_1951 : vector<16xi32>
      %broadcast_in_dim3A_1953 = vector.shape_cast %xor3A_1952 : vector<16xi32> to vector<16x1xi32>
      %gather3A_1954 = vector.shape_cast %broadcast_in_dim3A_1953 : vector<16x1xi32> to vector<16xi32>
      %gather3A_1955 = tpu.dynamic_gather %scan3A_1625#9[%gather3A_1954] in [0] : vector<16xf32>, vector<16xi32> -> vector<16xf32>
      %add3A_1956 = arith.addf %scan3A_1625#9, %gather3A_1955 : vector<16xf32>
      %xor3A_1957 = arith.constant 4 : i32
      %xor3A_1958 = vector.broadcast %xor3A_1957 : i32 to vector<16xi32>
      %xor3A_1959 = arith.xori %iota3A_1949, %xor3A_1958 : vector<16xi32>
      %broadcast_in_dim3A_1960 = vector.shape_cast %xor3A_1959 : vector<16xi32> to vector<16x1xi32>
      %gather3A_1961 = vector.shape_cast %broadcast_in_dim3A_1960 : vector<16x1xi32> to vector<16xi32>
      %gather3A_1962 = tpu.dynamic_gather %add3A_1956[%gather3A_1961] in [0] : vector<16xf32>, vector<16xi32> -> vector<16xf32>
      %add3A_1963 = arith.addf %add3A_1956, %gather3A_1962 : vector<16xf32>
      %xor3A_1964 = arith.constant 2 : i32
      %xor3A_1965 = vector.broadcast %xor3A_1964 : i32 to vector<16xi32>
      %xor3A_1966 = arith.xori %iota3A_1949, %xor3A_1965 : vector<16xi32>
      %broadcast_in_dim3A_1967 = vector.shape_cast %xor3A_1966 : vector<16xi32> to vector<16x1xi32>
      %gather3A_1968 = vector.shape_cast %broadcast_in_dim3A_1967 : vector<16x1xi32> to vector<16xi32>
      %gather3A_1969 = tpu.dynamic_gather %add3A_1963[%gather3A_1968] in [0] : vector<16xf32>, vector<16xi32> -> vector<16xf32>
      %add3A_1970 = arith.addf %add3A_1963, %gather3A_1969 : vector<16xf32>
      %xor3A_1971 = arith.constant 1 : i32
      %xor3A_1972 = vector.broadcast %xor3A_1971 : i32 to vector<16xi32>
      %xor3A_1973 = arith.xori %iota3A_1949, %xor3A_1972 : vector<16xi32>
      %broadcast_in_dim3A_1974 = vector.shape_cast %xor3A_1973 : vector<16xi32> to vector<16x1xi32>
      %gather3A_1975 = vector.shape_cast %broadcast_in_dim3A_1974 : vector<16x1xi32> to vector<16xi32>
      %gather3A_1976 = tpu.dynamic_gather %add3A_1970[%gather3A_1975] in [0] : vector<16xf32>, vector<16xi32> -> vector<16xf32>
      %add3A_1977 = arith.addf %add3A_1970, %gather3A_1976 : vector<16xf32>
      %jit3A_1978 = arith.constant 0.000000e+00 : f32
      %broadcast_in_dim3A_1979 = vector.broadcast %jit3A_1978 : f32 to vector<16xf32>
      %select_n3A_1980 = arith.select %eq3A_1948, %add3A_1977, %broadcast_in_dim3A_1979 : vector<16xi1>, vector<16xf32>
      %add3A_1981 = arith.addf %add3A_1945, %select_n3A_1980 : vector<16xf32>
      %iota3A_1982 = tpu.iota {dimensions = array<i32: 0>} : vector<16xi32>
      %xor3A_1983 = arith.constant 8 : i32
      %xor3A_1984 = vector.broadcast %xor3A_1983 : i32 to vector<16xi32>
      %xor3A_1985 = arith.xori %iota3A_1982, %xor3A_1984 : vector<16xi32>
      %broadcast_in_dim3A_1986 = vector.shape_cast %xor3A_1985 : vector<16xi32> to vector<16x1xi32>
      %gather3A_1987 = vector.shape_cast %broadcast_in_dim3A_1986 : vector<16x1xi32> to vector<16xi32>
      %gather3A_1988 = tpu.dynamic_gather %add3A_1981[%gather3A_1987] in [0] : vector<16xf32>, vector<16xi32> -> vector<16xf32>
      %max3A = arith.maximumf %add3A_1981, %gather3A_1988 : vector<16xf32>
      %xor3A_1989 = arith.constant 4 : i32
      %xor3A_1990 = vector.broadcast %xor3A_1989 : i32 to vector<16xi32>
      %xor3A_1991 = arith.xori %iota3A_1982, %xor3A_1990 : vector<16xi32>
      %broadcast_in_dim3A_1992 = vector.shape_cast %xor3A_1991 : vector<16xi32> to vector<16x1xi32>
      %gather3A_1993 = vector.shape_cast %broadcast_in_dim3A_1992 : vector<16x1xi32> to vector<16xi32>
      %gather3A_1994 = tpu.dynamic_gather %max3A[%gather3A_1993] in [0] : vector<16xf32>, vector<16xi32> -> vector<16xf32>
      %max3A_1995 = arith.maximumf %max3A, %gather3A_1994 : vector<16xf32>
      %xor3A_1996 = arith.constant 2 : i32
      %xor3A_1997 = vector.broadcast %xor3A_1996 : i32 to vector<16xi32>
      %xor3A_1998 = arith.xori %iota3A_1982, %xor3A_1997 : vector<16xi32>
      %broadcast_in_dim3A_1999 = vector.shape_cast %xor3A_1998 : vector<16xi32> to vector<16x1xi32>
      %gather3A_2000 = vector.shape_cast %broadcast_in_dim3A_1999 : vector<16x1xi32> to vector<16xi32>
      %gather3A_2001 = tpu.dynamic_gather %max3A_1995[%gather3A_2000] in [0] : vector<16xf32>, vector<16xi32> -> vector<16xf32>
      %max3A_2002 = arith.maximumf %max3A_1995, %gather3A_2001 : vector<16xf32>
      %xor3A_2003 = arith.constant 1 : i32
      %xor3A_2004 = vector.broadcast %xor3A_2003 : i32 to vector<16xi32>
      %xor3A_2005 = arith.xori %iota3A_1982, %xor3A_2004 : vector<16xi32>
      %broadcast_in_dim3A_2006 = vector.shape_cast %xor3A_2005 : vector<16xi32> to vector<16x1xi32>
      %gather3A_2007 = vector.shape_cast %broadcast_in_dim3A_2006 : vector<16x1xi32> to vector<16xi32>
      %gather3A_2008 = tpu.dynamic_gather %max3A_2002[%gather3A_2007] in [0] : vector<16xf32>, vector<16xi32> -> vector<16xf32>
      %max3A_2009 = arith.maximumf %max3A_2002, %gather3A_2008 : vector<16xf32>
      %sub3A_2010 = arith.subf %add3A_1981, %max3A_2009 : vector<16xf32>
      %exp3A = math.exp %sub3A_2010 : vector<16xf32>
      %iota3A_2011 = tpu.iota {dimensions = array<i32: 0>} : vector<16xi32>
      %xor3A_2012 = arith.constant 8 : i32
      %xor3A_2013 = vector.broadcast %xor3A_2012 : i32 to vector<16xi32>
      %xor3A_2014 = arith.xori %iota3A_2011, %xor3A_2013 : vector<16xi32>
      %broadcast_in_dim3A_2015 = vector.shape_cast %xor3A_2014 : vector<16xi32> to vector<16x1xi32>
      %gather3A_2016 = vector.shape_cast %broadcast_in_dim3A_2015 : vector<16x1xi32> to vector<16xi32>
      %gather3A_2017 = tpu.dynamic_gather %exp3A[%gather3A_2016] in [0] : vector<16xf32>, vector<16xi32> -> vector<16xf32>
      %add3A_2018 = arith.addf %exp3A, %gather3A_2017 : vector<16xf32>
      %xor3A_2019 = arith.constant 4 : i32
      %xor3A_2020 = vector.broadcast %xor3A_2019 : i32 to vector<16xi32>
      %xor3A_2021 = arith.xori %iota3A_2011, %xor3A_2020 : vector<16xi32>
      %broadcast_in_dim3A_2022 = vector.shape_cast %xor3A_2021 : vector<16xi32> to vector<16x1xi32>
      %gather3A_2023 = vector.shape_cast %broadcast_in_dim3A_2022 : vector<16x1xi32> to vector<16xi32>
      %gather3A_2024 = tpu.dynamic_gather %add3A_2018[%gather3A_2023] in [0] : vector<16xf32>, vector<16xi32> -> vector<16xf32>
      %add3A_2025 = arith.addf %add3A_2018, %gather3A_2024 : vector<16xf32>
      %xor3A_2026 = arith.constant 2 : i32
      %xor3A_2027 = vector.broadcast %xor3A_2026 : i32 to vector<16xi32>
      %xor3A_2028 = arith.xori %iota3A_2011, %xor3A_2027 : vector<16xi32>
      %broadcast_in_dim3A_2029 = vector.shape_cast %xor3A_2028 : vector<16xi32> to vector<16x1xi32>
      %gather3A_2030 = vector.shape_cast %broadcast_in_dim3A_2029 : vector<16x1xi32> to vector<16xi32>
      %gather3A_2031 = tpu.dynamic_gather %add3A_2025[%gather3A_2030] in [0] : vector<16xf32>, vector<16xi32> -> vector<16xf32>
      %add3A_2032 = arith.addf %add3A_2025, %gather3A_2031 : vector<16xf32>
      %xor3A_2033 = arith.constant 1 : i32
      %xor3A_2034 = vector.broadcast %xor3A_2033 : i32 to vector<16xi32>
      %xor3A_2035 = arith.xori %iota3A_2011, %xor3A_2034 : vector<16xi32>
      %broadcast_in_dim3A_2036 = vector.shape_cast %xor3A_2035 : vector<16xi32> to vector<16x1xi32>
      %gather3A_2037 = vector.shape_cast %broadcast_in_dim3A_2036 : vector<16x1xi32> to vector<16xi32>
      %gather3A_2038 = tpu.dynamic_gather %add3A_2032[%gather3A_2037] in [0] : vector<16xf32>, vector<16xi32> -> vector<16xf32>
      %add3A_2039 = arith.addf %add3A_2032, %gather3A_2038 : vector<16xf32>
      %div3A = arith.divf %exp3A, %add3A_2039 : vector<16xf32>
      %mul3A_2040 = arith.constant 2 : i32
      %mul3A_2041 = arith.muli %scan3A_50, %mul3A_2040 : i32
      %add3A_2042 = arith.constant 0 : i32
      %add3A_2043 = arith.addi %mul3A_2041, %add3A_2042 : i32
      %mul3A_2044 = arith.constant 16 : i32
      %mul3A_2045 = arith.muli %add3A_2043, %mul3A_2044 : i32
      %swap3A_2046 = arith.index_cast %mul3A_2045 : i32 to index
      %swap3A_2047 = tpu.vector_load %arg13[%swap3A_2046] {strides = array<i32>} : memref<128xf32, #tpu.memory_space<vmem>>, vector<16xf32>,
      %swap3A_2048 = vector.shape_cast %swap3A_2047 : vector<16xf32> to vector<16xf32>
      %swap3A_2049 = vector.shape_cast %div3A : vector<16xf32> to vector<16xf32>
      tpu.vector_store %arg13[%swap3A_2046], %swap3A_2049 {strides = array<i32>} : memref<128xf32, #tpu.memory_space<vmem>>, vector<16xf32>,
      %eq3A_2050 = arith.constant 0 : i32
      %eq3A_2051 = vector.broadcast %eq3A_2050 : i32 to vector<16xi32>
      %eq3A_2052 = arith.cmpi eq, %iota3A, %eq3A_2051 : vector<16xi32>
      %iota3A_2053 = tpu.iota {dimensions = array<i32: 0>} : vector<16xi32>
      %xor3A_2054 = arith.constant 8 : i32
      %xor3A_2055 = vector.broadcast %xor3A_2054 : i32 to vector<16xi32>
      %xor3A_2056 = arith.xori %iota3A_2053, %xor3A_2055 : vector<16xi32>
      %broadcast_in_dim3A_2057 = vector.shape_cast %xor3A_2056 : vector<16xi32> to vector<16x1xi32>
      %gather3A_2058 = vector.shape_cast %broadcast_in_dim3A_2057 : vector<16x1xi32> to vector<16xi32>
      %gather3A_2059 = tpu.dynamic_gather %scan3A_1625#10[%gather3A_2058] in [0] : vector<16xf32>, vector<16xi32> -> vector<16xf32>
      %add3A_2060 = arith.addf %scan3A_1625#10, %gather3A_2059 : vector<16xf32>
      %xor3A_2061 = arith.constant 4 : i32
      %xor3A_2062 = vector.broadcast %xor3A_2061 : i32 to vector<16xi32>
      %xor3A_2063 = arith.xori %iota3A_2053, %xor3A_2062 : vector<16xi32>
      %broadcast_in_dim3A_2064 = vector.shape_cast %xor3A_2063 : vector<16xi32> to vector<16x1xi32>
      %gather3A_2065 = vector.shape_cast %broadcast_in_dim3A_2064 : vector<16x1xi32> to vector<16xi32>
      %gather3A_2066 = tpu.dynamic_gather %add3A_2060[%gather3A_2065] in [0] : vector<16xf32>, vector<16xi32> -> vector<16xf32>
      %add3A_2067 = arith.addf %add3A_2060, %gather3A_2066 : vector<16xf32>
      %xor3A_2068 = arith.constant 2 : i32
      %xor3A_2069 = vector.broadcast %xor3A_2068 : i32 to vector<16xi32>
      %xor3A_2070 = arith.xori %iota3A_2053, %xor3A_2069 : vector<16xi32>
      %broadcast_in_dim3A_2071 = vector.shape_cast %xor3A_2070 : vector<16xi32> to vector<16x1xi32>
      %gather3A_2072 = vector.shape_cast %broadcast_in_dim3A_2071 : vector<16x1xi32> to vector<16xi32>
      %gather3A_2073 = tpu.dynamic_gather %add3A_2067[%gather3A_2072] in [0] : vector<16xf32>, vector<16xi32> -> vector<16xf32>
      %add3A_2074 = arith.addf %add3A_2067, %gather3A_2073 : vector<16xf32>
      %xor3A_2075 = arith.constant 1 : i32
      %xor3A_2076 = vector.broadcast %xor3A_2075 : i32 to vector<16xi32>
      %xor3A_2077 = arith.xori %iota3A_2053, %xor3A_2076 : vector<16xi32>
      %broadcast_in_dim3A_2078 = vector.shape_cast %xor3A_2077 : vector<16xi32> to vector<16x1xi32>
      %gather3A_2079 = vector.shape_cast %broadcast_in_dim3A_2078 : vector<16x1xi32> to vector<16xi32>
      %gather3A_2080 = tpu.dynamic_gather %add3A_2074[%gather3A_2079] in [0] : vector<16xf32>, vector<16xi32> -> vector<16xf32>
      %add3A_2081 = arith.addf %add3A_2074, %gather3A_2080 : vector<16xf32>
      %jit3A_2082 = arith.constant 0.000000e+00 : f32
      %broadcast_in_dim3A_2083 = vector.broadcast %jit3A_2082 : f32 to vector<16xf32>
      %select_n3A_2084 = arith.select %eq3A_2052, %add3A_2081, %broadcast_in_dim3A_2083 : vector<16xi1>, vector<16xf32>
      %add3A_2085 = arith.addf %get3A_14, %select_n3A_2084 : vector<16xf32>
      %eq3A_2086 = arith.constant 1 : i32
      %eq3A_2087 = vector.broadcast %eq3A_2086 : i32 to vector<16xi32>
      %eq3A_2088 = arith.cmpi eq, %iota3A, %eq3A_2087 : vector<16xi32>
      %iota3A_2089 = tpu.iota {dimensions = array<i32: 0>} : vector<16xi32>
      %xor3A_2090 = arith.constant 8 : i32
      %xor3A_2091 = vector.broadcast %xor3A_2090 : i32 to vector<16xi32>
      %xor3A_2092 = arith.xori %iota3A_2089, %xor3A_2091 : vector<16xi32>
      %broadcast_in_dim3A_2093 = vector.shape_cast %xor3A_2092 : vector<16xi32> to vector<16x1xi32>
      %gather3A_2094 = vector.shape_cast %broadcast_in_dim3A_2093 : vector<16x1xi32> to vector<16xi32>
      %gather3A_2095 = tpu.dynamic_gather %scan3A_1625#11[%gather3A_2094] in [0] : vector<16xf32>, vector<16xi32> -> vector<16xf32>
      %add3A_2096 = arith.addf %scan3A_1625#11, %gather3A_2095 : vector<16xf32>
      %xor3A_2097 = arith.constant 4 : i32
      %xor3A_2098 = vector.broadcast %xor3A_2097 : i32 to vector<16xi32>
      %xor3A_2099 = arith.xori %iota3A_2089, %xor3A_2098 : vector<16xi32>
      %broadcast_in_dim3A_2100 = vector.shape_cast %xor3A_2099 : vector<16xi32> to vector<16x1xi32>
      %gather3A_2101 = vector.shape_cast %broadcast_in_dim3A_2100 : vector<16x1xi32> to vector<16xi32>
      %gather3A_2102 = tpu.dynamic_gather %add3A_2096[%gather3A_2101] in [0] : vector<16xf32>, vector<16xi32> -> vector<16xf32>
      %add3A_2103 = arith.addf %add3A_2096, %gather3A_2102 : vector<16xf32>
      %xor3A_2104 = arith.constant 2 : i32
      %xor3A_2105 = vector.broadcast %xor3A_2104 : i32 to vector<16xi32>
      %xor3A_2106 = arith.xori %iota3A_2089, %xor3A_2105 : vector<16xi32>
      %broadcast_in_dim3A_2107 = vector.shape_cast %xor3A_2106 : vector<16xi32> to vector<16x1xi32>
      %gather3A_2108 = vector.shape_cast %broadcast_in_dim3A_2107 : vector<16x1xi32> to vector<16xi32>
      %gather3A_2109 = tpu.dynamic_gather %add3A_2103[%gather3A_2108] in [0] : vector<16xf32>, vector<16xi32> -> vector<16xf32>
      %add3A_2110 = arith.addf %add3A_2103, %gather3A_2109 : vector<16xf32>
      %xor3A_2111 = arith.constant 1 : i32
      %xor3A_2112 = vector.broadcast %xor3A_2111 : i32 to vector<16xi32>
      %xor3A_2113 = arith.xori %iota3A_2089, %xor3A_2112 : vector<16xi32>
      %broadcast_in_dim3A_2114 = vector.shape_cast %xor3A_2113 : vector<16xi32> to vector<16x1xi32>
      %gather3A_2115 = vector.shape_cast %broadcast_in_dim3A_2114 : vector<16x1xi32> to vector<16xi32>
      %gather3A_2116 = tpu.dynamic_gather %add3A_2110[%gather3A_2115] in [0] : vector<16xf32>, vector<16xi32> -> vector<16xf32>
      %add3A_2117 = arith.addf %add3A_2110, %gather3A_2116 : vector<16xf32>
      %jit3A_2118 = arith.constant 0.000000e+00 : f32
      %broadcast_in_dim3A_2119 = vector.broadcast %jit3A_2118 : f32 to vector<16xf32>
      %select_n3A_2120 = arith.select %eq3A_2088, %add3A_2117, %broadcast_in_dim3A_2119 : vector<16xi1>, vector<16xf32>
      %add3A_2121 = arith.addf %add3A_2085, %select_n3A_2120 : vector<16xf32>
      %eq3A_2122 = arith.constant 2 : i32
      %eq3A_2123 = vector.broadcast %eq3A_2122 : i32 to vector<16xi32>
      %eq3A_2124 = arith.cmpi eq, %iota3A, %eq3A_2123 : vector<16xi32>
      %iota3A_2125 = tpu.iota {dimensions = array<i32: 0>} : vector<16xi32>
      %xor3A_2126 = arith.constant 8 : i32
      %xor3A_2127 = vector.broadcast %xor3A_2126 : i32 to vector<16xi32>
      %xor3A_2128 = arith.xori %iota3A_2125, %xor3A_2127 : vector<16xi32>
      %broadcast_in_dim3A_2129 = vector.shape_cast %xor3A_2128 : vector<16xi32> to vector<16x1xi32>
      %gather3A_2130 = vector.shape_cast %broadcast_in_dim3A_2129 : vector<16x1xi32> to vector<16xi32>
      %gather3A_2131 = tpu.dynamic_gather %scan3A_1625#12[%gather3A_2130] in [0] : vector<16xf32>, vector<16xi32> -> vector<16xf32>
      %add3A_2132 = arith.addf %scan3A_1625#12, %gather3A_2131 : vector<16xf32>
      %xor3A_2133 = arith.constant 4 : i32
      %xor3A_2134 = vector.broadcast %xor3A_2133 : i32 to vector<16xi32>
      %xor3A_2135 = arith.xori %iota3A_2125, %xor3A_2134 : vector<16xi32>
      %broadcast_in_dim3A_2136 = vector.shape_cast %xor3A_2135 : vector<16xi32> to vector<16x1xi32>
      %gather3A_2137 = vector.shape_cast %broadcast_in_dim3A_2136 : vector<16x1xi32> to vector<16xi32>
      %gather3A_2138 = tpu.dynamic_gather %add3A_2132[%gather3A_2137] in [0] : vector<16xf32>, vector<16xi32> -> vector<16xf32>
      %add3A_2139 = arith.addf %add3A_2132, %gather3A_2138 : vector<16xf32>
      %xor3A_2140 = arith.constant 2 : i32
      %xor3A_2141 = vector.broadcast %xor3A_2140 : i32 to vector<16xi32>
      %xor3A_2142 = arith.xori %iota3A_2125, %xor3A_2141 : vector<16xi32>
      %broadcast_in_dim3A_2143 = vector.shape_cast %xor3A_2142 : vector<16xi32> to vector<16x1xi32>
      %gather3A_2144 = vector.shape_cast %broadcast_in_dim3A_2143 : vector<16x1xi32> to vector<16xi32>
      %gather3A_2145 = tpu.dynamic_gather %add3A_2139[%gather3A_2144] in [0] : vector<16xf32>, vector<16xi32> -> vector<16xf32>
      %add3A_2146 = arith.addf %add3A_2139, %gather3A_2145 : vector<16xf32>
      %xor3A_2147 = arith.constant 1 : i32
      %xor3A_2148 = vector.broadcast %xor3A_2147 : i32 to vector<16xi32>
      %xor3A_2149 = arith.xori %iota3A_2125, %xor3A_2148 : vector<16xi32>
      %broadcast_in_dim3A_2150 = vector.shape_cast %xor3A_2149 : vector<16xi32> to vector<16x1xi32>
      %gather3A_2151 = vector.shape_cast %broadcast_in_dim3A_2150 : vector<16x1xi32> to vector<16xi32>
      %gather3A_2152 = tpu.dynamic_gather %add3A_2146[%gather3A_2151] in [0] : vector<16xf32>, vector<16xi32> -> vector<16xf32>
      %add3A_2153 = arith.addf %add3A_2146, %gather3A_2152 : vector<16xf32>
      %jit3A_2154 = arith.constant 0.000000e+00 : f32
      %broadcast_in_dim3A_2155 = vector.broadcast %jit3A_2154 : f32 to vector<16xf32>
      %select_n3A_2156 = arith.select %eq3A_2124, %add3A_2153, %broadcast_in_dim3A_2155 : vector<16xi1>, vector<16xf32>
      %add3A_2157 = arith.addf %add3A_2121, %select_n3A_2156 : vector<16xf32>
      %eq3A_2158 = arith.constant 3 : i32
      %eq3A_2159 = vector.broadcast %eq3A_2158 : i32 to vector<16xi32>
      %eq3A_2160 = arith.cmpi eq, %iota3A, %eq3A_2159 : vector<16xi32>
      %iota3A_2161 = tpu.iota {dimensions = array<i32: 0>} : vector<16xi32>
      %xor3A_2162 = arith.constant 8 : i32
      %xor3A_2163 = vector.broadcast %xor3A_2162 : i32 to vector<16xi32>
      %xor3A_2164 = arith.xori %iota3A_2161, %xor3A_2163 : vector<16xi32>
      %broadcast_in_dim3A_2165 = vector.shape_cast %xor3A_2164 : vector<16xi32> to vector<16x1xi32>
      %gather3A_2166 = vector.shape_cast %broadcast_in_dim3A_2165 : vector<16x1xi32> to vector<16xi32>
      %gather3A_2167 = tpu.dynamic_gather %scan3A_1625#13[%gather3A_2166] in [0] : vector<16xf32>, vector<16xi32> -> vector<16xf32>
      %add3A_2168 = arith.addf %scan3A_1625#13, %gather3A_2167 : vector<16xf32>
      %xor3A_2169 = arith.constant 4 : i32
      %xor3A_2170 = vector.broadcast %xor3A_2169 : i32 to vector<16xi32>
      %xor3A_2171 = arith.xori %iota3A_2161, %xor3A_2170 : vector<16xi32>
      %broadcast_in_dim3A_2172 = vector.shape_cast %xor3A_2171 : vector<16xi32> to vector<16x1xi32>
      %gather3A_2173 = vector.shape_cast %broadcast_in_dim3A_2172 : vector<16x1xi32> to vector<16xi32>
      %gather3A_2174 = tpu.dynamic_gather %add3A_2168[%gather3A_2173] in [0] : vector<16xf32>, vector<16xi32> -> vector<16xf32>
      %add3A_2175 = arith.addf %add3A_2168, %gather3A_2174 : vector<16xf32>
      %xor3A_2176 = arith.constant 2 : i32
      %xor3A_2177 = vector.broadcast %xor3A_2176 : i32 to vector<16xi32>
      %xor3A_2178 = arith.xori %iota3A_2161, %xor3A_2177 : vector<16xi32>
      %broadcast_in_dim3A_2179 = vector.shape_cast %xor3A_2178 : vector<16xi32> to vector<16x1xi32>
      %gather3A_2180 = vector.shape_cast %broadcast_in_dim3A_2179 : vector<16x1xi32> to vector<16xi32>
      %gather3A_2181 = tpu.dynamic_gather %add3A_2175[%gather3A_2180] in [0] : vector<16xf32>, vector<16xi32> -> vector<16xf32>
      %add3A_2182 = arith.addf %add3A_2175, %gather3A_2181 : vector<16xf32>
      %xor3A_2183 = arith.constant 1 : i32
      %xor3A_2184 = vector.broadcast %xor3A_2183 : i32 to vector<16xi32>
      %xor3A_2185 = arith.xori %iota3A_2161, %xor3A_2184 : vector<16xi32>
      %broadcast_in_dim3A_2186 = vector.shape_cast %xor3A_2185 : vector<16xi32> to vector<16x1xi32>
      %gather3A_2187 = vector.shape_cast %broadcast_in_dim3A_2186 : vector<16x1xi32> to vector<16xi32>
      %gather3A_2188 = tpu.dynamic_gather %add3A_2182[%gather3A_2187] in [0] : vector<16xf32>, vector<16xi32> -> vector<16xf32>
      %add3A_2189 = arith.addf %add3A_2182, %gather3A_2188 : vector<16xf32>
      %jit3A_2190 = arith.constant 0.000000e+00 : f32
      %broadcast_in_dim3A_2191 = vector.broadcast %jit3A_2190 : f32 to vector<16xf32>
      %select_n3A_2192 = arith.select %eq3A_2160, %add3A_2189, %broadcast_in_dim3A_2191 : vector<16xi1>, vector<16xf32>
      %add3A_2193 = arith.addf %add3A_2157, %select_n3A_2192 : vector<16xf32>
      %eq3A_2194 = arith.constant 4 : i32
      %eq3A_2195 = vector.broadcast %eq3A_2194 : i32 to vector<16xi32>
      %eq3A_2196 = arith.cmpi eq, %iota3A, %eq3A_2195 : vector<16xi32>
      %iota3A_2197 = tpu.iota {dimensions = array<i32: 0>} : vector<16xi32>
      %xor3A_2198 = arith.constant 8 : i32
      %xor3A_2199 = vector.broadcast %xor3A_2198 : i32 to vector<16xi32>
      %xor3A_2200 = arith.xori %iota3A_2197, %xor3A_2199 : vector<16xi32>
      %broadcast_in_dim3A_2201 = vector.shape_cast %xor3A_2200 : vector<16xi32> to vector<16x1xi32>
      %gather3A_2202 = vector.shape_cast %broadcast_in_dim3A_2201 : vector<16x1xi32> to vector<16xi32>
      %gather3A_2203 = tpu.dynamic_gather %scan3A_1625#14[%gather3A_2202] in [0] : vector<16xf32>, vector<16xi32> -> vector<16xf32>
      %add3A_2204 = arith.addf %scan3A_1625#14, %gather3A_2203 : vector<16xf32>
      %xor3A_2205 = arith.constant 4 : i32
      %xor3A_2206 = vector.broadcast %xor3A_2205 : i32 to vector<16xi32>
      %xor3A_2207 = arith.xori %iota3A_2197, %xor3A_2206 : vector<16xi32>
      %broadcast_in_dim3A_2208 = vector.shape_cast %xor3A_2207 : vector<16xi32> to vector<16x1xi32>
      %gather3A_2209 = vector.shape_cast %broadcast_in_dim3A_2208 : vector<16x1xi32> to vector<16xi32>
      %gather3A_2210 = tpu.dynamic_gather %add3A_2204[%gather3A_2209] in [0] : vector<16xf32>, vector<16xi32> -> vector<16xf32>
      %add3A_2211 = arith.addf %add3A_2204, %gather3A_2210 : vector<16xf32>
      %xor3A_2212 = arith.constant 2 : i32
      %xor3A_2213 = vector.broadcast %xor3A_2212 : i32 to vector<16xi32>
      %xor3A_2214 = arith.xori %iota3A_2197, %xor3A_2213 : vector<16xi32>
      %broadcast_in_dim3A_2215 = vector.shape_cast %xor3A_2214 : vector<16xi32> to vector<16x1xi32>
      %gather3A_2216 = vector.shape_cast %broadcast_in_dim3A_2215 : vector<16x1xi32> to vector<16xi32>
      %gather3A_2217 = tpu.dynamic_gather %add3A_2211[%gather3A_2216] in [0] : vector<16xf32>, vector<16xi32> -> vector<16xf32>
      %add3A_2218 = arith.addf %add3A_2211, %gather3A_2217 : vector<16xf32>
      %xor3A_2219 = arith.constant 1 : i32
      %xor3A_2220 = vector.broadcast %xor3A_2219 : i32 to vector<16xi32>
      %xor3A_2221 = arith.xori %iota3A_2197, %xor3A_2220 : vector<16xi32>
      %broadcast_in_dim3A_2222 = vector.shape_cast %xor3A_2221 : vector<16xi32> to vector<16x1xi32>
      %gather3A_2223 = vector.shape_cast %broadcast_in_dim3A_2222 : vector<16x1xi32> to vector<16xi32>
      %gather3A_2224 = tpu.dynamic_gather %add3A_2218[%gather3A_2223] in [0] : vector<16xf32>, vector<16xi32> -> vector<16xf32>
      %add3A_2225 = arith.addf %add3A_2218, %gather3A_2224 : vector<16xf32>
      %jit3A_2226 = arith.constant 0.000000e+00 : f32
      %broadcast_in_dim3A_2227 = vector.broadcast %jit3A_2226 : f32 to vector<16xf32>
      %select_n3A_2228 = arith.select %eq3A_2196, %add3A_2225, %broadcast_in_dim3A_2227 : vector<16xi1>, vector<16xf32>
      %add3A_2229 = arith.addf %add3A_2193, %select_n3A_2228 : vector<16xf32>
      %eq3A_2230 = arith.constant 5 : i32
      %eq3A_2231 = vector.broadcast %eq3A_2230 : i32 to vector<16xi32>
      %eq3A_2232 = arith.cmpi eq, %iota3A, %eq3A_2231 : vector<16xi32>
      %iota3A_2233 = tpu.iota {dimensions = array<i32: 0>} : vector<16xi32>
      %xor3A_2234 = arith.constant 8 : i32
      %xor3A_2235 = vector.broadcast %xor3A_2234 : i32 to vector<16xi32>
      %xor3A_2236 = arith.xori %iota3A_2233, %xor3A_2235 : vector<16xi32>
      %broadcast_in_dim3A_2237 = vector.shape_cast %xor3A_2236 : vector<16xi32> to vector<16x1xi32>
      %gather3A_2238 = vector.shape_cast %broadcast_in_dim3A_2237 : vector<16x1xi32> to vector<16xi32>
      %gather3A_2239 = tpu.dynamic_gather %scan3A_1625#15[%gather3A_2238] in [0] : vector<16xf32>, vector<16xi32> -> vector<16xf32>
      %add3A_2240 = arith.addf %scan3A_1625#15, %gather3A_2239 : vector<16xf32>
      %xor3A_2241 = arith.constant 4 : i32
      %xor3A_2242 = vector.broadcast %xor3A_2241 : i32 to vector<16xi32>
      %xor3A_2243 = arith.xori %iota3A_2233, %xor3A_2242 : vector<16xi32>
      %broadcast_in_dim3A_2244 = vector.shape_cast %xor3A_2243 : vector<16xi32> to vector<16x1xi32>
      %gather3A_2245 = vector.shape_cast %broadcast_in_dim3A_2244 : vector<16x1xi32> to vector<16xi32>
      %gather3A_2246 = tpu.dynamic_gather %add3A_2240[%gather3A_2245] in [0] : vector<16xf32>, vector<16xi32> -> vector<16xf32>
      %add3A_2247 = arith.addf %add3A_2240, %gather3A_2246 : vector<16xf32>
      %xor3A_2248 = arith.constant 2 : i32
      %xor3A_2249 = vector.broadcast %xor3A_2248 : i32 to vector<16xi32>
      %xor3A_2250 = arith.xori %iota3A_2233, %xor3A_2249 : vector<16xi32>
      %broadcast_in_dim3A_2251 = vector.shape_cast %xor3A_2250 : vector<16xi32> to vector<16x1xi32>
      %gather3A_2252 = vector.shape_cast %broadcast_in_dim3A_2251 : vector<16x1xi32> to vector<16xi32>
      %gather3A_2253 = tpu.dynamic_gather %add3A_2247[%gather3A_2252] in [0] : vector<16xf32>, vector<16xi32> -> vector<16xf32>
      %add3A_2254 = arith.addf %add3A_2247, %gather3A_2253 : vector<16xf32>
      %xor3A_2255 = arith.constant 1 : i32
      %xor3A_2256 = vector.broadcast %xor3A_2255 : i32 to vector<16xi32>
      %xor3A_2257 = arith.xori %iota3A_2233, %xor3A_2256 : vector<16xi32>
      %broadcast_in_dim3A_2258 = vector.shape_cast %xor3A_2257 : vector<16xi32> to vector<16x1xi32>
      %gather3A_2259 = vector.shape_cast %broadcast_in_dim3A_2258 : vector<16x1xi32> to vector<16xi32>
      %gather3A_2260 = tpu.dynamic_gather %add3A_2254[%gather3A_2259] in [0] : vector<16xf32>, vector<16xi32> -> vector<16xf32>
      %add3A_2261 = arith.addf %add3A_2254, %gather3A_2260 : vector<16xf32>
      %jit3A_2262 = arith.constant 0.000000e+00 : f32
      %broadcast_in_dim3A_2263 = vector.broadcast %jit3A_2262 : f32 to vector<16xf32>
      %select_n3A_2264 = arith.select %eq3A_2232, %add3A_2261, %broadcast_in_dim3A_2263 : vector<16xi1>, vector<16xf32>
      %add3A_2265 = arith.addf %add3A_2229, %select_n3A_2264 : vector<16xf32>
      %eq3A_2266 = arith.constant 6 : i32
      %eq3A_2267 = vector.broadcast %eq3A_2266 : i32 to vector<16xi32>
      %eq3A_2268 = arith.cmpi eq, %iota3A, %eq3A_2267 : vector<16xi32>
      %iota3A_2269 = tpu.iota {dimensions = array<i32: 0>} : vector<16xi32>
      %xor3A_2270 = arith.constant 8 : i32
      %xor3A_2271 = vector.broadcast %xor3A_2270 : i32 to vector<16xi32>
      %xor3A_2272 = arith.xori %iota3A_2269, %xor3A_2271 : vector<16xi32>
      %broadcast_in_dim3A_2273 = vector.shape_cast %xor3A_2272 : vector<16xi32> to vector<16x1xi32>
      %gather3A_2274 = vector.shape_cast %broadcast_in_dim3A_2273 : vector<16x1xi32> to vector<16xi32>
      %gather3A_2275 = tpu.dynamic_gather %scan3A_1625#16[%gather3A_2274] in [0] : vector<16xf32>, vector<16xi32> -> vector<16xf32>
      %add3A_2276 = arith.addf %scan3A_1625#16, %gather3A_2275 : vector<16xf32>
      %xor3A_2277 = arith.constant 4 : i32
      %xor3A_2278 = vector.broadcast %xor3A_2277 : i32 to vector<16xi32>
      %xor3A_2279 = arith.xori %iota3A_2269, %xor3A_2278 : vector<16xi32>
      %broadcast_in_dim3A_2280 = vector.shape_cast %xor3A_2279 : vector<16xi32> to vector<16x1xi32>
      %gather3A_2281 = vector.shape_cast %broadcast_in_dim3A_2280 : vector<16x1xi32> to vector<16xi32>
      %gather3A_2282 = tpu.dynamic_gather %add3A_2276[%gather3A_2281] in [0] : vector<16xf32>, vector<16xi32> -> vector<16xf32>
      %add3A_2283 = arith.addf %add3A_2276, %gather3A_2282 : vector<16xf32>
      %xor3A_2284 = arith.constant 2 : i32
      %xor3A_2285 = vector.broadcast %xor3A_2284 : i32 to vector<16xi32>
      %xor3A_2286 = arith.xori %iota3A_2269, %xor3A_2285 : vector<16xi32>
      %broadcast_in_dim3A_2287 = vector.shape_cast %xor3A_2286 : vector<16xi32> to vector<16x1xi32>
      %gather3A_2288 = vector.shape_cast %broadcast_in_dim3A_2287 : vector<16x1xi32> to vector<16xi32>
      %gather3A_2289 = tpu.dynamic_gather %add3A_2283[%gather3A_2288] in [0] : vector<16xf32>, vector<16xi32> -> vector<16xf32>
      %add3A_2290 = arith.addf %add3A_2283, %gather3A_2289 : vector<16xf32>
      %xor3A_2291 = arith.constant 1 : i32
      %xor3A_2292 = vector.broadcast %xor3A_2291 : i32 to vector<16xi32>
      %xor3A_2293 = arith.xori %iota3A_2269, %xor3A_2292 : vector<16xi32>
      %broadcast_in_dim3A_2294 = vector.shape_cast %xor3A_2293 : vector<16xi32> to vector<16x1xi32>
      %gather3A_2295 = vector.shape_cast %broadcast_in_dim3A_2294 : vector<16x1xi32> to vector<16xi32>
      %gather3A_2296 = tpu.dynamic_gather %add3A_2290[%gather3A_2295] in [0] : vector<16xf32>, vector<16xi32> -> vector<16xf32>
      %add3A_2297 = arith.addf %add3A_2290, %gather3A_2296 : vector<16xf32>
      %jit3A_2298 = arith.constant 0.000000e+00 : f32
      %broadcast_in_dim3A_2299 = vector.broadcast %jit3A_2298 : f32 to vector<16xf32>
      %select_n3A_2300 = arith.select %eq3A_2268, %add3A_2297, %broadcast_in_dim3A_2299 : vector<16xi1>, vector<16xf32>
      %add3A_2301 = arith.addf %add3A_2265, %select_n3A_2300 : vector<16xf32>
      %eq3A_2302 = arith.constant 7 : i32
      %eq3A_2303 = vector.broadcast %eq3A_2302 : i32 to vector<16xi32>
      %eq3A_2304 = arith.cmpi eq, %iota3A, %eq3A_2303 : vector<16xi32>
      %iota3A_2305 = tpu.iota {dimensions = array<i32: 0>} : vector<16xi32>
      %xor3A_2306 = arith.constant 8 : i32
      %xor3A_2307 = vector.broadcast %xor3A_2306 : i32 to vector<16xi32>
      %xor3A_2308 = arith.xori %iota3A_2305, %xor3A_2307 : vector<16xi32>
      %broadcast_in_dim3A_2309 = vector.shape_cast %xor3A_2308 : vector<16xi32> to vector<16x1xi32>
      %gather3A_2310 = vector.shape_cast %broadcast_in_dim3A_2309 : vector<16x1xi32> to vector<16xi32>
      %gather3A_2311 = tpu.dynamic_gather %scan3A_1625#17[%gather3A_2310] in [0] : vector<16xf32>, vector<16xi32> -> vector<16xf32>
      %add3A_2312 = arith.addf %scan3A_1625#17, %gather3A_2311 : vector<16xf32>
      %xor3A_2313 = arith.constant 4 : i32
      %xor3A_2314 = vector.broadcast %xor3A_2313 : i32 to vector<16xi32>
      %xor3A_2315 = arith.xori %iota3A_2305, %xor3A_2314 : vector<16xi32>
      %broadcast_in_dim3A_2316 = vector.shape_cast %xor3A_2315 : vector<16xi32> to vector<16x1xi32>
      %gather3A_2317 = vector.shape_cast %broadcast_in_dim3A_2316 : vector<16x1xi32> to vector<16xi32>
      %gather3A_2318 = tpu.dynamic_gather %add3A_2312[%gather3A_2317] in [0] : vector<16xf32>, vector<16xi32> -> vector<16xf32>
      %add3A_2319 = arith.addf %add3A_2312, %gather3A_2318 : vector<16xf32>
      %xor3A_2320 = arith.constant 2 : i32
      %xor3A_2321 = vector.broadcast %xor3A_2320 : i32 to vector<16xi32>
      %xor3A_2322 = arith.xori %iota3A_2305, %xor3A_2321 : vector<16xi32>
      %broadcast_in_dim3A_2323 = vector.shape_cast %xor3A_2322 : vector<16xi32> to vector<16x1xi32>
      %gather3A_2324 = vector.shape_cast %broadcast_in_dim3A_2323 : vector<16x1xi32> to vector<16xi32>
      %gather3A_2325 = tpu.dynamic_gather %add3A_2319[%gather3A_2324] in [0] : vector<16xf32>, vector<16xi32> -> vector<16xf32>
      %add3A_2326 = arith.addf %add3A_2319, %gather3A_2325 : vector<16xf32>
      %xor3A_2327 = arith.constant 1 : i32
      %xor3A_2328 = vector.broadcast %xor3A_2327 : i32 to vector<16xi32>
      %xor3A_2329 = arith.xori %iota3A_2305, %xor3A_2328 : vector<16xi32>
      %broadcast_in_dim3A_2330 = vector.shape_cast %xor3A_2329 : vector<16xi32> to vector<16x1xi32>
      %gather3A_2331 = vector.shape_cast %broadcast_in_dim3A_2330 : vector<16x1xi32> to vector<16xi32>
      %gather3A_2332 = tpu.dynamic_gather %add3A_2326[%gather3A_2331] in [0] : vector<16xf32>, vector<16xi32> -> vector<16xf32>
      %add3A_2333 = arith.addf %add3A_2326, %gather3A_2332 : vector<16xf32>
      %jit3A_2334 = arith.constant 0.000000e+00 : f32
      %broadcast_in_dim3A_2335 = vector.broadcast %jit3A_2334 : f32 to vector<16xf32>
      %select_n3A_2336 = arith.select %eq3A_2304, %add3A_2333, %broadcast_in_dim3A_2335 : vector<16xi1>, vector<16xf32>
      %add3A_2337 = arith.addf %add3A_2301, %select_n3A_2336 : vector<16xf32>
      %eq3A_2338 = arith.constant 8 : i32
      %eq3A_2339 = vector.broadcast %eq3A_2338 : i32 to vector<16xi32>
      %eq3A_2340 = arith.cmpi eq, %iota3A, %eq3A_2339 : vector<16xi32>
      %iota3A_2341 = tpu.iota {dimensions = array<i32: 0>} : vector<16xi32>
      %xor3A_2342 = arith.constant 8 : i32
      %xor3A_2343 = vector.broadcast %xor3A_2342 : i32 to vector<16xi32>
      %xor3A_2344 = arith.xori %iota3A_2341, %xor3A_2343 : vector<16xi32>
      %broadcast_in_dim3A_2345 = vector.shape_cast %xor3A_2344 : vector<16xi32> to vector<16x1xi32>
      %gather3A_2346 = vector.shape_cast %broadcast_in_dim3A_2345 : vector<16x1xi32> to vector<16xi32>
      %gather3A_2347 = tpu.dynamic_gather %scan3A_1625#18[%gather3A_2346] in [0] : vector<16xf32>, vector<16xi32> -> vector<16xf32>
      %add3A_2348 = arith.addf %scan3A_1625#18, %gather3A_2347 : vector<16xf32>
      %xor3A_2349 = arith.constant 4 : i32
      %xor3A_2350 = vector.broadcast %xor3A_2349 : i32 to vector<16xi32>
      %xor3A_2351 = arith.xori %iota3A_2341, %xor3A_2350 : vector<16xi32>
      %broadcast_in_dim3A_2352 = vector.shape_cast %xor3A_2351 : vector<16xi32> to vector<16x1xi32>
      %gather3A_2353 = vector.shape_cast %broadcast_in_dim3A_2352 : vector<16x1xi32> to vector<16xi32>
      %gather3A_2354 = tpu.dynamic_gather %add3A_2348[%gather3A_2353] in [0] : vector<16xf32>, vector<16xi32> -> vector<16xf32>
      %add3A_2355 = arith.addf %add3A_2348, %gather3A_2354 : vector<16xf32>
      %xor3A_2356 = arith.constant 2 : i32
      %xor3A_2357 = vector.broadcast %xor3A_2356 : i32 to vector<16xi32>
      %xor3A_2358 = arith.xori %iota3A_2341, %xor3A_2357 : vector<16xi32>
      %broadcast_in_dim3A_2359 = vector.shape_cast %xor3A_2358 : vector<16xi32> to vector<16x1xi32>
      %gather3A_2360 = vector.shape_cast %broadcast_in_dim3A_2359 : vector<16x1xi32> to vector<16xi32>
      %gather3A_2361 = tpu.dynamic_gather %add3A_2355[%gather3A_2360] in [0] : vector<16xf32>, vector<16xi32> -> vector<16xf32>
      %add3A_2362 = arith.addf %add3A_2355, %gather3A_2361 : vector<16xf32>
      %xor3A_2363 = arith.constant 1 : i32
      %xor3A_2364 = vector.broadcast %xor3A_2363 : i32 to vector<16xi32>
      %xor3A_2365 = arith.xori %iota3A_2341, %xor3A_2364 : vector<16xi32>
      %broadcast_in_dim3A_2366 = vector.shape_cast %xor3A_2365 : vector<16xi32> to vector<16x1xi32>
      %gather3A_2367 = vector.shape_cast %broadcast_in_dim3A_2366 : vector<16x1xi32> to vector<16xi32>
      %gather3A_2368 = tpu.dynamic_gather %add3A_2362[%gather3A_2367] in [0] : vector<16xf32>, vector<16xi32> -> vector<16xf32>
      %add3A_2369 = arith.addf %add3A_2362, %gather3A_2368 : vector<16xf32>
      %jit3A_2370 = arith.constant 0.000000e+00 : f32
      %broadcast_in_dim3A_2371 = vector.broadcast %jit3A_2370 : f32 to vector<16xf32>
      %select_n3A_2372 = arith.select %eq3A_2340, %add3A_2369, %broadcast_in_dim3A_2371 : vector<16xi1>, vector<16xf32>
      %add3A_2373 = arith.addf %add3A_2337, %select_n3A_2372 : vector<16xf32>
      %eq3A_2374 = arith.constant 9 : i32
      %eq3A_2375 = vector.broadcast %eq3A_2374 : i32 to vector<16xi32>
      %eq3A_2376 = arith.cmpi eq, %iota3A, %eq3A_2375 : vector<16xi32>
      %iota3A_2377 = tpu.iota {dimensions = array<i32: 0>} : vector<16xi32>
      %xor3A_2378 = arith.constant 8 : i32
      %xor3A_2379 = vector.broadcast %xor3A_2378 : i32 to vector<16xi32>
      %xor3A_2380 = arith.xori %iota3A_2377, %xor3A_2379 : vector<16xi32>
      %broadcast_in_dim3A_2381 = vector.shape_cast %xor3A_2380 : vector<16xi32> to vector<16x1xi32>
      %gather3A_2382 = vector.shape_cast %broadcast_in_dim3A_2381 : vector<16x1xi32> to vector<16xi32>
      %gather3A_2383 = tpu.dynamic_gather %scan3A_1625#19[%gather3A_2382] in [0] : vector<16xf32>, vector<16xi32> -> vector<16xf32>
      %add3A_2384 = arith.addf %scan3A_1625#19, %gather3A_2383 : vector<16xf32>
      %xor3A_2385 = arith.constant 4 : i32
      %xor3A_2386 = vector.broadcast %xor3A_2385 : i32 to vector<16xi32>
      %xor3A_2387 = arith.xori %iota3A_2377, %xor3A_2386 : vector<16xi32>
      %broadcast_in_dim3A_2388 = vector.shape_cast %xor3A_2387 : vector<16xi32> to vector<16x1xi32>
      %gather3A_2389 = vector.shape_cast %broadcast_in_dim3A_2388 : vector<16x1xi32> to vector<16xi32>
      %gather3A_2390 = tpu.dynamic_gather %add3A_2384[%gather3A_2389] in [0] : vector<16xf32>, vector<16xi32> -> vector<16xf32>
      %add3A_2391 = arith.addf %add3A_2384, %gather3A_2390 : vector<16xf32>
      %xor3A_2392 = arith.constant 2 : i32
      %xor3A_2393 = vector.broadcast %xor3A_2392 : i32 to vector<16xi32>
      %xor3A_2394 = arith.xori %iota3A_2377, %xor3A_2393 : vector<16xi32>
      %broadcast_in_dim3A_2395 = vector.shape_cast %xor3A_2394 : vector<16xi32> to vector<16x1xi32>
      %gather3A_2396 = vector.shape_cast %broadcast_in_dim3A_2395 : vector<16x1xi32> to vector<16xi32>
      %gather3A_2397 = tpu.dynamic_gather %add3A_2391[%gather3A_2396] in [0] : vector<16xf32>, vector<16xi32> -> vector<16xf32>
      %add3A_2398 = arith.addf %add3A_2391, %gather3A_2397 : vector<16xf32>
      %xor3A_2399 = arith.constant 1 : i32
      %xor3A_2400 = vector.broadcast %xor3A_2399 : i32 to vector<16xi32>
      %xor3A_2401 = arith.xori %iota3A_2377, %xor3A_2400 : vector<16xi32>
      %broadcast_in_dim3A_2402 = vector.shape_cast %xor3A_2401 : vector<16xi32> to vector<16x1xi32>
      %gather3A_2403 = vector.shape_cast %broadcast_in_dim3A_2402 : vector<16x1xi32> to vector<16xi32>
      %gather3A_2404 = tpu.dynamic_gather %add3A_2398[%gather3A_2403] in [0] : vector<16xf32>, vector<16xi32> -> vector<16xf32>
      %add3A_2405 = arith.addf %add3A_2398, %gather3A_2404 : vector<16xf32>
      %jit3A_2406 = arith.constant 0.000000e+00 : f32
      %broadcast_in_dim3A_2407 = vector.broadcast %jit3A_2406 : f32 to vector<16xf32>
      %select_n3A_2408 = arith.select %eq3A_2376, %add3A_2405, %broadcast_in_dim3A_2407 : vector<16xi1>, vector<16xf32>
      %add3A_2409 = arith.addf %add3A_2373, %select_n3A_2408 : vector<16xf32>
      %iota3A_2410 = tpu.iota {dimensions = array<i32: 0>} : vector<16xi32>
      %xor3A_2411 = arith.constant 8 : i32
      %xor3A_2412 = vector.broadcast %xor3A_2411 : i32 to vector<16xi32>
      %xor3A_2413 = arith.xori %iota3A_2410, %xor3A_2412 : vector<16xi32>
      %broadcast_in_dim3A_2414 = vector.shape_cast %xor3A_2413 : vector<16xi32> to vector<16x1xi32>
      %gather3A_2415 = vector.shape_cast %broadcast_in_dim3A_2414 : vector<16x1xi32> to vector<16xi32>
      %gather3A_2416 = tpu.dynamic_gather %add3A_2409[%gather3A_2415] in [0] : vector<16xf32>, vector<16xi32> -> vector<16xf32>
      %max3A_2417 = arith.maximumf %add3A_2409, %gather3A_2416 : vector<16xf32>
      %xor3A_2418 = arith.constant 4 : i32
      %xor3A_2419 = vector.broadcast %xor3A_2418 : i32 to vector<16xi32>
      %xor3A_2420 = arith.xori %iota3A_2410, %xor3A_2419 : vector<16xi32>
      %broadcast_in_dim3A_2421 = vector.shape_cast %xor3A_2420 : vector<16xi32> to vector<16x1xi32>
      %gather3A_2422 = vector.shape_cast %broadcast_in_dim3A_2421 : vector<16x1xi32> to vector<16xi32>
      %gather3A_2423 = tpu.dynamic_gather %max3A_2417[%gather3A_2422] in [0] : vector<16xf32>, vector<16xi32> -> vector<16xf32>
      %max3A_2424 = arith.maximumf %max3A_2417, %gather3A_2423 : vector<16xf32>
      %xor3A_2425 = arith.constant 2 : i32
      %xor3A_2426 = vector.broadcast %xor3A_2425 : i32 to vector<16xi32>
      %xor3A_2427 = arith.xori %iota3A_2410, %xor3A_2426 : vector<16xi32>
      %broadcast_in_dim3A_2428 = vector.shape_cast %xor3A_2427 : vector<16xi32> to vector<16x1xi32>
      %gather3A_2429 = vector.shape_cast %broadcast_in_dim3A_2428 : vector<16x1xi32> to vector<16xi32>
      %gather3A_2430 = tpu.dynamic_gather %max3A_2424[%gather3A_2429] in [0] : vector<16xf32>, vector<16xi32> -> vector<16xf32>
      %max3A_2431 = arith.maximumf %max3A_2424, %gather3A_2430 : vector<16xf32>
      %xor3A_2432 = arith.constant 1 : i32
      %xor3A_2433 = vector.broadcast %xor3A_2432 : i32 to vector<16xi32>
      %xor3A_2434 = arith.xori %iota3A_2410, %xor3A_2433 : vector<16xi32>
      %broadcast_in_dim3A_2435 = vector.shape_cast %xor3A_2434 : vector<16xi32> to vector<16x1xi32>
      %gather3A_2436 = vector.shape_cast %broadcast_in_dim3A_2435 : vector<16x1xi32> to vector<16xi32>
      %gather3A_2437 = tpu.dynamic_gather %max3A_2431[%gather3A_2436] in [0] : vector<16xf32>, vector<16xi32> -> vector<16xf32>
      %max3A_2438 = arith.maximumf %max3A_2431, %gather3A_2437 : vector<16xf32>
      %sub3A_2439 = arith.subf %add3A_2409, %max3A_2438 : vector<16xf32>
      %exp3A_2440 = math.exp %sub3A_2439 : vector<16xf32>
      %iota3A_2441 = tpu.iota {dimensions = array<i32: 0>} : vector<16xi32>
      %xor3A_2442 = arith.constant 8 : i32
      %xor3A_2443 = vector.broadcast %xor3A_2442 : i32 to vector<16xi32>
      %xor3A_2444 = arith.xori %iota3A_2441, %xor3A_2443 : vector<16xi32>
      %broadcast_in_dim3A_2445 = vector.shape_cast %xor3A_2444 : vector<16xi32> to vector<16x1xi32>
      %gather3A_2446 = vector.shape_cast %broadcast_in_dim3A_2445 : vector<16x1xi32> to vector<16xi32>
      %gather3A_2447 = tpu.dynamic_gather %exp3A_2440[%gather3A_2446] in [0] : vector<16xf32>, vector<16xi32> -> vector<16xf32>
      %add3A_2448 = arith.addf %exp3A_2440, %gather3A_2447 : vector<16xf32>
      %xor3A_2449 = arith.constant 4 : i32
      %xor3A_2450 = vector.broadcast %xor3A_2449 : i32 to vector<16xi32>
      %xor3A_2451 = arith.xori %iota3A_2441, %xor3A_2450 : vector<16xi32>
      %broadcast_in_dim3A_2452 = vector.shape_cast %xor3A_2451 : vector<16xi32> to vector<16x1xi32>
      %gather3A_2453 = vector.shape_cast %broadcast_in_dim3A_2452 : vector<16x1xi32> to vector<16xi32>
      %gather3A_2454 = tpu.dynamic_gather %add3A_2448[%gather3A_2453] in [0] : vector<16xf32>, vector<16xi32> -> vector<16xf32>
      %add3A_2455 = arith.addf %add3A_2448, %gather3A_2454 : vector<16xf32>
      %xor3A_2456 = arith.constant 2 : i32
      %xor3A_2457 = vector.broadcast %xor3A_2456 : i32 to vector<16xi32>
      %xor3A_2458 = arith.xori %iota3A_2441, %xor3A_2457 : vector<16xi32>
      %broadcast_in_dim3A_2459 = vector.shape_cast %xor3A_2458 : vector<16xi32> to vector<16x1xi32>
      %gather3A_2460 = vector.shape_cast %broadcast_in_dim3A_2459 : vector<16x1xi32> to vector<16xi32>
      %gather3A_2461 = tpu.dynamic_gather %add3A_2455[%gather3A_2460] in [0] : vector<16xf32>, vector<16xi32> -> vector<16xf32>
      %add3A_2462 = arith.addf %add3A_2455, %gather3A_2461 : vector<16xf32>
      %xor3A_2463 = arith.constant 1 : i32
      %xor3A_2464 = vector.broadcast %xor3A_2463 : i32 to vector<16xi32>
      %xor3A_2465 = arith.xori %iota3A_2441, %xor3A_2464 : vector<16xi32>
      %broadcast_in_dim3A_2466 = vector.shape_cast %xor3A_2465 : vector<16xi32> to vector<16x1xi32>
      %gather3A_2467 = vector.shape_cast %broadcast_in_dim3A_2466 : vector<16x1xi32> to vector<16xi32>
      %gather3A_2468 = tpu.dynamic_gather %add3A_2462[%gather3A_2467] in [0] : vector<16xf32>, vector<16xi32> -> vector<16xf32>
      %add3A_2469 = arith.addf %add3A_2462, %gather3A_2468 : vector<16xf32>
      %div3A_2470 = arith.divf %exp3A_2440, %add3A_2469 : vector<16xf32>
      %mul3A_2471 = arith.constant 2 : i32
      %mul3A_2472 = arith.muli %scan3A_50, %mul3A_2471 : i32
      %add3A_2473 = arith.constant 1 : i32
      %add3A_2474 = arith.addi %mul3A_2472, %add3A_2473 : i32
      %mul3A_2475 = arith.constant 16 : i32
      %mul3A_2476 = arith.muli %add3A_2474, %mul3A_2475 : i32
      %swap3A_2477 = arith.index_cast %mul3A_2476 : i32 to index
      %swap3A_2478 = tpu.vector_load %arg13[%swap3A_2477] {strides = array<i32>} : memref<128xf32, #tpu.memory_space<vmem>>, vector<16xf32>,
      %swap3A_2479 = vector.shape_cast %swap3A_2478 : vector<16xf32> to vector<16xf32>
      %swap3A_2480 = vector.shape_cast %div3A_2470 : vector<16xf32> to vector<16xf32>
      tpu.vector_store %arg13[%swap3A_2477], %swap3A_2480 {strides = array<i32>} : memref<128xf32, #tpu.memory_space<vmem>>, vector<16xf32>,
      %scan3A_2481 = arith.constant 0 : i32
      scf.yield %scan3A_2481 : i32
    }
    %scan3A_38 = arith.constant 4 : i32
    %mul3A_39 = arith.constant 7200 : i32
    %mul3A_40 = arith.muli %sub3A_23, %mul3A_39 : i32
    %dma_wait3A = arith.constant 0 : i32
    %dma_wait3A_41 = tpu.memref_slice %arg8[%dma_wait3A] : memref<14400xf32, #tpu.memory_space<vmem>> -> memref<7200xf32, #tpu.memory_space<vmem>>
    %dma_wait3A_42 = tpu.memref_slice %arg2[%mul3A_40] : memref<1843200xf32, #tpu.memory_space<hbm>> -> memref<7200xf32, #tpu.memory_space<hbm>>
    %dma_wait3A_43 = arith.constant 0 : i32
    %dma_wait3A_44 = tpu.memref_slice %arg8[%dma_wait3A_43] : memref<14400xf32, #tpu.memory_space<vmem>> -> memref<7200xf32, #tpu.memory_space<vmem>>
    %dma_wait3A_45 = tpu.memref_slice %arg2[%mul3A_40] : memref<1843200xf32, #tpu.memory_space<hbm>> -> memref<7200xf32, #tpu.memory_space<hbm>>
    tpu.wait_dma2 semaphore(%arg16 : memref<!tpu.dma_semaphore, #tpu.memory_space<semaphore_mem>>) src(%dma_wait3A_45 : memref<7200xf32, #tpu.memory_space<hbm>>) dst(%dma_wait3A_44 : memref<7200xf32, #tpu.memory_space<vmem>>)
    %mul3A_46 = arith.constant 8 : i32
    %mul3A_47 = arith.muli %add3A, %mul3A_46 : i32
    %mul3A_48 = arith.constant 16 : i32
    %mul3A_49 = arith.muli %mul3A_47, %mul3A_48 : i32
    "tpu.region"() ({
      %run_scoped3A = tpu.sem_alloc : memref<!tpu.dma_semaphore, #tpu.memory_space<semaphore_mem>>
      %dma_start3A_50 = tpu.memref_slice %arg7[%mul3A_49] : memref<4096xf32, #tpu.memory_space<hbm>> -> memref<128xf32, #tpu.memory_space<hbm>>
      %dma_start3A_51 = tpu.memref_slice %arg7[%mul3A_49] : memref<4096xf32, #tpu.memory_space<hbm>> -> memref<128xf32, #tpu.memory_space<hbm>>
      tpu.enqueue_dma source(%arg13 : memref<128xf32, #tpu.memory_space<vmem>>) target(%dma_start3A_51 : memref<128xf32, #tpu.memory_space<hbm>>) target_semaphore(%run_scoped3A : memref<!tpu.dma_semaphore, #tpu.memory_space<semaphore_mem>>)
      %dma_wait3A_52 = tpu.memref_slice %arg7[%mul3A_49] : memref<4096xf32, #tpu.memory_space<hbm>> -> memref<128xf32, #tpu.memory_space<hbm>>
      %dma_wait3A_53 = tpu.memref_slice %arg7[%mul3A_49] : memref<4096xf32, #tpu.memory_space<hbm>> -> memref<128xf32, #tpu.memory_space<hbm>>
      tpu.wait_dma2 semaphore(%run_scoped3A : memref<!tpu.dma_semaphore, #tpu.memory_space<semaphore_mem>>) src(%arg13 : memref<128xf32, #tpu.memory_space<vmem>>) dst(%dma_wait3A_53 : memref<128xf32, #tpu.memory_space<hbm>>)
      tpu.yield
    }) : () -> ()
    return
  }
}

module attributes {stable_mosaic.version = 14 : i64} {
  func.func @_xw_body(%arg0: i32, %arg1: memref<32x30x128xf32, #tpu.memory_space<vmem>>, %arg2: memref<128x128xf32, #tpu.memory_space<vmem>>, %arg3: memref<960x128xf32, #tpu.memory_space<vmem>>) attributes {dimension_semantics = [#tpu.dimension_semantics<arbitrary>], iteration_bounds = array<i64: 8>, scalar_prefetch = 0 : i64, scratch_operands = 0 : i64, tpu.core_type = #tpu.core_type<tc>, window_params = [{transform_indices = @transform_0, window_bounds = array<i64: 32, 30, 128>}, {pipeline_mode = #tpu.pipeline_mode<synchronous>, transform_indices = @transform_1, window_bounds = array<i64: 128, 128>}, {transform_indices = @transform_2, window_bounds = array<i64: 960, 128>}]} {
    %get3A = arith.constant 0 : index
    %get3A_0 = arith.constant 0 : index
    %get3A_1 = arith.constant 0 : index
    %get3A_2 = vector.load %arg1[%get3A, %get3A_0, %get3A_1] : memref<32x30x128xf32, #tpu.memory_space<vmem>>, vector<32x30x128xf32>
    %reshape3A = vector.shape_cast %get3A_2 : vector<32x30x128xf32> to vector<960x128xf32>
    %get3A_3 = arith.constant 0 : index
    %get3A_4 = arith.constant 0 : index
    %get3A_5 = vector.load %arg2[%get3A_3, %get3A_4] : memref<128x128xf32, #tpu.memory_space<vmem>>, vector<128x128xf32>
    %dot_general3A = arith.constant dense<0.000000e+00> : vector<960x128xf32>
    %dot_general3A_6 = tpu.matmul %reshape3A, %get3A_5, %dot_general3A {dimension_numbers = #tpu.dot_dimension_numbers<[1], [0], [0], [1], [0, 0, 1, 1], [], []>, transpose_lhs_hint = false} : vector<960x128xf32>, vector<128x128xf32>, vector<960x128xf32> -> vector<960x128xf32>
    %mul3A = arith.constant 1.250000e-01 : f32
    %mul3A_7 = vector.broadcast %mul3A : f32 to vector<960x128xf32>
    %mul3A_8 = arith.mulf %dot_general3A_6, %mul3A_7 : vector<960x128xf32>
    %swap3A = arith.constant 0 : index
    %swap3A_9 = arith.constant 0 : index
    %swap3A_10 = vector.load %arg3[%swap3A, %swap3A_9] : memref<960x128xf32, #tpu.memory_space<vmem>>, vector<960x128xf32>
    tpu.vector_store %arg3[%swap3A, %swap3A_9], %mul3A_8 {strides = array<i32>} : memref<960x128xf32, #tpu.memory_space<vmem>>, vector<960x128xf32>,
    return
  }
  func.func @transform_0(%arg0: i32) -> (i32, i32, i32) {
    %c0_i32 = arith.constant 0 : i32
    %c0_i32_0 = arith.constant 0 : i32
    %c0_i32_1 = arith.constant 0 : i32
    return %arg0, %c0_i32, %c0_i32_0 : i32, i32, i32
  }
  func.func @transform_1(%arg0: i32) -> (i32, i32) {
    %c0_i32 = arith.constant 0 : i32
    %c0_i32_0 = arith.constant 0 : i32
    %c0_i32_1 = arith.constant 0 : i32
    return %c0_i32, %c0_i32_0 : i32, i32
  }
  func.func @transform_2(%arg0: i32) -> (i32, i32) {
    %c0_i32 = arith.constant 0 : i32
    %c0_i32_0 = arith.constant 0 : i32
    return %arg0, %c0_i32 : i32, i32
  }
}

</mosaic_0001>

<sc_bundles>
// kernel: kernel.4.cloned.1.call-start
scs
__scs_entry_jumppad:
0x0: {  	(pc) =	sbr.rel $0x88, $3  }
0x1: {  	(tag) =	ssettag $0x0;
	lr =	simm.s32 $0x1  }
0x2: {  	[smem:$0x3F99] =	sst lr;
	_ =	strace $0xD0000000  }
0x3: {  	_ = 	snop  }
0x4: {  	_ = 	snop  }
0x5: {  	_ = 	snop  }
0x6: {  	_ = 	snop  }
0x7: {  	_ = 	snop  }
__scs_overlays_trampoline_lowered:
0x8: {  	[smem:$0x3FA8] =	sst s0  }
0x9: {  	[smem:$0x3FA9] =	sst s1  }
0xa: {  	[smem:$0x3FAA] =	sst s2  }
0xb: {  	[smem:$0x3FAB] =	sst s3  }
0xc: {  	[smem:$0x3FAC] =	sst s4  }
0xd: {  	[smem:$0x3FAD] =	sst s5  }
0xe: {  	[smem:$0x3FAE] =	sst s6  }
0xf: {  	[smem:$0x3FAF] =	sst s7  }
0x10: {  	[smem:$0x3FB0] =	sst s8  }
0x11: {  	[smem:$0x3FB1] =	sst s9;
	s0 =	simm.s32 @!p0 $0x0  }
0x12: {  	s1 =	sld [smem:$0x3F97];
	s0 =	simm.s32 @p0 $0x1  }
0x13: {  	[smem:$0x3FB2] =	sst s0;
	s0 =	simm.s32 @!p1 $0x0  }
0x14: {  	s2 =	sld [smem:$0x3F96];
	s0 =	simm.s32 @p1 $0x1  }
0x15: {  	[smem:$0x3FB3] =	sst s0;
	s0 =	simm.s32 @!p2 $0x0  }
0x16: {  	s3 =	sld [smem:$0x3FDB];
	s0 =	simm.s32 @p2 $0x1  }
0x17: {  	s4 =	simm.s32 $0x1BF5;
	[smem:$0x3FB5] =	sst s0  }
0x18: {  	s0 =	sld [smem:$0x3F98];
	_ =	swait.ge [sflag:s4], $0x0  }
0x19: {  	s7 =	sld [smem:$0x3F99]  }
0x1a: {  	s8 =	sadd.s32 $0xFFFFE003, lr  }
0x1b: {  	s9 =	sadd.s32 $0xFFFFFEF7, lr;
	s5 =	simm.s32 $0xFFFFFFFF;
	p2 =	slt.u32 s8, $0xFFFFF086  }
0x1c: {  	p1 =	slt.u32 s9, $0xF7A;
	s5 =	simm.s32 @!p2 $0x0  }
0x1d: {  	s5 =	simm.s32 @p1 $0x1;
	p0 =	seq.s32 s7, s2  }
0x1e: {  	s7 =	smul.u32 @!p0 $0xF7A, s2;
	p2 =	seq.s32 @!p0 s5, $0x0  }
0x1f: {  	s9 =	smul.u32 $0xF7A, s1;
	s8 =	simm.s32 @!p0 $0x1BF5;
	p2 =	por !p2, p0  }
0x20: {  	[sflag:s8] =	ssyncset.s32 @!p0 $0xFFFFF086;
	s6 =	sadd.s32 @!p0 s3, s7;
	s7 =	simm.s32 @!p0 $0x108  }
0x21: {  	s3 =	sadd.s32 s3, s9;
	s6 =	sadd.s32 @!p0 $0x88, s6;
	s7 =	simm.s32 @p2 $0x1082  }
0x22: {  	[simem:s7], [sflag:s8] =	dma.local @!p0 [hbm:s6], $0xF7A  }
0x23: {  	s9 =	sor.u32 $0xD0000000, s2;
	s6 =	simm.s32 $0x108;
	_ =	swait.ge @!p0 [sflag:s8], $0x0  }
0x24: {  	s3 =	sadd.s32 $0x88, s3;
	s6 =	simm.s32 @!p1 $0x1082;
	[sflag:s4] =	ssyncset.s32 $0xFFFFF086  }
0x25: {  	[simem:s6], [sflag:s4] =	dma.local [hbm:s3], $0xF7A  }
0x26: {  	[smem:$0x3F99] =	sst s1;
	(tag) =	ssettag s2;
	_ =	strace s9  }
0x27: {  	s1 =	sld [smem:$0x3FA9]  }
0x28: {  	s2 =	sld [smem:$0x3FAA]  }
0x29: {  	s4 =	sld [smem:$0x3FAC]  }
0x2a: {  	p0 =	seq.s32 s5, $0x0;
	s5 =	sld [smem:$0x3FAD]  }
0x2b: {  	s6 =	sld [smem:$0x3FAE]  }
0x2c: {  	s7 =	sld [smem:$0x3FAF]  }
0x2d: {  	s3 =	simm.s32 $0x108;
	s8 =	sld [smem:$0x3FB0]  }
0x2e: {  	s3 =	simm.s32 @!p0 $0x1082;
	s9 =	sld [smem:$0x3FB1]  }
0x2f: {  	lr =	sadd.s32 s0, s3;
	s0 =	sld [smem:$0x3FA8]  }
0x30: {  	s3 =	sld [smem:$0x3FAB]  }
0x31: {  	[smem:$0x3FB4] =	sst s10  }
0x32: {  	s10 =	sld [smem:$0x3FB2];
	_ =	sdelay $0x3  }
0x33: {  	p0 =	seq.s32 s10, $0x1;
	s10 =	sld [smem:$0x3FB4];
	_ =	sdelay $0x3  }
0x34: {  	[smem:$0x3FB4] =	sst s10  }
0x35: {  	s10 =	sld [smem:$0x3FB3];
	_ =	sdelay $0x3  }
0x36: {  	p1 =	seq.s32 s10, $0x1;
	s10 =	sld [smem:$0x3FB4];
	_ =	sdelay $0x3  }
0x37: {  	[smem:$0x3FB4] =	sst s10  }
0x38: {  	s10 =	sld [smem:$0x3FB5]  }
0x39: {  	_ = 	snop;
	(pc) =	sbr.ind lr, $3  }
0x3a: {  	_ = 	snop  }
0x3b: {  	_ = 	snop  }
0x3c: {  	p2 =	seq.s32 s10, $0x1;
	s10 =	sld [smem:$0x3FB4]  }
0x3d: {  	_ =	shalt  }
0x3e: {  	_ =	shalt  }
0x3f: {  	_ =	shalt  }
0x40: {  	_ =	shalt  }
0x41: {  	_ =	shalt  }
0x42: {  	_ =	shalt  }
0x43: {  	_ =	shalt  }
0x44: {  	_ =	shalt  }
0x45: {  	_ =	shalt  }
0x46: {  	_ =	shalt  }
0x47: {  	_ =	shalt  }
0x48: {  	_ =	shalt  }
0x49: {  	_ =	shalt  }
0x4a: {  	_ =	shalt  }
0x4b: {  	_ =	shalt  }
0x4c: {  	_ =	shalt  }
0x4d: {  	_ =	shalt  }
0x4e: {  	_ =	shalt  }
0x4f: {  	_ =	shalt  }
0x50: {  	_ =	shalt  }
0x51: {  	_ =	shalt  }
0x52: {  	_ =	shalt  }
0x53: {  	_ =	shalt  }
0x54: {  	_ =	shalt  }
0x55: {  	_ =	shalt  }
0x56: {  	_ =	shalt  }
0x57: {  	_ =	shalt  }
0x58: {  	_ =	shalt  }
0x59: {  	_ =	shalt  }
0x5a: {  	_ =	shalt  }
0x5b: {  	_ =	shalt  }
0x5c: {  	_ =	shalt  }
0x5d: {  	_ =	shalt  }
0x5e: {  	_ =	shalt  }
0x5f: {  	_ =	shalt  }
0x60: {  	_ =	shalt  }
0x61: {  	_ =	shalt  }
0x62: {  	_ =	shalt  }
0x63: {  	_ =	shalt  }
0x64: {  	_ =	shalt  }
0x65: {  	_ =	shalt  }
0x66: {  	_ =	shalt  }
0x67: {  	_ =	shalt  }
0x68: {  	_ =	shalt  }
0x69: {  	_ =	shalt  }
0x6a: {  	_ =	shalt  }
0x6b: {  	_ =	shalt  }
0x6c: {  	_ =	shalt  }
0x6d: {  	_ =	shalt  }
0x6e: {  	_ =	shalt  }
0x6f: {  	_ =	shalt  }
0x70: {  	_ =	shalt  }
0x71: {  	_ =	shalt  }
0x72: {  	_ =	shalt  }
0x73: {  	_ =	shalt  }
0x74: {  	_ =	shalt  }
0x75: {  	_ =	shalt  }
0x76: {  	_ =	shalt  }
0x77: {  	_ =	shalt  }
0x78: {  	_ =	shalt  }
0x79: {  	_ =	shalt  }
0x7a: {  	_ =	shalt  }
0x7b: {  	_ =	shalt  }
0x7c: {  	_ =	shalt  }
0x7d: {  	_ =	shalt  }
0x7e: {  	_ =	shalt  }
0x7f: {  	_ =	shalt  }
0x80: {  	_ =	shalt  }
0x81: {  	_ =	shalt  }
0x82: {  	_ =	shalt  }
0x83: {  	_ =	shalt  }
0x84: {  	_ =	shalt  }
0x85: {  	_ =	shalt  }
0x86: {  	_ =	shalt  }
0x87: {  	_ =	shalt  }
.Lfunc_end0:
.L_simem_size_0:
called_computation_lowered:
.L_overlay_start_0:
0x88: {  	s2 =	sld [smem:$0x3FD9]  }
0x89: {  	s3 =	sld [smem:$0x3FFE];
	_ =	sdelay $0x1  }
0x8a: {  	s1 =	srdreg.scid  }
0x8b: {  	s0 =	sand.u32 $0x1, s1  }
0x8c: {  	s17 =	sshll.u32 s0, $0xA;
	s2 =	sadd.s32 s3, s2  }
0x8d: {  	s2 =	sadd.s32 s2, s17  }
0x8e: {  	[smem:$0x3FC0] =	sst s2  }
0x8f: {  	_ = 	snop  }
0x90: {  	s2 =	sld [smem:$0x3FC6]  }
0x91: {  	s18 =	sld [smem:$0x3FD0];
	(tm) =	ssettm $0x1  }
0x92: {  	s4 =	sld [smem:$0x3FFB];
	_ =	sdelay $0x3  }
0x93: {  	_ =	strace s4  }
0x94: {  	s4 =	sld [smem:$0x3FFC];
	_ =	sdelay $0x3  }
0x95: {  	_ =	strace s4  }
0x96: {  	s4 =	sld [smem:$0x3FFD];
	_ =	sdelay $0x3  }
0x97: {  	_ =	strace s4  }
0x98: {  	_ =	strace $0x8FFFFFFF  }
0x99: {  	s19 =	sld [smem:$0x3FDB];
	_ =	sdelay $0x1  }
0x9a: {  	s5 =	simm.s32 $_scs_section_size  }
0x9b: {  	s6 =	simm.s32 $_size__tile_overlayer_lowered;
	s7 =	simm.s32 $_tile_overlayer_lowered  }
0x9c: {  	s22 =	simm.s32 $0x1BFF;
	s21 =	sshll.u32 s7, $0x1;
	s4 =	sadd.s32 s5, s19  }
0x9d: {  	s8 =	simm.s32 $0x0;
	s20 =	sshll.u32 s6, $0x1;
	s6 =	sadd.s32 s21, s4  }
0x9e: {  	[timem:s8], [sflag:s22] =	dma.local [hbm:s6], s20  }
0x9f: {  	_ =	swait.ge [sflag:s22], s20  }
0xa0: {  	s5 =	ssub.s32 $0x0, s20;
	[sflag:s22] =	ssyncset.done $0x0  }
0xa1: {  	[sflag:s22] =	ssyncadd.s32 s5;
	_ =	sdelay $0x1  }
0xa2: {  	s23 =	simm.s32 $0x1B8B  }
0xa3: {  	_ =	swait.ge [sflag:s23], $0x1  }
0xa4: {  	[sflag:s23] =	ssyncset.done $0x0  }
0xa5: {  	s25 =	simm.s32 $0x1B8E;
	s24 =	sld [smem:$0x3FFE];
	[sflag:s23] =	ssyncadd.s32 $0xFFFFFFFF  }
0xa6: {  	s26 =	simm.s32 $execute0_lowered;
	[smem:$0x3FD2] =	sst s25  }
0xa7: {  	s6 =	sshll.u32 s26, $0x1;
	_ =	strace $0x80000046;
	[dreg:$0x1] =	wrdreg $0xFFFFFFFF  }
0xa8: {  	s28 =	simm.s32 $_size_execute0_lowered;
	s4 =	sadd.s32 s4, s6;
	[dreg:$0x0] =	wrdreg $0x0  }
0xa9: {  	s6 =	sshll.u32 s28, $0x1;
	[dreg:$0x2] =	wrdreg s4  }
0xaa: {  	[dreg:$0x3] =	wrdreg s6  }
0xab: {  	[dreg:$0x4] =	wrdreg $0xC0  }
0xac: {  	_ =	task [dreg:s8], $0x5FFFF  }
0xad: {  	[dreg:$0x1] =	wrdreg $0xFFFFFFFF  }
0xae: {  	[dreg:$0x0] =	wrdreg $0x60  }
0xaf: {  	[dreg:$0x2] =	wrdreg s24  }
0xb0: {  	[dreg:$0x3] =	wrdreg s2  }
0xb1: {  	[dreg:$0x4] =	wrdreg s18  }
0xb2: {  	[dreg:$0x5] =	wrdreg $0x9  }
0xb3: {  	_ =	task.clear_ibuf [dreg:s8], $0x6FFFF;
	_ =	strace $0x90000046  }
0xb4: {  	s29 =	simm.s32 $0x9;
	_ =	strace $0x80000048  }
0xb5: {  	_ =	swait.ge [sflag:s29], $0x1  }
0xb6: {  	[sflag:s29] =	ssyncadd.s32 $0xFFFFFFFF  }
0xb7: {  	_ =	strace $0x90000048  }
0xb8: {  	_ =	sfence  }
0xb9: {  	s30 =	sld [smem:$0x0];
	_ =	sdelay $0x2  }
0xba: {  	s31 =	sshll.u32 s1, $0xD;
	s1 =	sshrl.u32 s1, $0x2  }
0xbb: {  	s3 =	sand.u32 $0x4000, s31;
	s1 =	sadd.s32 s1, s30  }
0xbc: {  	s0 =	sor.u32 s3, s0;
	s1 =	sshll.u32 s1, $0x11  }
0xbd: {  	s0 =	sor.u32 s1, s0  }
0xbe: {  	s0 =	sadd.s32 $0x8F2B, s0  }
0xbf: {  	[sflag:s0] =	ssyncadd.remote.s32 $0x1  }
0xc0: {  	_ =	sfence.sel $0xFFFF  }
0xc1: {  	[dreg:$0x0] =	wrdreg $0xFFFFFFFF;
	(pc) =	sbr.abs _section_cstart, $3  }
0xc2: {  	[dreg:$0x1] =	wrdreg $0xFFFFFFFF  }
0xc3: {  	_ =	task.clear_ibuf [dreg:s8], $0x2FFFF;
	_ =	strace $0x9FFFFFFF  }
0xc4: {  	(tm) =	ssettm $0x7FFFFFFF  }
0xc5: {  	_ =	shalt  }
tec
execute0_lowered:
.L_overlay_start_1:
0x0: {  	(tag) =	ssettag $0x1  }
0x1: {  	v0 =	vimm.s32 $0xFEDCBA98;
	s6 =	rddreg [dreg:$0x0];
	v1 =	vimm.s32 $0x76543210;
	v2 =	vimm.s32 $0xBA98FEDC  }
0x2: {  	s1 =	rddreg [dreg:$0x1];
	s2 =	srdreg.scid;
	v3 =	vimm.s32 $0x32107654;
	v4 =	vimm.s32 $0xDCFE98BA;
	v5 =	vimm.s32 $0x54761032  }
0x3: {  	s0 =	stileid.u32;
	s11 =	rddreg [dreg:$0x2];
	s3 =	simm.s32 $0x0;
	v6 =	vimm.s32 $0xEFCDAB89;
	v7 =	vimm.s32 $0x67452301;
	v0 =	vunpack.c.l.s4.s8 v0  }
0x4: {  	s14 =	simm.s32 $0x3;
	s15 =	simm.s32 $0xFB80;
	s16 =	simm.s32 $0xFC00;
	v1 =	vunpack.c.l.s4.s8 v1;
	v2 =	vunpack.c.l.s4.s8 v2;
	v3 =	vunpack.c.l.s4.s8 v3  }
0x5: {  	s17 =	simm.s32 $0x3880;
	s18 =	simm.s32 $0x1C20;
	s19 =	simm.s32 $0x1;
	v4 =	vunpack.c.l.s4.s8 v4;
	v5 =	vunpack.c.l.s4.s8 v5;
	v6 =	vunpack.c.l.s4.s8 v6  }
0x6: {  	s20 =	simm.s32 $0x2;
	s21 =	simm.s32 $0xFC80;
	s22 =	simm.s32 $0x0;
	v7 =	vunpack.c.l.s4.s8 v7;
	v0 =	vunpack.c.0.s8.s32 v0;
	v2 =	vunpack.c.0.s8.s32 v2  }
0x7: {  	s5 =	sand.u32 $0x1, s2;
	s4 =	sshll.u32 s0, $0x1;
	[smem:$0x7FF] =	sst s3;
	v3 =	vunpack.c.0.s8.s32 v3;
	v4 =	vunpack.c.0.s8.s32 v4;
	v1 =	vunpack.c.0.s8.s32 v1  }
0x8: {  	s2 =	rddreg [dreg:$0x3];
	s12 =	sor.u32 s5, s4;
	_ =	strace $0x80000047;
	v5 =	vunpack.c.0.s8.s32 v5;
	v6 =	vunpack.c.0.s8.s32 v6;
	v0 =	vand.u32 $0xF, v0  }
0x9: {  	s4 =	sadd.s32 $0x100C00, s6;
	s8 =	ssub.s32 $0x2, s5;
	s7 =	smul.u32 $0xF00, s12;
	v7 =	vunpack.c.0.s8.s32 v7;
	v2 =	vcombine.low v3, v2;
	v0 =	vcombine.low v0, v1  }
0xa: {  	vm0 =	vcmask $0x308;
	vm1 =	vcmask $0x70C;
	s5 =	sadd.s32 $0xC00, s6;
	s9 =	sshrl.u32 s8, $0x1;
	s31 =	smul.u32 $0x1C20, s12;
	v59 =	vcombine.low v5, v4  }
0xb: {  	vm2 =	vcmask $0xB10;
	s10 =	sshll.u32 s12, $0x3;
	s13 =	ssub.s32 s8, s9;
	s8 =	sshllo.u32 s12, $0x3;
	v60 =	vcombine.low v7, v6;
	v61 =	vand.u32 $0xF, v2;
	[tilespmem:$0x1FFC0] =	vst v0  }
0xc: {  	vm3 =	vcmask $0xF14;
	vm4 =	vcmask $0x1318;
	s10 =	sor.u32 $0x1, s10;
	s12 =	sshll.u32 s12, $0x4;
	s7 =	sadd.s32 s7, s6;
	v62 =	vand.u32 $0xF, v59;
	[tilespmem:$0x1FFD0] =	vst v61  }
0xd: {  	vm5 =	vcmask $0x171C;
	vm6 =	vcmask $0x1B20;
	s6 =	sadd.s32 $0x1F600, s6;
	s9 =	sadd.s32 s4, s31;
	s11 =	sadd.s32 s11, s12;
	v63 =	vand.u32 $0xF, v60;
	[tilespmem:$0x1FFE0] =	vst v62  }
0xe: {  	vm7 =	vcmask $0x1F24;
	vm8 =	vcmask $0x2328;
	vm9 =	vmmov $0x1;
	s12 =	smax.u32 s13, $0x1;
	s13 =	simm.s32 $0xB080;
	s7 =	sadd.s32 $0x1600, s7;
	[tilespmem:$0x1FFF0] =	vst v63  }
.LBB2_1:
0xf: {  	[tilespmem:s13], [sflag:$0x3] =	stream.linear.gather [hbm4b:s5+s3], $0x4B00, $0x38;
	[tilespmem:$0x11000] =	vst v63  }
0x10: {  	_ =	swait.ge [sflag:s14], $0x4B00  }
0x11: {  	[sflag:s14] =	ssyncset.done $0x0  }
0x12: {  	[sflag:s14] =	ssyncadd.s32 $0xFFFFB500  }
0x13: {  	[tilespmem:s15], [sflag:$0x3] =	stream.linear.gather [hbm4b:s1+s3], $0x80, $0x38;
	[tilespmem:$0x11000] =	vst v63  }
0x14: {  	_ =	swait.ge [sflag:s14], $0x80  }
0x15: {  	[sflag:s14] =	ssyncset.done $0x0  }
0x16: {  	[sflag:s14] =	ssyncadd.s32 $0xFFFFFF80  }
0x17: {  	[tilespmem:s16], [sflag:$0x3] =	stream.linear.gather [hbm4b:s6+s3], $0x80, $0x38;
	[tilespmem:$0x11000] =	vst v63  }
0x18: {  	_ =	swait.ge [sflag:s14], $0x80  }
0x19: {  	[sflag:s14] =	ssyncset.done $0x0  }
0x1a: {  	[sflag:s14] =	ssyncadd.s32 $0xFFFFFF80  }
0x1b: {  	v4 =	vld [tilespmem:$0xFC00]  }
0x1c: {  	v1 =	vld [tilespmem:$0xFB80]  }
0x1d: {  	v0 =	vld [tilespmem:$0xFBA0]  }
0x1e: {  	v3 =	vld [tilespmem:$0xFBB0]  }
0x1f: {  	v2 =	vld [tilespmem:$0xFB90];
	[tilespmem:s17], [sflag:$0x3] =	stream.linear.gather [hbm4b:s7+s3], $0x7800, $0x38  }
0x20: {  	[tilespmem:$0x1FF70] =	vst v4  }
0x21: {  	_ =	swait.ge [sflag:s14], $0x7800  }
0x22: {  	[tilespmem:$0x1FF80] =	vst v0  }
0x23: {  	[tilespmem:$0x1FF90] =	vst v3  }
0x24: {  	s23 =	simm.s32 $0x38A0;
	[sflag:s14] =	ssyncset.done $0x0;
	[tilespmem:$0x1FFA0] =	vst v1  }
0x25: {  	s24 =	simm.s32 $0x47B0;
	s25 =	simm.s32 $0x0;
	[tilespmem:$0x1FFB0] =	vst v2;
	[sflag:s14] =	ssyncadd.s32 $0xFFFF8800  }
0x26: {  	[tilespmem:s3], [sflag:$0x1] =	stream.linear.gather [hbm4b:s9+s3], $0x1C20, $0x38;
	[tilespmem:$0x11000] =	vst v63  }
.LBB2_2:
0x27: {  	s26 =	sshll.u32 s25, $0x1  }
0x28: {  	s28 =	sor.u32 s10, s26  }
0x29: {  	s28 =	smin.u32 s28, s8  }
0x2a: {  	s28 =	smul.u32 $0x384, s28;
	_ =	sdelay $0x1  }
0x2b: {  	s29 =	simm.s32 $0x0;
	s28 =	sadd.s32 s4, s28  }
0x2c: {  	[tilespmem:s18], [sflag:$0x2] =	stream.linear.gather [hbm4b:s28+s29], $0x1C20, $0x38;
	[tilespmem:$0x11000] =	vst v63  }
0x2d: {  	_ =	swait.ge [sflag:s19], $0x1C20  }
0x2e: {  	[sflag:s19] =	ssyncset.done $0x0  }
0x2f: {  	s29 =	simm.s32 $0x0;
	[sflag:s19] =	ssyncadd.s32 $0xFFFFE3E0  }
0x30: {  	v9 =	vld [tilespmem:s29+$0x0]  }
0x31: {  	v10 =	vld [tilespmem:s29+$0x384];
	_ =	sdelay $0x1  }
0x32: {  	v11 =	vld [tilespmem:s29+$0x708];
	_ =	sdelay $0x1  }
0x33: {  	v12 =	vld [tilespmem:s29+$0xA8C]  }
0x34: {  	v13 =	vld [tilespmem:s29+$0x1194];
	v9 =	vadd.f32 v10, v9  }
0x35: {  	s28 =	simm.s32 $0x10;
	v10 =	vld [tilespmem:s29+$0xE10]  }
0x36: {  	v14 =	vld [tilespmem:s28+$0x0];
	v9 =	vadd.f32 v11, v9  }
0x37: {  	v15 =	vld [tilespmem:s28+$0x384]  }
0x38: {  	v16 =	vld [tilespmem:s29+$0x1518];
	v9 =	vadd.f32 v12, v9  }
0x39: {  	v17 =	vld [tilespmem:s28+$0x708]  }
0x3a: {  	v11 =	vld [tilespmem:s29+$0x189C];
	v12 =	vadd.f32 v10, v9  }
0x3b: {  	v10 =	vld [tilespmem:s28+$0xA8C]  }
0x3c: {  	v14 =	vadd.f32 v15, v14;
	v9 =	vld [tilespmem:s28+$0x1194];
	v15 =	vadd.f32 v13, v12  }
0x3d: {  	s30 =	simm.s32 $0x20;
	v12 =	vld [tilespmem:s28+$0xE10]  }
0x3e: {  	s31 =	simm.s32 $0xC0;
	v14 =	vadd.f32 v17, v14;
	v13 =	vld [tilespmem:s30+$0x0];
	v15 =	vadd.f32 v16, v15  }
.LBB2_3:
0x3f: {  	p0 =	seq.s32 s31, $0xDC0;
	v16 =	vld [tilespmem:s30+$0x384]  }
0x40: {  	v10 =	vadd.f32 v10, v14;
	v17 =	vld [tilespmem:s28+$0x1518];
	v14 =	vadd.f32 v11, v15  }
0x41: {  	v15 =	vld [tilespmem:s30+$0x708]  }
.Ltmp0:
0x42: {  	v12 =	vadd.f32 v12, v10;
	v11 =	vld [tilespmem:s28+$0x189C];
	[tilespmem:s29+$0xFD00] =	vst v14;
	s29 =	smov.u32 s28;
	s28 =	smov.u32 s30;
	(pc) =	sbr.rel @!p0 .LBB2_3-.Ltmp0, $4  }
0x43: {  	v10 =	vld [tilespmem:s28+$0xA8C]  }
0x44: {  	v14 =	vadd.f32 v16, v13;
	v16 =	vadd.f32 v9, v12;
	v9 =	vld [tilespmem:s28+$0x1194]  }
0x45: {  	s30 =	sshra.s32 s31, $0x2;
	v12 =	vld [tilespmem:s28+$0xE10]  }
0x46: {  	s31 =	sadd.s32 $0x40, s31;
	v13 =	vld [tilespmem:s30+$0x0];
	v14 =	vadd.f32 v15, v14;
	v15 =	vadd.f32 v17, v16  }
0x47: {  	v16 =	vld [tilespmem:s30+$0x384]  }
0x48: {  	v17 =	vld [tilespmem:s28+$0x1518];
	v11 =	vadd.f32 v11, v15  }
0x49: {  	v15 =	vld [tilespmem:s30+$0x708]  }
0x4a: {  	v18 =	vld [tilespmem:s28+$0x189C];
	[tilespmem:s29+$0xFD00] =	vst v11  }
0x4b: {  	v11 =	vld [tilespmem:s30+$0xA8C]  }
0x4c: {  	v13 =	vadd.f32 v16, v13  }
0x4d: {  	v16 =	vld [tilespmem:s30+$0xE10]  }
0x4e: {  	v13 =	vadd.f32 v15, v13  }
0x4f: {  	v10 =	vadd.f32 v10, v14;
	v14 =	vld [tilespmem:s30+$0x1194]  }
0x50: {  	v11 =	vadd.f32 v11, v13  }
0x51: {  	v10 =	vadd.f32 v12, v10;
	v12 =	vld [tilespmem:s30+$0x1518]  }
0x52: {  	v11 =	vadd.f32 v16, v11  }
0x53: {  	v9 =	vadd.f32 v9, v10;
	v10 =	vld [tilespmem:s30+$0x189C]  }
0x54: {  	v11 =	vadd.f32 v14, v11  }
0x55: {  	v9 =	vadd.f32 v17, v9  }
0x56: {  	v11 =	vadd.f32 v12, v11  }
0x57: {  	v9 =	vadd.f32 v18, v9  }
0x58: {  	v10 =	vadd.f32 v10, v11  }
0x59: {  	[tilespmem:s28+$0xFD00] =	vst v9  }
0x5a: {  	[tilespmem:s30+$0xFD00] =	vst v10  }
0x5b: {  	v9 =	vld [tilespmem:$0x374]  }
0x5c: {  	v10 =	vld [tilespmem:$0x6F8];
	_ =	sdelay $0x1  }
0x5d: {  	v11 =	vld [tilespmem:$0xA7C];
	_ =	sdelay $0x1  }
0x5e: {  	v12 =	vld [tilespmem:$0xE00]  }
0x5f: {  	v9 =	vadd.f32 v10, v9  }
0x60: {  	v10 =	vld [tilespmem:$0x1184]  }
0x61: {  	v9 =	vadd.f32 v11, v9  }
0x62: {  	v11 =	vld [tilespmem:$0x1508]  }
0x63: {  	v9 =	vadd.f32 v12, v9  }
0x64: {  	v12 =	vld [tilespmem:$0x188C]  }
0x65: {  	v9 =	vadd.f32 v10, v9  }
0x66: {  	v10 =	vld [tilespmem:$0x1C10]  }
0x67: {  	v9 =	vadd.f32 v11, v9;
	_ =	sdelay $0x1  }
0x68: {  	v9 =	vadd.f32 v12, v9;
	_ =	sdelay $0x1  }
0x69: {  	v9 =	vadd.f32 v10, v9;
	_ =	sdelay $0x1  }
0x6a: {  	s28 =	simm.s32 $0x0;
	[tilespmem:$0x10074] =	vst v9  }
0x6b: {  	v13 =	vld [tilespmem:s28+$0xFD00];
	_ =	sdelay $0x3  }
0x6c: {  	v47 =	vimm.f32 $0.0e+00;
	v44 =	vimm.f32 $0.0e+00;
	v39 =	vimm.f32 $0.0e+00;
	v11 =	vld [tilespmem:s23+$0x0]  }
0x6d: {  	v42 =	vimm.f32 $0.0e+00;
	v30 =	vimm.f32 $0.0e+00;
	v10 =	vld [tilespmem:s23+$0x10];
	v14 =	vbroadcast v13, $0x0  }
0x6e: {  	v40 =	vimm.f32 $0.0e+00;
	v21 =	vbroadcast v13, $0x3;
	v17 =	vbroadcast v13, $0x1  }
0x6f: {  	v45 =	vimm.f32 $0.0e+00;
	v9 =	vld [tilespmem:s23+$0xFFFFFFF0];
	v43 =	vbroadcast v13, $0x2;
	v27 =	vbroadcast v13, $0x4  }
0x70: {  	v31 =	vimm.f32 $0.0e+00;
	v12 =	vld [tilespmem:s23+$0xFFFFFFE0];
	v16 =	vbroadcast v13, $0x6;
	v20 =	vbroadcast v13, $0x7  }
0x71: {  	v35 =	vimm.f32 $0.0e+00;
	v48 =	vbroadcast v13, $0x5;
	v25 =	vmul.f32 v21, v11  }
0x72: {  	v46 =	vimm.f32 $0.0e+00;
	v18 =	vmul.f32 v14, v10;
	v19 =	vmul.f32 v17, v11  }
0x73: {  	v36 =	vimm.f32 $0.0e+00;
	v22 =	vmul.f32 v14, v11;
	v53 =	vmul.f32 v17, v10  }
0x74: {  	v51 =	vimm.f32 $0.0e+00;
	v24 =	vmul.f32 v16, v9;
	v52 =	vmul.f32 v17, v9  }
0x75: {  	v37 =	vimm.f32 $0.0e+00;
	v26 =	vmul.f32 v27, v11;
	v49 =	vmul.f32 v43, v12  }
0x76: {  	v50 =	vimm.f32 $0.0e+00;
	v28 =	vmul.f32 v43, v9;
	v54 =	vmul.f32 v27, v9  }
0x77: {  	v15 =	vimm.f32 $0.0e+00;
	v57 =	vmul.f32 v21, v12;
	v55 =	vmul.f32 v43, v10  }
0x78: {  	v56 =	vmul.f32 v27, v12;
	v29 =	vadd.f32 v18, v15;
	v18 =	vmul.f32 v14, v9  }
0x79: {  	v23 =	vadd.f32 v19, v15;
	v14 =	vmul.f32 v14, v12;
	v19 =	vmul.f32 v17, v12  }
0x7a: {  	v32 =	vadd.f32 v22, v15;
	v22 =	vmul.f32 v20, v12;
	v17 =	vadd.f32 v24, v15  }
0x7b: {  	v24 =	vmul.f32 v27, v10;
	v26 =	vadd.f32 v26, v15;
	v41 =	vadd.f32 v28, v15  }
0x7c: {  	v34 =	vadd.f32 v18, v15;
	v33 =	vadd.f32 v19, v15;
	v18 =	vmul.f32 v21, v10  }
0x7d: {  	v19 =	vmul.f32 v20, v11;
	v38 =	vadd.f32 v14, v15;
	v14 =	vmul.f32 v20, v10  }
0x7e: {  	v13 =	vadd.f32 v22, v15;
	v22 =	vadd.f32 v18, v15;
	v18 =	vmul.f32 v16, v11  }
0x7f: {  	v27 =	vimm.f32 $0.0e+00;
	v24 =	vadd.f32 v24, v15;
	v14 =	vadd.f32 v14, v15  }
0x80: {  	s29 =	sadd.s32 $0x80, s23;
	s28 =	simm.s32 $0x78;
	v28 =	vimm.f32 $0.0e+00;
	v19 =	vadd.f32 v19, v15;
	v18 =	vadd.f32 v18, v15  }
.LBB2_5:
0x81: {  	v58 =	vld [tilespmem:s29+$0x10];
	s30 =	sshra.s32 s28, $0x2;
	p0 =	sne.s32 s28, $0xD98;
	s28 =	sadd.s32 $0x78, s28;
	v43 =	vmul.f32 v43, v11;
	v15 =	vadd.f32 v57, v15;
	v57 =	vmul.f32 v48, v12  }
0x82: {  	v47 =	vadd.f32 v53, v47;
	v53 =	vmul.f32 v48, v9;
	v60 =	vmul.f32 v16, v12;
	v59 =	vld [tilespmem:s30+$0xFD00]  }
0x83: {  	v39 =	vadd.f32 v56, v39;
	v44 =	vadd.f32 v43, v44;
	v43 =	vmul.f32 v48, v11;
	v11 =	vld [tilespmem:s29+$0x0]  }
0x84: {  	v42 =	vadd.f32 v25, v42;
	v48 =	vmul.f32 v48, v10;
	v30 =	vadd.f32 v60, v30;
	v12 =	vld [tilespmem:s29+$0xFFFFFFE0]  }
0x85: {  	v40 =	vadd.f32 v54, v40;
	v20 =	vmul.f32 v20, v9;
	v56 =	vmul.f32 v21, v9;
	v9 =	vld [tilespmem:s29+$0xFFFFFFF0]  }
0x86: {  	v16 =	vmul.f32 v16, v10;
	v45 =	vadd.f32 v55, v45;
	v31 =	vadd.f32 v43, v31;
	v10 =	vmovc v58  }
0x87: {  	v35 =	vadd.f32 v57, v35;
	v54 =	vbroadcast v59, $0x0;
	v21 =	vbroadcast v59, $0x3  }
0x88: {  	v27 =	vadd.f32 v16, v27;
	v55 =	vbroadcast v59, $0x1;
	v43 =	vbroadcast v59, $0x2  }
0x89: {  	v46 =	vadd.f32 v56, v46;
	v58 =	vbroadcast v59, $0x4;
	v25 =	vmul.f32 v21, v11  }
0x8a: {  	v36 =	vadd.f32 v53, v36;
	v16 =	vbroadcast v59, $0x6;
	v56 =	vmul.f32 v54, v10  }
0x8b: {  	v28 =	vadd.f32 v20, v28;
	v53 =	vmul.f32 v54, v11;
	v57 =	vmul.f32 v55, v11  }
0x8c: {  	v51 =	vadd.f32 v52, v51;
	v20 =	vbroadcast v59, $0x7;
	v29 =	vadd.f32 v56, v29  }
0x8d: {  	v37 =	vadd.f32 v48, v37;
	v52 =	vmul.f32 v54, v9;
	v23 =	vadd.f32 v57, v23  }
0x8e: {  	v50 =	vadd.f32 v49, v50;
	v48 =	vmul.f32 v54, v12;
	v54 =	vmul.f32 v55, v12  }
0x8f: {  	v49 =	vmul.f32 v20, v12;
	v32 =	vadd.f32 v53, v32;
	v53 =	vmul.f32 v55, v10  }
0x90: {  	v56 =	vmul.f32 v20, v11;
	v34 =	vadd.f32 v52, v34;
	v33 =	vadd.f32 v54, v33  }
0x91: {  	v38 =	vadd.f32 v48, v38;
	v52 =	vmul.f32 v21, v10;
	v54 =	vmul.f32 v20, v10  }
0x92: {  	v48 =	vbroadcast v59, $0x5;
	v57 =	vmul.f32 v16, v9;
	v13 =	vadd.f32 v49, v13  }
0x93: {  	v59 =	vmul.f32 v16, v11;
	v22 =	vadd.f32 v52, v22;
	v14 =	vadd.f32 v54, v14  }
.Ltmp1:
0x94: {  	v17 =	vadd.f32 v57, v17;
	v52 =	vmul.f32 v55, v9;
	v55 =	vmul.f32 v58, v11;
	(pc) =	sbr.rel @p0 .LBB2_5-.Ltmp1, $4  }
0x95: {  	v60 =	vmul.f32 v58, v10;
	v49 =	vmul.f32 v43, v12;
	v18 =	vadd.f32 v59, v18  }
0x96: {  	v59 =	vmul.f32 v43, v9;
	v54 =	vmul.f32 v58, v9;
	v26 =	vadd.f32 v55, v26  }
0x97: {  	v24 =	vadd.f32 v60, v24;
	v57 =	vmul.f32 v21, v12;
	v19 =	vadd.f32 v56, v19  }
0x98: {  	s29 =	sadd.s32 $0x80, s29;
	v56 =	vmul.f32 v58, v12;
	v41 =	vadd.f32 v59, v41;
	v55 =	vmul.f32 v43, v10  }
0x99: {  	[tilespmem:$0x10100] =	vst v38  }
0x9a: {  	[tilespmem:$0x10110] =	vst v34  }
0x9b: {  	[tilespmem:$0x10120] =	vst v32  }
0x9c: {  	[tilespmem:$0x10130] =	vst v29  }
0x9d: {  	[tilespmem:$0x10140] =	vst v33  }
0x9e: {  	[tilespmem:$0x10160] =	vst v23  }
0x9f: {  	[tilespmem:$0x101F0] =	vst v22  }
0xa0: {  	[tilespmem:$0x10220] =	vst v26  }
0xa1: {  	[tilespmem:$0x10230] =	vst v24  }
0xa2: {  	[tilespmem:$0x10290] =	vst v17  }
0xa3: {  	[tilespmem:$0x102A0] =	vst v18  }
0xa4: {  	[tilespmem:$0x102C0] =	vst v13  }
0xa5: {  	[tilespmem:$0x102E0] =	vst v19  }
0xa6: {  	v61 =	vadd.f32 v52, v51;
	[tilespmem:$0x102F0] =	vst v14  }
0xa7: {  	v29 =	vadd.f32 v53, v47;
	[tilespmem:$0x10190] =	vst v41  }
0xa8: {  	v62 =	vmul.f32 v43, v11;
	v63 =	vadd.f32 v49, v50;
	[tilespmem:$0x10150] =	vst v61  }
0xa9: {  	v15 =	vadd.f32 v57, v15;
	[tilespmem:$0x10170] =	vst v29  }
0xaa: {  	v21 =	vmul.f32 v21, v9;
	v23 =	vadd.f32 v62, v44;
	[tilespmem:$0x10180] =	vst v63  }
0xab: {  	v29 =	vadd.f32 v55, v45;
	[tilespmem:$0x101C0] =	vst v15  }
0xac: {  	v11 =	vmul.f32 v48, v11;
	v21 =	vadd.f32 v21, v46;
	[tilespmem:$0x101A0] =	vst v23  }
0xad: {  	v22 =	vmul.f32 v48, v12;
	v12 =	vmul.f32 v16, v12;
	v15 =	vadd.f32 v56, v39;
	[tilespmem:$0x101B0] =	vst v29  }
0xae: {  	v11 =	vadd.f32 v11, v31;
	[tilespmem:$0x101D0] =	vst v21  }
0xaf: {  	v12 =	vadd.f32 v12, v30;
	[tilespmem:$0x10200] =	vst v15  }
0xb0: {  	v21 =	vadd.f32 v54, v40;
	[tilespmem:$0x10260] =	vst v11  }
0xb1: {  	v23 =	vadd.f32 v25, v42;
	v15 =	vmul.f32 v48, v9;
	[tilespmem:$0x10280] =	vst v12  }
0xb2: {  	v9 =	vmul.f32 v20, v9;
	[tilespmem:$0x10210] =	vst v21;
	v21 =	vadd.f32 v22, v35  }
0xb3: {  	[tilespmem:$0x101E0] =	vst v23;
	v22 =	vmul.f32 v48, v10;
	v15 =	vadd.f32 v15, v36  }
0xb4: {  	v10 =	vmul.f32 v16, v10;
	v9 =	vadd.f32 v9, v28;
	[tilespmem:$0x10240] =	vst v21  }
0xb5: {  	v21 =	vadd.f32 v22, v37;
	[tilespmem:$0x10250] =	vst v15  }
0xb6: {  	v10 =	vadd.f32 v10, v27;
	[tilespmem:$0x102D0] =	vst v9  }
0xb7: {  	[tilespmem:$0x10270] =	vst v21  }
0xb8: {  	s28 =	simm.s32 $0x8;
	[tilespmem:$0x102B0] =	vst v10  }
0xb9: {  	v13 =	vld [tilespmem:s28+$0xFD00];
	_ =	sdelay $0x3  }
0xba: {  	v19 =	vimm.f32 $0.0e+00;
	v47 =	vimm.f32 $0.0e+00;
	v43 =	vimm.f32 $0.0e+00;
	v11 =	vld [tilespmem:s23+$0x0]  }
0xbb: {  	v51 =	vimm.f32 $0.0e+00;
	v50 =	vimm.f32 $0.0e+00;
	v10 =	vld [tilespmem:s23+$0x10];
	v14 =	vbroadcast v13, $0x0  }
0xbc: {  	v44 =	vimm.f32 $0.0e+00;
	v21 =	vbroadcast v13, $0x3;
	v16 =	vbroadcast v13, $0x1  }
0xbd: {  	v39 =	vimm.f32 $0.0e+00;
	v9 =	vld [tilespmem:s23+$0xFFFFFFF0];
	v42 =	vbroadcast v13, $0x2;
	v27 =	vbroadcast v13, $0x4  }
0xbe: {  	v30 =	vimm.f32 $0.0e+00;
	v12 =	vld [tilespmem:s23+$0xFFFFFFE0];
	v15 =	vbroadcast v13, $0x6;
	v20 =	vbroadcast v13, $0x7  }
0xbf: {  	v45 =	vimm.f32 $0.0e+00;
	v48 =	vbroadcast v13, $0x5;
	v25 =	vmul.f32 v21, v11  }
0xc0: {  	v31 =	vimm.f32 $0.0e+00;
	v17 =	vmul.f32 v14, v10;
	v18 =	vmul.f32 v16, v11  }
0xc1: {  	v46 =	vimm.f32 $0.0e+00;
	v22 =	vmul.f32 v14, v11;
	v53 =	vmul.f32 v16, v10  }
0xc2: {  	v40 =	vimm.f32 $0.0e+00;
	v24 =	vmul.f32 v15, v9;
	v52 =	vmul.f32 v16, v9  }
0xc3: {  	v35 =	vimm.f32 $0.0e+00;
	v26 =	vmul.f32 v27, v11;
	v49 =	vmul.f32 v42, v12  }
0xc4: {  	v36 =	vimm.f32 $0.0e+00;
	v28 =	vmul.f32 v42, v9;
	v54 =	vmul.f32 v27, v9  }
0xc5: {  	v37 =	vimm.f32 $0.0e+00;
	v57 =	vmul.f32 v21, v12;
	v55 =	vmul.f32 v42, v10  }
0xc6: {  	v56 =	vmul.f32 v27, v12;
	v29 =	vadd.f32 v17, v19;
	v17 =	vmul.f32 v14, v9  }
0xc7: {  	v23 =	vadd.f32 v18, v19;
	v14 =	vmul.f32 v14, v12;
	v18 =	vmul.f32 v16, v12  }
0xc8: {  	v32 =	vadd.f32 v22, v19;
	v22 =	vmul.f32 v20, v12;
	v16 =	vadd.f32 v24, v19  }
0xc9: {  	v24 =	vmul.f32 v27, v10;
	v26 =	vadd.f32 v26, v19;
	v41 =	vadd.f32 v28, v19  }
0xca: {  	v34 =	vadd.f32 v17, v19;
	v33 =	vadd.f32 v18, v19;
	v17 =	vmul.f32 v21, v10  }
0xcb: {  	v18 =	vmul.f32 v20, v11;
	v38 =	vadd.f32 v14, v19;
	v14 =	vmul.f32 v20, v10  }
0xcc: {  	v13 =	vadd.f32 v22, v19;
	v22 =	vadd.f32 v17, v19;
	v17 =	vmul.f32 v15, v11  }
0xcd: {  	v27 =	vimm.f32 $0.0e+00;
	v24 =	vadd.f32 v24, v19;
	v14 =	vadd.f32 v14, v19  }
0xce: {  	s29 =	sadd.s32 $0x80, s23;
	s28 =	simm.s32 $0x98;
	v28 =	vimm.f32 $0.0e+00;
	v18 =	vadd.f32 v18, v19;
	v17 =	vadd.f32 v17, v19  }
.LBB2_7:
0xcf: {  	v58 =	vld [tilespmem:s29+$0x10];
	s30 =	sshra.s32 s28, $0x2;
	p0 =	sne.s32 s28, $0xDB8;
	s28 =	sadd.s32 $0x78, s28;
	v42 =	vmul.f32 v42, v11;
	v19 =	vadd.f32 v57, v19;
	v57 =	vmul.f32 v48, v12  }
0xd0: {  	v47 =	vadd.f32 v53, v47;
	v53 =	vmul.f32 v48, v9;
	v60 =	vmul.f32 v15, v12;
	v59 =	vld [tilespmem:s30+$0xFD00]  }
0xd1: {  	v39 =	vadd.f32 v56, v39;
	v44 =	vadd.f32 v42, v44;
	v42 =	vmul.f32 v48, v11;
	v11 =	vld [tilespmem:s29+$0x0]  }
0xd2: {  	v43 =	vadd.f32 v25, v43;
	v48 =	vmul.f32 v48, v10;
	v30 =	vadd.f32 v60, v30;
	v12 =	vld [tilespmem:s29+$0xFFFFFFE0]  }
0xd3: {  	v40 =	vadd.f32 v54, v40;
	v20 =	vmul.f32 v20, v9;
	v56 =	vmul.f32 v21, v9;
	v9 =	vld [tilespmem:s29+$0xFFFFFFF0]  }
0xd4: {  	v15 =	vmul.f32 v15, v10;
	v45 =	vadd.f32 v55, v45;
	v31 =	vadd.f32 v42, v31;
	v10 =	vmovc v58  }
0xd5: {  	v35 =	vadd.f32 v57, v35;
	v54 =	vbroadcast v59, $0x0;
	v21 =	vbroadcast v59, $0x3  }
0xd6: {  	v27 =	vadd.f32 v15, v27;
	v55 =	vbroadcast v59, $0x1;
	v42 =	vbroadcast v59, $0x2  }
0xd7: {  	v46 =	vadd.f32 v56, v46;
	v58 =	vbroadcast v59, $0x4;
	v25 =	vmul.f32 v21, v11  }
0xd8: {  	v36 =	vadd.f32 v53, v36;
	v15 =	vbroadcast v59, $0x6;
	v56 =	vmul.f32 v54, v10  }
0xd9: {  	v28 =	vadd.f32 v20, v28;
	v53 =	vmul.f32 v54, v11;
	v57 =	vmul.f32 v55, v11  }
0xda: {  	v51 =	vadd.f32 v52, v51;
	v20 =	vbroadcast v59, $0x7;
	v29 =	vadd.f32 v56, v29  }
0xdb: {  	v37 =	vadd.f32 v48, v37;
	v52 =	vmul.f32 v54, v9;
	v23 =	vadd.f32 v57, v23  }
0xdc: {  	v50 =	vadd.f32 v49, v50;
	v48 =	vmul.f32 v54, v12;
	v54 =	vmul.f32 v55, v12  }
0xdd: {  	v49 =	vmul.f32 v20, v12;
	v32 =	vadd.f32 v53, v32;
	v53 =	vmul.f32 v55, v10  }
0xde: {  	v56 =	vmul.f32 v20, v11;
	v34 =	vadd.f32 v52, v34;
	v33 =	vadd.f32 v54, v33  }
0xdf: {  	v38 =	vadd.f32 v48, v38;
	v52 =	vmul.f32 v21, v10;
	v54 =	vmul.f32 v20, v10  }
0xe0: {  	v48 =	vbroadcast v59, $0x5;
	v57 =	vmul.f32 v15, v9;
	v13 =	vadd.f32 v49, v13  }
0xe1: {  	v59 =	vmul.f32 v15, v11;
	v22 =	vadd.f32 v52, v22;
	v14 =	vadd.f32 v54, v14  }
.Ltmp2:
0xe2: {  	v16 =	vadd.f32 v57, v16;
	v52 =	vmul.f32 v55, v9;
	v55 =	vmul.f32 v58, v11;
	(pc) =	sbr.rel @p0 .LBB2_7-.Ltmp2, $4  }
0xe3: {  	v60 =	vmul.f32 v58, v10;
	v49 =	vmul.f32 v42, v12;
	v17 =	vadd.f32 v59, v17  }
0xe4: {  	v59 =	vmul.f32 v42, v9;
	v54 =	vmul.f32 v58, v9;
	v26 =	vadd.f32 v55, v26  }
0xe5: {  	v24 =	vadd.f32 v60, v24;
	v57 =	vmul.f32 v21, v12;
	v18 =	vadd.f32 v56, v18  }
0xe6: {  	s29 =	sadd.s32 $0x80, s29;
	v56 =	vmul.f32 v58, v12;
	v41 =	vadd.f32 v59, v41;
	v55 =	vmul.f32 v42, v10  }
0xe7: {  	[tilespmem:$0x10300] =	vst v38  }
0xe8: {  	[tilespmem:$0x10310] =	vst v34  }
0xe9: {  	[tilespmem:$0x10320] =	vst v32  }
0xea: {  	[tilespmem:$0x10330] =	vst v29  }
0xeb: {  	[tilespmem:$0x10340] =	vst v33  }
0xec: {  	[tilespmem:$0x10360] =	vst v23  }
0xed: {  	[tilespmem:$0x103F0] =	vst v22  }
0xee: {  	[tilespmem:$0x10420] =	vst v26  }
0xef: {  	[tilespmem:$0x10430] =	vst v24  }
0xf0: {  	[tilespmem:$0x10490] =	vst v16  }
0xf1: {  	[tilespmem:$0x104A0] =	vst v17  }
0xf2: {  	[tilespmem:$0x104C0] =	vst v13  }
0xf3: {  	[tilespmem:$0x104E0] =	vst v18  }
0xf4: {  	v61 =	vadd.f32 v52, v51;
	[tilespmem:$0x104F0] =	vst v14  }
0xf5: {  	v29 =	vadd.f32 v53, v47;
	[tilespmem:$0x10390] =	vst v41  }
0xf6: {  	v62 =	vmul.f32 v42, v11;
	v63 =	vadd.f32 v49, v50;
	[tilespmem:$0x10350] =	vst v61  }
0xf7: {  	v19 =	vadd.f32 v57, v19;
	[tilespmem:$0x10370] =	vst v29  }
0xf8: {  	v21 =	vmul.f32 v21, v9;
	v23 =	vadd.f32 v62, v44;
	[tilespmem:$0x10380] =	vst v63  }
0xf9: {  	v29 =	vadd.f32 v55, v45;
	[tilespmem:$0x103C0] =	vst v19  }
0xfa: {  	v11 =	vmul.f32 v48, v11;
	v21 =	vadd.f32 v21, v46;
	[tilespmem:$0x103A0] =	vst v23  }
0xfb: {  	v22 =	vmul.f32 v48, v12;
	v12 =	vmul.f32 v15, v12;
	v19 =	vadd.f32 v56, v39;
	[tilespmem:$0x103B0] =	vst v29  }
0xfc: {  	v11 =	vadd.f32 v11, v31;
	[tilespmem:$0x103D0] =	vst v21  }
0xfd: {  	v12 =	vadd.f32 v12, v30;
	[tilespmem:$0x10400] =	vst v19  }
0xfe: {  	v21 =	vadd.f32 v54, v40;
	[tilespmem:$0x10460] =	vst v11  }
0xff: {  	v23 =	vadd.f32 v25, v43;
	v19 =	vmul.f32 v48, v9;
	[tilespmem:$0x10480] =	vst v12  }
0x100: {  	v9 =	vmul.f32 v20, v9;
	[tilespmem:$0x10410] =	vst v21;
	v21 =	vadd.f32 v22, v35  }
0x101: {  	[tilespmem:$0x103E0] =	vst v23;
	v22 =	vmul.f32 v48, v10;
	v19 =	vadd.f32 v19, v36  }
0x102: {  	v10 =	vmul.f32 v15, v10;
	v9 =	vadd.f32 v9, v28;
	[tilespmem:$0x10440] =	vst v21  }
0x103: {  	v21 =	vadd.f32 v22, v37;
	[tilespmem:$0x10450] =	vst v19  }
0x104: {  	v10 =	vadd.f32 v10, v27;
	[tilespmem:$0x104D0] =	vst v9  }
0x105: {  	[tilespmem:$0x10470] =	vst v21  }
0x106: {  	s28 =	simm.s32 $0x10;
	[tilespmem:$0x104B0] =	vst v10  }
0x107: {  	v13 =	vld [tilespmem:s28+$0xFD00];
	_ =	sdelay $0x3  }
0x108: {  	v47 =	vimm.f32 $0.0e+00;
	v51 =	vimm.f32 $0.0e+00;
	v50 =	vimm.f32 $0.0e+00;
	v11 =	vld [tilespmem:s23+$0x0]  }
0x109: {  	v44 =	vimm.f32 $0.0e+00;
	v39 =	vimm.f32 $0.0e+00;
	v10 =	vld [tilespmem:s23+$0x10];
	v14 =	vbroadcast v13, $0x0  }
0x10a: {  	v30 =	vimm.f32 $0.0e+00;
	v21 =	vbroadcast v13, $0x3;
	v16 =	vbroadcast v13, $0x1  }
0x10b: {  	v45 =	vimm.f32 $0.0e+00;
	v9 =	vld [tilespmem:s23+$0xFFFFFFF0];
	v42 =	vbroadcast v13, $0x2;
	v27 =	vbroadcast v13, $0x4  }
0x10c: {  	v31 =	vimm.f32 $0.0e+00;
	v12 =	vld [tilespmem:s23+$0xFFFFFFE0];
	v15 =	vbroadcast v13, $0x6;
	v20 =	vbroadcast v13, $0x7  }
0x10d: {  	v46 =	vimm.f32 $0.0e+00;
	v48 =	vbroadcast v13, $0x5;
	v25 =	vmul.f32 v21, v11  }
0x10e: {  	v43 =	vimm.f32 $0.0e+00;
	v17 =	vmul.f32 v14, v10;
	v18 =	vmul.f32 v16, v11  }
0x10f: {  	v40 =	vimm.f32 $0.0e+00;
	v22 =	vmul.f32 v14, v11;
	v53 =	vmul.f32 v16, v10  }
0x110: {  	v35 =	vimm.f32 $0.0e+00;
	v24 =	vmul.f32 v15, v9;
	v52 =	vmul.f32 v16, v9  }
0x111: {  	v36 =	vimm.f32 $0.0e+00;
	v26 =	vmul.f32 v27, v11;
	v49 =	vmul.f32 v42, v12  }
0x112: {  	v19 =	vimm.f32 $0.0e+00;
	v28 =	vmul.f32 v42, v9;
	v54 =	vmul.f32 v27, v9  }
0x113: {  	v37 =	vimm.f32 $0.0e+00;
	v57 =	vmul.f32 v21, v12;
	v55 =	vmul.f32 v42, v10  }
0x114: {  	v56 =	vmul.f32 v27, v12;
	v29 =	vadd.f32 v17, v19;
	v17 =	vmul.f32 v14, v9  }
0x115: {  	v23 =	vadd.f32 v18, v19;
	v14 =	vmul.f32 v14, v12;
	v18 =	vmul.f32 v16, v12  }
0x116: {  	v32 =	vadd.f32 v22, v19;
	v22 =	vmul.f32 v20, v12;
	v16 =	vadd.f32 v24, v19  }
0x117: {  	v24 =	vmul.f32 v27, v10;
	v26 =	vadd.f32 v26, v19;
	v41 =	vadd.f32 v28, v19  }
0x118: {  	v34 =	vadd.f32 v17, v19;
	v33 =	vadd.f32 v18, v19;
	v17 =	vmul.f32 v21, v10  }
0x119: {  	v18 =	vmul.f32 v20, v11;
	v38 =	vadd.f32 v14, v19;
	v14 =	vmul.f32 v20, v10  }
0x11a: {  	v13 =	vadd.f32 v22, v19;
	v22 =	vadd.f32 v17, v19;
	v17 =	vmul.f32 v15, v11  }
0x11b: {  	v27 =	vimm.f32 $0.0e+00;
	v24 =	vadd.f32 v24, v19;
	v14 =	vadd.f32 v14, v19  }
0x11c: {  	s29 =	sadd.s32 $0x80, s23;
	s28 =	simm.s32 $0xB8;
	v28 =	vimm.f32 $0.0e+00;
	v18 =	vadd.f32 v18, v19;
	v17 =	vadd.f32 v17, v19  }
.LBB2_9:
0x11d: {  	v58 =	vld [tilespmem:s29+$0x10];
	s30 =	sshra.s32 s28, $0x2;
	p0 =	sne.s32 s28, $0xDD8;
	s28 =	sadd.s32 $0x78, s28;
	v42 =	vmul.f32 v42, v11;
	v19 =	vadd.f32 v57, v19;
	v57 =	vmul.f32 v48, v12  }
0x11e: {  	v47 =	vadd.f32 v53, v47;
	v53 =	vmul.f32 v48, v9;
	v60 =	vmul.f32 v15, v12;
	v59 =	vld [tilespmem:s30+$0xFD00]  }
0x11f: {  	v39 =	vadd.f32 v56, v39;
	v44 =	vadd.f32 v42, v44;
	v42 =	vmul.f32 v48, v11;
	v11 =	vld [tilespmem:s29+$0x0]  }
0x120: {  	v43 =	vadd.f32 v25, v43;
	v48 =	vmul.f32 v48, v10;
	v30 =	vadd.f32 v60, v30;
	v12 =	vld [tilespmem:s29+$0xFFFFFFE0]  }
0x121: {  	v40 =	vadd.f32 v54, v40;
	v20 =	vmul.f32 v20, v9;
	v56 =	vmul.f32 v21, v9;
	v9 =	vld [tilespmem:s29+$0xFFFFFFF0]  }
0x122: {  	v15 =	vmul.f32 v15, v10;
	v45 =	vadd.f32 v55, v45;
	v31 =	vadd.f32 v42, v31;
	v10 =	vmovc v58  }
0x123: {  	v35 =	vadd.f32 v57, v35;
	v54 =	vbroadcast v59, $0x0;
	v21 =	vbroadcast v59, $0x3  }
0x124: {  	v27 =	vadd.f32 v15, v27;
	v55 =	vbroadcast v59, $0x1;
	v42 =	vbroadcast v59, $0x2  }
0x125: {  	v46 =	vadd.f32 v56, v46;
	v58 =	vbroadcast v59, $0x4;
	v25 =	vmul.f32 v21, v11  }
0x126: {  	v36 =	vadd.f32 v53, v36;
	v15 =	vbroadcast v59, $0x6;
	v56 =	vmul.f32 v54, v10  }
0x127: {  	v28 =	vadd.f32 v20, v28;
	v53 =	vmul.f32 v54, v11;
	v57 =	vmul.f32 v55, v11  }
0x128: {  	v51 =	vadd.f32 v52, v51;
	v20 =	vbroadcast v59, $0x7;
	v29 =	vadd.f32 v56, v29  }
0x129: {  	v37 =	vadd.f32 v48, v37;
	v52 =	vmul.f32 v54, v9;
	v23 =	vadd.f32 v57, v23  }
0x12a: {  	v50 =	vadd.f32 v49, v50;
	v48 =	vmul.f32 v54, v12;
	v54 =	vmul.f32 v55, v12  }
0x12b: {  	v49 =	vmul.f32 v20, v12;
	v32 =	vadd.f32 v53, v32;
	v53 =	vmul.f32 v55, v10  }
0x12c: {  	v56 =	vmul.f32 v20, v11;
	v34 =	vadd.f32 v52, v34;
	v33 =	vadd.f32 v54, v33  }
0x12d: {  	v38 =	vadd.f32 v48, v38;
	v52 =	vmul.f32 v21, v10;
	v54 =	vmul.f32 v20, v10  }
0x12e: {  	v48 =	vbroadcast v59, $0x5;
	v57 =	vmul.f32 v15, v9;
	v13 =	vadd.f32 v49, v13  }
0x12f: {  	v59 =	vmul.f32 v15, v11;
	v22 =	vadd.f32 v52, v22;
	v14 =	vadd.f32 v54, v14  }
.Ltmp3:
0x130: {  	v16 =	vadd.f32 v57, v16;
	v52 =	vmul.f32 v55, v9;
	v55 =	vmul.f32 v58, v11;
	(pc) =	sbr.rel @p0 .LBB2_9-.Ltmp3, $4  }
0x131: {  	v60 =	vmul.f32 v58, v10;
	v49 =	vmul.f32 v42, v12;
	v17 =	vadd.f32 v59, v17  }
0x132: {  	v59 =	vmul.f32 v42, v9;
	v54 =	vmul.f32 v58, v9;
	v26 =	vadd.f32 v55, v26  }
0x133: {  	v24 =	vadd.f32 v60, v24;
	v57 =	vmul.f32 v21, v12;
	v18 =	vadd.f32 v56, v18  }
0x134: {  	s29 =	sadd.s32 $0x80, s29;
	v56 =	vmul.f32 v58, v12;
	v41 =	vadd.f32 v59, v41;
	v55 =	vmul.f32 v42, v10  }
0x135: {  	[tilespmem:$0x10500] =	vst v38  }
0x136: {  	[tilespmem:$0x10510] =	vst v34  }
0x137: {  	[tilespmem:$0x10520] =	vst v32  }
0x138: {  	[tilespmem:$0x10530] =	vst v29  }
0x139: {  	[tilespmem:$0x10540] =	vst v33  }
0x13a: {  	[tilespmem:$0x10560] =	vst v23  }
0x13b: {  	[tilespmem:$0x105F0] =	vst v22  }
0x13c: {  	[tilespmem:$0x10620] =	vst v26  }
0x13d: {  	[tilespmem:$0x10630] =	vst v24  }
0x13e: {  	[tilespmem:$0x10690] =	vst v16  }
0x13f: {  	[tilespmem:$0x106A0] =	vst v17  }
0x140: {  	[tilespmem:$0x106C0] =	vst v13  }
0x141: {  	[tilespmem:$0x106E0] =	vst v18  }
0x142: {  	v61 =	vadd.f32 v52, v51;
	[tilespmem:$0x106F0] =	vst v14  }
0x143: {  	v29 =	vadd.f32 v53, v47;
	[tilespmem:$0x10590] =	vst v41  }
0x144: {  	v62 =	vmul.f32 v42, v11;
	v63 =	vadd.f32 v49, v50;
	[tilespmem:$0x10550] =	vst v61  }
0x145: {  	v19 =	vadd.f32 v57, v19;
	[tilespmem:$0x10570] =	vst v29  }
0x146: {  	v21 =	vmul.f32 v21, v9;
	v23 =	vadd.f32 v62, v44;
	[tilespmem:$0x10580] =	vst v63  }
0x147: {  	v29 =	vadd.f32 v55, v45;
	[tilespmem:$0x105C0] =	vst v19  }
0x148: {  	v11 =	vmul.f32 v48, v11;
	v21 =	vadd.f32 v21, v46;
	[tilespmem:$0x105A0] =	vst v23  }
0x149: {  	v22 =	vmul.f32 v48, v12;
	v12 =	vmul.f32 v15, v12;
	v19 =	vadd.f32 v56, v39;
	[tilespmem:$0x105B0] =	vst v29  }
0x14a: {  	v11 =	vadd.f32 v11, v31;
	[tilespmem:$0x105D0] =	vst v21  }
0x14b: {  	v12 =	vadd.f32 v12, v30;
	[tilespmem:$0x10600] =	vst v19  }
0x14c: {  	v21 =	vadd.f32 v54, v40;
	[tilespmem:$0x10660] =	vst v11  }
0x14d: {  	v23 =	vadd.f32 v25, v43;
	v19 =	vmul.f32 v48, v9;
	[tilespmem:$0x10680] =	vst v12  }
0x14e: {  	v9 =	vmul.f32 v20, v9;
	[tilespmem:$0x10610] =	vst v21;
	v21 =	vadd.f32 v22, v35  }
0x14f: {  	[tilespmem:$0x105E0] =	vst v23;
	v22 =	vmul.f32 v48, v10;
	v19 =	vadd.f32 v19, v36  }
0x150: {  	v10 =	vmul.f32 v15, v10;
	v9 =	vadd.f32 v9, v28;
	[tilespmem:$0x10640] =	vst v21  }
0x151: {  	v21 =	vadd.f32 v22, v37;
	[tilespmem:$0x10650] =	vst v19  }
0x152: {  	v10 =	vadd.f32 v10, v27;
	[tilespmem:$0x106D0] =	vst v9  }
0x153: {  	[tilespmem:$0x10670] =	vst v21  }
0x154: {  	s28 =	simm.s32 $0x18;
	[tilespmem:$0x106B0] =	vst v10  }
0x155: {  	v11 =	vld [tilespmem:s28+$0xFD00];
	_ =	sdelay $0x1  }
0x156: {  	v10 =	vld [tilespmem:s23+$0x10]  }
0x157: {  	v17 =	vld [tilespmem:s23+$0xFFFFFFE0]  }
0x158: {  	v22 =	vld [tilespmem:s23+$0x0]  }
0x159: {  	v33 =	vimm.f32 $0.0e+00;
	v38 =	vimm.f32 $0.0e+00;
	v14 =	vbroadcast v11, $0x0  }
0x15a: {  	v32 =	vimm.f32 $0.0e+00;
	v13 =	vld [tilespmem:s23+$0xFFFFFFF0];
	v34 =	vbroadcast v11, $0x1;
	v21 =	vbroadcast v11, $0x3  }
0x15b: {  	v42 =	vimm.f32 $0.0e+00;
	v27 =	vbroadcast v11, $0x2;
	v18 =	vbroadcast v11, $0x5  }
0x15c: {  	v41 =	vimm.f32 $0.0e+00;
	v15 =	vbroadcast v11, $0x4;
	v12 =	vmul.f32 v34, v10  }
0x15d: {  	v30 =	vimm.f32 $0.0e+00;
	v11 =	vmul.f32 v14, v17;
	v16 =	vmul.f32 v14, v22  }
0x15e: {  	v40 =	vimm.f32 $0.0e+00;
	v19 =	vmul.f32 v18, v22;
	v23 =	vmul.f32 v15, v22  }
0x15f: {  	v36 =	vimm.f32 $0.0e+00;
	v24 =	vmul.f32 v27, v13;
	v25 =	vmul.f32 v21, v10  }
0x160: {  	v35 =	vimm.f32 $0.0e+00;
	v43 =	vmul.f32 v18, v17;
	v44 =	vmul.f32 v14, v10  }
0x161: {  	v9 =	vimm.f32 $0.0e+00;
	v29 =	vmul.f32 v18, v13;
	v46 =	vmul.f32 v14, v13  }
0x162: {  	v37 =	vimm.f32 $0.0e+00;
	v45 =	vmul.f32 v27, v22;
	v39 =	vmul.f32 v15, v13  }
0x163: {  	v20 =	vadd.f32 v12, v9;
	v12 =	vmul.f32 v21, v22;
	v31 =	vadd.f32 v11, v9  }
0x164: {  	v28 =	vadd.f32 v16, v9;
	v11 =	vmul.f32 v27, v10;
	v26 =	vadd.f32 v24, v9  }
0x165: {  	v24 =	vadd.f32 v25, v9;
	v14 =	vadd.f32 v29, v9;
	v25 =	vimm.f32 $0.0e+00  }
0x166: {  	v29 =	vimm.f32 $0.0e+00;
	v16 =	vadd.f32 v12, v9;
	v12 =	vadd.f32 v23, v9  }
0x167: {  	s29 =	sadd.s32 $0x80, s23;
	s28 =	simm.s32 $0xD8;
	v23 =	vadd.f32 v11, v9;
	v11 =	vadd.f32 v19, v9;
	v19 =	vimm.f32 $0.0e+00  }
.LBB2_11:
0x168: {  	v47 =	vld [tilespmem:s29+$0x10];
	s30 =	sshra.s32 s28, $0x2;
	p0 =	sne.s32 s28, $0xDF8;
	s28 =	sadd.s32 $0x78, s28;
	v48 =	vmul.f32 v34, v17;
	v49 =	vmul.f32 v21, v17;
	v9 =	vadd.f32 v43, v9  }
0x169: {  	v40 =	vadd.f32 v46, v40;
	v46 =	vmul.f32 v34, v22;
	v50 =	vmul.f32 v15, v10;
	v43 =	vld [tilespmem:s30+$0xFD00]  }
0x16a: {  	v51 =	vmul.f32 v34, v13;
	v33 =	vadd.f32 v45, v33;
	v4 =	vmul.f32 v18, v10;
	v22 =	vld [tilespmem:s29+$0x0]  }
0x16b: {  	v45 =	vmul.f32 v21, v13;
	v38 =	vadd.f32 v48, v38;
	v36 =	vadd.f32 v46, v36;
	v13 =	vld [tilespmem:s29+$0xFFFFFFF0]  }
0x16c: {  	v18 =	vmul.f32 v27, v17;
	v32 =	vadd.f32 v49, v32;
	v25 =	vadd.f32 v50, v25;
	v46 =	vld [tilespmem:s29+$0xFFFFFFE0]  }
0x16d: {  	v41 =	vadd.f32 v44, v41;
	v15 =	vmul.f32 v15, v17;
	v19 =	vadd.f32 v4, v19;
	v10 =	vmovc v47  }
0x16e: {  	v37 =	vadd.f32 v18, v37;
	v47 =	vbroadcast v43, $0x0;
	v21 =	vbroadcast v43, $0x3  }
0x16f: {  	v29 =	vadd.f32 v15, v29;
	v34 =	vbroadcast v43, $0x1;
	v27 =	vbroadcast v43, $0x2  }
0x170: {  	v35 =	vadd.f32 v45, v35;
	v15 =	vbroadcast v43, $0x4;
	v18 =	vbroadcast v43, $0x5  }
0x171: {  	v30 =	vadd.f32 v39, v30;
	v44 =	vmul.f32 v34, v10;
	v43 =	vmul.f32 v47, v46;
	v17 =	vmovc v46  }
0x172: {  	v42 =	vadd.f32 v51, v42;
	v39 =	vmul.f32 v47, v22;
	v48 =	vmul.f32 v18, v22  }
0x173: {  	v45 =	vmul.f32 v15, v22;
	v20 =	vadd.f32 v44, v20;
	v44 =	vmul.f32 v21, v22  }
0x174: {  	v28 =	vadd.f32 v39, v28;
	v39 =	vmul.f32 v27, v10;
	v31 =	vadd.f32 v43, v31  }
.Ltmp4:
0x175: {  	v46 =	vmul.f32 v27, v13;
	v12 =	vadd.f32 v45, v12;
	v16 =	vadd.f32 v44, v16;
	(pc) =	sbr.rel @p0 .LBB2_11-.Ltmp4, $4  }
0x176: {  	v43 =	vmul.f32 v18, v17;
	v23 =	vadd.f32 v39, v23;
	v39 =	vmul.f32 v21, v10  }
0x177: {  	v49 =	vmul.f32 v18, v13;
	v26 =	vadd.f32 v46, v26;
	v44 =	vmul.f32 v47, v10  }
0x178: {  	v45 =	vmul.f32 v27, v22;
	v11 =	vadd.f32 v48, v11;
	v46 =	vmul.f32 v47, v13  }
0x179: {  	s29 =	sadd.s32 $0x80, s29;
	v14 =	vadd.f32 v49, v14;
	v24 =	vadd.f32 v39, v24;
	v39 =	vmul.f32 v15, v13  }
0x17a: {  	[tilespmem:$0x10700] =	vst v31  }
0x17b: {  	[tilespmem:$0x10720] =	vst v28  }
0x17c: {  	[tilespmem:$0x10770] =	vst v20  }
0x17d: {  	[tilespmem:$0x10790] =	vst v26  }
0x17e: {  	[tilespmem:$0x107B0] =	vst v23  }
0x17f: {  	[tilespmem:$0x107E0] =	vst v16  }
0x180: {  	[tilespmem:$0x10820] =	vst v12  }
0x181: {  	[tilespmem:$0x10860] =	vst v11  }
0x182: {  	v40 =	vadd.f32 v46, v40;
	[tilespmem:$0x107F0] =	vst v24  }
0x183: {  	v41 =	vadd.f32 v44, v41;
	[tilespmem:$0x10850] =	vst v14  }
0x184: {  	v63 =	vadd.f32 v45, v33;
	[tilespmem:$0x10710] =	vst v40  }
0x185: {  	v58 =	vmul.f32 v34, v17;
	v9 =	vadd.f32 v43, v9;
	[tilespmem:$0x10730] =	vst v41  }
0x186: {  	v59 =	vmul.f32 v34, v13;
	v16 =	vadd.f32 v39, v30;
	[tilespmem:$0x107A0] =	vst v63  }
0x187: {  	v22 =	vmul.f32 v34, v22;
	v60 =	vadd.f32 v58, v38;
	[tilespmem:$0x10840] =	vst v9  }
0x188: {  	v27 =	vmul.f32 v27, v17;
	v61 =	vadd.f32 v59, v42;
	[tilespmem:$0x10810] =	vst v16  }
0x189: {  	v13 =	vmul.f32 v21, v13;
	v22 =	vadd.f32 v22, v36;
	[tilespmem:$0x10740] =	vst v60  }
0x18a: {  	v62 =	vmul.f32 v21, v17;
	v27 =	vadd.f32 v27, v37;
	[tilespmem:$0x10750] =	vst v61  }
0x18b: {  	v17 =	vmul.f32 v15, v17;
	v13 =	vadd.f32 v13, v35;
	[tilespmem:$0x10760] =	vst v22  }
0x18c: {  	v15 =	vmul.f32 v15, v10;
	s26 =	sor.u32 $0x1, s26;
	v10 =	vmul.f32 v18, v10;
	v20 =	vadd.f32 v62, v32;
	[tilespmem:$0x10780] =	vst v27  }
0x18d: {  	s28 =	sadd.s32 s26, s10;
	[tilespmem:$0x107D0] =	vst v13;
	v13 =	vadd.f32 v17, v29  }
0x18e: {  	s28 =	smin.u32 s28, s8;
	v9 =	vadd.f32 v10, v19;
	[tilespmem:$0x107C0] =	vst v20  }
0x18f: {  	s28 =	smul.u32 $0x384, s28;
	[tilespmem:$0x10800] =	vst v13;
	v13 =	vadd.f32 v15, v25  }
0x190: {  	[tilespmem:$0x10870] =	vst v9  }
0x191: {  	s29 =	simm.s32 $0x0;
	s28 =	sadd.s32 s4, s28;
	[tilespmem:$0x10830] =	vst v13  }
0x192: {  	[tilespmem:s29], [sflag:$0x1] =	stream.linear.gather [hbm4b:s28+s29], $0x1C20, $0x38;
	[tilespmem:$0x11000] =	vst v63  }
0x193: {  	_ =	swait.ge [sflag:s20], $0x1C20  }
0x194: {  	[sflag:s20] =	ssyncset.done $0x0  }
0x195: {  	s29 =	simm.s32 $0x0;
	[sflag:s20] =	ssyncadd.s32 $0xFFFFE3E0  }
0x196: {  	v9 =	vld [tilespmem:s29+$0x1C20]  }
0x197: {  	v10 =	vld [tilespmem:s29+$0x1FA4];
	_ =	sdelay $0x1  }
0x198: {  	v11 =	vld [tilespmem:s29+$0x2328];
	_ =	sdelay $0x1  }
0x199: {  	v12 =	vld [tilespmem:s29+$0x26AC]  }
0x19a: {  	v13 =	vld [tilespmem:s29+$0x2DB4];
	v9 =	vadd.f32 v10, v9  }
0x19b: {  	s28 =	simm.s32 $0x10;
	v10 =	vld [tilespmem:s29+$0x2A30]  }
0x19c: {  	v14 =	vld [tilespmem:s28+$0x1C20];
	v9 =	vadd.f32 v11, v9  }
0x19d: {  	v15 =	vld [tilespmem:s28+$0x1FA4]  }
0x19e: {  	v16 =	vld [tilespmem:s29+$0x3138];
	v9 =	vadd.f32 v12, v9  }
0x19f: {  	v17 =	vld [tilespmem:s28+$0x2328]  }
0x1a0: {  	v11 =	vld [tilespmem:s29+$0x34BC];
	v12 =	vadd.f32 v10, v9  }
0x1a1: {  	v10 =	vld [tilespmem:s28+$0x26AC]  }
0x1a2: {  	v14 =	vadd.f32 v15, v14;
	v9 =	vld [tilespmem:s28+$0x2DB4];
	v15 =	vadd.f32 v13, v12  }
0x1a3: {  	s30 =	simm.s32 $0x20;
	v12 =	vld [tilespmem:s28+$0x2A30]  }
0x1a4: {  	s31 =	simm.s32 $0xC0;
	v14 =	vadd.f32 v17, v14;
	v13 =	vld [tilespmem:s30+$0x1C20];
	v15 =	vadd.f32 v16, v15  }
.LBB2_13:
0x1a5: {  	p0 =	seq.s32 s31, $0xDC0;
	v16 =	vld [tilespmem:s30+$0x1FA4]  }
0x1a6: {  	v10 =	vadd.f32 v10, v14;
	v17 =	vld [tilespmem:s28+$0x3138];
	v14 =	vadd.f32 v11, v15  }
0x1a7: {  	v15 =	vld [tilespmem:s30+$0x2328]  }
.Ltmp5:
0x1a8: {  	v12 =	vadd.f32 v12, v10;
	v11 =	vld [tilespmem:s28+$0x34BC];
	[tilespmem:s29+$0xFD00] =	vst v14;
	s29 =	smov.u32 s28;
	s28 =	smov.u32 s30;
	(pc) =	sbr.rel @!p0 .LBB2_13-.Ltmp5, $4  }
0x1a9: {  	v10 =	vld [tilespmem:s28+$0x26AC]  }
0x1aa: {  	v14 =	vadd.f32 v16, v13;
	v16 =	vadd.f32 v9, v12;
	v9 =	vld [tilespmem:s28+$0x2DB4]  }
0x1ab: {  	s30 =	sshra.s32 s31, $0x2;
	v12 =	vld [tilespmem:s28+$0x2A30]  }
0x1ac: {  	s31 =	sadd.s32 $0x40, s31;
	v13 =	vld [tilespmem:s30+$0x1C20];
	v14 =	vadd.f32 v15, v14;
	v15 =	vadd.f32 v17, v16  }
0x1ad: {  	v16 =	vld [tilespmem:s30+$0x1FA4]  }
0x1ae: {  	v17 =	vld [tilespmem:s28+$0x3138];
	v11 =	vadd.f32 v11, v15  }
0x1af: {  	v15 =	vld [tilespmem:s30+$0x2328]  }
0x1b0: {  	v18 =	vld [tilespmem:s28+$0x34BC];
	[tilespmem:s29+$0xFD00] =	vst v11  }
0x1b1: {  	v11 =	vld [tilespmem:s30+$0x26AC]  }
0x1b2: {  	v13 =	vadd.f32 v16, v13  }
0x1b3: {  	v16 =	vld [tilespmem:s30+$0x2A30]  }
0x1b4: {  	v13 =	vadd.f32 v15, v13  }
0x1b5: {  	v10 =	vadd.f32 v10, v14;
	v14 =	vld [tilespmem:s30+$0x2DB4]  }
0x1b6: {  	v11 =	vadd.f32 v11, v13  }
0x1b7: {  	v10 =	vadd.f32 v12, v10;
	v12 =	vld [tilespmem:s30+$0x3138]  }
0x1b8: {  	v11 =	vadd.f32 v16, v11  }
0x1b9: {  	v9 =	vadd.f32 v9, v10;
	v10 =	vld [tilespmem:s30+$0x34BC]  }
0x1ba: {  	v11 =	vadd.f32 v14, v11  }
0x1bb: {  	v9 =	vadd.f32 v17, v9  }
0x1bc: {  	v11 =	vadd.f32 v12, v11  }
0x1bd: {  	v9 =	vadd.f32 v18, v9  }
0x1be: {  	v10 =	vadd.f32 v10, v11  }
0x1bf: {  	[tilespmem:s28+$0xFD00] =	vst v9  }
0x1c0: {  	[tilespmem:s30+$0xFD00] =	vst v10  }
0x1c1: {  	v9 =	vld [tilespmem:$0x1F94]  }
0x1c2: {  	v10 =	vld [tilespmem:$0x2318];
	_ =	sdelay $0x1  }
0x1c3: {  	v11 =	vld [tilespmem:$0x269C];
	_ =	sdelay $0x1  }
0x1c4: {  	v12 =	vld [tilespmem:$0x2A20]  }
0x1c5: {  	v9 =	vadd.f32 v10, v9  }
0x1c6: {  	v10 =	vld [tilespmem:$0x2DA4]  }
0x1c7: {  	v9 =	vadd.f32 v11, v9  }
0x1c8: {  	v11 =	vld [tilespmem:$0x3128]  }
0x1c9: {  	v9 =	vadd.f32 v12, v9  }
0x1ca: {  	v12 =	vld [tilespmem:$0x34AC]  }
0x1cb: {  	v9 =	vadd.f32 v10, v9  }
0x1cc: {  	v10 =	vld [tilespmem:$0x3830]  }
0x1cd: {  	v9 =	vadd.f32 v11, v9;
	_ =	sdelay $0x1  }
0x1ce: {  	v9 =	vadd.f32 v12, v9;
	_ =	sdelay $0x1  }
0x1cf: {  	v9 =	vadd.f32 v10, v9;
	_ =	sdelay $0x1  }
0x1d0: {  	s28 =	simm.s32 $0x0;
	[tilespmem:$0x10074] =	vst v9  }
0x1d1: {  	v13 =	vld [tilespmem:s28+$0xFD00];
	_ =	sdelay $0x3  }
0x1d2: {  	v47 =	vimm.f32 $0.0e+00;
	v44 =	vimm.f32 $0.0e+00;
	v39 =	vimm.f32 $0.0e+00;
	v11 =	vld [tilespmem:s24+$0xFFFFFFF0]  }
0x1d3: {  	v42 =	vimm.f32 $0.0e+00;
	v30 =	vimm.f32 $0.0e+00;
	v10 =	vld [tilespmem:s24+$0x0];
	v14 =	vbroadcast v13, $0x0  }
0x1d4: {  	v40 =	vimm.f32 $0.0e+00;
	v21 =	vbroadcast v13, $0x3;
	v17 =	vbroadcast v13, $0x1  }
0x1d5: {  	v45 =	vimm.f32 $0.0e+00;
	v9 =	vld [tilespmem:s24+$0xFFFFFFE0];
	v43 =	vbroadcast v13, $0x2;
	v27 =	vbroadcast v13, $0x4  }
0x1d6: {  	v31 =	vimm.f32 $0.0e+00;
	v12 =	vld [tilespmem:s24+$0xFFFFFFD0];
	v16 =	vbroadcast v13, $0x6;
	v20 =	vbroadcast v13, $0x7  }
0x1d7: {  	v35 =	vimm.f32 $0.0e+00;
	v48 =	vbroadcast v13, $0x5;
	v25 =	vmul.f32 v21, v11  }
0x1d8: {  	v46 =	vimm.f32 $0.0e+00;
	v18 =	vmul.f32 v14, v10;
	v19 =	vmul.f32 v17, v11  }
0x1d9: {  	v36 =	vimm.f32 $0.0e+00;
	v22 =	vmul.f32 v14, v11;
	v53 =	vmul.f32 v17, v10  }
0x1da: {  	v51 =	vimm.f32 $0.0e+00;
	v24 =	vmul.f32 v16, v9;
	v52 =	vmul.f32 v17, v9  }
0x1db: {  	v37 =	vimm.f32 $0.0e+00;
	v26 =	vmul.f32 v27, v11;
	v49 =	vmul.f32 v43, v12  }
0x1dc: {  	v50 =	vimm.f32 $0.0e+00;
	v28 =	vmul.f32 v43, v9;
	v54 =	vmul.f32 v27, v9  }
0x1dd: {  	v15 =	vimm.f32 $0.0e+00;
	v57 =	vmul.f32 v21, v12;
	v55 =	vmul.f32 v43, v10  }
0x1de: {  	v56 =	vmul.f32 v27, v12;
	v29 =	vadd.f32 v18, v15;
	v18 =	vmul.f32 v14, v9  }
0x1df: {  	v23 =	vadd.f32 v19, v15;
	v14 =	vmul.f32 v14, v12;
	v19 =	vmul.f32 v17, v12  }
0x1e0: {  	v32 =	vadd.f32 v22, v15;
	v22 =	vmul.f32 v20, v12;
	v17 =	vadd.f32 v24, v15  }
0x1e1: {  	v24 =	vmul.f32 v27, v10;
	v26 =	vadd.f32 v26, v15;
	v41 =	vadd.f32 v28, v15  }
0x1e2: {  	v34 =	vadd.f32 v18, v15;
	v33 =	vadd.f32 v19, v15;
	v18 =	vmul.f32 v21, v10  }
0x1e3: {  	v19 =	vmul.f32 v20, v11;
	v38 =	vadd.f32 v14, v15;
	v14 =	vmul.f32 v20, v10  }
0x1e4: {  	v13 =	vadd.f32 v22, v15;
	v22 =	vadd.f32 v18, v15;
	v18 =	vmul.f32 v16, v11  }
0x1e5: {  	v27 =	vimm.f32 $0.0e+00;
	v24 =	vadd.f32 v24, v15;
	v14 =	vadd.f32 v14, v15  }
0x1e6: {  	s29 =	sadd.s32 $0x80, s24;
	s28 =	simm.s32 $0x78;
	v28 =	vimm.f32 $0.0e+00;
	v19 =	vadd.f32 v19, v15;
	v18 =	vadd.f32 v18, v15  }
.LBB2_15:
0x1e7: {  	v58 =	vld [tilespmem:s29+$0x0];
	s30 =	sshra.s32 s28, $0x2;
	p0 =	sne.s32 s28, $0xD98;
	s28 =	sadd.s32 $0x78, s28;
	v43 =	vmul.f32 v43, v11;
	v15 =	vadd.f32 v57, v15;
	v57 =	vmul.f32 v48, v12  }
0x1e8: {  	v47 =	vadd.f32 v53, v47;
	v53 =	vmul.f32 v48, v9;
	v60 =	vmul.f32 v16, v12;
	v59 =	vld [tilespmem:s30+$0xFD00]  }
0x1e9: {  	v39 =	vadd.f32 v56, v39;
	v44 =	vadd.f32 v43, v44;
	v43 =	vmul.f32 v48, v11;
	v11 =	vld [tilespmem:s29+$0xFFFFFFF0]  }
0x1ea: {  	v42 =	vadd.f32 v25, v42;
	v48 =	vmul.f32 v48, v10;
	v30 =	vadd.f32 v60, v30;
	v12 =	vld [tilespmem:s29+$0xFFFFFFD0]  }
0x1eb: {  	v40 =	vadd.f32 v54, v40;
	v20 =	vmul.f32 v20, v9;
	v56 =	vmul.f32 v21, v9;
	v9 =	vld [tilespmem:s29+$0xFFFFFFE0]  }
0x1ec: {  	v16 =	vmul.f32 v16, v10;
	v45 =	vadd.f32 v55, v45;
	v31 =	vadd.f32 v43, v31;
	v10 =	vmovc v58  }
0x1ed: {  	v35 =	vadd.f32 v57, v35;
	v54 =	vbroadcast v59, $0x0;
	v21 =	vbroadcast v59, $0x3  }
0x1ee: {  	v27 =	vadd.f32 v16, v27;
	v55 =	vbroadcast v59, $0x1;
	v43 =	vbroadcast v59, $0x2  }
0x1ef: {  	v46 =	vadd.f32 v56, v46;
	v58 =	vbroadcast v59, $0x4;
	v25 =	vmul.f32 v21, v11  }
0x1f0: {  	v36 =	vadd.f32 v53, v36;
	v16 =	vbroadcast v59, $0x6;
	v56 =	vmul.f32 v54, v10  }
0x1f1: {  	v28 =	vadd.f32 v20, v28;
	v53 =	vmul.f32 v54, v11;
	v57 =	vmul.f32 v55, v11  }
0x1f2: {  	v51 =	vadd.f32 v52, v51;
	v20 =	vbroadcast v59, $0x7;
	v29 =	vadd.f32 v56, v29  }
0x1f3: {  	v37 =	vadd.f32 v48, v37;
	v52 =	vmul.f32 v54, v9;
	v23 =	vadd.f32 v57, v23  }
0x1f4: {  	v50 =	vadd.f32 v49, v50;
	v48 =	vmul.f32 v54, v12;
	v54 =	vmul.f32 v55, v12  }
0x1f5: {  	v49 =	vmul.f32 v20, v12;
	v32 =	vadd.f32 v53, v32;
	v53 =	vmul.f32 v55, v10  }
0x1f6: {  	v56 =	vmul.f32 v20, v11;
	v34 =	vadd.f32 v52, v34;
	v33 =	vadd.f32 v54, v33  }
0x1f7: {  	v38 =	vadd.f32 v48, v38;
	v52 =	vmul.f32 v21, v10;
	v54 =	vmul.f32 v20, v10  }
0x1f8: {  	v48 =	vbroadcast v59, $0x5;
	v57 =	vmul.f32 v16, v9;
	v13 =	vadd.f32 v49, v13  }
0x1f9: {  	v59 =	vmul.f32 v16, v11;
	v22 =	vadd.f32 v52, v22;
	v14 =	vadd.f32 v54, v14  }
.Ltmp6:
0x1fa: {  	v17 =	vadd.f32 v57, v17;
	v52 =	vmul.f32 v55, v9;
	v55 =	vmul.f32 v58, v11;
	(pc) =	sbr.rel @p0 .LBB2_15-.Ltmp6, $4  }
0x1fb: {  	v60 =	vmul.f32 v58, v10;
	v49 =	vmul.f32 v43, v12;
	v18 =	vadd.f32 v59, v18  }
0x1fc: {  	v59 =	vmul.f32 v43, v9;
	v54 =	vmul.f32 v58, v9;
	v26 =	vadd.f32 v55, v26  }
0x1fd: {  	v24 =	vadd.f32 v60, v24;
	v57 =	vmul.f32 v21, v12;
	v19 =	vadd.f32 v56, v19  }
0x1fe: {  	s29 =	sadd.s32 $0x80, s29;
	v56 =	vmul.f32 v58, v12;
	v41 =	vadd.f32 v59, v41;
	v55 =	vmul.f32 v43, v10  }
0x1ff: {  	[tilespmem:$0x10880] =	vst v38  }
0x200: {  	[tilespmem:$0x10890] =	vst v34  }
0x201: {  	[tilespmem:$0x108A0] =	vst v32  }
0x202: {  	[tilespmem:$0x108B0] =	vst v29  }
0x203: {  	[tilespmem:$0x108C0] =	vst v33  }
0x204: {  	[tilespmem:$0x108E0] =	vst v23  }
0x205: {  	[tilespmem:$0x10970] =	vst v22  }
0x206: {  	[tilespmem:$0x109A0] =	vst v26  }
0x207: {  	[tilespmem:$0x109B0] =	vst v24  }
0x208: {  	[tilespmem:$0x10A10] =	vst v17  }
0x209: {  	[tilespmem:$0x10A20] =	vst v18  }
0x20a: {  	[tilespmem:$0x10A40] =	vst v13  }
0x20b: {  	[tilespmem:$0x10A60] =	vst v19  }
0x20c: {  	v61 =	vadd.f32 v52, v51;
	[tilespmem:$0x10A70] =	vst v14  }
0x20d: {  	v29 =	vadd.f32 v53, v47;
	[tilespmem:$0x10910] =	vst v41  }
0x20e: {  	v62 =	vmul.f32 v43, v11;
	v63 =	vadd.f32 v49, v50;
	[tilespmem:$0x108D0] =	vst v61  }
0x20f: {  	v15 =	vadd.f32 v57, v15;
	[tilespmem:$0x108F0] =	vst v29  }
0x210: {  	v21 =	vmul.f32 v21, v9;
	v23 =	vadd.f32 v62, v44;
	[tilespmem:$0x10900] =	vst v63  }
0x211: {  	v29 =	vadd.f32 v55, v45;
	[tilespmem:$0x10940] =	vst v15  }
0x212: {  	v11 =	vmul.f32 v48, v11;
	v21 =	vadd.f32 v21, v46;
	[tilespmem:$0x10920] =	vst v23  }
0x213: {  	v22 =	vmul.f32 v48, v12;
	v12 =	vmul.f32 v16, v12;
	v15 =	vadd.f32 v56, v39;
	[tilespmem:$0x10930] =	vst v29  }
0x214: {  	v11 =	vadd.f32 v11, v31;
	[tilespmem:$0x10950] =	vst v21  }
0x215: {  	v12 =	vadd.f32 v12, v30;
	[tilespmem:$0x10980] =	vst v15  }
0x216: {  	v21 =	vadd.f32 v54, v40;
	[tilespmem:$0x109E0] =	vst v11  }
0x217: {  	v23 =	vadd.f32 v25, v42;
	v15 =	vmul.f32 v48, v9;
	[tilespmem:$0x10A00] =	vst v12  }
0x218: {  	v9 =	vmul.f32 v20, v9;
	[tilespmem:$0x10990] =	vst v21;
	v21 =	vadd.f32 v22, v35  }
0x219: {  	[tilespmem:$0x10960] =	vst v23;
	v22 =	vmul.f32 v48, v10;
	v15 =	vadd.f32 v15, v36  }
0x21a: {  	v10 =	vmul.f32 v16, v10;
	v9 =	vadd.f32 v9, v28;
	[tilespmem:$0x109C0] =	vst v21  }
0x21b: {  	v21 =	vadd.f32 v22, v37;
	[tilespmem:$0x109D0] =	vst v15  }
0x21c: {  	v10 =	vadd.f32 v10, v27;
	[tilespmem:$0x10A50] =	vst v9  }
0x21d: {  	[tilespmem:$0x109F0] =	vst v21  }
0x21e: {  	s28 =	simm.s32 $0x8;
	[tilespmem:$0x10A30] =	vst v10  }
0x21f: {  	v13 =	vld [tilespmem:s28+$0xFD00];
	_ =	sdelay $0x3  }
0x220: {  	v19 =	vimm.f32 $0.0e+00;
	v47 =	vimm.f32 $0.0e+00;
	v43 =	vimm.f32 $0.0e+00;
	v11 =	vld [tilespmem:s24+$0xFFFFFFF0]  }
0x221: {  	v51 =	vimm.f32 $0.0e+00;
	v50 =	vimm.f32 $0.0e+00;
	v10 =	vld [tilespmem:s24+$0x0];
	v14 =	vbroadcast v13, $0x0  }
0x222: {  	v44 =	vimm.f32 $0.0e+00;
	v21 =	vbroadcast v13, $0x3;
	v16 =	vbroadcast v13, $0x1  }
0x223: {  	v39 =	vimm.f32 $0.0e+00;
	v9 =	vld [tilespmem:s24+$0xFFFFFFE0];
	v42 =	vbroadcast v13, $0x2;
	v27 =	vbroadcast v13, $0x4  }
0x224: {  	v30 =	vimm.f32 $0.0e+00;
	v12 =	vld [tilespmem:s24+$0xFFFFFFD0];
	v15 =	vbroadcast v13, $0x6;
	v20 =	vbroadcast v13, $0x7  }
0x225: {  	v45 =	vimm.f32 $0.0e+00;
	v48 =	vbroadcast v13, $0x5;
	v25 =	vmul.f32 v21, v11  }
0x226: {  	v31 =	vimm.f32 $0.0e+00;
	v17 =	vmul.f32 v14, v10;
	v18 =	vmul.f32 v16, v11  }
0x227: {  	v46 =	vimm.f32 $0.0e+00;
	v22 =	vmul.f32 v14, v11;
	v53 =	vmul.f32 v16, v10  }
0x228: {  	v40 =	vimm.f32 $0.0e+00;
	v24 =	vmul.f32 v15, v9;
	v52 =	vmul.f32 v16, v9  }
0x229: {  	v35 =	vimm.f32 $0.0e+00;
	v26 =	vmul.f32 v27, v11;
	v49 =	vmul.f32 v42, v12  }
0x22a: {  	v36 =	vimm.f32 $0.0e+00;
	v28 =	vmul.f32 v42, v9;
	v54 =	vmul.f32 v27, v9  }
0x22b: {  	v37 =	vimm.f32 $0.0e+00;
	v57 =	vmul.f32 v21, v12;
	v55 =	vmul.f32 v42, v10  }
0x22c: {  	v56 =	vmul.f32 v27, v12;
	v29 =	vadd.f32 v17, v19;
	v17 =	vmul.f32 v14, v9  }
0x22d: {  	v23 =	vadd.f32 v18, v19;
	v14 =	vmul.f32 v14, v12;
	v18 =	vmul.f32 v16, v12  }
0x22e: {  	v32 =	vadd.f32 v22, v19;
	v22 =	vmul.f32 v20, v12;
	v16 =	vadd.f32 v24, v19  }
0x22f: {  	v24 =	vmul.f32 v27, v10;
	v26 =	vadd.f32 v26, v19;
	v41 =	vadd.f32 v28, v19  }
0x230: {  	v34 =	vadd.f32 v17, v19;
	v33 =	vadd.f32 v18, v19;
	v17 =	vmul.f32 v21, v10  }
0x231: {  	v18 =	vmul.f32 v20, v11;
	v38 =	vadd.f32 v14, v19;
	v14 =	vmul.f32 v20, v10  }
0x232: {  	v13 =	vadd.f32 v22, v19;
	v22 =	vadd.f32 v17, v19;
	v17 =	vmul.f32 v15, v11  }
0x233: {  	v27 =	vimm.f32 $0.0e+00;
	v24 =	vadd.f32 v24, v19;
	v14 =	vadd.f32 v14, v19  }
0x234: {  	s29 =	sadd.s32 $0x80, s24;
	s28 =	simm.s32 $0x98;
	v28 =	vimm.f32 $0.0e+00;
	v18 =	vadd.f32 v18, v19;
	v17 =	vadd.f32 v17, v19  }
.LBB2_17:
0x235: {  	v58 =	vld [tilespmem:s29+$0x0];
	s30 =	sshra.s32 s28, $0x2;
	p0 =	sne.s32 s28, $0xDB8;
	s28 =	sadd.s32 $0x78, s28;
	v42 =	vmul.f32 v42, v11;
	v19 =	vadd.f32 v57, v19;
	v57 =	vmul.f32 v48, v12  }
0x236: {  	v47 =	vadd.f32 v53, v47;
	v53 =	vmul.f32 v48, v9;
	v60 =	vmul.f32 v15, v12;
	v59 =	vld [tilespmem:s30+$0xFD00]  }
0x237: {  	v39 =	vadd.f32 v56, v39;
	v44 =	vadd.f32 v42, v44;
	v42 =	vmul.f32 v48, v11;
	v11 =	vld [tilespmem:s29+$0xFFFFFFF0]  }
0x238: {  	v43 =	vadd.f32 v25, v43;
	v48 =	vmul.f32 v48, v10;
	v30 =	vadd.f32 v60, v30;
	v12 =	vld [tilespmem:s29+$0xFFFFFFD0]  }
0x239: {  	v40 =	vadd.f32 v54, v40;
	v20 =	vmul.f32 v20, v9;
	v56 =	vmul.f32 v21, v9;
	v9 =	vld [tilespmem:s29+$0xFFFFFFE0]  }
0x23a: {  	v15 =	vmul.f32 v15, v10;
	v45 =	vadd.f32 v55, v45;
	v31 =	vadd.f32 v42, v31;
	v10 =	vmovc v58  }
0x23b: {  	v35 =	vadd.f32 v57, v35;
	v54 =	vbroadcast v59, $0x0;
	v21 =	vbroadcast v59, $0x3  }
0x23c: {  	v27 =	vadd.f32 v15, v27;
	v55 =	vbroadcast v59, $0x1;
	v42 =	vbroadcast v59, $0x2  }
0x23d: {  	v46 =	vadd.f32 v56, v46;
	v58 =	vbroadcast v59, $0x4;
	v25 =	vmul.f32 v21, v11  }
0x23e: {  	v36 =	vadd.f32 v53, v36;
	v15 =	vbroadcast v59, $0x6;
	v56 =	vmul.f32 v54, v10  }
0x23f: {  	v28 =	vadd.f32 v20, v28;
	v53 =	vmul.f32 v54, v11;
	v57 =	vmul.f32 v55, v11  }
0x240: {  	v51 =	vadd.f32 v52, v51;
	v20 =	vbroadcast v59, $0x7;
	v29 =	vadd.f32 v56, v29  }
0x241: {  	v37 =	vadd.f32 v48, v37;
	v52 =	vmul.f32 v54, v9;
	v23 =	vadd.f32 v57, v23  }
0x242: {  	v50 =	vadd.f32 v49, v50;
	v48 =	vmul.f32 v54, v12;
	v54 =	vmul.f32 v55, v12  }
0x243: {  	v49 =	vmul.f32 v20, v12;
	v32 =	vadd.f32 v53, v32;
	v53 =	vmul.f32 v55, v10  }
0x244: {  	v56 =	vmul.f32 v20, v11;
	v34 =	vadd.f32 v52, v34;
	v33 =	vadd.f32 v54, v33  }
0x245: {  	v38 =	vadd.f32 v48, v38;
	v52 =	vmul.f32 v21, v10;
	v54 =	vmul.f32 v20, v10  }
0x246: {  	v48 =	vbroadcast v59, $0x5;
	v57 =	vmul.f32 v15, v9;
	v13 =	vadd.f32 v49, v13  }
0x247: {  	v59 =	vmul.f32 v15, v11;
	v22 =	vadd.f32 v52, v22;
	v14 =	vadd.f32 v54, v14  }
.Ltmp7:
0x248: {  	v16 =	vadd.f32 v57, v16;
	v52 =	vmul.f32 v55, v9;
	v55 =	vmul.f32 v58, v11;
	(pc) =	sbr.rel @p0 .LBB2_17-.Ltmp7, $4  }
0x249: {  	v60 =	vmul.f32 v58, v10;
	v49 =	vmul.f32 v42, v12;
	v17 =	vadd.f32 v59, v17  }
0x24a: {  	v59 =	vmul.f32 v42, v9;
	v54 =	vmul.f32 v58, v9;
	v26 =	vadd.f32 v55, v26  }
0x24b: {  	v24 =	vadd.f32 v60, v24;
	v57 =	vmul.f32 v21, v12;
	v18 =	vadd.f32 v56, v18  }
0x24c: {  	s29 =	sadd.s32 $0x80, s29;
	v56 =	vmul.f32 v58, v12;
	v41 =	vadd.f32 v59, v41;
	v55 =	vmul.f32 v42, v10  }
0x24d: {  	[tilespmem:$0x10A80] =	vst v38  }
0x24e: {  	[tilespmem:$0x10A90] =	vst v34  }
0x24f: {  	[tilespmem:$0x10AA0] =	vst v32  }
0x250: {  	[tilespmem:$0x10AB0] =	vst v29  }
0x251: {  	[tilespmem:$0x10AC0] =	vst v33  }
0x252: {  	[tilespmem:$0x10AE0] =	vst v23  }
0x253: {  	[tilespmem:$0x10B70] =	vst v22  }
0x254: {  	[tilespmem:$0x10BA0] =	vst v26  }
0x255: {  	[tilespmem:$0x10BB0] =	vst v24  }
0x256: {  	[tilespmem:$0x10C10] =	vst v16  }
0x257: {  	[tilespmem:$0x10C20] =	vst v17  }
0x258: {  	[tilespmem:$0x10C40] =	vst v13  }
0x259: {  	[tilespmem:$0x10C60] =	vst v18  }
0x25a: {  	v61 =	vadd.f32 v52, v51;
	[tilespmem:$0x10C70] =	vst v14  }
0x25b: {  	v29 =	vadd.f32 v53, v47;
	[tilespmem:$0x10B10] =	vst v41  }
0x25c: {  	v62 =	vmul.f32 v42, v11;
	v63 =	vadd.f32 v49, v50;
	[tilespmem:$0x10AD0] =	vst v61  }
0x25d: {  	v19 =	vadd.f32 v57, v19;
	[tilespmem:$0x10AF0] =	vst v29  }
0x25e: {  	v21 =	vmul.f32 v21, v9;
	v23 =	vadd.f32 v62, v44;
	[tilespmem:$0x10B00] =	vst v63  }
0x25f: {  	v29 =	vadd.f32 v55, v45;
	[tilespmem:$0x10B40] =	vst v19  }
0x260: {  	v11 =	vmul.f32 v48, v11;
	v21 =	vadd.f32 v21, v46;
	[tilespmem:$0x10B20] =	vst v23  }
0x261: {  	v22 =	vmul.f32 v48, v12;
	v12 =	vmul.f32 v15, v12;
	v19 =	vadd.f32 v56, v39;
	[tilespmem:$0x10B30] =	vst v29  }
0x262: {  	v11 =	vadd.f32 v11, v31;
	[tilespmem:$0x10B50] =	vst v21  }
0x263: {  	v12 =	vadd.f32 v12, v30;
	[tilespmem:$0x10B80] =	vst v19  }
0x264: {  	v21 =	vadd.f32 v54, v40;
	[tilespmem:$0x10BE0] =	vst v11  }
0x265: {  	v23 =	vadd.f32 v25, v43;
	v19 =	vmul.f32 v48, v9;
	[tilespmem:$0x10C00] =	vst v12  }
0x266: {  	v9 =	vmul.f32 v20, v9;
	[tilespmem:$0x10B90] =	vst v21;
	v21 =	vadd.f32 v22, v35  }
0x267: {  	[tilespmem:$0x10B60] =	vst v23;
	v22 =	vmul.f32 v48, v10;
	v19 =	vadd.f32 v19, v36  }
0x268: {  	v10 =	vmul.f32 v15, v10;
	v9 =	vadd.f32 v9, v28;
	[tilespmem:$0x10BC0] =	vst v21  }
0x269: {  	v21 =	vadd.f32 v22, v37;
	[tilespmem:$0x10BD0] =	vst v19  }
0x26a: {  	v10 =	vadd.f32 v10, v27;
	[tilespmem:$0x10C50] =	vst v9  }
0x26b: {  	[tilespmem:$0x10BF0] =	vst v21  }
0x26c: {  	s28 =	simm.s32 $0x10;
	[tilespmem:$0x10C30] =	vst v10  }
0x26d: {  	v13 =	vld [tilespmem:s28+$0xFD00];
	_ =	sdelay $0x3  }
0x26e: {  	v47 =	vimm.f32 $0.0e+00;
	v51 =	vimm.f32 $0.0e+00;
	v50 =	vimm.f32 $0.0e+00;
	v11 =	vld [tilespmem:s24+$0xFFFFFFF0]  }
0x26f: {  	v44 =	vimm.f32 $0.0e+00;
	v39 =	vimm.f32 $0.0e+00;
	v10 =	vld [tilespmem:s24+$0x0];
	v14 =	vbroadcast v13, $0x0  }
0x270: {  	v30 =	vimm.f32 $0.0e+00;
	v21 =	vbroadcast v13, $0x3;
	v16 =	vbroadcast v13, $0x1  }
0x271: {  	v45 =	vimm.f32 $0.0e+00;
	v9 =	vld [tilespmem:s24+$0xFFFFFFE0];
	v42 =	vbroadcast v13, $0x2;
	v27 =	vbroadcast v13, $0x4  }
0x272: {  	v31 =	vimm.f32 $0.0e+00;
	v12 =	vld [tilespmem:s24+$0xFFFFFFD0];
	v15 =	vbroadcast v13, $0x6;
	v20 =	vbroadcast v13, $0x7  }
0x273: {  	v46 =	vimm.f32 $0.0e+00;
	v48 =	vbroadcast v13, $0x5;
	v25 =	vmul.f32 v21, v11  }
0x274: {  	v43 =	vimm.f32 $0.0e+00;
	v17 =	vmul.f32 v14, v10;
	v18 =	vmul.f32 v16, v11  }
0x275: {  	v40 =	vimm.f32 $0.0e+00;
	v22 =	vmul.f32 v14, v11;
	v53 =	vmul.f32 v16, v10  }
0x276: {  	v35 =	vimm.f32 $0.0e+00;
	v24 =	vmul.f32 v15, v9;
	v52 =	vmul.f32 v16, v9  }
0x277: {  	v36 =	vimm.f32 $0.0e+00;
	v26 =	vmul.f32 v27, v11;
	v49 =	vmul.f32 v42, v12  }
0x278: {  	v19 =	vimm.f32 $0.0e+00;
	v28 =	vmul.f32 v42, v9;
	v54 =	vmul.f32 v27, v9  }
0x279: {  	v37 =	vimm.f32 $0.0e+00;
	v57 =	vmul.f32 v21, v12;
	v55 =	vmul.f32 v42, v10  }
0x27a: {  	v56 =	vmul.f32 v27, v12;
	v29 =	vadd.f32 v17, v19;
	v17 =	vmul.f32 v14, v9  }
0x27b: {  	v23 =	vadd.f32 v18, v19;
	v14 =	vmul.f32 v14, v12;
	v18 =	vmul.f32 v16, v12  }
0x27c: {  	v32 =	vadd.f32 v22, v19;
	v22 =	vmul.f32 v20, v12;
	v16 =	vadd.f32 v24, v19  }
0x27d: {  	v24 =	vmul.f32 v27, v10;
	v26 =	vadd.f32 v26, v19;
	v41 =	vadd.f32 v28, v19  }
0x27e: {  	v34 =	vadd.f32 v17, v19;
	v33 =	vadd.f32 v18, v19;
	v17 =	vmul.f32 v21, v10  }
0x27f: {  	v18 =	vmul.f32 v20, v11;
	v38 =	vadd.f32 v14, v19;
	v14 =	vmul.f32 v20, v10  }
0x280: {  	v13 =	vadd.f32 v22, v19;
	v22 =	vadd.f32 v17, v19;
	v17 =	vmul.f32 v15, v11  }
0x281: {  	v27 =	vimm.f32 $0.0e+00;
	v24 =	vadd.f32 v24, v19;
	v14 =	vadd.f32 v14, v19  }
0x282: {  	s29 =	sadd.s32 $0x80, s24;
	s28 =	simm.s32 $0xB8;
	v28 =	vimm.f32 $0.0e+00;
	v18 =	vadd.f32 v18, v19;
	v17 =	vadd.f32 v17, v19  }
.LBB2_19:
0x283: {  	v58 =	vld [tilespmem:s29+$0x0];
	s30 =	sshra.s32 s28, $0x2;
	p0 =	sne.s32 s28, $0xDD8;
	s28 =	sadd.s32 $0x78, s28;
	v42 =	vmul.f32 v42, v11;
	v19 =	vadd.f32 v57, v19;
	v57 =	vmul.f32 v48, v12  }
0x284: {  	v47 =	vadd.f32 v53, v47;
	v53 =	vmul.f32 v48, v9;
	v60 =	vmul.f32 v15, v12;
	v59 =	vld [tilespmem:s30+$0xFD00]  }
0x285: {  	v39 =	vadd.f32 v56, v39;
	v44 =	vadd.f32 v42, v44;
	v42 =	vmul.f32 v48, v11;
	v11 =	vld [tilespmem:s29+$0xFFFFFFF0]  }
0x286: {  	v43 =	vadd.f32 v25, v43;
	v48 =	vmul.f32 v48, v10;
	v30 =	vadd.f32 v60, v30;
	v12 =	vld [tilespmem:s29+$0xFFFFFFD0]  }
0x287: {  	v40 =	vadd.f32 v54, v40;
	v20 =	vmul.f32 v20, v9;
	v56 =	vmul.f32 v21, v9;
	v9 =	vld [tilespmem:s29+$0xFFFFFFE0]  }
0x288: {  	v15 =	vmul.f32 v15, v10;
	v45 =	vadd.f32 v55, v45;
	v31 =	vadd.f32 v42, v31;
	v10 =	vmovc v58  }
0x289: {  	v35 =	vadd.f32 v57, v35;
	v54 =	vbroadcast v59, $0x0;
	v21 =	vbroadcast v59, $0x3  }
0x28a: {  	v27 =	vadd.f32 v15, v27;
	v55 =	vbroadcast v59, $0x1;
	v42 =	vbroadcast v59, $0x2  }
0x28b: {  	v46 =	vadd.f32 v56, v46;
	v58 =	vbroadcast v59, $0x4;
	v25 =	vmul.f32 v21, v11  }
0x28c: {  	v36 =	vadd.f32 v53, v36;
	v15 =	vbroadcast v59, $0x6;
	v56 =	vmul.f32 v54, v10  }
0x28d: {  	v28 =	vadd.f32 v20, v28;
	v53 =	vmul.f32 v54, v11;
	v57 =	vmul.f32 v55, v11  }
0x28e: {  	v51 =	vadd.f32 v52, v51;
	v20 =	vbroadcast v59, $0x7;
	v29 =	vadd.f32 v56, v29  }
0x28f: {  	v37 =	vadd.f32 v48, v37;
	v52 =	vmul.f32 v54, v9;
	v23 =	vadd.f32 v57, v23  }
0x290: {  	v50 =	vadd.f32 v49, v50;
	v48 =	vmul.f32 v54, v12;
	v54 =	vmul.f32 v55, v12  }
0x291: {  	v49 =	vmul.f32 v20, v12;
	v32 =	vadd.f32 v53, v32;
	v53 =	vmul.f32 v55, v10  }
0x292: {  	v56 =	vmul.f32 v20, v11;
	v34 =	vadd.f32 v52, v34;
	v33 =	vadd.f32 v54, v33  }
0x293: {  	v38 =	vadd.f32 v48, v38;
	v52 =	vmul.f32 v21, v10;
	v54 =	vmul.f32 v20, v10  }
0x294: {  	v48 =	vbroadcast v59, $0x5;
	v57 =	vmul.f32 v15, v9;
	v13 =	vadd.f32 v49, v13  }
0x295: {  	v59 =	vmul.f32 v15, v11;
	v22 =	vadd.f32 v52, v22;
	v14 =	vadd.f32 v54, v14  }
.Ltmp8:
0x296: {  	v16 =	vadd.f32 v57, v16;
	v52 =	vmul.f32 v55, v9;
	v55 =	vmul.f32 v58, v11;
	(pc) =	sbr.rel @p0 .LBB2_19-.Ltmp8, $4  }
0x297: {  	v60 =	vmul.f32 v58, v10;
	v49 =	vmul.f32 v42, v12;
	v17 =	vadd.f32 v59, v17  }
0x298: {  	v59 =	vmul.f32 v42, v9;
	v54 =	vmul.f32 v58, v9;
	v26 =	vadd.f32 v55, v26  }
0x299: {  	v24 =	vadd.f32 v60, v24;
	v57 =	vmul.f32 v21, v12;
	v18 =	vadd.f32 v56, v18  }
0x29a: {  	s29 =	sadd.s32 $0x80, s29;
	v56 =	vmul.f32 v58, v12;
	v41 =	vadd.f32 v59, v41;
	v55 =	vmul.f32 v42, v10  }
0x29b: {  	[tilespmem:$0x10C80] =	vst v38  }
0x29c: {  	[tilespmem:$0x10C90] =	vst v34  }
0x29d: {  	[tilespmem:$0x10CA0] =	vst v32  }
0x29e: {  	[tilespmem:$0x10CB0] =	vst v29  }
0x29f: {  	[tilespmem:$0x10CC0] =	vst v33  }
0x2a0: {  	[tilespmem:$0x10CE0] =	vst v23  }
0x2a1: {  	[tilespmem:$0x10D70] =	vst v22  }
0x2a2: {  	[tilespmem:$0x10DA0] =	vst v26  }
0x2a3: {  	[tilespmem:$0x10DB0] =	vst v24  }
0x2a4: {  	[tilespmem:$0x10E10] =	vst v16  }
0x2a5: {  	[tilespmem:$0x10E20] =	vst v17  }
0x2a6: {  	[tilespmem:$0x10E40] =	vst v13  }
0x2a7: {  	[tilespmem:$0x10E60] =	vst v18  }
0x2a8: {  	v61 =	vadd.f32 v52, v51;
	[tilespmem:$0x10E70] =	vst v14  }
0x2a9: {  	v29 =	vadd.f32 v53, v47;
	[tilespmem:$0x10D10] =	vst v41  }
0x2aa: {  	v62 =	vmul.f32 v42, v11;
	v63 =	vadd.f32 v49, v50;
	[tilespmem:$0x10CD0] =	vst v61  }
0x2ab: {  	v19 =	vadd.f32 v57, v19;
	[tilespmem:$0x10CF0] =	vst v29  }
0x2ac: {  	v21 =	vmul.f32 v21, v9;
	v23 =	vadd.f32 v62, v44;
	[tilespmem:$0x10D00] =	vst v63  }
0x2ad: {  	v29 =	vadd.f32 v55, v45;
	[tilespmem:$0x10D40] =	vst v19  }
0x2ae: {  	v11 =	vmul.f32 v48, v11;
	v21 =	vadd.f32 v21, v46;
	[tilespmem:$0x10D20] =	vst v23  }
0x2af: {  	v22 =	vmul.f32 v48, v12;
	v12 =	vmul.f32 v15, v12;
	v19 =	vadd.f32 v56, v39;
	[tilespmem:$0x10D30] =	vst v29  }
0x2b0: {  	v11 =	vadd.f32 v11, v31;
	[tilespmem:$0x10D50] =	vst v21  }
0x2b1: {  	v12 =	vadd.f32 v12, v30;
	[tilespmem:$0x10D80] =	vst v19  }
0x2b2: {  	v21 =	vadd.f32 v54, v40;
	[tilespmem:$0x10DE0] =	vst v11  }
0x2b3: {  	v23 =	vadd.f32 v25, v43;
	v19 =	vmul.f32 v48, v9;
	[tilespmem:$0x10E00] =	vst v12  }
0x2b4: {  	v9 =	vmul.f32 v20, v9;
	[tilespmem:$0x10D90] =	vst v21;
	v21 =	vadd.f32 v22, v35  }
0x2b5: {  	[tilespmem:$0x10D60] =	vst v23;
	v22 =	vmul.f32 v48, v10;
	v19 =	vadd.f32 v19, v36  }
0x2b6: {  	v10 =	vmul.f32 v15, v10;
	v9 =	vadd.f32 v9, v28;
	[tilespmem:$0x10DC0] =	vst v21  }
0x2b7: {  	v21 =	vadd.f32 v22, v37;
	[tilespmem:$0x10DD0] =	vst v19  }
0x2b8: {  	v10 =	vadd.f32 v10, v27;
	[tilespmem:$0x10E50] =	vst v9  }
0x2b9: {  	[tilespmem:$0x10DF0] =	vst v21  }
0x2ba: {  	s28 =	simm.s32 $0x18;
	[tilespmem:$0x10E30] =	vst v10  }
0x2bb: {  	v11 =	vld [tilespmem:s28+$0xFD00];
	_ =	sdelay $0x1  }
0x2bc: {  	v10 =	vld [tilespmem:s24+$0x0]  }
0x2bd: {  	v17 =	vld [tilespmem:s24+$0xFFFFFFD0]  }
0x2be: {  	v33 =	vimm.f32 $0.0e+00;
	v38 =	vimm.f32 $0.0e+00;
	v32 =	vimm.f32 $0.0e+00;
	v21 =	vld [tilespmem:s24+$0xFFFFFFF0]  }
0x2bf: {  	v42 =	vimm.f32 $0.0e+00;
	v12 =	vld [tilespmem:s24+$0xFFFFFFE0];
	v13 =	vbroadcast v11, $0x0;
	v34 =	vbroadcast v11, $0x1  }
0x2c0: {  	v41 =	vimm.f32 $0.0e+00;
	v20 =	vbroadcast v11, $0x3;
	v27 =	vbroadcast v11, $0x2  }
0x2c1: {  	v30 =	vimm.f32 $0.0e+00;
	v18 =	vbroadcast v11, $0x5;
	v14 =	vbroadcast v11, $0x4  }
0x2c2: {  	v40 =	vimm.f32 $0.0e+00;
	v15 =	vmul.f32 v34, v10;
	v11 =	vmul.f32 v13, v17  }
0x2c3: {  	v29 =	vimm.f32 $0.0e+00;
	v16 =	vmul.f32 v13, v21;
	v23 =	vmul.f32 v18, v21  }
0x2c4: {  	v36 =	vimm.f32 $0.0e+00;
	v22 =	vmul.f32 v14, v21;
	v24 =	vmul.f32 v27, v12  }
0x2c5: {  	v35 =	vimm.f32 $0.0e+00;
	v25 =	vmul.f32 v20, v10;
	v43 =	vmul.f32 v18, v17  }
0x2c6: {  	v9 =	vimm.f32 $0.0e+00;
	v44 =	vmul.f32 v13, v10;
	v46 =	vmul.f32 v13, v12  }
0x2c7: {  	v37 =	vimm.f32 $0.0e+00;
	v45 =	vmul.f32 v27, v21;
	v39 =	vmul.f32 v14, v12  }
0x2c8: {  	v19 =	vadd.f32 v15, v9;
	v28 =	vadd.f32 v16, v9;
	v16 =	vmul.f32 v27, v10  }
0x2c9: {  	v15 =	vmul.f32 v20, v21;
	v31 =	vadd.f32 v11, v9;
	v11 =	vadd.f32 v22, v9  }
0x2ca: {  	v26 =	vadd.f32 v24, v9;
	v22 =	vadd.f32 v16, v9;
	v16 =	vmul.f32 v18, v12  }
0x2cb: {  	v13 =	vadd.f32 v23, v9;
	v23 =	vadd.f32 v25, v9;
	v25 =	vimm.f32 $0.0e+00  }
0x2cc: {  	s29 =	sadd.s32 $0x80, s24;
	s28 =	simm.s32 $0xD8;
	v24 =	vimm.f32 $0.0e+00;
	v15 =	vadd.f32 v15, v9;
	v16 =	vadd.f32 v16, v9  }
.LBB2_21:
0x2cd: {  	v47 =	vld [tilespmem:s29+$0x0];
	s30 =	sshra.s32 s28, $0x2;
	p0 =	sne.s32 s28, $0xDF8;
	s28 =	sadd.s32 $0x78, s28;
	v48 =	vmul.f32 v34, v17;
	v49 =	vmul.f32 v20, v17;
	v9 =	vadd.f32 v43, v9  }
0x2ce: {  	v40 =	vadd.f32 v46, v40;
	v46 =	vmul.f32 v34, v21;
	v50 =	vmul.f32 v14, v10;
	v43 =	vld [tilespmem:s30+$0xFD00]  }
0x2cf: {  	v51 =	vmul.f32 v34, v12;
	v33 =	vadd.f32 v45, v33;
	v4 =	vmul.f32 v18, v10;
	v21 =	vld [tilespmem:s29+$0xFFFFFFF0]  }
0x2d0: {  	v45 =	vmul.f32 v20, v12;
	v38 =	vadd.f32 v48, v38;
	v36 =	vadd.f32 v46, v36;
	v12 =	vld [tilespmem:s29+$0xFFFFFFE0]  }
0x2d1: {  	v18 =	vmul.f32 v27, v17;
	v32 =	vadd.f32 v49, v32;
	v25 =	vadd.f32 v50, v25;
	v46 =	vld [tilespmem:s29+$0xFFFFFFD0]  }
0x2d2: {  	v41 =	vadd.f32 v44, v41;
	v14 =	vmul.f32 v14, v17;
	v24 =	vadd.f32 v4, v24;
	v10 =	vmovc v47  }
0x2d3: {  	v37 =	vadd.f32 v18, v37;
	v47 =	vbroadcast v43, $0x0;
	v20 =	vbroadcast v43, $0x3  }
0x2d4: {  	v29 =	vadd.f32 v14, v29;
	v34 =	vbroadcast v43, $0x1;
	v27 =	vbroadcast v43, $0x2  }
0x2d5: {  	v35 =	vadd.f32 v45, v35;
	v14 =	vbroadcast v43, $0x4;
	v18 =	vbroadcast v43, $0x5  }
0x2d6: {  	v30 =	vadd.f32 v39, v30;
	v44 =	vmul.f32 v34, v10;
	v43 =	vmul.f32 v47, v46;
	v17 =	vmovc v46  }
0x2d7: {  	v42 =	vadd.f32 v51, v42;
	v39 =	vmul.f32 v47, v21;
	v48 =	vmul.f32 v18, v21  }
0x2d8: {  	v45 =	vmul.f32 v14, v21;
	v19 =	vadd.f32 v44, v19;
	v44 =	vmul.f32 v20, v21  }
0x2d9: {  	v28 =	vadd.f32 v39, v28;
	v39 =	vmul.f32 v27, v10;
	v31 =	vadd.f32 v43, v31  }
.Ltmp9:
0x2da: {  	v46 =	vmul.f32 v27, v12;
	v11 =	vadd.f32 v45, v11;
	v15 =	vadd.f32 v44, v15;
	(pc) =	sbr.rel @p0 .LBB2_21-.Ltmp9, $4  }
0x2db: {  	v43 =	vmul.f32 v18, v17;
	v22 =	vadd.f32 v39, v22;
	v39 =	vmul.f32 v20, v10  }
0x2dc: {  	v49 =	vmul.f32 v18, v12;
	v26 =	vadd.f32 v46, v26;
	v44 =	vmul.f32 v47, v10  }
0x2dd: {  	v45 =	vmul.f32 v27, v21;
	v13 =	vadd.f32 v48, v13;
	v46 =	vmul.f32 v47, v12  }
0x2de: {  	s29 =	sadd.s32 $0x80, s29;
	v16 =	vadd.f32 v49, v16;
	v23 =	vadd.f32 v39, v23;
	v39 =	vmul.f32 v14, v12  }
0x2df: {  	[tilespmem:$0x10E80] =	vst v31  }
0x2e0: {  	[tilespmem:$0x10EA0] =	vst v28  }
0x2e1: {  	[tilespmem:$0x10EF0] =	vst v19  }
0x2e2: {  	[tilespmem:$0x10F10] =	vst v26  }
0x2e3: {  	[tilespmem:$0x10F30] =	vst v22  }
0x2e4: {  	[tilespmem:$0x10F60] =	vst v15  }
0x2e5: {  	[tilespmem:$0x10FA0] =	vst v11  }
0x2e6: {  	[tilespmem:$0x10FE0] =	vst v13  }
0x2e7: {  	v40 =	vadd.f32 v46, v40;
	[tilespmem:$0x10F70] =	vst v23  }
0x2e8: {  	v41 =	vadd.f32 v44, v41;
	[tilespmem:$0x10FD0] =	vst v16  }
0x2e9: {  	v55 =	vmul.f32 v34, v17;
	v9 =	vadd.f32 v43, v9;
	[tilespmem:$0x10E90] =	vst v40  }
0x2ea: {  	v31 =	vmul.f32 v34, v12;
	v15 =	vadd.f32 v39, v30;
	[tilespmem:$0x10EB0] =	vst v41  }
0x2eb: {  	v21 =	vmul.f32 v34, v21;
	v56 =	vadd.f32 v55, v38;
	[tilespmem:$0x10FC0] =	vst v9  }
0x2ec: {  	v27 =	vmul.f32 v27, v17;
	v28 =	vadd.f32 v31, v42;
	[tilespmem:$0x10F90] =	vst v15  }
0x2ed: {  	v19 =	vmul.f32 v20, v17;
	v21 =	vadd.f32 v21, v36;
	[tilespmem:$0x10EC0] =	vst v56  }
0x2ee: {  	v57 =	vmul.f32 v20, v12;
	v27 =	vadd.f32 v27, v37;
	[tilespmem:$0x10ED0] =	vst v28  }
0x2ef: {  	v17 =	vmul.f32 v14, v17;
	v19 =	vadd.f32 v19, v32;
	[tilespmem:$0x10EE0] =	vst v21  }
0x2f0: {  	v59 =	vmul.f32 v14, v10;
	v12 =	vadd.f32 v57, v35;
	[tilespmem:$0x10F00] =	vst v27  }
0x2f1: {  	v10 =	vmul.f32 v18, v10;
	v58 =	vadd.f32 v17, v29;
	[tilespmem:$0x10F40] =	vst v19  }
0x2f2: {  	v60 =	vadd.f32 v59, v25;
	[tilespmem:$0x10F50] =	vst v12  }
0x2f3: {  	v9 =	vadd.f32 v10, v24;
	[tilespmem:$0x10F80] =	vst v58  }
0x2f4: {  	v21 =	vadd.f32 v45, v33;
	[tilespmem:$0x10FB0] =	vst v60  }
0x2f5: {  	[tilespmem:$0x10FF0] =	vst v9  }
0x2f6: {  	s28 =	simm.s32 $0x0;
	[tilespmem:$0x10F20] =	vst v21  }
0x2f7: {  	v10 =	vld [tilespmem:s28+$0xB0B0]  }
0x2f8: {  	v11 =	vld [tilespmem:s28+$0xB830]  }
0x2f9: {  	v12 =	vld [tilespmem:s28+$0xBFB0]  }
0x2fa: {  	v13 =	vld [tilespmem:s28+$0xC730]  }
0x2fb: {  	v9 =	vld [tilespmem:s28+$0x10130]  }
0x2fc: {  	v61 =	vld [tilespmem:s28+$0x108B0]  }
0x2fd: {  	v15 =	vld [tilespmem:s28+$0xCEB0]  }
0x2fe: {  	v18 =	vld [tilespmem:s28+$0xD630]  }
0x2ff: {  	v19 =	vld [tilespmem:s28+$0xDDB0]  }
0x300: {  	v21 =	vld [tilespmem:s28+$0xE530]  }
0x301: {  	v22 =	vld [tilespmem:s28+$0xECB0]  }
0x302: {  	v25 =	vld [tilespmem:s28+$0xB0A0]  }
0x303: {  	v27 =	vld [tilespmem:s28+$0xB820];
	v9 =	vadd.f32 v9, v3;
	v14 =	vadd.f32 v61, v3  }
0x304: {  	v62 =	vld [tilespmem:s28+$0x10120]  }
0x305: {  	v29 =	vld [tilespmem:s28+$0xBFA0];
	v16 =	vmax.f32 v9, $0.0e+00;
	v9 =	vmax.f32 v14, $0.0e+00  }
0x306: {  	v63 =	vld [tilespmem:s28+$0x10110];
	v28 =	vmul.f32 v16, v10;
	v35 =	vmul.f32 v9, v10  }
0x307: {  	v30 =	vld [tilespmem:s28+$0xC720];
	v38 =	vmul.f32 v11, v16;
	v39 =	vmul.f32 v9, v11  }
0x308: {  	v31 =	vld [tilespmem:s28+$0xCEA0];
	v40 =	vmul.f32 v12, v16;
	v43 =	vmul.f32 v12, v9  }
0x309: {  	v41 =	vld [tilespmem:s28+$0xE520];
	v44 =	vmul.f32 v13, v16;
	v45 =	vmul.f32 v13, v9  }
0x30a: {  	v54 =	vld [tilespmem:s28+$0xB090];
	v17 =	vmul.f32 v15, v16;
	v24 =	vmul.f32 v15, v9  }
0x30b: {  	v14 =	vadd.f32 v63, v2;
	v10 =	vld [tilespmem:s28+$0x108A0];
	v37 =	vmul.f32 v18, v16;
	v4 =	vmul.f32 v18, v9  }
0x30c: {  	v11 =	vadd.f32 v62, v0;
	v33 =	vmul.f32 v19, v16;
	v23 =	vmul.f32 v19, v9;
	v19 =	vld [tilespmem:s28+$0x10100]  }
0x30d: {  	v15 =	vld [tilespmem:s28+$0xD620];
	v34 =	vmul.f32 v21, v16;
	v49 =	vmul.f32 v22, v9  }
0x30e: {  	v42 =	vmax.f32 v14, $0.0e+00;
	v14 =	vld [tilespmem:s28+$0xB810];
	[tilespmem:$0x1FF10] =	vst v4;
	v26 =	vmax.f32 v11, $0.0e+00;
	v4 =	vmul.f32 v21, v9  }
0x30f: {  	s29 =	simm.s32 $0x0;
	v57 =	vld [tilespmem:s28+$0xB080];
	v36 =	vmul.f32 v26, v25;
	v50 =	vmul.f32 v29, v26  }
0x310: {  	s30 =	sand.u32 $0x7C0, s29;
	v18 =	vld [tilespmem:s28+$0x10890];
	v52 =	vmul.f32 v30, v26;
	v55 =	vmul.f32 v31, v26;
	v10 =	vadd.f32 v10, v0  }
0x311: {  	v21 =	vld [tilespmem:s30+$0x10880];
	v47 =	vmul.f32 v41, v26;
	[tilespmem:$0x1FF20] =	vst v4;
	v4 =	vmul.f32 v22, v16;
	v19 =	vadd.f32 v19, v1  }
0x312: {  	v22 =	vld [tilespmem:s28+$0xDDA0];
	v0 =	vmul.f32 v27, v26;
	v59 =	vmul.f32 v15, v26;
	v11 =	vmax.f32 v10, $0.0e+00  }
0x313: {  	v8 =	vmul.f32 v14, v42;
	v48 =	vmax.f32 v19, $0.0e+00;
	v51 =	vmul.f32 v29, v11;
	v29 =	vld [tilespmem:s28+$0xECA0]  }
0x314: {  	v5 =	vimm.f32 $0.0e+00;
	v62 =	vmul.f32 v15, v11;
	v15 =	vld [tilespmem:s30+$0xB800];
	v60 =	vmul.f32 v48, v57  }
0x315: {  	v18 =	vadd.f32 v18, v2;
	v19 =	vmul.f32 v42, v54;
	v25 =	vmul.f32 v11, v25  }
0x316: {  	v53 =	vmul.f32 v30, v11;
	v56 =	vmul.f32 v31, v11;
	v60 =	vadd.f32 v60, v5  }
0x317: {  	v58 =	vadd.f32 v21, v1;
	v1 =	vld [tilespmem:s28+$0xBF90];
	v31 =	vmul.f32 v41, v11;
	v46 =	vmul.f32 v22, v26  }
0x318: {  	v30 =	vmul.f32 v22, v11;
	v19 =	vadd.f32 v19, v60;
	v60 =	vld [tilespmem:s28+$0xD610];
	v41 =	vmul.f32 v29, v26  }
0x319: {  	v21 =	vmul.f32 v29, v11;
	v29 =	vmax.f32 v58, $0.0e+00;
	v2 =	vmul.f32 v15, v48  }
0x31a: {  	v61 =	vld [tilespmem:s30+$0xBF80];
	v22 =	vmax.f32 v18, $0.0e+00;
	v18 =	vmul.f32 v29, v57;
	v15 =	vmul.f32 v29, v15  }
0x31b: {  	v27 =	vmul.f32 v11, v27;
	v54 =	vmul.f32 v22, v54;
	v58 =	vld [tilespmem:s28+$0xC710];
	v57 =	vadd.f32 v2, v5  }
0x31c: {  	v14 =	vmul.f32 v22, v14;
	v18 =	vadd.f32 v18, v5;
	v15 =	vadd.f32 v15, v5  }
0x31d: {  	v63 =	vld [tilespmem:s30+$0xC700];
	v8 =	vadd.f32 v8, v57;
	v57 =	vmul.f32 v1, v22;
	v13 =	vmul.f32 v60, v42  }
0x31e: {  	v18 =	vadd.f32 v54, v18;
	v54 =	vmul.f32 v1, v42;
	v14 =	vadd.f32 v14, v15  }
0x31f: {  	v15 =	vadd.f32 v36, v19;
	v19 =	vmul.f32 v61, v48;
	v8 =	vadd.f32 v0, v8  }
0x320: {  	v32 =	vmul.f32 v58, v42;
	v0 =	vld [tilespmem:s28+$0xCE90];
	v18 =	vadd.f32 v25, v18;
	v14 =	vadd.f32 v27, v14  }
0x321: {  	v36 =	vadd.f32 v28, v15;
	v27 =	vmul.f32 v61, v29;
	v19 =	vadd.f32 v19, v5  }
0x322: {  	[tilespmem:$0x1FF30] =	vst v4;
	v25 =	vmul.f32 v63, v48;
	v28 =	vld [tilespmem:s30+$0xD600];
	v4 =	vadd.f32 v35, v18;
	v35 =	vadd.f32 v38, v8  }
0x323: {  	v2 =	vld [tilespmem:s28+$0xDD90];
	v8 =	vmul.f32 v63, v29;
	v63 =	vadd.f32 v39, v14;
	v27 =	vadd.f32 v27, v5  }
0x324: {  	v58 =	vmul.f32 v58, v22;
	v18 =	vld [tilespmem:s30+$0xCE80];
	v25 =	vadd.f32 v25, v5;
	v19 =	vadd.f32 v54, v19  }
0x325: {  	v8 =	vadd.f32 v8, v5;
	v27 =	vadd.f32 v57, v27;
	v54 =	vmul.f32 v0, v42  }
0x326: {  	v25 =	vadd.f32 v32, v25;
	v38 =	vmul.f32 v0, v22;
	v19 =	vadd.f32 v50, v19  }
0x327: {  	v32 =	vmul.f32 v60, v22;
	v1 =	vmul.f32 v28, v48;
	v8 =	vadd.f32 v58, v8  }
0x328: {  	v27 =	vadd.f32 v51, v27;
	v25 =	vadd.f32 v52, v25;
	v58 =	vmul.f32 v2, v42  }
0x329: {  	v40 =	vadd.f32 v40, v19;
	v52 =	vmul.f32 v2, v22;
	v61 =	vmul.f32 v18, v48  }
0x32a: {  	v51 =	vld [tilespmem:s30+$0xE500];
	v12 =	vmul.f32 v18, v29;
	v14 =	vadd.f32 v1, v5;
	v8 =	vadd.f32 v53, v8  }
0x32b: {  	[tilespmem:$0x1FF40] =	vst v4;
	v4 =	vadd.f32 v43, v27;
	v27 =	vld [tilespmem:s30+$0xDD80];
	v39 =	vadd.f32 v44, v25;
	v25 =	vmul.f32 v28, v29  }
0x32c: {  	v44 =	vimm.f32 $0.0e+00;
	v28 =	vadd.f32 v12, v5;
	v50 =	vadd.f32 v13, v14  }
0x32d: {  	v43 =	vimm.f32 $0.0e+00;
	[tilespmem:$0x1FF50] =	vst v4;
	v4 =	vadd.f32 v45, v8;
	v8 =	vadd.f32 v61, v5  }
0x32e: {  	v25 =	vadd.f32 v25, v5;
	v45 =	vimm.f32 $0.0e+00;
	v28 =	vadd.f32 v38, v28  }
0x32f: {  	v61 =	vmul.f32 v51, v48;
	v59 =	vadd.f32 v59, v50;
	v8 =	vadd.f32 v54, v8  }
0x330: {  	v25 =	vadd.f32 v32, v25;
	v60 =	vmul.f32 v27, v48;
	v28 =	vadd.f32 v56, v28  }
0x331: {  	v57 =	vmul.f32 v27, v29;
	v27 =	vimm.f32 $0.0e+00;
	v8 =	vadd.f32 v55, v8  }
0x332: {  	v56 =	vld [tilespmem:s28+$0xE510];
	v50 =	vadd.f32 v62, v25;
	v25 =	vimm.f32 $0.0e+00;
	v62 =	vimm.f32 $0.0e+00  }
0x333: {  	s31 =	simm.s32 $0x100;
	[tilespmem:$0x1FF60] =	vst v4;
	v55 =	vld [tilespmem:s28+$0xEC90];
	v24 =	vadd.f32 v24, v28;
	v28 =	vimm.f32 $0.0e+00;
	v38 =	vadd.f32 v17, v8  }
.LBB2_23:
0x334: {  	v14 =	vld [tilespmem:s30+$0xEC80]  }
0x335: {  	v0 =	vadd.f32 v37, v59;
	v37 =	vld [tilespmem:$0x1FF10]  }
0x336: {  	v8 =	vmul.f32 v51, v29;
	v28 =	vadd.f32 v57, v28  }
0x337: {  	v45 =	vadd.f32 v61, v45  }
0x338: {  	v54 =	vld [tilespmem:s28+$0xF410];
	v8 =	vadd.f32 v8, v27;
	v28 =	vadd.f32 v52, v28;
	v32 =	vmul.f32 v56, v42  }
0x339: {  	v3 =	vld [tilespmem:$0x1FFB0];
	v20 =	vadd.f32 v60, v5;
	v27 =	vmul.f32 v56, v22;
	v52 =	vmul.f32 v55, v42  }
0x33a: {  	[tilespmem:$0x1FEE0] =	vst v0;
	v61 =	vmul.f32 v14, v29;
	v0 =	vadd.f32 v37, v50;
	v50 =	vld [tilespmem:s30+$0xF400];
	s30 =	sshra.s32 s31, $0x2;
	v32 =	vadd.f32 v32, v45  }
0x33b: {  	v53 =	vmul.f32 v55, v22;
	v20 =	vadd.f32 v58, v20;
	v8 =	vadd.f32 v27, v8;
	v55 =	vld [tilespmem:s30+$0xB0B0]  }
0x33c: {  	v25 =	vadd.f32 v61, v25;
	v61 =	vld [tilespmem:$0x1FF90];
	v45 =	vadd.f32 v47, v32  }
0x33d: {  	v20 =	vadd.f32 v46, v20;
	v8 =	vadd.f32 v31, v8;
	v31 =	vld [tilespmem:s28+$0xF420]  }
0x33e: {  	[tilespmem:$0x1FED0] =	vst v24;
	v60 =	vmul.f32 v14, v48;
	v24 =	vadd.f32 v53, v25;
	v45 =	vadd.f32 v34, v45;
	v34 =	vld [tilespmem:$0x1FF20]  }
0x33f: {  	v46 =	vld [tilespmem:s30+$0xB830];
	v33 =	vadd.f32 v33, v20;
	v12 =	vmul.f32 v50, v29  }
0x340: {  	v20 =	vadd.f32 v60, v44;
	v60 =	vld [tilespmem:$0x1FF30];
	v21 =	vadd.f32 v21, v24  }
0x341: {  	v12 =	vadd.f32 v12, v62;
	v62 =	vld [tilespmem:$0x1FF80]  }
0x342: {  	v27 =	vadd.f32 v30, v28;
	v28 =	vadd.f32 v49, v21;
	v49 =	vld [tilespmem:$0x1FFA0]  }
0x343: {  	v30 =	vmul.f32 v50, v48;
	v50 =	vadd.f32 v34, v8;
	v8 =	vld [tilespmem:s28+$0xF430];
	s28 =	smov.u32 s30  }
0x344: {  	v13 =	vld [tilespmem:s28+$0xBFB0]  }
0x345: {  	v37 =	vld [tilespmem:s28+$0xC730]  }
0x346: {  	v22 =	vmul.f32 v54, v22;
	v59 =	vld [tilespmem:s28+$0x10130]  }
0x347: {  	v29 =	vmul.f32 v54, v42;
	v30 =	vadd.f32 v30, v43;
	v25 =	vmul.f32 v31, v26;
	v26 =	vld [tilespmem:s28+$0x108B0]  }
0x348: {  	v12 =	vadd.f32 v22, v12;
	v22 =	vld [tilespmem:s28+$0xCEB0]  }
0x349: {  	v20 =	vadd.f32 v52, v20;
	v11 =	vmul.f32 v31, v11;
	v29 =	vadd.f32 v29, v30;
	v30 =	vld [tilespmem:s28+$0xD630]  }
0x34a: {  	v10 =	vld [tilespmem:s28+$0xE530]  }
0x34b: {  	v20 =	vadd.f32 v41, v20;
	v21 =	vld [tilespmem:s28+$0xECB0];
	v11 =	vadd.f32 v11, v12  }
0x34c: {  	v41 =	vld [tilespmem:s28+$0xBFA0];
	v16 =	vmul.f32 v8, v16;
	v8 =	vmul.f32 v8, v9;
	v9 =	vadd.f32 v26, v61  }
0x34d: {  	v32 =	vadd.f32 v23, v27;
	v44 =	vadd.f32 v60, v20;
	v12 =	vld [tilespmem:s28+$0xDDB0]  }
0x34e: {  	v42 =	vld [tilespmem:s28+$0xC720];
	v24 =	vadd.f32 v25, v29;
	v27 =	vadd.f32 v8, v11;
	v9 =	vmax.f32 v9, $0.0e+00  }
0x34f: {  	v5 =	vld [tilespmem:s28+$0xECA0];
	v8 =	vadd.f32 v59, v61;
	v58 =	vmul.f32 v9, v55;
	v60 =	vmul.f32 v9, v46  }
0x350: {  	v43 =	vadd.f32 v16, v24;
	v11 =	vld [tilespmem:s28+$0x108A0];
	v56 =	vmul.f32 v13, v9;
	v52 =	vmul.f32 v37, v9  }
0x351: {  	v16 =	vmax.f32 v8, $0.0e+00;
	v8 =	vld [tilespmem:s28+$0x10120];
	v54 =	vmul.f32 v22, v9;
	v1 =	vmul.f32 v30, v9  }
0x352: {  	v29 =	vld [tilespmem:s28+$0xB0A0];
	v24 =	vmul.f32 v12, v9;
	v14 =	vmul.f32 v10, v9  }
0x353: {  	v23 =	vmul.f32 v21, v9;
	v59 =	vmul.f32 v46, v16;
	v46 =	vld [tilespmem:s28+$0xCEA0]  }
0x354: {  	v57 =	vmul.f32 v16, v55;
	v53 =	vmul.f32 v22, v16;
	v22 =	vld [tilespmem:s28+$0xD620]  }
0x355: {  	s29 =	sadd.s32 $0x40, s29;
	v51 =	vmul.f32 v37, v16;
	v37 =	vmul.f32 v30, v16;
	v30 =	vld [tilespmem:s28+$0x10110];
	v11 =	vadd.f32 v11, v62  }
0x356: {  	[tilespmem:$0x1FF00] =	vst v33;
	s30 =	sand.u32 $0x7C0, s29;
	v55 =	vmul.f32 v13, v16;
	v33 =	vmul.f32 v12, v16;
	v13 =	vld [tilespmem:s28+$0x10890];
	v8 =	vadd.f32 v8, v62  }
0x357: {  	v34 =	vmul.f32 v10, v16;
	v48 =	vmul.f32 v21, v16;
	v21 =	vld [tilespmem:s30+$0x10880];
	v11 =	vmax.f32 v11, $0.0e+00  }
0x358: {  	v62 =	vmul.f32 v11, v29;
	v2 =	vmul.f32 v41, v11;
	v26 =	vmax.f32 v8, $0.0e+00;
	v8 =	vld [tilespmem:s28+$0x10100]  }
0x359: {  	v4 =	vmul.f32 v42, v11;
	v61 =	vmul.f32 v26, v29;
	v29 =	vld [tilespmem:s28+$0xDDA0]  }
0x35a: {  	[tilespmem:$0x1FF20] =	vst v14;
	v30 =	vadd.f32 v30, v3;
	v10 =	vmul.f32 v46, v11;
	v14 =	vmul.f32 v22, v11  }
0x35b: {  	v12 =	vld [tilespmem:s28+$0xB080];
	[tilespmem:$0x1FF10] =	vst v1;
	v1 =	vmul.f32 v41, v26;
	v41 =	vadd.f32 v13, v3;
	v3 =	vmul.f32 v42, v26  }
0x35c: {  	v6 =	vld [tilespmem:s28+$0xB090];
	v7 =	vmul.f32 v46, v26;
	v13 =	vmul.f32 v22, v26  }
0x35d: {  	v20 =	vld [tilespmem:$0x1FF40];
	v42 =	vmax.f32 v30, $0.0e+00;
	v8 =	vadd.f32 v8, v49;
	v49 =	vadd.f32 v21, v49  }
0x35e: {  	v15 =	vld [tilespmem:s30+$0xB800];
	v22 =	vmax.f32 v41, $0.0e+00;
	v41 =	vmul.f32 v5, v26;
	v46 =	vmul.f32 v29, v26  }
0x35f: {  	[tilespmem:$0x1FF30] =	vst v48;
	v30 =	vmul.f32 v29, v11;
	v48 =	vmax.f32 v8, $0.0e+00;
	v29 =	vmax.f32 v49, $0.0e+00  }
0x360: {  	v17 =	vld [tilespmem:s28+$0xB810];
	v49 =	vmul.f32 v48, v12;
	v12 =	vmul.f32 v29, v12  }
0x361: {  	v31 =	vld [tilespmem:s28+$0xB820];
	v21 =	vmul.f32 v5, v11;
	v5 =	vmul.f32 v42, v6  }
0x362: {  	v6 =	vmul.f32 v22, v6;
	v36 =	vadd.f32 v49, v36;
	v12 =	vadd.f32 v12, v20  }
0x363: {  	v18 =	vmul.f32 v15, v48  }
0x364: {  	v5 =	vadd.f32 v5, v36;
	v6 =	vadd.f32 v6, v12  }
0x365: {  	v15 =	vmul.f32 v29, v15;
	v49 =	vld [tilespmem:s30+$0xC700];
	v20 =	vmul.f32 v17, v42;
	v18 =	vadd.f32 v18, v35  }
0x366: {  	v25 =	vmul.f32 v31, v26;
	v5 =	vadd.f32 v61, v5;
	v6 =	vadd.f32 v62, v6  }
0x367: {  	v19 =	vld [tilespmem:s30+$0xBF80];
	v15 =	vadd.f32 v15, v63;
	v17 =	vmul.f32 v22, v17;
	v18 =	vadd.f32 v20, v18  }
0x368: {  	v8 =	vld [tilespmem:s28+$0xBF90];
	v36 =	vadd.f32 v57, v5;
	v5 =	vadd.f32 v58, v6  }
0x369: {  	v15 =	vadd.f32 v17, v15;
	v17 =	vld [tilespmem:s28+$0xC710];
	v18 =	vadd.f32 v25, v18  }
0x36a: {  	v61 =	vmul.f32 v49, v48;
	[tilespmem:$0x1FF40] =	vst v5;
	v5 =	vmul.f32 v49, v29;
	v49 =	vmovc v23;
	v23 =	vmov v24;
	v24 =	vld [tilespmem:$0x1FF60]  }
0x36b: {  	v35 =	vadd.f32 v59, v18;
	v18 =	vld [tilespmem:$0x1FF50]  }
0x36c: {  	[tilespmem:$0x1FEF0] =	vst v0;
	v0 =	vmul.f32 v11, v31;
	v20 =	vmul.f32 v19, v48  }
0x36d: {  	v12 =	vmul.f32 v8, v42  }
0x36e: {  	v0 =	vadd.f32 v0, v15;
	v15 =	vmul.f32 v19, v29;
	v40 =	vadd.f32 v20, v40;
	v6 =	vld [tilespmem:s30+$0xCE80]  }
0x36f: {  	v19 =	vmul.f32 v17, v42;
	v17 =	vmul.f32 v17, v22;
	v5 =	vadd.f32 v5, v24  }
0x370: {  	v8 =	vmul.f32 v8, v22;
	v20 =	vadd.f32 v61, v39;
	v15 =	vadd.f32 v15, v18  }
0x371: {  	v18 =	vld [tilespmem:s30+$0xD600];
	v5 =	vadd.f32 v17, v5  }
0x372: {  	v31 =	vld [tilespmem:s28+$0xE520];
	v8 =	vadd.f32 v8, v15;
	v15 =	vadd.f32 v19, v20  }
0x373: {  	v20 =	vmul.f32 v6, v48;
	v4 =	vadd.f32 v4, v5;
	v5 =	vmul.f32 v6, v29;
	v6 =	vld [tilespmem:$0x1FEE0]  }
0x374: {  	v62 =	vld [tilespmem:s28+$0xCE90];
	v3 =	vadd.f32 v3, v15  }
0x375: {  	v25 =	vmovc v28;
	v28 =	vmov v32;
	v32 =	vld [tilespmem:s30+$0xDD80];
	v63 =	vadd.f32 v60, v0;
	v0 =	vadd.f32 v12, v40  }
0x376: {  	v59 =	vmul.f32 v18, v48;
	v39 =	vadd.f32 v51, v3;
	v3 =	vadd.f32 v52, v4;
	v4 =	vld [tilespmem:$0x1FED0]  }
0x377: {  	v0 =	vadd.f32 v1, v0;
	v19 =	vld [tilespmem:s28+$0xD610]  }
0x378: {  	v58 =	vadd.f32 v2, v8;
	v2 =	vadd.f32 v59, v6;
	v6 =	vld [tilespmem:$0x1FEF0]  }
0x379: {  	v47 =	vmul.f32 v31, v26;
	v31 =	vmul.f32 v31, v11;
	v40 =	vadd.f32 v55, v0;
	v8 =	vld [tilespmem:s28+$0xDD90]  }
0x37a: {  	v57 =	vmul.f32 v62, v42;
	v60 =	vadd.f32 v56, v58;
	[tilespmem:$0x1FF60] =	vst v3;
	v3 =	vadd.f32 v20, v38  }
0x37b: {  	v17 =	vmul.f32 v62, v22;
	v61 =	vmul.f32 v18, v29;
	v4 =	vadd.f32 v5, v4  }
0x37c: {  	p0 =	sne.s32 s31, $0x1D00;
	v51 =	vld [tilespmem:s30+$0xE500];
	[tilespmem:$0x1FF50] =	vst v60;
	v60 =	vmul.f32 v32, v48;
	v3 =	vadd.f32 v57, v3;
	v5 =	vmul.f32 v19, v42  }
.Ltmp10:
0x37d: {  	v4 =	vadd.f32 v17, v4;
	v0 =	vadd.f32 v61, v6;
	v6 =	vmul.f32 v19, v22;
	(pc) =	sbr.rel @p0 .LBB2_23-.Ltmp10, $4  }
0x37e: {  	v58 =	vmul.f32 v8, v42;
	v3 =	vadd.f32 v7, v3;
	v2 =	vadd.f32 v5, v2  }
0x37f: {  	v55 =	vld [tilespmem:s28+$0xEC90];
	v52 =	vmul.f32 v8, v22;
	v4 =	vadd.f32 v10, v4;
	v0 =	vadd.f32 v6, v0  }
0x380: {  	v62 =	vmovc v27;
	v56 =	vld [tilespmem:s28+$0xE510];
	v57 =	vmul.f32 v32, v29;
	v38 =	vadd.f32 v53, v3;
	v59 =	vadd.f32 v13, v2  }
0x381: {  	s31 =	sadd.s32 $0x100, s31;
	v27 =	vmovc v50;
	v5 =	vld [tilespmem:$0x1FF00];
	v61 =	vmul.f32 v51, v48;
	v24 =	vadd.f32 v54, v4;
	v50 =	vadd.f32 v14, v0  }
0x382: {  	v0 =	vld [tilespmem:s30+$0xEC80]  }
0x383: {  	v17 =	vld [tilespmem:$0x1FFC0]  }
0x384: {  	v53 =	vld [tilespmem:s30+$0xF400];
	_ =	sdelay $0x1  }
0x385: {  	v2 =	vadd.f32 v61, v45;
	v3 =	vmul.f32 v56, v42  }
0x386: {  	v32 =	vld [tilespmem:s28+$0xF430]  }
0x387: {  	v45 =	vld [tilespmem:s28+$0xF410];
	v4 =	vmul.f32 v55, v42;
	v2 =	vadd.f32 v3, v2;
	v3 =	vperm.xlane v36, v17  }
0x388: {  	v1 =	vadd.f32 v60, v5;
	v5 =	vmul.f32 v0, v48;
	v7 =	vmul.f32 v53, v48  }
0x389: {  	v6 =	vadd.f32 v37, v59;
	v8 =	vperm.xlane v35, v17;
	v12 =	vperm.xlane v40, v17  }
0x38a: {  	v18 =	vld [tilespmem:$0x1FFD0];
	v14 =	vperm.xlane v39, v17;
	v1 =	vadd.f32 v58, v1;
	v2 =	vadd.f32 v47, v2  }
0x38b: {  	v15 =	vmul.f32 v32, v16;
	v3 =	vadd.f32 v3, v36;
	v5 =	vadd.f32 v5, v44  }
0x38c: {  	v13 =	vmul.f32 v45, v42;
	v8 =	vadd.f32 v8, v35;
	v7 =	vadd.f32 v7, v43  }
0x38d: {  	v12 =	vadd.f32 v12, v40;
	v54 =	vadd.f32 v14, v39;
	v36 =	vperm.xlane v38, v17  }
0x38e: {  	v40 =	vperm.xlane v6, v17;
	v1 =	vadd.f32 v46, v1;
	v2 =	vadd.f32 v34, v2  }
0x38f: {  	v19 =	vld [tilespmem:$0x1FFE0];
	v10 =	vperm.xlane v3, v18;
	v4 =	vadd.f32 v4, v5;
	v5 =	vadd.f32 v13, v7  }
0x390: {  	v46 =	vperm.xlane v8, v18;
	v39 =	vadd.f32 v36, v38;
	v6 =	vadd.f32 v40, v6  }
0x391: {  	v48 =	vperm.xlane v12, v18;
	v1 =	vadd.f32 v33, v1;
	v3 =	vadd.f32 v10, v3  }
0x392: {  	v60 =	vperm.xlane v54, v18;
	v33 =	vld [tilespmem:s28+$0xF420];
	v8 =	vadd.f32 v46, v8;
	v4 =	vadd.f32 v41, v4  }
0x393: {  	v10 =	vadd.f32 v48, v12;
	v42 =	vperm.xlane v39, v18;
	v48 =	vperm.xlane v6, v18  }
0x394: {  	v16 =	vld [tilespmem:$0x1FFF0];
	v12 =	vadd.f32 v60, v54;
	v43 =	vperm.xlane v1, v17;
	v47 =	vperm.xlane v3, v19  }
0x395: {  	v59 =	vperm.xlane v8, v19;
	v20 =	vperm.xlane v10, v19;
	v6 =	vadd.f32 v48, v6  }
0x396: {  	v35 =	vperm.xlane v12, v19;
	v1 =	vadd.f32 v43, v1;
	v3 =	vadd.f32 v47, v3  }
0x397: {  	v58 =	vmul.f32 v33, v26;
	v7 =	vadd.f32 v59, v8;
	v8 =	vadd.f32 v20, v10  }
0x398: {  	v10 =	vadd.f32 v35, v12;
	v47 =	vadd.f32 v42, v39;
	v60 =	vperm.xlane v1, v18  }
0x399: {  	v26 =	vld [tilespmem:$0x1FF30];
	v5 =	vadd.f32 v58, v5;
	v61 =	vperm.xlane v3, v16;
	v34 =	vperm.xlane v7, v16  }
0x39a: {  	v37 =	vperm.xlane v8, v16;
	v41 =	vperm.xlane v10, v16;
	v1 =	vadd.f32 v60, v1  }
0x39b: {  	v58 =	vperm.xlane v2, v17;
	v3 =	vadd.f32 v61, v3;
	v5 =	vadd.f32 v15, v5  }
0x39c: {  	v20 =	vld [tilespmem:$0x1FF70];
	v59 =	vperm.xlane v47, v19;
	v7 =	vadd.f32 v34, v7;
	v8 =	vadd.f32 v37, v8  }
0x39d: {  	v46 =	vadd.f32 v41, v10;
	v2 =	vadd.f32 v58, v2  }
0x39e: {  	v34 =	vperm.xlane v6, v19;
	v4 =	vadd.f32 v26, v4;
	v26 =	vadd.f32 v59, v47  }
0x39f: {  	v37 =	vperm.xlane v1, v19;
	v3 =	vnsel vm9, $0x0, v3;
	v7 =	vsel vm0, $0x0, v7  }
0x3a0: {  	v44 =	vsel vm1, $0x0, v8;
	v54 =	vsel vm2, $0x0, v46;
	v61 =	vperm.xlane v4, v17  }
0x3a1: {  	v35 =	vperm.xlane v2, v18;
	v6 =	vadd.f32 v34, v6;
	v3 =	vadd.f32 v3, v20  }
0x3a2: {  	v36 =	vperm.xlane v5, v17;
	v1 =	vadd.f32 v37, v1;
	v4 =	vadd.f32 v61, v4  }
0x3a3: {  	v13 =	vperm.xlane v26, v16;
	v2 =	vadd.f32 v35, v2;
	v3 =	vadd.f32 v7, v3  }
0x3a4: {  	v5 =	vadd.f32 v36, v5;
	v40 =	vperm.xlane v6, v16;
	v38 =	vperm.xlane v4, v18  }
0x3a5: {  	v39 =	vadd.f32 v13, v26;
	v43 =	vperm.xlane v1, v16;
	v3 =	vadd.f32 v44, v3  }
0x3a6: {  	v41 =	vperm.xlane v2, v19;
	v42 =	vperm.xlane v5, v18;
	v4 =	vadd.f32 v38, v4  }
0x3a7: {  	v6 =	vadd.f32 v40, v6;
	v7 =	vsel vm3, $0x0, v39;
	v3 =	vadd.f32 v54, v3  }
0x3a8: {  	v2 =	vadd.f32 v41, v2;
	v5 =	vadd.f32 v42, v5;
	v44 =	vperm.xlane v4, v19  }
0x3a9: {  	v1 =	vadd.f32 v43, v1;
	v6 =	vsel vm4, $0x0, v6;
	v3 =	vadd.f32 v7, v3  }
0x3aa: {  	v46 =	vperm.xlane v2, v16;
	v47 =	vperm.xlane v5, v19;
	v4 =	vadd.f32 v44, v4  }
0x3ab: {  	v0 =	vmul.f32 v0, v29;
	v1 =	vsel vm5, $0x0, v1;
	v3 =	vadd.f32 v6, v3  }
0x3ac: {  	v2 =	vadd.f32 v46, v2;
	v5 =	vadd.f32 v47, v5;
	v48 =	vperm.xlane v4, v16  }
0x3ad: {  	v9 =	vmul.f32 v32, v9;
	v0 =	vadd.f32 v0, v25;
	v1 =	vadd.f32 v1, v3  }
0x3ae: {  	v2 =	vsel vm6, $0x0, v2;
	v3 =	vadd.f32 v48, v4;
	v4 =	vperm.xlane v5, v16  }
0x3af: {  	v11 =	vmul.f32 v33, v11;
	v1 =	vadd.f32 v2, v1;
	v2 =	vadd.f32 v57, v28;
	v57 =	vld [tilespmem:$0x1FF40]  }
0x3b0: {  	v54 =	vmul.f32 v51, v29;
	v3 =	vsel vm7, $0x0, v3;
	v4 =	vadd.f32 v4, v5  }
0x3b1: {  	v61 =	vmul.f32 v45, v22;
	v28 =	vld [tilespmem:$0x1FF60];
	v2 =	vadd.f32 v52, v2;
	v1 =	vadd.f32 v3, v1  }
0x3b2: {  	v5 =	vadd.f32 v54, v27;
	v3 =	vmul.f32 v56, v22;
	v4 =	vsel vm8, $0x0, v4  }
0x3b3: {  	v56 =	vmul.f32 v53, v29;
	v2 =	vadd.f32 v30, v2;
	v1 =	vadd.f32 v4, v1  }
0x3b4: {  	v59 =	vld [tilespmem:$0x1FF20];
	v3 =	vadd.f32 v3, v5;
	v5 =	vmul.f32 v55, v22;
	v58 =	vperm.xlane v57, v17  }
0x3b5: {  	v7 =	vadd.f32 v56, v62;
	v62 =	vperm.xlane v63, v17;
	v55 =	vperm.xlane v1, v17  }
0x3b6: {  	v4 =	vld [tilespmem:$0x1FF10];
	v29 =	vperm.xlane v28, v17;
	v2 =	vadd.f32 v23, v2;
	v3 =	vadd.f32 v31, v3  }
0x3b7: {  	v23 =	vld [tilespmem:$0x1FF50];
	v8 =	vadd.f32 v58, v57;
	v0 =	vadd.f32 v5, v0;
	v6 =	vmax.f32 v1, v55  }
0x3b8: {  	v7 =	vadd.f32 v61, v7;
	v13 =	vadd.f32 v29, v28;
	v60 =	vperm.xlane v6, v18  }
0x3b9: {  	v44 =	vperm.xlane v2, v17;
	v3 =	vadd.f32 v59, v3;
	v22 =	vperm.xlane v8, v18  }
0x3ba: {  	v0 =	vadd.f32 v21, v0;
	v7 =	vadd.f32 v11, v7;
	v5 =	vmax.f32 v6, v60  }
0x3bb: {  	v35 =	vperm.xlane v13, v18;
	v8 =	vadd.f32 v22, v8;
	v10 =	vperm.xlane v5, v19  }
0x3bc: {  	v4 =	vadd.f32 v4, v50;
	v2 =	vadd.f32 v44, v2;
	v25 =	vperm.xlane v23, v17  }
0x3bd: {  	v0 =	vadd.f32 v49, v0;
	v31 =	vperm.xlane v8, v19;
	v5 =	vmax.f32 v5, v10  }
0x3be: {  	v12 =	vadd.f32 v35, v13;
	v7 =	vadd.f32 v9, v7;
	v30 =	vperm.xlane v5, v16  }
0x3bf: {  	v49 =	vperm.xlane v3, v17;
	v6 =	vadd.f32 v62, v63;
	v8 =	vadd.f32 v31, v8  }
0x3c0: {  	v41 =	vperm.xlane v4, v17;
	v51 =	vperm.xlane v2, v18;
	v5 =	vmax.f32 v5, v30  }
0x3c1: {  	v27 =	vadd.f32 v25, v23;
	v1 =	vsub.f32 v1, v5;
	v5 =	vperm.xlane v8, v16  }
0x3c2: {  	v39 =	vperm.xlane v12, v19;
	v3 =	vadd.f32 v49, v3;
	v26 =	vperm.xlane v6, v18  }
0x3c3: {  	v52 =	vperm.xlane v0, v17;
	v1 =	vmul.f32 $1.442695020e+00, v1;
	v5 =	vadd.f32 v5, v8  }
0x3c4: {  	v55 =	vperm.xlane v7, v17;
	v33 =	vperm.xlane v27, v18;
	v6 =	vadd.f32 v26, v6  }
0x3c5: {  	(erf) = vpow2.f32 v1;
	v1 =	vnsel vm9, $0x0, v5;
	v5 =	vperm.xlane v24, v17  }
0x3c6: {  	v4 =	vadd.f32 v41, v4;
	v2 =	vadd.f32 v51, v2;
	v54 =	vperm.xlane v3, v18  }
0x3c7: {  	v10 =	vadd.f32 v33, v27;
	v34 =	vperm.xlane v6, v19;
	v5 =	vadd.f32 v5, v24  }
0x3c8: {  	v0 =	vadd.f32 v52, v0;
	v47 =	vperm.xlane v4, v18;
	v56 =	vperm.xlane v2, v19  }
0x3c9: {  	v36 =	vperm.xlane v10, v19;
	v6 =	vadd.f32 v34, v6;
	v43 =	vperm.xlane v5, v18  }
0x3ca: {  	v3 =	vadd.f32 v54, v3;
	v57 =	vperm.xlane v0, v18;
	v4 =	vadd.f32 v47, v4  }
0x3cb: {  	v38 =	vadd.f32 v36, v10;
	v37 =	vperm.xlane v6, v16;
	v5 =	vadd.f32 v43, v5  }
0x3cc: {  	v2 =	vadd.f32 v56, v2;
	v53 =	vperm.xlane v4, v19;
	v10 =	vadd.f32 v39, v12  }
0x3cd: {  	v40 =	vperm.xlane v38, v16;
	v6 =	vadd.f32 v37, v6;
	v50 =	vperm.xlane v5, v19  }
0x3ce: {  	v4 =	vadd.f32 v53, v4;
	v42 =	vperm.xlane v10, v16;
	v1 =	vadd.f32 v1, v20  }
0x3cf: {  	v8 =	vadd.f32 v40, v38;
	v6 =	vsel vm0, $0x0, v6;
	v5 =	vadd.f32 v50, v5  }
0x3d0: {  	v59 =	vperm.xlane v3, v19;
	v46 =	vadd.f32 v42, v10;
	v1 =	vadd.f32 v6, v1  }
0x3d1: {  	v45 =	vsel vm1, $0x0, v8;
	v6 =	vadd.f32 v55, v7;
	v10 =	vperm.xlane v5, v16  }
0x3d2: {  	v0 =	vadd.f32 v57, v0;
	v58 =	vperm.xlane v4, v16;
	v1 =	vadd.f32 v45, v1  }
0x3d3: {  	v48 =	vsel vm2, $0x0, v46;
	v60 =	vperm.xlane v6, v18;
	v5 =	vadd.f32 v10, v5  }
0x3d4: {  	v61 =	vperm.xlane v2, v16;
	v3 =	vadd.f32 v59, v3;
	v1 =	vadd.f32 v48, v1  }
0x3d5: {  	v4 =	vadd.f32 v58, v4;
	v6 =	vadd.f32 v60, v6;
	v5 =	vsel vm3, $0x0, v5  }
0x3d6: {  	v62 =	vperm.xlane v0, v19;
	v2 =	vadd.f32 v61, v2;
	v1 =	vadd.f32 v5, v1  }
0x3d7: {  	v4 =	vsel vm4, $0x0, v4;
	v63 =	vperm.xlane v6, v19;
	v5 =	vperm.xlane v3, v16  }
0x3d8: {  	v0 =	vadd.f32 v62, v0;
	v1 =	vadd.f32 v4, v1  }
0x3d9: {  	v3 =	vadd.f32 v5, v3;
	v5 =	vadd.f32 v63, v6  }
0x3da: {  	v2 =	vsel vm5, $0x0, v2;
	v4 =	vperm.xlane v0, v16  }
0x3db: {  	v1 =	vadd.f32 v2, v1;
	v2 =	vsel vm6, $0x0, v3;
	v3 =	vperm.xlane v5, v16  }
0x3dc: {  	v0 =	vadd.f32 v4, v0  }
0x3dd: {  	v1 =	vadd.f32 v2, v1;
	v2 =	vadd.f32 v3, v5  }
0x3de: {  	v0 =	vsel vm7, $0x0, v0  }
0x3df: {  	v0 =	vadd.f32 v0, v1  }
0x3e0: {  	v1 =	vsel vm8, $0x0, v2  }
0x3e1: {  	v2 =	vpop (erf);
	v0 =	vadd.f32 v1, v0  }
0x3e2: {  	v1 =	vperm.xlane v2, v17  }
0x3e3: {  	v3 =	vperm.xlane v0, v17  }
0x3e4: {  	v1 =	vadd.f32 v2, v1  }
0x3e5: {  	v3 =	vmax.f32 v0, v3  }
0x3e6: {  	v4 =	vperm.xlane v1, v18;
	v5 =	vperm.xlane v3, v18;
	_ =	sdelay $0x1  }
0x3e7: {  	v1 =	vadd.f32 v1, v4;
	v3 =	vmax.f32 v3, v5  }
0x3e8: {  	v4 =	vperm.xlane v3, v19  }
0x3e9: {  	v5 =	vperm.xlane v1, v19  }
0x3ea: {  	v3 =	vmax.f32 v3, v4  }
0x3eb: {  	v1 =	vadd.f32 v1, v5;
	v4 =	vperm.xlane v3, v16;
	_ =	sdelay $0x1  }
0x3ec: {  	v5 =	vperm.xlane v1, v16;
	v3 =	vmax.f32 v3, v4  }
0x3ed: {  	v0 =	vsub.f32 v0, v3  }
0x3ee: {  	v1 =	vadd.f32 v1, v5  }
0x3ef: {  	v0 =	vmul.f32 $1.442695020e+00, v0  }
0x3f0: {  	(erf) = vrcp.f32 v1  }
0x3f1: {  	(erf) = vpow2.f32 v0;
	_ =	sdelay $0x7  }
0x3f2: {  	v0 =	vpop (erf)  }
0x3f3: {  	v1 =	vpop (erf)  }
0x3f4: {  	v3 =	vperm.xlane v1, v17;
	_ =	sdelay $0x1  }
0x3f5: {  	v3 =	vadd.f32 v1, v3;
	_ =	sdelay $0x1  }
0x3f6: {  	v4 =	vperm.xlane v3, v18;
	_ =	sdelay $0x1  }
0x3f7: {  	v3 =	vadd.f32 v3, v4;
	_ =	sdelay $0x1  }
0x3f8: {  	v4 =	vperm.xlane v3, v19;
	_ =	sdelay $0x1  }
0x3f9: {  	v3 =	vadd.f32 v3, v4;
	_ =	sdelay $0x1  }
0x3fa: {  	v4 =	vperm.xlane v3, v16;
	_ =	sdelay $0x1  }
0x3fb: {  	v3 =	vadd.f32 v3, v4;
	_ =	sdelay $0x1  }
0x3fc: {  	(erf) = vrcp.f32 v3;
	_ =	sdelay $0x5  }
0x3fd: {  	s31 =	sshll.u32 s25, $0x5;
	s25 =	sadd.s32 $0x1, s25  }
0x3fe: {  	p0 =	sne.s32 s25, $0x4;
	v0 =	vmul.f32 v0, v2  }
.Ltmp11:
0x3ff: {  	s28 =	sand.u32 $0x3FFFFFE0, s31;
	(pc) =	sbr.rel @p0 .LBB2_2-.Ltmp11, $4  }
0x400: {  	[tilespmem:s28+$0xFC80] =	vst v0;
	v0 =	vld [tilespmem:$0x1FF80];
	v2 =	vpop (erf)  }
0x401: {  	s26 =	sshll.u32 s26, $0x4;
	v3 =	vld [tilespmem:$0x1FF90];
	v1 =	vmul.f32 v2, v1  }
0x402: {  	s26 =	sand.u32 $0x3FFFFFF0, s26;
	v2 =	vld [tilespmem:$0x1FFB0]  }
0x403: {  	s23 =	sadd.s32 $0x1E00, s23;
	s24 =	sadd.s32 $0x1E00, s24;
	[tilespmem:s26+$0xFC80] =	vst v1;
	v1 =	vld [tilespmem:$0x1FFA0]  }
0x404: {  	_ =	swait.ge [sflag:s19], $0x1C20;
	s22 =	sadd.s32 $0x1, s22  }
0x405: {  	[sflag:s19] =	ssyncset.done $0x0;
	p0 =	sne.s32 s22, s12  }
.Ltmp12:
0x406: {  	[sflag:s19] =	ssyncadd.s32 $0xFFFFE3E0;
	(pc) =	sbr.rel @p0 .LBB2_1-.Ltmp12, $4  }
0x407: {  	[hbm4b:s11+s3] =	stream.linear.scatter [tilespmem:s21], [sflag:$0x3], $0x80, $0x38;
	[tilespmem:$0x11000] =	vst v63  }
0x408: {  	_ =	swait.ge [sflag:s14], $0x80  }
0x409: {  	[sflag:s14] =	ssyncset.done $0x0  }
0x40a: {  	[sflag:s14] =	ssyncadd.s32 $0xFFFFFF80  }
0x40b: {  	_ =	sfence.sel $0x180000  }
0x40c: {  	[bflag:$0x0] =	sbarrier.arrive $0xFFFF  }
0x40d: {  	p0 =	sne.s32 s0, $0x0;
	_ =	strace $0x90000047  }
0x40e: {  	s0 =	sadd.s32 @!p0 $0x100000, s2;
	[bflag:$0x2] =	sbarrier.arrive $0xFFFF  }
0x40f: {  	[sflag:s0] =	ssyncadd.tile.s32 @!p0 $0x1;
	_ =	shalt  }
.Lfunc_end2:
_tile_overlayer_lowered:
.L_overlay_start_2:
0x410: {  	(tag) =	ssettag $0x2  }
0x411: {  	s0 =	rddreg [dreg:$0x0];
	s2 =	stileid.u32  }
0x412: {  	s1 =	rddreg [dreg:$0x1];
	p0 =	sne.s32 s2, $0x0  }
0x413: {  	s3 =	rddreg [dreg:$0x2];
	[bflag:$0x3] =	sbarrier.arrive $0xFFFF;
	s2 =	simm.s32 @!p0 $0x1C03  }
0x414: {  	[timem:s3], [sflag:s2] =	dma.local @!p0 [hbm:s0], s1  }
0x415: {  	s0 =	simm.s32 @!p0 $0x3  }
0x416: {  	_ =	swait.ge @!p0 [sflag:s0], s1  }
0x417: {  	s1 =	ssub.s32 @!p0 $0x0, s1;
	[sflag:s0] =	ssyncset.done @!p0 $0x0  }
0x418: {  	[sflag:s0] =	ssyncadd.s32 @!p0 s1  }
0x419: {  	[bflag:$0x3] =	sbarrier.arrive $0xFFFF  }
0x41a: {  	_ =	shalt  }

</sc_bundles>
